<compile_context>
chip_gen: v7x
topology: tpu7x:2x2x1
jax: 0.10.2.dev20260603
libtpu: 0.0.44.dev20260713+nightly
codegen_flags: <defaults>
</compile_context>

<pallas_src>
import functools

import jax
import jax.numpy as jnp
from jax import lax
from jax.experimental import pallas as pl
from jax.experimental.pallas import tpu as pltpu
from jax.experimental.pallas import tpu_sc as plsc

R = 128
N = 32768
L = 16
NC = 2
NS = 16
NW = NC * NS
ROWS_PER_W = R // NW
THRESH = 0.05


SEG = 512
SEG_CHUNKS = SEG // L
NSEG = N // SEG


def _permute(x, idx):
    return lax.gather(
        x, idx[:, None],
        lax.GatherDimensionNumbers(
            offset_dims=(), collapsed_slice_dims=(0,), start_index_map=(0,)
        ),
        slice_sizes=(1,),
        mode=lax.GatherScatterMode.PROMISE_IN_BOUNDS,
    )


def _bmax(x, lane):
    for s in (1, 2, 4, 8):
        x = jnp.maximum(x, _permute(x, lane ^ s))
    return x


def _process_row(buf_ref, seg_ref, mbuf, ibuf):
    lane = lax.iota(jnp.int32, L)
    neg = jnp.full((L,), -jnp.inf, jnp.float32)
    iz = jnp.zeros((L,), jnp.int32)
    neg1 = jnp.full((L,), -1, jnp.int32)

    def seg_body(sg, gm):
        base = sg * SEG
        accs = [buf_ref[pl.ds(base + a * L, L)] for a in range(4)]
        for c in range(4, SEG_CHUNKS):
            accs[c % 4] = jnp.maximum(accs[c % 4], buf_ref[pl.ds(base + c * L, L)])
        sm = jnp.maximum(jnp.maximum(accs[0], accs[1]),
                         jnp.maximum(accs[2], accs[3]))
        seg_ref[pl.ds(sg * L, L)] = sm
        return jnp.maximum(gm, sm)

    gm = lax.fori_loop(0, NSEG, seg_body, neg)

    t = gm
    for _ in range(2):
        tv = _bmax(t, lane)
        la = _bmax(jnp.where(t == tv, lane, neg1), lane)
        t = jnp.where(lane == la, neg, t)
    t3 = _bmax(t, lane)

    izero = jnp.zeros((L,), jnp.int32)
    acc_lo = izero
    acc_hi = izero
    for sg in range(NSEG):
        sm = seg_ref[pl.ds(sg * L, L)]
        b = 1 << (sg % 32)
        if b >= 1 << 31:
            b -= 1 << 32
        bit = jnp.where(sm >= t3, jnp.int32(b), 0)
        if sg < 32:
            acc_lo = acc_lo | bit
        else:
            acc_hi = acc_hi | bit

    def _bor(x):
        for s in (1, 2, 4, 8):
            x = x | _permute(x, lane ^ s)
        return x

    w_lo = _bor(acc_lo)[0]
    w_hi = _bor(acc_hi)[0]

    for t in range(3):
        mbuf[pl.ds(t * L, L)] = neg
        ibuf[pl.ds(t * L, L)] = iz

    def _insert_segment(sg):
        m1 = mbuf[pl.ds(0, L)]
        m2 = mbuf[pl.ds(L, L)]
        m3 = mbuf[pl.ds(2 * L, L)]
        i1 = ibuf[pl.ds(0, L)]
        i2 = ibuf[pl.ds(L, L)]
        i3 = ibuf[pl.ds(2 * L, L)]
        base = sg * SEG
        for u in range(SEG_CHUNKS):
            v = buf_ref[pl.ds(base + u * L, L)]
            idx = lane + (base + u * L)
            c1 = v >= m1
            c2 = v >= m2
            c3 = v >= m3
            m3 = jnp.where(c3, jnp.where(c2, m2, v), m3)
            i3 = jnp.where(c3, jnp.where(c2, i2, idx), i3)
            m2 = jnp.where(c2, jnp.where(c1, m1, v), m2)
            i2 = jnp.where(c2, jnp.where(c1, i1, idx), i2)
            m1 = jnp.where(c1, v, m1)
            i1 = jnp.where(c1, idx, i1)
        mbuf[pl.ds(0, L)] = m1
        mbuf[pl.ds(L, L)] = m2
        mbuf[pl.ds(2 * L, L)] = m3
        ibuf[pl.ds(0, L)] = i1
        ibuf[pl.ds(L, L)] = i2
        ibuf[pl.ds(2 * L, L)] = i3

    def scan_body(i, carry):
        w = jnp.where(i < 16, w_lo, w_hi)
        for h in range(2):
            sg = i * 2 + h
            bit = lax.shift_right_logical(w, sg & 31) & 1

            @pl.when(bit != 0)
            def _hit(sg=sg):
                _insert_segment(sg)

        return carry

    lax.fori_loop(0, NSEG // 2, scan_body, 0)
    m1 = mbuf[pl.ds(0, L)]
    m2 = mbuf[pl.ds(L, L)]
    m3 = mbuf[pl.ds(2 * L, L)]
    i1 = ibuf[pl.ds(0, L)]
    i2 = ibuf[pl.ds(L, L)]
    i3 = ibuf[pl.ds(2 * L, L)]

    res_v = jnp.zeros((L,), jnp.float32)
    res_i = jnp.zeros((L,), jnp.int32)
    for j in range(3):
        mv = _bmax(m1, lane)
        mi = _bmax(jnp.where(m1 == mv, i1, neg1), lane)
        sel = (m1 == mv) & (i1 == mi)
        m1 = jnp.where(sel, m2, m1)
        i1 = jnp.where(sel, i2, i1)
        m2 = jnp.where(sel, m3, m2)
        i2 = jnp.where(sel, i3, i2)
        res_v = jnp.where(lane == j, mv, res_v)
        res_i = jnp.where(lane == j, mi, res_i)
    return res_v, res_i


def _topk_sc(scores):
    mesh = plsc.VectorSubcoreMesh(core_axis_name="c", subcore_axis_name="s")

    @functools.partial(
        pl.kernel,
        out_type=jax.ShapeDtypeStruct((R, N), jnp.float32),
        mesh=mesh,
        scratch_types=[
            pltpu.VMEM((2, N), jnp.float32),
            pltpu.VMEM((N,), jnp.float32),
            pltpu.VMEM((NSEG * L,), jnp.float32),
            pltpu.VMEM((3 * L,), jnp.float32),
            pltpu.VMEM((3 * L,), jnp.int32),
            pltpu.VMEM((3, L), jnp.float32),
            pltpu.SemaphoreType.DMA((2,)),
            pltpu.SemaphoreType.DMA,
            pltpu.SemaphoreType.DMA,
        ],
    )
    def topk(scores_hbm, out_hbm, rowbuf, outbuf, segbuf, mbuf, ibuf,
             patchbuf, rsem, osem, psem):
        wid = lax.axis_index("s") * NC + lax.axis_index("c")
        r0 = wid * ROWS_PER_W
        lane = lax.iota(jnp.int32, L)
        zvec = jnp.zeros((L,), jnp.float32)

        pltpu.async_copy(scores_hbm.at[r0], rowbuf.at[0], rsem.at[0])

        def zbody(i, c):
            for u in range(16):
                outbuf[pl.ds(i * (16 * L) + u * L, L)] = zvec
            return c

        lax.fori_loop(0, N // (16 * L), zbody, 0)

        def send_winners(res_v, res_i, row):
            res_vt = jnp.where(res_v > THRESH, res_v, 0.0)
            chs, lns, vls = [], [], []
            for j in range(3):
                ij = res_i[j]
                ch = (ij // L) * L
                chs.append(ch)
                lns.append(ij - ch)
                vls.append(res_vt[j])
            patches = []
            for j in range(3):
                chunk = jnp.zeros((L,), jnp.float32)
                for k in range(3):
                    hit = (lane + (chs[k] - chs[j])) == lns[k]
                    chunk = jnp.where(hit, vls[k], chunk)
                patchbuf[j] = chunk
                patches.append(
                    pltpu.async_copy(
                        patchbuf.at[j],
                        out_hbm.at[row].at[pl.ds(chs[j], L)],
                        psem,
                    )
                )
            return patches

        pltpu.async_copy(outbuf, out_hbm.at[r0], osem)

        def row_body(rr, carry):
            b = rr & 1
            nb = 1 - b
            row = r0 + rr

            @pl.when(rr + 1 < ROWS_PER_W)
            def _prefetch():
                pltpu.async_copy(
                    scores_hbm.at[row + 1], rowbuf.at[nb], rsem.at[nb]
                )

            pltpu.make_async_copy(
                scores_hbm.at[row], rowbuf.at[b], rsem.at[b]
            ).wait()
            res_v, res_i = _process_row(rowbuf.at[b], segbuf, mbuf, ibuf)

            @pl.when(rr > 0)
            def _drain_patches():
                for j in range(3):
                    pltpu.make_async_copy(
                        patchbuf.at[j], out_hbm.at[row].at[pl.ds(0, L)], psem
                    ).wait()

            pltpu.make_async_copy(outbuf, out_hbm.at[row], osem).wait()
            send_winners(res_v, res_i, row)

            @pl.when(rr + 1 < ROWS_PER_W)
            def _next_zero():
                pltpu.async_copy(outbuf, out_hbm.at[row + 1], osem)

            return carry

        lax.fori_loop(0, ROWS_PER_W, row_body, 0)
        for j in range(3):
            pltpu.make_async_copy(
                patchbuf.at[j], out_hbm.at[r0].at[pl.ds(0, L)], psem
            ).wait()

    return topk(scores)


def kernel(scores, k):
    del k
    return _topk_sc(scores)

# --- scband reference (transcript-rebuilt; emitter-appended) ---
"""Pipeline reference for scband-key-word-spotter-80676665688755 (READ-ONLY COPY).

The authoritative reference and input builder live on the scoring server;
editing this copy changes nothing except your own understanding.
"""

import jax, jax.numpy as jnp
import numpy as np


def setup_inputs(seed: int = 0) -> dict:
    key = jax.random.key(seed)
    scores = jax.random.uniform(key, (128, 32768), dtype=jnp.float32)
    return {"scores": scores, "k": 3}


def reference(scores, k):
    # Core top-k masking step of ctc_prefix_beam_search, vectorized over a batch of frames:
    #   top_k_index = np.argsort(probs)[..., -score_beam_size:]
    #   top_k_probs = np.take_along_axis(probs, top_k_index, axis=-1)
    #   keep only entries with prob > 0.05; everything else is masked out (zeroed).
    K = 3
    sorted_index = jnp.argsort(scores, axis=-1)
    top_k_index = jax.lax.dynamic_slice_in_dim(
        sorted_index, scores.shape[-1] - k, K, axis=-1
    )
    top_k_probs = jnp.take_along_axis(scores, top_k_index, axis=-1)
    keep = top_k_probs > 0.05
    filtered = jnp.where(keep, top_k_probs, 0.0)
    rows = jnp.arange(scores.shape[0])[:, None]
    masked = jnp.zeros_like(scores).at[rows, top_k_index].set(filtered)
    return masked

if __name__ == "__main__":
    import jax
    _d = setup_inputs()
    print(jax.jit(kernel)(*tuple(_d.values())))

</pallas_src>

<mosaic_0001>
#map = affine_map<(d0, d1) -> (0, 0)>
module attributes {stable_mosaic.version = 14 : i64} {
  func.func @topk(%arg0: i32, %arg1: i32, %arg2: memref<128x32768xf32, #tpu.memory_space<hbm>>, %arg3: memref<128x32768xf32, #tpu.memory_space<hbm>>, %arg4: memref<2x32768xf32, #tpu.memory_space<vmem>>, %arg5: memref<32768xf32, #tpu.memory_space<vmem>>, %arg6: memref<1024xf32, #tpu.memory_space<vmem>>, %arg7: memref<48xf32, #tpu.memory_space<vmem>>, %arg8: memref<48xi32, #tpu.memory_space<vmem>>, %arg9: memref<3x16xf32, #tpu.memory_space<vmem>>, %arg10: memref<2x!tpu.dma_semaphore, #tpu.memory_space<semaphore_mem>>, %arg11: memref<!tpu.dma_semaphore, #tpu.memory_space<semaphore_mem>>, %arg12: memref<!tpu.dma_semaphore, #tpu.memory_space<semaphore_mem>>) attributes {dimension_semantics = [#tpu.dimension_semantics<core_parallel>, #tpu.dimension_semantics<subcore_parallel>], iteration_bounds = array<i64: 2, 16>, scalar_prefetch = 0 : i64, scratch_operands = 9 : i64, tpu.core_type = #tpu.core_type<sc_vector_subcore>, window_params = [{transform_indices = #map}, {transform_indices = #map}]} {
    %mul3A = arith.constant 2 : i32
    %mul3A_0 = arith.muli %arg1, %mul3A : i32
    %add3A = arith.addi %mul3A_0, %arg0 : i32
    %mul3A_1 = arith.constant 4 : i32
    %mul3A_2 = arith.muli %add3A, %mul3A_1 : i32
    %iota3A = tpu.iota {dimensions = array<i32: 0>} : vector<16xi32>
    %broadcast_in_dim3A = arith.constant 0.000000e+00 : f32
    %broadcast_in_dim3A_3 = vector.broadcast %broadcast_in_dim3A : f32 to vector<16xf32>
    %dma_start3A = arith.constant 0 : i32
    %dma_start3A_4 = arith.constant 0 : i32
    %dma_start3A_5 = arith.constant 0 : i32
    %dma_start3A_6 = tpu.memref_slice %arg4[%dma_start3A, %dma_start3A_5] : memref<2x32768xf32, #tpu.memory_space<vmem>> -> memref<1x32768xf32, #tpu.memory_space<vmem>>
    %dma_start3A_7 = tpu.memref_squeeze %dma_start3A_6 : memref<1x32768xf32, #tpu.memory_space<vmem>> -> memref<32768xf32, #tpu.memory_space<vmem>>
    %dma_start3A_8 = arith.constant 0 : i32
    %dma_start3A_9 = tpu.memref_slice %arg2[%mul3A_2, %dma_start3A_8] : memref<128x32768xf32, #tpu.memory_space<hbm>> -> memref<1x32768xf32, #tpu.memory_space<hbm>>
    %dma_start3A_10 = tpu.memref_squeeze %dma_start3A_9 : memref<1x32768xf32, #tpu.memory_space<hbm>> -> memref<32768xf32, #tpu.memory_space<hbm>>
    %dma_start3A_11 = tpu.memref_slice %arg10[%dma_start3A_4] : memref<2x!tpu.dma_semaphore, #tpu.memory_space<semaphore_mem>> -> memref<1x!tpu.dma_semaphore, #tpu.memory_space<semaphore_mem>>
    %dma_start3A_12 = tpu.memref_squeeze %dma_start3A_11 : memref<1x!tpu.dma_semaphore, #tpu.memory_space<semaphore_mem>> -> memref<!tpu.dma_semaphore, #tpu.memory_space<semaphore_mem>>
    %dma_start3A_13 = arith.constant 0 : i32
    %dma_start3A_14 = tpu.memref_slice %arg4[%dma_start3A, %dma_start3A_13] : memref<2x32768xf32, #tpu.memory_space<vmem>> -> memref<1x32768xf32, #tpu.memory_space<vmem>>
    %dma_start3A_15 = tpu.memref_squeeze %dma_start3A_14 : memref<1x32768xf32, #tpu.memory_space<vmem>> -> memref<32768xf32, #tpu.memory_space<vmem>>
    %dma_start3A_16 = arith.constant 0 : i32
    %dma_start3A_17 = tpu.memref_slice %arg2[%mul3A_2, %dma_start3A_16] : memref<128x32768xf32, #tpu.memory_space<hbm>> -> memref<1x32768xf32, #tpu.memory_space<hbm>>
    %dma_start3A_18 = tpu.memref_squeeze %dma_start3A_17 : memref<1x32768xf32, #tpu.memory_space<hbm>> -> memref<32768xf32, #tpu.memory_space<hbm>>
    tpu.enqueue_dma source(%dma_start3A_18 : memref<32768xf32, #tpu.memory_space<hbm>>) target(%dma_start3A_15 : memref<32768xf32, #tpu.memory_space<vmem>>) target_semaphore(%dma_start3A_12 : memref<!tpu.dma_semaphore, #tpu.memory_space<semaphore_mem>>)
    %scan3A = arith.constant 0 : i32
    %scan3A_19 = arith.constant 0 : i32
    %scan3A_20 = arith.constant 128 : i32
    %scan3A_21 = arith.addi %scan3A_19, %scan3A_20 : i32
    %scan3A_22 = arith.constant 1 : i32
    scf.for %scan3A_86 = %scan3A_19 to %scan3A_21 step %scan3A_22  : i32 {
      %mul3A_87 = arith.constant 256 : i32
      %mul3A_88 = arith.muli %scan3A_86, %mul3A_87 : i32
      %add3A_89 = arith.constant 0 : i32
      %add3A_90 = arith.addi %mul3A_88, %add3A_89 : i32
      %swap3A = arith.index_cast %add3A_90 : i32 to index
      %swap3A_91 = tpu.vector_load %arg5[%swap3A] {strides = array<i32>} : memref<32768xf32, #tpu.memory_space<vmem>>, vector<16xf32>,
      %swap3A_92 = vector.shape_cast %swap3A_91 : vector<16xf32> to vector<16xf32>
      %swap3A_93 = vector.shape_cast %broadcast_in_dim3A_3 : vector<16xf32> to vector<16xf32>
      tpu.vector_store %arg5[%swap3A], %swap3A_93 {strides = array<i32>} : memref<32768xf32, #tpu.memory_space<vmem>>, vector<16xf32>,
      %mul3A_94 = arith.constant 256 : i32
      %mul3A_95 = arith.muli %scan3A_86, %mul3A_94 : i32
      %add3A_96 = arith.constant 16 : i32
      %add3A_97 = arith.addi %mul3A_95, %add3A_96 : i32
      %swap3A_98 = arith.index_cast %add3A_97 : i32 to index
      %swap3A_99 = tpu.vector_load %arg5[%swap3A_98] {strides = array<i32>} : memref<32768xf32, #tpu.memory_space<vmem>>, vector<16xf32>,
      %swap3A_100 = vector.shape_cast %swap3A_99 : vector<16xf32> to vector<16xf32>
      %swap3A_101 = vector.shape_cast %broadcast_in_dim3A_3 : vector<16xf32> to vector<16xf32>
      tpu.vector_store %arg5[%swap3A_98], %swap3A_101 {strides = array<i32>} : memref<32768xf32, #tpu.memory_space<vmem>>, vector<16xf32>,
      %mul3A_102 = arith.constant 256 : i32
      %mul3A_103 = arith.muli %scan3A_86, %mul3A_102 : i32
      %add3A_104 = arith.constant 32 : i32
      %add3A_105 = arith.addi %mul3A_103, %add3A_104 : i32
      %swap3A_106 = arith.index_cast %add3A_105 : i32 to index
      %swap3A_107 = tpu.vector_load %arg5[%swap3A_106] {strides = array<i32>} : memref<32768xf32, #tpu.memory_space<vmem>>, vector<16xf32>,
      %swap3A_108 = vector.shape_cast %swap3A_107 : vector<16xf32> to vector<16xf32>
      %swap3A_109 = vector.shape_cast %broadcast_in_dim3A_3 : vector<16xf32> to vector<16xf32>
      tpu.vector_store %arg5[%swap3A_106], %swap3A_109 {strides = array<i32>} : memref<32768xf32, #tpu.memory_space<vmem>>, vector<16xf32>,
      %mul3A_110 = arith.constant 256 : i32
      %mul3A_111 = arith.muli %scan3A_86, %mul3A_110 : i32
      %add3A_112 = arith.constant 48 : i32
      %add3A_113 = arith.addi %mul3A_111, %add3A_112 : i32
      %swap3A_114 = arith.index_cast %add3A_113 : i32 to index
      %swap3A_115 = tpu.vector_load %arg5[%swap3A_114] {strides = array<i32>} : memref<32768xf32, #tpu.memory_space<vmem>>, vector<16xf32>,
      %swap3A_116 = vector.shape_cast %swap3A_115 : vector<16xf32> to vector<16xf32>
      %swap3A_117 = vector.shape_cast %broadcast_in_dim3A_3 : vector<16xf32> to vector<16xf32>
      tpu.vector_store %arg5[%swap3A_114], %swap3A_117 {strides = array<i32>} : memref<32768xf32, #tpu.memory_space<vmem>>, vector<16xf32>,
      %mul3A_118 = arith.constant 256 : i32
      %mul3A_119 = arith.muli %scan3A_86, %mul3A_118 : i32
      %add3A_120 = arith.constant 64 : i32
      %add3A_121 = arith.addi %mul3A_119, %add3A_120 : i32
      %swap3A_122 = arith.index_cast %add3A_121 : i32 to index
      %swap3A_123 = tpu.vector_load %arg5[%swap3A_122] {strides = array<i32>} : memref<32768xf32, #tpu.memory_space<vmem>>, vector<16xf32>,
      %swap3A_124 = vector.shape_cast %swap3A_123 : vector<16xf32> to vector<16xf32>
      %swap3A_125 = vector.shape_cast %broadcast_in_dim3A_3 : vector<16xf32> to vector<16xf32>
      tpu.vector_store %arg5[%swap3A_122], %swap3A_125 {strides = array<i32>} : memref<32768xf32, #tpu.memory_space<vmem>>, vector<16xf32>,
      %mul3A_126 = arith.constant 256 : i32
      %mul3A_127 = arith.muli %scan3A_86, %mul3A_126 : i32
      %add3A_128 = arith.constant 80 : i32
      %add3A_129 = arith.addi %mul3A_127, %add3A_128 : i32
      %swap3A_130 = arith.index_cast %add3A_129 : i32 to index
      %swap3A_131 = tpu.vector_load %arg5[%swap3A_130] {strides = array<i32>} : memref<32768xf32, #tpu.memory_space<vmem>>, vector<16xf32>,
      %swap3A_132 = vector.shape_cast %swap3A_131 : vector<16xf32> to vector<16xf32>
      %swap3A_133 = vector.shape_cast %broadcast_in_dim3A_3 : vector<16xf32> to vector<16xf32>
      tpu.vector_store %arg5[%swap3A_130], %swap3A_133 {strides = array<i32>} : memref<32768xf32, #tpu.memory_space<vmem>>, vector<16xf32>,
      %mul3A_134 = arith.constant 256 : i32
      %mul3A_135 = arith.muli %scan3A_86, %mul3A_134 : i32
      %add3A_136 = arith.constant 96 : i32
      %add3A_137 = arith.addi %mul3A_135, %add3A_136 : i32
      %swap3A_138 = arith.index_cast %add3A_137 : i32 to index
      %swap3A_139 = tpu.vector_load %arg5[%swap3A_138] {strides = array<i32>} : memref<32768xf32, #tpu.memory_space<vmem>>, vector<16xf32>,
      %swap3A_140 = vector.shape_cast %swap3A_139 : vector<16xf32> to vector<16xf32>
      %swap3A_141 = vector.shape_cast %broadcast_in_dim3A_3 : vector<16xf32> to vector<16xf32>
      tpu.vector_store %arg5[%swap3A_138], %swap3A_141 {strides = array<i32>} : memref<32768xf32, #tpu.memory_space<vmem>>, vector<16xf32>,
      %mul3A_142 = arith.constant 256 : i32
      %mul3A_143 = arith.muli %scan3A_86, %mul3A_142 : i32
      %add3A_144 = arith.constant 112 : i32
      %add3A_145 = arith.addi %mul3A_143, %add3A_144 : i32
      %swap3A_146 = arith.index_cast %add3A_145 : i32 to index
      %swap3A_147 = tpu.vector_load %arg5[%swap3A_146] {strides = array<i32>} : memref<32768xf32, #tpu.memory_space<vmem>>, vector<16xf32>,
      %swap3A_148 = vector.shape_cast %swap3A_147 : vector<16xf32> to vector<16xf32>
      %swap3A_149 = vector.shape_cast %broadcast_in_dim3A_3 : vector<16xf32> to vector<16xf32>
      tpu.vector_store %arg5[%swap3A_146], %swap3A_149 {strides = array<i32>} : memref<32768xf32, #tpu.memory_space<vmem>>, vector<16xf32>,
      %mul3A_150 = arith.constant 256 : i32
      %mul3A_151 = arith.muli %scan3A_86, %mul3A_150 : i32
      %add3A_152 = arith.constant 128 : i32
      %add3A_153 = arith.addi %mul3A_151, %add3A_152 : i32
      %swap3A_154 = arith.index_cast %add3A_153 : i32 to index
      %swap3A_155 = tpu.vector_load %arg5[%swap3A_154] {strides = array<i32>} : memref<32768xf32, #tpu.memory_space<vmem>>, vector<16xf32>,
      %swap3A_156 = vector.shape_cast %swap3A_155 : vector<16xf32> to vector<16xf32>
      %swap3A_157 = vector.shape_cast %broadcast_in_dim3A_3 : vector<16xf32> to vector<16xf32>
      tpu.vector_store %arg5[%swap3A_154], %swap3A_157 {strides = array<i32>} : memref<32768xf32, #tpu.memory_space<vmem>>, vector<16xf32>,
      %mul3A_158 = arith.constant 256 : i32
      %mul3A_159 = arith.muli %scan3A_86, %mul3A_158 : i32
      %add3A_160 = arith.constant 144 : i32
      %add3A_161 = arith.addi %mul3A_159, %add3A_160 : i32
      %swap3A_162 = arith.index_cast %add3A_161 : i32 to index
      %swap3A_163 = tpu.vector_load %arg5[%swap3A_162] {strides = array<i32>} : memref<32768xf32, #tpu.memory_space<vmem>>, vector<16xf32>,
      %swap3A_164 = vector.shape_cast %swap3A_163 : vector<16xf32> to vector<16xf32>
      %swap3A_165 = vector.shape_cast %broadcast_in_dim3A_3 : vector<16xf32> to vector<16xf32>
      tpu.vector_store %arg5[%swap3A_162], %swap3A_165 {strides = array<i32>} : memref<32768xf32, #tpu.memory_space<vmem>>, vector<16xf32>,
      %mul3A_166 = arith.constant 256 : i32
      %mul3A_167 = arith.muli %scan3A_86, %mul3A_166 : i32
      %add3A_168 = arith.constant 160 : i32
      %add3A_169 = arith.addi %mul3A_167, %add3A_168 : i32
      %swap3A_170 = arith.index_cast %add3A_169 : i32 to index
      %swap3A_171 = tpu.vector_load %arg5[%swap3A_170] {strides = array<i32>} : memref<32768xf32, #tpu.memory_space<vmem>>, vector<16xf32>,
      %swap3A_172 = vector.shape_cast %swap3A_171 : vector<16xf32> to vector<16xf32>
      %swap3A_173 = vector.shape_cast %broadcast_in_dim3A_3 : vector<16xf32> to vector<16xf32>
      tpu.vector_store %arg5[%swap3A_170], %swap3A_173 {strides = array<i32>} : memref<32768xf32, #tpu.memory_space<vmem>>, vector<16xf32>,
      %mul3A_174 = arith.constant 256 : i32
      %mul3A_175 = arith.muli %scan3A_86, %mul3A_174 : i32
      %add3A_176 = arith.constant 176 : i32
      %add3A_177 = arith.addi %mul3A_175, %add3A_176 : i32
      %swap3A_178 = arith.index_cast %add3A_177 : i32 to index
      %swap3A_179 = tpu.vector_load %arg5[%swap3A_178] {strides = array<i32>} : memref<32768xf32, #tpu.memory_space<vmem>>, vector<16xf32>,
      %swap3A_180 = vector.shape_cast %swap3A_179 : vector<16xf32> to vector<16xf32>
      %swap3A_181 = vector.shape_cast %broadcast_in_dim3A_3 : vector<16xf32> to vector<16xf32>
      tpu.vector_store %arg5[%swap3A_178], %swap3A_181 {strides = array<i32>} : memref<32768xf32, #tpu.memory_space<vmem>>, vector<16xf32>,
      %mul3A_182 = arith.constant 256 : i32
      %mul3A_183 = arith.muli %scan3A_86, %mul3A_182 : i32
      %add3A_184 = arith.constant 192 : i32
      %add3A_185 = arith.addi %mul3A_183, %add3A_184 : i32
      %swap3A_186 = arith.index_cast %add3A_185 : i32 to index
      %swap3A_187 = tpu.vector_load %arg5[%swap3A_186] {strides = array<i32>} : memref<32768xf32, #tpu.memory_space<vmem>>, vector<16xf32>,
      %swap3A_188 = vector.shape_cast %swap3A_187 : vector<16xf32> to vector<16xf32>
      %swap3A_189 = vector.shape_cast %broadcast_in_dim3A_3 : vector<16xf32> to vector<16xf32>
      tpu.vector_store %arg5[%swap3A_186], %swap3A_189 {strides = array<i32>} : memref<32768xf32, #tpu.memory_space<vmem>>, vector<16xf32>,
      %mul3A_190 = arith.constant 256 : i32
      %mul3A_191 = arith.muli %scan3A_86, %mul3A_190 : i32
      %add3A_192 = arith.constant 208 : i32
      %add3A_193 = arith.addi %mul3A_191, %add3A_192 : i32
      %swap3A_194 = arith.index_cast %add3A_193 : i32 to index
      %swap3A_195 = tpu.vector_load %arg5[%swap3A_194] {strides = array<i32>} : memref<32768xf32, #tpu.memory_space<vmem>>, vector<16xf32>,
      %swap3A_196 = vector.shape_cast %swap3A_195 : vector<16xf32> to vector<16xf32>
      %swap3A_197 = vector.shape_cast %broadcast_in_dim3A_3 : vector<16xf32> to vector<16xf32>
      tpu.vector_store %arg5[%swap3A_194], %swap3A_197 {strides = array<i32>} : memref<32768xf32, #tpu.memory_space<vmem>>, vector<16xf32>,
      %mul3A_198 = arith.constant 256 : i32
      %mul3A_199 = arith.muli %scan3A_86, %mul3A_198 : i32
      %add3A_200 = arith.constant 224 : i32
      %add3A_201 = arith.addi %mul3A_199, %add3A_200 : i32
      %swap3A_202 = arith.index_cast %add3A_201 : i32 to index
      %swap3A_203 = tpu.vector_load %arg5[%swap3A_202] {strides = array<i32>} : memref<32768xf32, #tpu.memory_space<vmem>>, vector<16xf32>,
      %swap3A_204 = vector.shape_cast %swap3A_203 : vector<16xf32> to vector<16xf32>
      %swap3A_205 = vector.shape_cast %broadcast_in_dim3A_3 : vector<16xf32> to vector<16xf32>
      tpu.vector_store %arg5[%swap3A_202], %swap3A_205 {strides = array<i32>} : memref<32768xf32, #tpu.memory_space<vmem>>, vector<16xf32>,
      %mul3A_206 = arith.constant 256 : i32
      %mul3A_207 = arith.muli %scan3A_86, %mul3A_206 : i32
      %add3A_208 = arith.constant 240 : i32
      %add3A_209 = arith.addi %mul3A_207, %add3A_208 : i32
      %swap3A_210 = arith.index_cast %add3A_209 : i32 to index
      %swap3A_211 = tpu.vector_load %arg5[%swap3A_210] {strides = array<i32>} : memref<32768xf32, #tpu.memory_space<vmem>>, vector<16xf32>,
      %swap3A_212 = vector.shape_cast %swap3A_211 : vector<16xf32> to vector<16xf32>
      %swap3A_213 = vector.shape_cast %broadcast_in_dim3A_3 : vector<16xf32> to vector<16xf32>
      tpu.vector_store %arg5[%swap3A_210], %swap3A_213 {strides = array<i32>} : memref<32768xf32, #tpu.memory_space<vmem>>, vector<16xf32>,
    }
    %scan3A_23 = arith.constant 128 : i32
    %dma_start3A_24 = arith.constant 0 : i32
    %dma_start3A_25 = tpu.memref_slice %arg3[%mul3A_2, %dma_start3A_24] : memref<128x32768xf32, #tpu.memory_space<hbm>> -> memref<1x32768xf32, #tpu.memory_space<hbm>>
    %dma_start3A_26 = tpu.memref_squeeze %dma_start3A_25 : memref<1x32768xf32, #tpu.memory_space<hbm>> -> memref<32768xf32, #tpu.memory_space<hbm>>
    %dma_start3A_27 = arith.constant 0 : i32
    %dma_start3A_28 = tpu.memref_slice %arg3[%mul3A_2, %dma_start3A_27] : memref<128x32768xf32, #tpu.memory_space<hbm>> -> memref<1x32768xf32, #tpu.memory_space<hbm>>
    %dma_start3A_29 = tpu.memref_squeeze %dma_start3A_28 : memref<1x32768xf32, #tpu.memory_space<hbm>> -> memref<32768xf32, #tpu.memory_space<hbm>>
    tpu.enqueue_dma source(%arg5 : memref<32768xf32, #tpu.memory_space<vmem>>) target(%dma_start3A_29 : memref<32768xf32, #tpu.memory_space<hbm>>) target_semaphore(%arg11 : memref<!tpu.dma_semaphore, #tpu.memory_space<semaphore_mem>>)
    %scan3A_30 = arith.constant 0 : i32
    %scan3A_31 = arith.constant 0 : i32
    %scan3A_32 = arith.constant 4 : i32
    %scan3A_33 = arith.addi %scan3A_31, %scan3A_32 : i32
    %scan3A_34 = arith.constant 1 : i32
    scf.for %scan3A_86 = %scan3A_31 to %scan3A_33 step %scan3A_34  : i32 {
      %and3A = arith.constant 1 : i32
      %and3A_87 = arith.andi %scan3A_86, %and3A : i32
      %sub3A = arith.constant 1 : i32
      %sub3A_88 = arith.subi %sub3A, %and3A_87 : i32
      %add3A_89 = arith.addi %mul3A_2, %scan3A_86 : i32
      %add3A_90 = arith.constant 1 : i32
      %add3A_91 = arith.addi %scan3A_86, %add3A_90 : i32
      %lt3A = arith.constant 4 : i32
      %lt3A_92 = arith.cmpi slt, %add3A_91, %lt3A : i32
      %convert_element_type3A = arith.extui %lt3A_92 : i1 to i32
      %cond3A = arith.constant 0 : i32
      %cond3A_93 = arith.cmpi ne, %convert_element_type3A, %cond3A : i32
      scf.if %cond3A_93 {
        %add3A_1474 = arith.constant 1 : i32
        %add3A_1475 = arith.addi %add3A_89, %add3A_1474 : i32
        %dma_start3A_1476 = arith.constant 0 : i32
        %dma_start3A_1477 = tpu.memref_slice %arg4[%sub3A_88, %dma_start3A_1476] : memref<2x32768xf32, #tpu.memory_space<vmem>> -> memref<1x32768xf32, #tpu.memory_space<vmem>>
        %dma_start3A_1478 = tpu.memref_squeeze %dma_start3A_1477 : memref<1x32768xf32, #tpu.memory_space<vmem>> -> memref<32768xf32, #tpu.memory_space<vmem>>
        %dma_start3A_1479 = arith.constant 0 : i32
        %dma_start3A_1480 = tpu.memref_slice %arg2[%add3A_1475, %dma_start3A_1479] : memref<128x32768xf32, #tpu.memory_space<hbm>> -> memref<1x32768xf32, #tpu.memory_space<hbm>>
        %dma_start3A_1481 = tpu.memref_squeeze %dma_start3A_1480 : memref<1x32768xf32, #tpu.memory_space<hbm>> -> memref<32768xf32, #tpu.memory_space<hbm>>
        %dma_start3A_1482 = tpu.memref_slice %arg10[%sub3A_88] : memref<2x!tpu.dma_semaphore, #tpu.memory_space<semaphore_mem>> -> memref<1x!tpu.dma_semaphore, #tpu.memory_space<semaphore_mem>>
        %dma_start3A_1483 = tpu.memref_squeeze %dma_start3A_1482 : memref<1x!tpu.dma_semaphore, #tpu.memory_space<semaphore_mem>> -> memref<!tpu.dma_semaphore, #tpu.memory_space<semaphore_mem>>
        %dma_start3A_1484 = arith.constant 0 : i32
        %dma_start3A_1485 = tpu.memref_slice %arg4[%sub3A_88, %dma_start3A_1484] : memref<2x32768xf32, #tpu.memory_space<vmem>> -> memref<1x32768xf32, #tpu.memory_space<vmem>>
        %dma_start3A_1486 = tpu.memref_squeeze %dma_start3A_1485 : memref<1x32768xf32, #tpu.memory_space<vmem>> -> memref<32768xf32, #tpu.memory_space<vmem>>
        %dma_start3A_1487 = arith.constant 0 : i32
        %dma_start3A_1488 = tpu.memref_slice %arg2[%add3A_1475, %dma_start3A_1487] : memref<128x32768xf32, #tpu.memory_space<hbm>> -> memref<1x32768xf32, #tpu.memory_space<hbm>>
        %dma_start3A_1489 = tpu.memref_squeeze %dma_start3A_1488 : memref<1x32768xf32, #tpu.memory_space<hbm>> -> memref<32768xf32, #tpu.memory_space<hbm>>
        tpu.enqueue_dma source(%dma_start3A_1489 : memref<32768xf32, #tpu.memory_space<hbm>>) target(%dma_start3A_1486 : memref<32768xf32, #tpu.memory_space<vmem>>) target_semaphore(%dma_start3A_1483 : memref<!tpu.dma_semaphore, #tpu.memory_space<semaphore_mem>>)
      } else {
      }
      %dma_wait3A_94 = arith.constant 0 : i32
      %dma_wait3A_95 = tpu.memref_slice %arg4[%and3A_87, %dma_wait3A_94] : memref<2x32768xf32, #tpu.memory_space<vmem>> -> memref<1x32768xf32, #tpu.memory_space<vmem>>
      %dma_wait3A_96 = tpu.memref_squeeze %dma_wait3A_95 : memref<1x32768xf32, #tpu.memory_space<vmem>> -> memref<32768xf32, #tpu.memory_space<vmem>>
      %dma_wait3A_97 = arith.constant 0 : i32
      %dma_wait3A_98 = tpu.memref_slice %arg2[%add3A_89, %dma_wait3A_97] : memref<128x32768xf32, #tpu.memory_space<hbm>> -> memref<1x32768xf32, #tpu.memory_space<hbm>>
      %dma_wait3A_99 = tpu.memref_squeeze %dma_wait3A_98 : memref<1x32768xf32, #tpu.memory_space<hbm>> -> memref<32768xf32, #tpu.memory_space<hbm>>
      %dma_wait3A_100 = tpu.memref_slice %arg10[%and3A_87] : memref<2x!tpu.dma_semaphore, #tpu.memory_space<semaphore_mem>> -> memref<1x!tpu.dma_semaphore, #tpu.memory_space<semaphore_mem>>
      %dma_wait3A_101 = tpu.memref_squeeze %dma_wait3A_100 : memref<1x!tpu.dma_semaphore, #tpu.memory_space<semaphore_mem>> -> memref<!tpu.dma_semaphore, #tpu.memory_space<semaphore_mem>>
      %dma_wait3A_102 = arith.constant 0 : i32
      %dma_wait3A_103 = tpu.memref_slice %arg4[%and3A_87, %dma_wait3A_102] : memref<2x32768xf32, #tpu.memory_space<vmem>> -> memref<1x32768xf32, #tpu.memory_space<vmem>>
      %dma_wait3A_104 = tpu.memref_squeeze %dma_wait3A_103 : memref<1x32768xf32, #tpu.memory_space<vmem>> -> memref<32768xf32, #tpu.memory_space<vmem>>
      %dma_wait3A_105 = arith.constant 0 : i32
      %dma_wait3A_106 = tpu.memref_slice %arg2[%add3A_89, %dma_wait3A_105] : memref<128x32768xf32, #tpu.memory_space<hbm>> -> memref<1x32768xf32, #tpu.memory_space<hbm>>
      %dma_wait3A_107 = tpu.memref_squeeze %dma_wait3A_106 : memref<1x32768xf32, #tpu.memory_space<hbm>> -> memref<32768xf32, #tpu.memory_space<hbm>>
      tpu.wait_dma2 semaphore(%dma_wait3A_101 : memref<!tpu.dma_semaphore, #tpu.memory_space<semaphore_mem>>) src(%dma_wait3A_107 : memref<32768xf32, #tpu.memory_space<hbm>>) dst(%dma_wait3A_104 : memref<32768xf32, #tpu.memory_space<vmem>>)
      %iota3A_108 = tpu.iota {dimensions = array<i32: 0>} : vector<16xi32>
      %broadcast_in_dim3A_109 = arith.constant 0xFF800000 : f32
      %broadcast_in_dim3A_110 = vector.broadcast %broadcast_in_dim3A_109 : f32 to vector<16xf32>
      %broadcast_in_dim3A_111 = arith.constant 0 : i32
      %broadcast_in_dim3A_112 = vector.broadcast %broadcast_in_dim3A_111 : i32 to vector<16xi32>
      %broadcast_in_dim3A_113 = arith.constant -1 : i32
      %broadcast_in_dim3A_114 = vector.broadcast %broadcast_in_dim3A_113 : i32 to vector<16xi32>
      %scan3A_115 = arith.constant 0 : i32
      %scan3A_116 = arith.constant 64 : i32
      %scan3A_117 = arith.addi %scan3A_115, %scan3A_116 : i32
      %scan3A_118 = arith.constant 1 : i32
      %scan3A_119 = scf.for %scan3A_1474 = %scan3A_115 to %scan3A_117 step %scan3A_118 iter_args(%scan3A_1475 = %broadcast_in_dim3A_110) -> (vector<16xf32>)  : i32 {
        %mul3A_1476 = arith.constant 512 : i32
        %mul3A_1477 = arith.muli %scan3A_1474, %mul3A_1476 : i32
        %add3A_1478 = arith.constant 0 : i32
        %add3A_1479 = arith.addi %mul3A_1477, %add3A_1478 : i32
        %get3A_1480 = arith.constant 0 : i32
        %get3A_1481 = tpu.memref_slice %arg4[%and3A_87, %get3A_1480] : memref<2x32768xf32, #tpu.memory_space<vmem>> -> memref<1x32768xf32, #tpu.memory_space<vmem>>
        %get3A_1482 = tpu.memref_squeeze %get3A_1481 : memref<1x32768xf32, #tpu.memory_space<vmem>> -> memref<32768xf32, #tpu.memory_space<vmem>>
        %get3A_1483 = arith.index_cast %add3A_1479 : i32 to index
        %get3A_1484 = tpu.vector_load %get3A_1482[%get3A_1483] {strides = array<i32>} : memref<32768xf32, #tpu.memory_space<vmem>>, vector<16xf32>,
        %get3A_1485 = vector.shape_cast %get3A_1484 : vector<16xf32> to vector<16xf32>
        %add3A_1486 = arith.constant 16 : i32
        %add3A_1487 = arith.addi %mul3A_1477, %add3A_1486 : i32
        %get3A_1488 = arith.constant 0 : i32
        %get3A_1489 = tpu.memref_slice %arg4[%and3A_87, %get3A_1488] : memref<2x32768xf32, #tpu.memory_space<vmem>> -> memref<1x32768xf32, #tpu.memory_space<vmem>>
        %get3A_1490 = tpu.memref_squeeze %get3A_1489 : memref<1x32768xf32, #tpu.memory_space<vmem>> -> memref<32768xf32, #tpu.memory_space<vmem>>
        %get3A_1491 = arith.index_cast %add3A_1487 : i32 to index
        %get3A_1492 = tpu.vector_load %get3A_1490[%get3A_1491] {strides = array<i32>} : memref<32768xf32, #tpu.memory_space<vmem>>, vector<16xf32>,
        %get3A_1493 = vector.shape_cast %get3A_1492 : vector<16xf32> to vector<16xf32>
        %add3A_1494 = arith.constant 32 : i32
        %add3A_1495 = arith.addi %mul3A_1477, %add3A_1494 : i32
        %get3A_1496 = arith.constant 0 : i32
        %get3A_1497 = tpu.memref_slice %arg4[%and3A_87, %get3A_1496] : memref<2x32768xf32, #tpu.memory_space<vmem>> -> memref<1x32768xf32, #tpu.memory_space<vmem>>
        %get3A_1498 = tpu.memref_squeeze %get3A_1497 : memref<1x32768xf32, #tpu.memory_space<vmem>> -> memref<32768xf32, #tpu.memory_space<vmem>>
        %get3A_1499 = arith.index_cast %add3A_1495 : i32 to index
        %get3A_1500 = tpu.vector_load %get3A_1498[%get3A_1499] {strides = array<i32>} : memref<32768xf32, #tpu.memory_space<vmem>>, vector<16xf32>,
        %get3A_1501 = vector.shape_cast %get3A_1500 : vector<16xf32> to vector<16xf32>
        %add3A_1502 = arith.constant 48 : i32
        %add3A_1503 = arith.addi %mul3A_1477, %add3A_1502 : i32
        %get3A_1504 = arith.constant 0 : i32
        %get3A_1505 = tpu.memref_slice %arg4[%and3A_87, %get3A_1504] : memref<2x32768xf32, #tpu.memory_space<vmem>> -> memref<1x32768xf32, #tpu.memory_space<vmem>>
        %get3A_1506 = tpu.memref_squeeze %get3A_1505 : memref<1x32768xf32, #tpu.memory_space<vmem>> -> memref<32768xf32, #tpu.memory_space<vmem>>
        %get3A_1507 = arith.index_cast %add3A_1503 : i32 to index
        %get3A_1508 = tpu.vector_load %get3A_1506[%get3A_1507] {strides = array<i32>} : memref<32768xf32, #tpu.memory_space<vmem>>, vector<16xf32>,
        %get3A_1509 = vector.shape_cast %get3A_1508 : vector<16xf32> to vector<16xf32>
        %add3A_1510 = arith.constant 64 : i32
        %add3A_1511 = arith.addi %mul3A_1477, %add3A_1510 : i32
        %get3A_1512 = arith.constant 0 : i32
        %get3A_1513 = tpu.memref_slice %arg4[%and3A_87, %get3A_1512] : memref<2x32768xf32, #tpu.memory_space<vmem>> -> memref<1x32768xf32, #tpu.memory_space<vmem>>
        %get3A_1514 = tpu.memref_squeeze %get3A_1513 : memref<1x32768xf32, #tpu.memory_space<vmem>> -> memref<32768xf32, #tpu.memory_space<vmem>>
        %get3A_1515 = arith.index_cast %add3A_1511 : i32 to index
        %get3A_1516 = tpu.vector_load %get3A_1514[%get3A_1515] {strides = array<i32>} : memref<32768xf32, #tpu.memory_space<vmem>>, vector<16xf32>,
        %get3A_1517 = vector.shape_cast %get3A_1516 : vector<16xf32> to vector<16xf32>
        %max3A_1518 = arith.maximumf %get3A_1485, %get3A_1517 : vector<16xf32>
        %add3A_1519 = arith.constant 80 : i32
        %add3A_1520 = arith.addi %mul3A_1477, %add3A_1519 : i32
        %get3A_1521 = arith.constant 0 : i32
        %get3A_1522 = tpu.memref_slice %arg4[%and3A_87, %get3A_1521] : memref<2x32768xf32, #tpu.memory_space<vmem>> -> memref<1x32768xf32, #tpu.memory_space<vmem>>
        %get3A_1523 = tpu.memref_squeeze %get3A_1522 : memref<1x32768xf32, #tpu.memory_space<vmem>> -> memref<32768xf32, #tpu.memory_space<vmem>>
        %get3A_1524 = arith.index_cast %add3A_1520 : i32 to index
        %get3A_1525 = tpu.vector_load %get3A_1523[%get3A_1524] {strides = array<i32>} : memref<32768xf32, #tpu.memory_space<vmem>>, vector<16xf32>,
        %get3A_1526 = vector.shape_cast %get3A_1525 : vector<16xf32> to vector<16xf32>
        %max3A_1527 = arith.maximumf %get3A_1493, %get3A_1526 : vector<16xf32>
        %add3A_1528 = arith.constant 96 : i32
        %add3A_1529 = arith.addi %mul3A_1477, %add3A_1528 : i32
        %get3A_1530 = arith.constant 0 : i32
        %get3A_1531 = tpu.memref_slice %arg4[%and3A_87, %get3A_1530] : memref<2x32768xf32, #tpu.memory_space<vmem>> -> memref<1x32768xf32, #tpu.memory_space<vmem>>
        %get3A_1532 = tpu.memref_squeeze %get3A_1531 : memref<1x32768xf32, #tpu.memory_space<vmem>> -> memref<32768xf32, #tpu.memory_space<vmem>>
        %get3A_1533 = arith.index_cast %add3A_1529 : i32 to index
        %get3A_1534 = tpu.vector_load %get3A_1532[%get3A_1533] {strides = array<i32>} : memref<32768xf32, #tpu.memory_space<vmem>>, vector<16xf32>,
        %get3A_1535 = vector.shape_cast %get3A_1534 : vector<16xf32> to vector<16xf32>
        %max3A_1536 = arith.maximumf %get3A_1501, %get3A_1535 : vector<16xf32>
        %add3A_1537 = arith.constant 112 : i32
        %add3A_1538 = arith.addi %mul3A_1477, %add3A_1537 : i32
        %get3A_1539 = arith.constant 0 : i32
        %get3A_1540 = tpu.memref_slice %arg4[%and3A_87, %get3A_1539] : memref<2x32768xf32, #tpu.memory_space<vmem>> -> memref<1x32768xf32, #tpu.memory_space<vmem>>
        %get3A_1541 = tpu.memref_squeeze %get3A_1540 : memref<1x32768xf32, #tpu.memory_space<vmem>> -> memref<32768xf32, #tpu.memory_space<vmem>>
        %get3A_1542 = arith.index_cast %add3A_1538 : i32 to index
        %get3A_1543 = tpu.vector_load %get3A_1541[%get3A_1542] {strides = array<i32>} : memref<32768xf32, #tpu.memory_space<vmem>>, vector<16xf32>,
        %get3A_1544 = vector.shape_cast %get3A_1543 : vector<16xf32> to vector<16xf32>
        %max3A_1545 = arith.maximumf %get3A_1509, %get3A_1544 : vector<16xf32>
        %add3A_1546 = arith.constant 128 : i32
        %add3A_1547 = arith.addi %mul3A_1477, %add3A_1546 : i32
        %get3A_1548 = arith.constant 0 : i32
        %get3A_1549 = tpu.memref_slice %arg4[%and3A_87, %get3A_1548] : memref<2x32768xf32, #tpu.memory_space<vmem>> -> memref<1x32768xf32, #tpu.memory_space<vmem>>
        %get3A_1550 = tpu.memref_squeeze %get3A_1549 : memref<1x32768xf32, #tpu.memory_space<vmem>> -> memref<32768xf32, #tpu.memory_space<vmem>>
        %get3A_1551 = arith.index_cast %add3A_1547 : i32 to index
        %get3A_1552 = tpu.vector_load %get3A_1550[%get3A_1551] {strides = array<i32>} : memref<32768xf32, #tpu.memory_space<vmem>>, vector<16xf32>,
        %get3A_1553 = vector.shape_cast %get3A_1552 : vector<16xf32> to vector<16xf32>
        %max3A_1554 = arith.maximumf %max3A_1518, %get3A_1553 : vector<16xf32>
        %add3A_1555 = arith.constant 144 : i32
        %add3A_1556 = arith.addi %mul3A_1477, %add3A_1555 : i32
        %get3A_1557 = arith.constant 0 : i32
        %get3A_1558 = tpu.memref_slice %arg4[%and3A_87, %get3A_1557] : memref<2x32768xf32, #tpu.memory_space<vmem>> -> memref<1x32768xf32, #tpu.memory_space<vmem>>
        %get3A_1559 = tpu.memref_squeeze %get3A_1558 : memref<1x32768xf32, #tpu.memory_space<vmem>> -> memref<32768xf32, #tpu.memory_space<vmem>>
        %get3A_1560 = arith.index_cast %add3A_1556 : i32 to index
        %get3A_1561 = tpu.vector_load %get3A_1559[%get3A_1560] {strides = array<i32>} : memref<32768xf32, #tpu.memory_space<vmem>>, vector<16xf32>,
        %get3A_1562 = vector.shape_cast %get3A_1561 : vector<16xf32> to vector<16xf32>
        %max3A_1563 = arith.maximumf %max3A_1527, %get3A_1562 : vector<16xf32>
        %add3A_1564 = arith.constant 160 : i32
        %add3A_1565 = arith.addi %mul3A_1477, %add3A_1564 : i32
        %get3A_1566 = arith.constant 0 : i32
        %get3A_1567 = tpu.memref_slice %arg4[%and3A_87, %get3A_1566] : memref<2x32768xf32, #tpu.memory_space<vmem>> -> memref<1x32768xf32, #tpu.memory_space<vmem>>
        %get3A_1568 = tpu.memref_squeeze %get3A_1567 : memref<1x32768xf32, #tpu.memory_space<vmem>> -> memref<32768xf32, #tpu.memory_space<vmem>>
        %get3A_1569 = arith.index_cast %add3A_1565 : i32 to index
        %get3A_1570 = tpu.vector_load %get3A_1568[%get3A_1569] {strides = array<i32>} : memref<32768xf32, #tpu.memory_space<vmem>>, vector<16xf32>,
        %get3A_1571 = vector.shape_cast %get3A_1570 : vector<16xf32> to vector<16xf32>
        %max3A_1572 = arith.maximumf %max3A_1536, %get3A_1571 : vector<16xf32>
        %add3A_1573 = arith.constant 176 : i32
        %add3A_1574 = arith.addi %mul3A_1477, %add3A_1573 : i32
        %get3A_1575 = arith.constant 0 : i32
        %get3A_1576 = tpu.memref_slice %arg4[%and3A_87, %get3A_1575] : memref<2x32768xf32, #tpu.memory_space<vmem>> -> memref<1x32768xf32, #tpu.memory_space<vmem>>
        %get3A_1577 = tpu.memref_squeeze %get3A_1576 : memref<1x32768xf32, #tpu.memory_space<vmem>> -> memref<32768xf32, #tpu.memory_space<vmem>>
        %get3A_1578 = arith.index_cast %add3A_1574 : i32 to index
        %get3A_1579 = tpu.vector_load %get3A_1577[%get3A_1578] {strides = array<i32>} : memref<32768xf32, #tpu.memory_space<vmem>>, vector<16xf32>,
        %get3A_1580 = vector.shape_cast %get3A_1579 : vector<16xf32> to vector<16xf32>
        %max3A_1581 = arith.maximumf %max3A_1545, %get3A_1580 : vector<16xf32>
        %add3A_1582 = arith.constant 192 : i32
        %add3A_1583 = arith.addi %mul3A_1477, %add3A_1582 : i32
        %get3A_1584 = arith.constant 0 : i32
        %get3A_1585 = tpu.memref_slice %arg4[%and3A_87, %get3A_1584] : memref<2x32768xf32, #tpu.memory_space<vmem>> -> memref<1x32768xf32, #tpu.memory_space<vmem>>
        %get3A_1586 = tpu.memref_squeeze %get3A_1585 : memref<1x32768xf32, #tpu.memory_space<vmem>> -> memref<32768xf32, #tpu.memory_space<vmem>>
        %get3A_1587 = arith.index_cast %add3A_1583 : i32 to index
        %get3A_1588 = tpu.vector_load %get3A_1586[%get3A_1587] {strides = array<i32>} : memref<32768xf32, #tpu.memory_space<vmem>>, vector<16xf32>,
        %get3A_1589 = vector.shape_cast %get3A_1588 : vector<16xf32> to vector<16xf32>
        %max3A_1590 = arith.maximumf %max3A_1554, %get3A_1589 : vector<16xf32>
        %add3A_1591 = arith.constant 208 : i32
        %add3A_1592 = arith.addi %mul3A_1477, %add3A_1591 : i32
        %get3A_1593 = arith.constant 0 : i32
        %get3A_1594 = tpu.memref_slice %arg4[%and3A_87, %get3A_1593] : memref<2x32768xf32, #tpu.memory_space<vmem>> -> memref<1x32768xf32, #tpu.memory_space<vmem>>
        %get3A_1595 = tpu.memref_squeeze %get3A_1594 : memref<1x32768xf32, #tpu.memory_space<vmem>> -> memref<32768xf32, #tpu.memory_space<vmem>>
        %get3A_1596 = arith.index_cast %add3A_1592 : i32 to index
        %get3A_1597 = tpu.vector_load %get3A_1595[%get3A_1596] {strides = array<i32>} : memref<32768xf32, #tpu.memory_space<vmem>>, vector<16xf32>,
        %get3A_1598 = vector.shape_cast %get3A_1597 : vector<16xf32> to vector<16xf32>
        %max3A_1599 = arith.maximumf %max3A_1563, %get3A_1598 : vector<16xf32>
        %add3A_1600 = arith.constant 224 : i32
        %add3A_1601 = arith.addi %mul3A_1477, %add3A_1600 : i32
        %get3A_1602 = arith.constant 0 : i32
        %get3A_1603 = tpu.memref_slice %arg4[%and3A_87, %get3A_1602] : memref<2x32768xf32, #tpu.memory_space<vmem>> -> memref<1x32768xf32, #tpu.memory_space<vmem>>
        %get3A_1604 = tpu.memref_squeeze %get3A_1603 : memref<1x32768xf32, #tpu.memory_space<vmem>> -> memref<32768xf32, #tpu.memory_space<vmem>>
        %get3A_1605 = arith.index_cast %add3A_1601 : i32 to index
        %get3A_1606 = tpu.vector_load %get3A_1604[%get3A_1605] {strides = array<i32>} : memref<32768xf32, #tpu.memory_space<vmem>>, vector<16xf32>,
        %get3A_1607 = vector.shape_cast %get3A_1606 : vector<16xf32> to vector<16xf32>
        %max3A_1608 = arith.maximumf %max3A_1572, %get3A_1607 : vector<16xf32>
        %add3A_1609 = arith.constant 240 : i32
        %add3A_1610 = arith.addi %mul3A_1477, %add3A_1609 : i32
        %get3A_1611 = arith.constant 0 : i32
        %get3A_1612 = tpu.memref_slice %arg4[%and3A_87, %get3A_1611] : memref<2x32768xf32, #tpu.memory_space<vmem>> -> memref<1x32768xf32, #tpu.memory_space<vmem>>
        %get3A_1613 = tpu.memref_squeeze %get3A_1612 : memref<1x32768xf32, #tpu.memory_space<vmem>> -> memref<32768xf32, #tpu.memory_space<vmem>>
        %get3A_1614 = arith.index_cast %add3A_1610 : i32 to index
        %get3A_1615 = tpu.vector_load %get3A_1613[%get3A_1614] {strides = array<i32>} : memref<32768xf32, #tpu.memory_space<vmem>>, vector<16xf32>,
        %get3A_1616 = vector.shape_cast %get3A_1615 : vector<16xf32> to vector<16xf32>
        %max3A_1617 = arith.maximumf %max3A_1581, %get3A_1616 : vector<16xf32>
        %add3A_1618 = arith.constant 256 : i32
        %add3A_1619 = arith.addi %mul3A_1477, %add3A_1618 : i32
        %get3A_1620 = arith.constant 0 : i32
        %get3A_1621 = tpu.memref_slice %arg4[%and3A_87, %get3A_1620] : memref<2x32768xf32, #tpu.memory_space<vmem>> -> memref<1x32768xf32, #tpu.memory_space<vmem>>
        %get3A_1622 = tpu.memref_squeeze %get3A_1621 : memref<1x32768xf32, #tpu.memory_space<vmem>> -> memref<32768xf32, #tpu.memory_space<vmem>>
        %get3A_1623 = arith.index_cast %add3A_1619 : i32 to index
        %get3A_1624 = tpu.vector_load %get3A_1622[%get3A_1623] {strides = array<i32>} : memref<32768xf32, #tpu.memory_space<vmem>>, vector<16xf32>,
        %get3A_1625 = vector.shape_cast %get3A_1624 : vector<16xf32> to vector<16xf32>
        %max3A_1626 = arith.maximumf %max3A_1590, %get3A_1625 : vector<16xf32>
        %add3A_1627 = arith.constant 272 : i32
        %add3A_1628 = arith.addi %mul3A_1477, %add3A_1627 : i32
        %get3A_1629 = arith.constant 0 : i32
        %get3A_1630 = tpu.memref_slice %arg4[%and3A_87, %get3A_1629] : memref<2x32768xf32, #tpu.memory_space<vmem>> -> memref<1x32768xf32, #tpu.memory_space<vmem>>
        %get3A_1631 = tpu.memref_squeeze %get3A_1630 : memref<1x32768xf32, #tpu.memory_space<vmem>> -> memref<32768xf32, #tpu.memory_space<vmem>>
        %get3A_1632 = arith.index_cast %add3A_1628 : i32 to index
        %get3A_1633 = tpu.vector_load %get3A_1631[%get3A_1632] {strides = array<i32>} : memref<32768xf32, #tpu.memory_space<vmem>>, vector<16xf32>,
        %get3A_1634 = vector.shape_cast %get3A_1633 : vector<16xf32> to vector<16xf32>
        %max3A_1635 = arith.maximumf %max3A_1599, %get3A_1634 : vector<16xf32>
        %add3A_1636 = arith.constant 288 : i32
        %add3A_1637 = arith.addi %mul3A_1477, %add3A_1636 : i32
        %get3A_1638 = arith.constant 0 : i32
        %get3A_1639 = tpu.memref_slice %arg4[%and3A_87, %get3A_1638] : memref<2x32768xf32, #tpu.memory_space<vmem>> -> memref<1x32768xf32, #tpu.memory_space<vmem>>
        %get3A_1640 = tpu.memref_squeeze %get3A_1639 : memref<1x32768xf32, #tpu.memory_space<vmem>> -> memref<32768xf32, #tpu.memory_space<vmem>>
        %get3A_1641 = arith.index_cast %add3A_1637 : i32 to index
        %get3A_1642 = tpu.vector_load %get3A_1640[%get3A_1641] {strides = array<i32>} : memref<32768xf32, #tpu.memory_space<vmem>>, vector<16xf32>,
        %get3A_1643 = vector.shape_cast %get3A_1642 : vector<16xf32> to vector<16xf32>
        %max3A_1644 = arith.maximumf %max3A_1608, %get3A_1643 : vector<16xf32>
        %add3A_1645 = arith.constant 304 : i32
        %add3A_1646 = arith.addi %mul3A_1477, %add3A_1645 : i32
        %get3A_1647 = arith.constant 0 : i32
        %get3A_1648 = tpu.memref_slice %arg4[%and3A_87, %get3A_1647] : memref<2x32768xf32, #tpu.memory_space<vmem>> -> memref<1x32768xf32, #tpu.memory_space<vmem>>
        %get3A_1649 = tpu.memref_squeeze %get3A_1648 : memref<1x32768xf32, #tpu.memory_space<vmem>> -> memref<32768xf32, #tpu.memory_space<vmem>>
        %get3A_1650 = arith.index_cast %add3A_1646 : i32 to index
        %get3A_1651 = tpu.vector_load %get3A_1649[%get3A_1650] {strides = array<i32>} : memref<32768xf32, #tpu.memory_space<vmem>>, vector<16xf32>,
        %get3A_1652 = vector.shape_cast %get3A_1651 : vector<16xf32> to vector<16xf32>
        %max3A_1653 = arith.maximumf %max3A_1617, %get3A_1652 : vector<16xf32>
        %add3A_1654 = arith.constant 320 : i32
        %add3A_1655 = arith.addi %mul3A_1477, %add3A_1654 : i32
        %get3A_1656 = arith.constant 0 : i32
        %get3A_1657 = tpu.memref_slice %arg4[%and3A_87, %get3A_1656] : memref<2x32768xf32, #tpu.memory_space<vmem>> -> memref<1x32768xf32, #tpu.memory_space<vmem>>
        %get3A_1658 = tpu.memref_squeeze %get3A_1657 : memref<1x32768xf32, #tpu.memory_space<vmem>> -> memref<32768xf32, #tpu.memory_space<vmem>>
        %get3A_1659 = arith.index_cast %add3A_1655 : i32 to index
        %get3A_1660 = tpu.vector_load %get3A_1658[%get3A_1659] {strides = array<i32>} : memref<32768xf32, #tpu.memory_space<vmem>>, vector<16xf32>,
        %get3A_1661 = vector.shape_cast %get3A_1660 : vector<16xf32> to vector<16xf32>
        %max3A_1662 = arith.maximumf %max3A_1626, %get3A_1661 : vector<16xf32>
        %add3A_1663 = arith.constant 336 : i32
        %add3A_1664 = arith.addi %mul3A_1477, %add3A_1663 : i32
        %get3A_1665 = arith.constant 0 : i32
        %get3A_1666 = tpu.memref_slice %arg4[%and3A_87, %get3A_1665] : memref<2x32768xf32, #tpu.memory_space<vmem>> -> memref<1x32768xf32, #tpu.memory_space<vmem>>
        %get3A_1667 = tpu.memref_squeeze %get3A_1666 : memref<1x32768xf32, #tpu.memory_space<vmem>> -> memref<32768xf32, #tpu.memory_space<vmem>>
        %get3A_1668 = arith.index_cast %add3A_1664 : i32 to index
        %get3A_1669 = tpu.vector_load %get3A_1667[%get3A_1668] {strides = array<i32>} : memref<32768xf32, #tpu.memory_space<vmem>>, vector<16xf32>,
        %get3A_1670 = vector.shape_cast %get3A_1669 : vector<16xf32> to vector<16xf32>
        %max3A_1671 = arith.maximumf %max3A_1635, %get3A_1670 : vector<16xf32>
        %add3A_1672 = arith.constant 352 : i32
        %add3A_1673 = arith.addi %mul3A_1477, %add3A_1672 : i32
        %get3A_1674 = arith.constant 0 : i32
        %get3A_1675 = tpu.memref_slice %arg4[%and3A_87, %get3A_1674] : memref<2x32768xf32, #tpu.memory_space<vmem>> -> memref<1x32768xf32, #tpu.memory_space<vmem>>
        %get3A_1676 = tpu.memref_squeeze %get3A_1675 : memref<1x32768xf32, #tpu.memory_space<vmem>> -> memref<32768xf32, #tpu.memory_space<vmem>>
        %get3A_1677 = arith.index_cast %add3A_1673 : i32 to index
        %get3A_1678 = tpu.vector_load %get3A_1676[%get3A_1677] {strides = array<i32>} : memref<32768xf32, #tpu.memory_space<vmem>>, vector<16xf32>,
        %get3A_1679 = vector.shape_cast %get3A_1678 : vector<16xf32> to vector<16xf32>
        %max3A_1680 = arith.maximumf %max3A_1644, %get3A_1679 : vector<16xf32>
        %add3A_1681 = arith.constant 368 : i32
        %add3A_1682 = arith.addi %mul3A_1477, %add3A_1681 : i32
        %get3A_1683 = arith.constant 0 : i32
        %get3A_1684 = tpu.memref_slice %arg4[%and3A_87, %get3A_1683] : memref<2x32768xf32, #tpu.memory_space<vmem>> -> memref<1x32768xf32, #tpu.memory_space<vmem>>
        %get3A_1685 = tpu.memref_squeeze %get3A_1684 : memref<1x32768xf32, #tpu.memory_space<vmem>> -> memref<32768xf32, #tpu.memory_space<vmem>>
        %get3A_1686 = arith.index_cast %add3A_1682 : i32 to index
        %get3A_1687 = tpu.vector_load %get3A_1685[%get3A_1686] {strides = array<i32>} : memref<32768xf32, #tpu.memory_space<vmem>>, vector<16xf32>,
        %get3A_1688 = vector.shape_cast %get3A_1687 : vector<16xf32> to vector<16xf32>
        %max3A_1689 = arith.maximumf %max3A_1653, %get3A_1688 : vector<16xf32>
        %add3A_1690 = arith.constant 384 : i32
        %add3A_1691 = arith.addi %mul3A_1477, %add3A_1690 : i32
        %get3A_1692 = arith.constant 0 : i32
        %get3A_1693 = tpu.memref_slice %arg4[%and3A_87, %get3A_1692] : memref<2x32768xf32, #tpu.memory_space<vmem>> -> memref<1x32768xf32, #tpu.memory_space<vmem>>
        %get3A_1694 = tpu.memref_squeeze %get3A_1693 : memref<1x32768xf32, #tpu.memory_space<vmem>> -> memref<32768xf32, #tpu.memory_space<vmem>>
        %get3A_1695 = arith.index_cast %add3A_1691 : i32 to index
        %get3A_1696 = tpu.vector_load %get3A_1694[%get3A_1695] {strides = array<i32>} : memref<32768xf32, #tpu.memory_space<vmem>>, vector<16xf32>,
        %get3A_1697 = vector.shape_cast %get3A_1696 : vector<16xf32> to vector<16xf32>
        %max3A_1698 = arith.maximumf %max3A_1662, %get3A_1697 : vector<16xf32>
        %add3A_1699 = arith.constant 400 : i32
        %add3A_1700 = arith.addi %mul3A_1477, %add3A_1699 : i32
        %get3A_1701 = arith.constant 0 : i32
        %get3A_1702 = tpu.memref_slice %arg4[%and3A_87, %get3A_1701] : memref<2x32768xf32, #tpu.memory_space<vmem>> -> memref<1x32768xf32, #tpu.memory_space<vmem>>
        %get3A_1703 = tpu.memref_squeeze %get3A_1702 : memref<1x32768xf32, #tpu.memory_space<vmem>> -> memref<32768xf32, #tpu.memory_space<vmem>>
        %get3A_1704 = arith.index_cast %add3A_1700 : i32 to index
        %get3A_1705 = tpu.vector_load %get3A_1703[%get3A_1704] {strides = array<i32>} : memref<32768xf32, #tpu.memory_space<vmem>>, vector<16xf32>,
        %get3A_1706 = vector.shape_cast %get3A_1705 : vector<16xf32> to vector<16xf32>
        %max3A_1707 = arith.maximumf %max3A_1671, %get3A_1706 : vector<16xf32>
        %add3A_1708 = arith.constant 416 : i32
        %add3A_1709 = arith.addi %mul3A_1477, %add3A_1708 : i32
        %get3A_1710 = arith.constant 0 : i32
        %get3A_1711 = tpu.memref_slice %arg4[%and3A_87, %get3A_1710] : memref<2x32768xf32, #tpu.memory_space<vmem>> -> memref<1x32768xf32, #tpu.memory_space<vmem>>
        %get3A_1712 = tpu.memref_squeeze %get3A_1711 : memref<1x32768xf32, #tpu.memory_space<vmem>> -> memref<32768xf32, #tpu.memory_space<vmem>>
        %get3A_1713 = arith.index_cast %add3A_1709 : i32 to index
        %get3A_1714 = tpu.vector_load %get3A_1712[%get3A_1713] {strides = array<i32>} : memref<32768xf32, #tpu.memory_space<vmem>>, vector<16xf32>,
        %get3A_1715 = vector.shape_cast %get3A_1714 : vector<16xf32> to vector<16xf32>
        %max3A_1716 = arith.maximumf %max3A_1680, %get3A_1715 : vector<16xf32>
        %add3A_1717 = arith.constant 432 : i32
        %add3A_1718 = arith.addi %mul3A_1477, %add3A_1717 : i32
        %get3A_1719 = arith.constant 0 : i32
        %get3A_1720 = tpu.memref_slice %arg4[%and3A_87, %get3A_1719] : memref<2x32768xf32, #tpu.memory_space<vmem>> -> memref<1x32768xf32, #tpu.memory_space<vmem>>
        %get3A_1721 = tpu.memref_squeeze %get3A_1720 : memref<1x32768xf32, #tpu.memory_space<vmem>> -> memref<32768xf32, #tpu.memory_space<vmem>>
        %get3A_1722 = arith.index_cast %add3A_1718 : i32 to index
        %get3A_1723 = tpu.vector_load %get3A_1721[%get3A_1722] {strides = array<i32>} : memref<32768xf32, #tpu.memory_space<vmem>>, vector<16xf32>,
        %get3A_1724 = vector.shape_cast %get3A_1723 : vector<16xf32> to vector<16xf32>
        %max3A_1725 = arith.maximumf %max3A_1689, %get3A_1724 : vector<16xf32>
        %add3A_1726 = arith.constant 448 : i32
        %add3A_1727 = arith.addi %mul3A_1477, %add3A_1726 : i32
        %get3A_1728 = arith.constant 0 : i32
        %get3A_1729 = tpu.memref_slice %arg4[%and3A_87, %get3A_1728] : memref<2x32768xf32, #tpu.memory_space<vmem>> -> memref<1x32768xf32, #tpu.memory_space<vmem>>
        %get3A_1730 = tpu.memref_squeeze %get3A_1729 : memref<1x32768xf32, #tpu.memory_space<vmem>> -> memref<32768xf32, #tpu.memory_space<vmem>>
        %get3A_1731 = arith.index_cast %add3A_1727 : i32 to index
        %get3A_1732 = tpu.vector_load %get3A_1730[%get3A_1731] {strides = array<i32>} : memref<32768xf32, #tpu.memory_space<vmem>>, vector<16xf32>,
        %get3A_1733 = vector.shape_cast %get3A_1732 : vector<16xf32> to vector<16xf32>
        %max3A_1734 = arith.maximumf %max3A_1698, %get3A_1733 : vector<16xf32>
        %add3A_1735 = arith.constant 464 : i32
        %add3A_1736 = arith.addi %mul3A_1477, %add3A_1735 : i32
        %get3A_1737 = arith.constant 0 : i32
        %get3A_1738 = tpu.memref_slice %arg4[%and3A_87, %get3A_1737] : memref<2x32768xf32, #tpu.memory_space<vmem>> -> memref<1x32768xf32, #tpu.memory_space<vmem>>
        %get3A_1739 = tpu.memref_squeeze %get3A_1738 : memref<1x32768xf32, #tpu.memory_space<vmem>> -> memref<32768xf32, #tpu.memory_space<vmem>>
        %get3A_1740 = arith.index_cast %add3A_1736 : i32 to index
        %get3A_1741 = tpu.vector_load %get3A_1739[%get3A_1740] {strides = array<i32>} : memref<32768xf32, #tpu.memory_space<vmem>>, vector<16xf32>,
        %get3A_1742 = vector.shape_cast %get3A_1741 : vector<16xf32> to vector<16xf32>
        %max3A_1743 = arith.maximumf %max3A_1707, %get3A_1742 : vector<16xf32>
        %add3A_1744 = arith.constant 480 : i32
        %add3A_1745 = arith.addi %mul3A_1477, %add3A_1744 : i32
        %get3A_1746 = arith.constant 0 : i32
        %get3A_1747 = tpu.memref_slice %arg4[%and3A_87, %get3A_1746] : memref<2x32768xf32, #tpu.memory_space<vmem>> -> memref<1x32768xf32, #tpu.memory_space<vmem>>
        %get3A_1748 = tpu.memref_squeeze %get3A_1747 : memref<1x32768xf32, #tpu.memory_space<vmem>> -> memref<32768xf32, #tpu.memory_space<vmem>>
        %get3A_1749 = arith.index_cast %add3A_1745 : i32 to index
        %get3A_1750 = tpu.vector_load %get3A_1748[%get3A_1749] {strides = array<i32>} : memref<32768xf32, #tpu.memory_space<vmem>>, vector<16xf32>,
        %get3A_1751 = vector.shape_cast %get3A_1750 : vector<16xf32> to vector<16xf32>
        %max3A_1752 = arith.maximumf %max3A_1716, %get3A_1751 : vector<16xf32>
        %add3A_1753 = arith.constant 496 : i32
        %add3A_1754 = arith.addi %mul3A_1477, %add3A_1753 : i32
        %get3A_1755 = arith.constant 0 : i32
        %get3A_1756 = tpu.memref_slice %arg4[%and3A_87, %get3A_1755] : memref<2x32768xf32, #tpu.memory_space<vmem>> -> memref<1x32768xf32, #tpu.memory_space<vmem>>
        %get3A_1757 = tpu.memref_squeeze %get3A_1756 : memref<1x32768xf32, #tpu.memory_space<vmem>> -> memref<32768xf32, #tpu.memory_space<vmem>>
        %get3A_1758 = arith.index_cast %add3A_1754 : i32 to index
        %get3A_1759 = tpu.vector_load %get3A_1757[%get3A_1758] {strides = array<i32>} : memref<32768xf32, #tpu.memory_space<vmem>>, vector<16xf32>,
        %get3A_1760 = vector.shape_cast %get3A_1759 : vector<16xf32> to vector<16xf32>
        %max3A_1761 = arith.maximumf %max3A_1725, %get3A_1760 : vector<16xf32>
        %max3A_1762 = arith.maximumf %max3A_1734, %max3A_1743 : vector<16xf32>
        %max3A_1763 = arith.maximumf %max3A_1752, %max3A_1761 : vector<16xf32>
        %max3A_1764 = arith.maximumf %max3A_1762, %max3A_1763 : vector<16xf32>
        %mul3A_1765 = arith.constant 16 : i32
        %mul3A_1766 = arith.muli %scan3A_1474, %mul3A_1765 : i32
        %swap3A_1767 = arith.index_cast %mul3A_1766 : i32 to index
        %swap3A_1768 = tpu.vector_load %arg6[%swap3A_1767] {strides = array<i32>} : memref<1024xf32, #tpu.memory_space<vmem>>, vector<16xf32>,
        %swap3A_1769 = vector.shape_cast %swap3A_1768 : vector<16xf32> to vector<16xf32>
        %swap3A_1770 = vector.shape_cast %max3A_1764 : vector<16xf32> to vector<16xf32>
        tpu.vector_store %arg6[%swap3A_1767], %swap3A_1770 {strides = array<i32>} : memref<1024xf32, #tpu.memory_space<vmem>>, vector<16xf32>,
        %max3A_1771 = arith.maximumf %scan3A_1475, %max3A_1764 : vector<16xf32>
        scf.yield %max3A_1771 : vector<16xf32>
      }
      %scan3A_120 = arith.constant 64 : i32
      %xor3A = arith.constant 1 : i32
      %xor3A_121 = vector.broadcast %xor3A : i32 to vector<16xi32>
      %xor3A_122 = arith.xori %iota3A_108, %xor3A_121 : vector<16xi32>
      %broadcast_in_dim3A_123 = vector.shape_cast %xor3A_122 : vector<16xi32> to vector<16x1xi32>
      %gather3A = vector.shape_cast %broadcast_in_dim3A_123 : vector<16x1xi32> to vector<16xi32>
      %gather3A_124 = tpu.dynamic_gather %scan3A_119[%gather3A] in [0] : vector<16xf32>, vector<16xi32> -> vector<16xf32>
      %max3A = arith.maximumf %scan3A_119, %gather3A_124 : vector<16xf32>
      %xor3A_125 = arith.constant 2 : i32
      %xor3A_126 = vector.broadcast %xor3A_125 : i32 to vector<16xi32>
      %xor3A_127 = arith.xori %iota3A_108, %xor3A_126 : vector<16xi32>
      %broadcast_in_dim3A_128 = vector.shape_cast %xor3A_127 : vector<16xi32> to vector<16x1xi32>
      %gather3A_129 = vector.shape_cast %broadcast_in_dim3A_128 : vector<16x1xi32> to vector<16xi32>
      %gather3A_130 = tpu.dynamic_gather %max3A[%gather3A_129] in [0] : vector<16xf32>, vector<16xi32> -> vector<16xf32>
      %max3A_131 = arith.maximumf %max3A, %gather3A_130 : vector<16xf32>
      %xor3A_132 = arith.constant 4 : i32
      %xor3A_133 = vector.broadcast %xor3A_132 : i32 to vector<16xi32>
      %xor3A_134 = arith.xori %iota3A_108, %xor3A_133 : vector<16xi32>
      %broadcast_in_dim3A_135 = vector.shape_cast %xor3A_134 : vector<16xi32> to vector<16x1xi32>
      %gather3A_136 = vector.shape_cast %broadcast_in_dim3A_135 : vector<16x1xi32> to vector<16xi32>
      %gather3A_137 = tpu.dynamic_gather %max3A_131[%gather3A_136] in [0] : vector<16xf32>, vector<16xi32> -> vector<16xf32>
      %max3A_138 = arith.maximumf %max3A_131, %gather3A_137 : vector<16xf32>
      %xor3A_139 = arith.constant 8 : i32
      %xor3A_140 = vector.broadcast %xor3A_139 : i32 to vector<16xi32>
      %xor3A_141 = arith.xori %iota3A_108, %xor3A_140 : vector<16xi32>
      %broadcast_in_dim3A_142 = vector.shape_cast %xor3A_141 : vector<16xi32> to vector<16x1xi32>
      %gather3A_143 = vector.shape_cast %broadcast_in_dim3A_142 : vector<16x1xi32> to vector<16xi32>
      %gather3A_144 = tpu.dynamic_gather %max3A_138[%gather3A_143] in [0] : vector<16xf32>, vector<16xi32> -> vector<16xf32>
      %max3A_145 = arith.maximumf %max3A_138, %gather3A_144 : vector<16xf32>
      %eq3A = arith.cmpf oeq, %scan3A_119, %max3A_145 : vector<16xf32>
      %select_n3A = arith.select %eq3A, %iota3A_108, %broadcast_in_dim3A_114 : vector<16xi1>, vector<16xi32>
      %xor3A_146 = arith.constant 1 : i32
      %xor3A_147 = vector.broadcast %xor3A_146 : i32 to vector<16xi32>
      %xor3A_148 = arith.xori %iota3A_108, %xor3A_147 : vector<16xi32>
      %broadcast_in_dim3A_149 = vector.shape_cast %xor3A_148 : vector<16xi32> to vector<16x1xi32>
      %gather3A_150 = vector.shape_cast %broadcast_in_dim3A_149 : vector<16x1xi32> to vector<16xi32>
      %gather3A_151 = tpu.dynamic_gather %select_n3A[%gather3A_150] in [0] : vector<16xi32>, vector<16xi32> -> vector<16xi32>
      %max3A_152 = arith.maxsi %select_n3A, %gather3A_151 : vector<16xi32>
      %xor3A_153 = arith.constant 2 : i32
      %xor3A_154 = vector.broadcast %xor3A_153 : i32 to vector<16xi32>
      %xor3A_155 = arith.xori %iota3A_108, %xor3A_154 : vector<16xi32>
      %broadcast_in_dim3A_156 = vector.shape_cast %xor3A_155 : vector<16xi32> to vector<16x1xi32>
      %gather3A_157 = vector.shape_cast %broadcast_in_dim3A_156 : vector<16x1xi32> to vector<16xi32>
      %gather3A_158 = tpu.dynamic_gather %max3A_152[%gather3A_157] in [0] : vector<16xi32>, vector<16xi32> -> vector<16xi32>
      %max3A_159 = arith.maxsi %max3A_152, %gather3A_158 : vector<16xi32>
      %xor3A_160 = arith.constant 4 : i32
      %xor3A_161 = vector.broadcast %xor3A_160 : i32 to vector<16xi32>
      %xor3A_162 = arith.xori %iota3A_108, %xor3A_161 : vector<16xi32>
      %broadcast_in_dim3A_163 = vector.shape_cast %xor3A_162 : vector<16xi32> to vector<16x1xi32>
      %gather3A_164 = vector.shape_cast %broadcast_in_dim3A_163 : vector<16x1xi32> to vector<16xi32>
      %gather3A_165 = tpu.dynamic_gather %max3A_159[%gather3A_164] in [0] : vector<16xi32>, vector<16xi32> -> vector<16xi32>
      %max3A_166 = arith.maxsi %max3A_159, %gather3A_165 : vector<16xi32>
      %xor3A_167 = arith.constant 8 : i32
      %xor3A_168 = vector.broadcast %xor3A_167 : i32 to vector<16xi32>
      %xor3A_169 = arith.xori %iota3A_108, %xor3A_168 : vector<16xi32>
      %broadcast_in_dim3A_170 = vector.shape_cast %xor3A_169 : vector<16xi32> to vector<16x1xi32>
      %gather3A_171 = vector.shape_cast %broadcast_in_dim3A_170 : vector<16x1xi32> to vector<16xi32>
      %gather3A_172 = tpu.dynamic_gather %max3A_166[%gather3A_171] in [0] : vector<16xi32>, vector<16xi32> -> vector<16xi32>
      %max3A_173 = arith.maxsi %max3A_166, %gather3A_172 : vector<16xi32>
      %eq3A_174 = arith.cmpi eq, %iota3A_108, %max3A_173 : vector<16xi32>
      %select_n3A_175 = arith.select %eq3A_174, %broadcast_in_dim3A_110, %scan3A_119 : vector<16xi1>, vector<16xf32>
      %xor3A_176 = arith.constant 1 : i32
      %xor3A_177 = vector.broadcast %xor3A_176 : i32 to vector<16xi32>
      %xor3A_178 = arith.xori %iota3A_108, %xor3A_177 : vector<16xi32>
      %broadcast_in_dim3A_179 = vector.shape_cast %xor3A_178 : vector<16xi32> to vector<16x1xi32>
      %gather3A_180 = vector.shape_cast %broadcast_in_dim3A_179 : vector<16x1xi32> to vector<16xi32>
      %gather3A_181 = tpu.dynamic_gather %select_n3A_175[%gather3A_180] in [0] : vector<16xf32>, vector<16xi32> -> vector<16xf32>
      %max3A_182 = arith.maximumf %select_n3A_175, %gather3A_181 : vector<16xf32>
      %xor3A_183 = arith.constant 2 : i32
      %xor3A_184 = vector.broadcast %xor3A_183 : i32 to vector<16xi32>
      %xor3A_185 = arith.xori %iota3A_108, %xor3A_184 : vector<16xi32>
      %broadcast_in_dim3A_186 = vector.shape_cast %xor3A_185 : vector<16xi32> to vector<16x1xi32>
      %gather3A_187 = vector.shape_cast %broadcast_in_dim3A_186 : vector<16x1xi32> to vector<16xi32>
      %gather3A_188 = tpu.dynamic_gather %max3A_182[%gather3A_187] in [0] : vector<16xf32>, vector<16xi32> -> vector<16xf32>
      %max3A_189 = arith.maximumf %max3A_182, %gather3A_188 : vector<16xf32>
      %xor3A_190 = arith.constant 4 : i32
      %xor3A_191 = vector.broadcast %xor3A_190 : i32 to vector<16xi32>
      %xor3A_192 = arith.xori %iota3A_108, %xor3A_191 : vector<16xi32>
      %broadcast_in_dim3A_193 = vector.shape_cast %xor3A_192 : vector<16xi32> to vector<16x1xi32>
      %gather3A_194 = vector.shape_cast %broadcast_in_dim3A_193 : vector<16x1xi32> to vector<16xi32>
      %gather3A_195 = tpu.dynamic_gather %max3A_189[%gather3A_194] in [0] : vector<16xf32>, vector<16xi32> -> vector<16xf32>
      %max3A_196 = arith.maximumf %max3A_189, %gather3A_195 : vector<16xf32>
      %xor3A_197 = arith.constant 8 : i32
      %xor3A_198 = vector.broadcast %xor3A_197 : i32 to vector<16xi32>
      %xor3A_199 = arith.xori %iota3A_108, %xor3A_198 : vector<16xi32>
      %broadcast_in_dim3A_200 = vector.shape_cast %xor3A_199 : vector<16xi32> to vector<16x1xi32>
      %gather3A_201 = vector.shape_cast %broadcast_in_dim3A_200 : vector<16x1xi32> to vector<16xi32>
      %gather3A_202 = tpu.dynamic_gather %max3A_196[%gather3A_201] in [0] : vector<16xf32>, vector<16xi32> -> vector<16xf32>
      %max3A_203 = arith.maximumf %max3A_196, %gather3A_202 : vector<16xf32>
      %eq3A_204 = arith.cmpf oeq, %select_n3A_175, %max3A_203 : vector<16xf32>
      %select_n3A_205 = arith.select %eq3A_204, %iota3A_108, %broadcast_in_dim3A_114 : vector<16xi1>, vector<16xi32>
      %xor3A_206 = arith.constant 1 : i32
      %xor3A_207 = vector.broadcast %xor3A_206 : i32 to vector<16xi32>
      %xor3A_208 = arith.xori %iota3A_108, %xor3A_207 : vector<16xi32>
      %broadcast_in_dim3A_209 = vector.shape_cast %xor3A_208 : vector<16xi32> to vector<16x1xi32>
      %gather3A_210 = vector.shape_cast %broadcast_in_dim3A_209 : vector<16x1xi32> to vector<16xi32>
      %gather3A_211 = tpu.dynamic_gather %select_n3A_205[%gather3A_210] in [0] : vector<16xi32>, vector<16xi32> -> vector<16xi32>
      %max3A_212 = arith.maxsi %select_n3A_205, %gather3A_211 : vector<16xi32>
      %xor3A_213 = arith.constant 2 : i32
      %xor3A_214 = vector.broadcast %xor3A_213 : i32 to vector<16xi32>
      %xor3A_215 = arith.xori %iota3A_108, %xor3A_214 : vector<16xi32>
      %broadcast_in_dim3A_216 = vector.shape_cast %xor3A_215 : vector<16xi32> to vector<16x1xi32>
      %gather3A_217 = vector.shape_cast %broadcast_in_dim3A_216 : vector<16x1xi32> to vector<16xi32>
      %gather3A_218 = tpu.dynamic_gather %max3A_212[%gather3A_217] in [0] : vector<16xi32>, vector<16xi32> -> vector<16xi32>
      %max3A_219 = arith.maxsi %max3A_212, %gather3A_218 : vector<16xi32>
      %xor3A_220 = arith.constant 4 : i32
      %xor3A_221 = vector.broadcast %xor3A_220 : i32 to vector<16xi32>
      %xor3A_222 = arith.xori %iota3A_108, %xor3A_221 : vector<16xi32>
      %broadcast_in_dim3A_223 = vector.shape_cast %xor3A_222 : vector<16xi32> to vector<16x1xi32>
      %gather3A_224 = vector.shape_cast %broadcast_in_dim3A_223 : vector<16x1xi32> to vector<16xi32>
      %gather3A_225 = tpu.dynamic_gather %max3A_219[%gather3A_224] in [0] : vector<16xi32>, vector<16xi32> -> vector<16xi32>
      %max3A_226 = arith.maxsi %max3A_219, %gather3A_225 : vector<16xi32>
      %xor3A_227 = arith.constant 8 : i32
      %xor3A_228 = vector.broadcast %xor3A_227 : i32 to vector<16xi32>
      %xor3A_229 = arith.xori %iota3A_108, %xor3A_228 : vector<16xi32>
      %broadcast_in_dim3A_230 = vector.shape_cast %xor3A_229 : vector<16xi32> to vector<16x1xi32>
      %gather3A_231 = vector.shape_cast %broadcast_in_dim3A_230 : vector<16x1xi32> to vector<16xi32>
      %gather3A_232 = tpu.dynamic_gather %max3A_226[%gather3A_231] in [0] : vector<16xi32>, vector<16xi32> -> vector<16xi32>
      %max3A_233 = arith.maxsi %max3A_226, %gather3A_232 : vector<16xi32>
      %eq3A_234 = arith.cmpi eq, %iota3A_108, %max3A_233 : vector<16xi32>
      %select_n3A_235 = arith.select %eq3A_234, %broadcast_in_dim3A_110, %select_n3A_175 : vector<16xi1>, vector<16xf32>
      %xor3A_236 = arith.constant 1 : i32
      %xor3A_237 = vector.broadcast %xor3A_236 : i32 to vector<16xi32>
      %xor3A_238 = arith.xori %iota3A_108, %xor3A_237 : vector<16xi32>
      %broadcast_in_dim3A_239 = vector.shape_cast %xor3A_238 : vector<16xi32> to vector<16x1xi32>
      %gather3A_240 = vector.shape_cast %broadcast_in_dim3A_239 : vector<16x1xi32> to vector<16xi32>
      %gather3A_241 = tpu.dynamic_gather %select_n3A_235[%gather3A_240] in [0] : vector<16xf32>, vector<16xi32> -> vector<16xf32>
      %max3A_242 = arith.maximumf %select_n3A_235, %gather3A_241 : vector<16xf32>
      %xor3A_243 = arith.constant 2 : i32
      %xor3A_244 = vector.broadcast %xor3A_243 : i32 to vector<16xi32>
      %xor3A_245 = arith.xori %iota3A_108, %xor3A_244 : vector<16xi32>
      %broadcast_in_dim3A_246 = vector.shape_cast %xor3A_245 : vector<16xi32> to vector<16x1xi32>
      %gather3A_247 = vector.shape_cast %broadcast_in_dim3A_246 : vector<16x1xi32> to vector<16xi32>
      %gather3A_248 = tpu.dynamic_gather %max3A_242[%gather3A_247] in [0] : vector<16xf32>, vector<16xi32> -> vector<16xf32>
      %max3A_249 = arith.maximumf %max3A_242, %gather3A_248 : vector<16xf32>
      %xor3A_250 = arith.constant 4 : i32
      %xor3A_251 = vector.broadcast %xor3A_250 : i32 to vector<16xi32>
      %xor3A_252 = arith.xori %iota3A_108, %xor3A_251 : vector<16xi32>
      %broadcast_in_dim3A_253 = vector.shape_cast %xor3A_252 : vector<16xi32> to vector<16x1xi32>
      %gather3A_254 = vector.shape_cast %broadcast_in_dim3A_253 : vector<16x1xi32> to vector<16xi32>
      %gather3A_255 = tpu.dynamic_gather %max3A_249[%gather3A_254] in [0] : vector<16xf32>, vector<16xi32> -> vector<16xf32>
      %max3A_256 = arith.maximumf %max3A_249, %gather3A_255 : vector<16xf32>
      %xor3A_257 = arith.constant 8 : i32
      %xor3A_258 = vector.broadcast %xor3A_257 : i32 to vector<16xi32>
      %xor3A_259 = arith.xori %iota3A_108, %xor3A_258 : vector<16xi32>
      %broadcast_in_dim3A_260 = vector.shape_cast %xor3A_259 : vector<16xi32> to vector<16x1xi32>
      %gather3A_261 = vector.shape_cast %broadcast_in_dim3A_260 : vector<16x1xi32> to vector<16xi32>
      %gather3A_262 = tpu.dynamic_gather %max3A_256[%gather3A_261] in [0] : vector<16xf32>, vector<16xi32> -> vector<16xf32>
      %max3A_263 = arith.maximumf %max3A_256, %gather3A_262 : vector<16xf32>
      %broadcast_in_dim3A_264 = arith.constant 0 : i32
      %broadcast_in_dim3A_265 = vector.broadcast %broadcast_in_dim3A_264 : i32 to vector<16xi32>
      %get3A = arith.constant 0 : index
      %get3A_266 = tpu.vector_load %arg6[%get3A] {strides = array<i32>} : memref<1024xf32, #tpu.memory_space<vmem>>, vector<16xf32>,
      %get3A_267 = vector.shape_cast %get3A_266 : vector<16xf32> to vector<16xf32>
      %ge3A = arith.cmpf oge, %get3A_267, %max3A_263 : vector<16xf32>
      %jit3A = arith.constant 1 : i32
      %jit3A_268 = arith.constant 0 : i32
      %broadcast_in_dim3A_269 = vector.broadcast %jit3A : i32 to vector<16xi32>
      %broadcast_in_dim3A_270 = vector.broadcast %jit3A_268 : i32 to vector<16xi32>
      %select_n3A_271 = arith.select %ge3A, %broadcast_in_dim3A_269, %broadcast_in_dim3A_270 : vector<16xi1>, vector<16xi32>
      %or3A = arith.ori %broadcast_in_dim3A_265, %select_n3A_271 : vector<16xi32>
      %get3A_272 = arith.constant 16 : index
      %get3A_273 = tpu.vector_load %arg6[%get3A_272] {strides = array<i32>} : memref<1024xf32, #tpu.memory_space<vmem>>, vector<16xf32>,
      %get3A_274 = vector.shape_cast %get3A_273 : vector<16xf32> to vector<16xf32>
      %ge3A_275 = arith.cmpf oge, %get3A_274, %max3A_263 : vector<16xf32>
      %jit3A_276 = arith.constant 2 : i32
      %jit3A_277 = arith.constant 0 : i32
      %broadcast_in_dim3A_278 = vector.broadcast %jit3A_276 : i32 to vector<16xi32>
      %broadcast_in_dim3A_279 = vector.broadcast %jit3A_277 : i32 to vector<16xi32>
      %select_n3A_280 = arith.select %ge3A_275, %broadcast_in_dim3A_278, %broadcast_in_dim3A_279 : vector<16xi1>, vector<16xi32>
      %or3A_281 = arith.ori %or3A, %select_n3A_280 : vector<16xi32>
      %get3A_282 = arith.constant 32 : index
      %get3A_283 = tpu.vector_load %arg6[%get3A_282] {strides = array<i32>} : memref<1024xf32, #tpu.memory_space<vmem>>, vector<16xf32>,
      %get3A_284 = vector.shape_cast %get3A_283 : vector<16xf32> to vector<16xf32>
      %ge3A_285 = arith.cmpf oge, %get3A_284, %max3A_263 : vector<16xf32>
      %jit3A_286 = arith.constant 4 : i32
      %jit3A_287 = arith.constant 0 : i32
      %broadcast_in_dim3A_288 = vector.broadcast %jit3A_286 : i32 to vector<16xi32>
      %broadcast_in_dim3A_289 = vector.broadcast %jit3A_287 : i32 to vector<16xi32>
      %select_n3A_290 = arith.select %ge3A_285, %broadcast_in_dim3A_288, %broadcast_in_dim3A_289 : vector<16xi1>, vector<16xi32>
      %or3A_291 = arith.ori %or3A_281, %select_n3A_290 : vector<16xi32>
      %get3A_292 = arith.constant 48 : index
      %get3A_293 = tpu.vector_load %arg6[%get3A_292] {strides = array<i32>} : memref<1024xf32, #tpu.memory_space<vmem>>, vector<16xf32>,
      %get3A_294 = vector.shape_cast %get3A_293 : vector<16xf32> to vector<16xf32>
      %ge3A_295 = arith.cmpf oge, %get3A_294, %max3A_263 : vector<16xf32>
      %jit3A_296 = arith.constant 8 : i32
      %jit3A_297 = arith.constant 0 : i32
      %broadcast_in_dim3A_298 = vector.broadcast %jit3A_296 : i32 to vector<16xi32>
      %broadcast_in_dim3A_299 = vector.broadcast %jit3A_297 : i32 to vector<16xi32>
      %select_n3A_300 = arith.select %ge3A_295, %broadcast_in_dim3A_298, %broadcast_in_dim3A_299 : vector<16xi1>, vector<16xi32>
      %or3A_301 = arith.ori %or3A_291, %select_n3A_300 : vector<16xi32>
      %get3A_302 = arith.constant 64 : index
      %get3A_303 = tpu.vector_load %arg6[%get3A_302] {strides = array<i32>} : memref<1024xf32, #tpu.memory_space<vmem>>, vector<16xf32>,
      %get3A_304 = vector.shape_cast %get3A_303 : vector<16xf32> to vector<16xf32>
      %ge3A_305 = arith.cmpf oge, %get3A_304, %max3A_263 : vector<16xf32>
      %jit3A_306 = arith.constant 16 : i32
      %jit3A_307 = arith.constant 0 : i32
      %broadcast_in_dim3A_308 = vector.broadcast %jit3A_306 : i32 to vector<16xi32>
      %broadcast_in_dim3A_309 = vector.broadcast %jit3A_307 : i32 to vector<16xi32>
      %select_n3A_310 = arith.select %ge3A_305, %broadcast_in_dim3A_308, %broadcast_in_dim3A_309 : vector<16xi1>, vector<16xi32>
      %or3A_311 = arith.ori %or3A_301, %select_n3A_310 : vector<16xi32>
      %get3A_312 = arith.constant 80 : index
      %get3A_313 = tpu.vector_load %arg6[%get3A_312] {strides = array<i32>} : memref<1024xf32, #tpu.memory_space<vmem>>, vector<16xf32>,
      %get3A_314 = vector.shape_cast %get3A_313 : vector<16xf32> to vector<16xf32>
      %ge3A_315 = arith.cmpf oge, %get3A_314, %max3A_263 : vector<16xf32>
      %jit3A_316 = arith.constant 32 : i32
      %jit3A_317 = arith.constant 0 : i32
      %broadcast_in_dim3A_318 = vector.broadcast %jit3A_316 : i32 to vector<16xi32>
      %broadcast_in_dim3A_319 = vector.broadcast %jit3A_317 : i32 to vector<16xi32>
      %select_n3A_320 = arith.select %ge3A_315, %broadcast_in_dim3A_318, %broadcast_in_dim3A_319 : vector<16xi1>, vector<16xi32>
      %or3A_321 = arith.ori %or3A_311, %select_n3A_320 : vector<16xi32>
      %get3A_322 = arith.constant 96 : index
      %get3A_323 = tpu.vector_load %arg6[%get3A_322] {strides = array<i32>} : memref<1024xf32, #tpu.memory_space<vmem>>, vector<16xf32>,
      %get3A_324 = vector.shape_cast %get3A_323 : vector<16xf32> to vector<16xf32>
      %ge3A_325 = arith.cmpf oge, %get3A_324, %max3A_263 : vector<16xf32>
      %jit3A_326 = arith.constant 64 : i32
      %jit3A_327 = arith.constant 0 : i32
      %broadcast_in_dim3A_328 = vector.broadcast %jit3A_326 : i32 to vector<16xi32>
      %broadcast_in_dim3A_329 = vector.broadcast %jit3A_327 : i32 to vector<16xi32>
      %select_n3A_330 = arith.select %ge3A_325, %broadcast_in_dim3A_328, %broadcast_in_dim3A_329 : vector<16xi1>, vector<16xi32>
      %or3A_331 = arith.ori %or3A_321, %select_n3A_330 : vector<16xi32>
      %get3A_332 = arith.constant 112 : index
      %get3A_333 = tpu.vector_load %arg6[%get3A_332] {strides = array<i32>} : memref<1024xf32, #tpu.memory_space<vmem>>, vector<16xf32>,
      %get3A_334 = vector.shape_cast %get3A_333 : vector<16xf32> to vector<16xf32>
      %ge3A_335 = arith.cmpf oge, %get3A_334, %max3A_263 : vector<16xf32>
      %jit3A_336 = arith.constant 128 : i32
      %jit3A_337 = arith.constant 0 : i32
      %broadcast_in_dim3A_338 = vector.broadcast %jit3A_336 : i32 to vector<16xi32>
      %broadcast_in_dim3A_339 = vector.broadcast %jit3A_337 : i32 to vector<16xi32>
      %select_n3A_340 = arith.select %ge3A_335, %broadcast_in_dim3A_338, %broadcast_in_dim3A_339 : vector<16xi1>, vector<16xi32>
      %or3A_341 = arith.ori %or3A_331, %select_n3A_340 : vector<16xi32>
      %get3A_342 = arith.constant 128 : index
      %get3A_343 = tpu.vector_load %arg6[%get3A_342] {strides = array<i32>} : memref<1024xf32, #tpu.memory_space<vmem>>, vector<16xf32>,
      %get3A_344 = vector.shape_cast %get3A_343 : vector<16xf32> to vector<16xf32>
      %ge3A_345 = arith.cmpf oge, %get3A_344, %max3A_263 : vector<16xf32>
      %jit3A_346 = arith.constant 256 : i32
      %jit3A_347 = arith.constant 0 : i32
      %broadcast_in_dim3A_348 = vector.broadcast %jit3A_346 : i32 to vector<16xi32>
      %broadcast_in_dim3A_349 = vector.broadcast %jit3A_347 : i32 to vector<16xi32>
      %select_n3A_350 = arith.select %ge3A_345, %broadcast_in_dim3A_348, %broadcast_in_dim3A_349 : vector<16xi1>, vector<16xi32>
      %or3A_351 = arith.ori %or3A_341, %select_n3A_350 : vector<16xi32>
      %get3A_352 = arith.constant 144 : index
      %get3A_353 = tpu.vector_load %arg6[%get3A_352] {strides = array<i32>} : memref<1024xf32, #tpu.memory_space<vmem>>, vector<16xf32>,
      %get3A_354 = vector.shape_cast %get3A_353 : vector<16xf32> to vector<16xf32>
      %ge3A_355 = arith.cmpf oge, %get3A_354, %max3A_263 : vector<16xf32>
      %jit3A_356 = arith.constant 512 : i32
      %jit3A_357 = arith.constant 0 : i32
      %broadcast_in_dim3A_358 = vector.broadcast %jit3A_356 : i32 to vector<16xi32>
      %broadcast_in_dim3A_359 = vector.broadcast %jit3A_357 : i32 to vector<16xi32>
      %select_n3A_360 = arith.select %ge3A_355, %broadcast_in_dim3A_358, %broadcast_in_dim3A_359 : vector<16xi1>, vector<16xi32>
      %or3A_361 = arith.ori %or3A_351, %select_n3A_360 : vector<16xi32>
      %get3A_362 = arith.constant 160 : index
      %get3A_363 = tpu.vector_load %arg6[%get3A_362] {strides = array<i32>} : memref<1024xf32, #tpu.memory_space<vmem>>, vector<16xf32>,
      %get3A_364 = vector.shape_cast %get3A_363 : vector<16xf32> to vector<16xf32>
      %ge3A_365 = arith.cmpf oge, %get3A_364, %max3A_263 : vector<16xf32>
      %jit3A_366 = arith.constant 1024 : i32
      %jit3A_367 = arith.constant 0 : i32
      %broadcast_in_dim3A_368 = vector.broadcast %jit3A_366 : i32 to vector<16xi32>
      %broadcast_in_dim3A_369 = vector.broadcast %jit3A_367 : i32 to vector<16xi32>
      %select_n3A_370 = arith.select %ge3A_365, %broadcast_in_dim3A_368, %broadcast_in_dim3A_369 : vector<16xi1>, vector<16xi32>
      %or3A_371 = arith.ori %or3A_361, %select_n3A_370 : vector<16xi32>
      %get3A_372 = arith.constant 176 : index
      %get3A_373 = tpu.vector_load %arg6[%get3A_372] {strides = array<i32>} : memref<1024xf32, #tpu.memory_space<vmem>>, vector<16xf32>,
      %get3A_374 = vector.shape_cast %get3A_373 : vector<16xf32> to vector<16xf32>
      %ge3A_375 = arith.cmpf oge, %get3A_374, %max3A_263 : vector<16xf32>
      %jit3A_376 = arith.constant 2048 : i32
      %jit3A_377 = arith.constant 0 : i32
      %broadcast_in_dim3A_378 = vector.broadcast %jit3A_376 : i32 to vector<16xi32>
      %broadcast_in_dim3A_379 = vector.broadcast %jit3A_377 : i32 to vector<16xi32>
      %select_n3A_380 = arith.select %ge3A_375, %broadcast_in_dim3A_378, %broadcast_in_dim3A_379 : vector<16xi1>, vector<16xi32>
      %or3A_381 = arith.ori %or3A_371, %select_n3A_380 : vector<16xi32>
      %get3A_382 = arith.constant 192 : index
      %get3A_383 = tpu.vector_load %arg6[%get3A_382] {strides = array<i32>} : memref<1024xf32, #tpu.memory_space<vmem>>, vector<16xf32>,
      %get3A_384 = vector.shape_cast %get3A_383 : vector<16xf32> to vector<16xf32>
      %ge3A_385 = arith.cmpf oge, %get3A_384, %max3A_263 : vector<16xf32>
      %jit3A_386 = arith.constant 4096 : i32
      %jit3A_387 = arith.constant 0 : i32
      %broadcast_in_dim3A_388 = vector.broadcast %jit3A_386 : i32 to vector<16xi32>
      %broadcast_in_dim3A_389 = vector.broadcast %jit3A_387 : i32 to vector<16xi32>
      %select_n3A_390 = arith.select %ge3A_385, %broadcast_in_dim3A_388, %broadcast_in_dim3A_389 : vector<16xi1>, vector<16xi32>
      %or3A_391 = arith.ori %or3A_381, %select_n3A_390 : vector<16xi32>
      %get3A_392 = arith.constant 208 : index
      %get3A_393 = tpu.vector_load %arg6[%get3A_392] {strides = array<i32>} : memref<1024xf32, #tpu.memory_space<vmem>>, vector<16xf32>,
      %get3A_394 = vector.shape_cast %get3A_393 : vector<16xf32> to vector<16xf32>
      %ge3A_395 = arith.cmpf oge, %get3A_394, %max3A_263 : vector<16xf32>
      %jit3A_396 = arith.constant 8192 : i32
      %jit3A_397 = arith.constant 0 : i32
      %broadcast_in_dim3A_398 = vector.broadcast %jit3A_396 : i32 to vector<16xi32>
      %broadcast_in_dim3A_399 = vector.broadcast %jit3A_397 : i32 to vector<16xi32>
      %select_n3A_400 = arith.select %ge3A_395, %broadcast_in_dim3A_398, %broadcast_in_dim3A_399 : vector<16xi1>, vector<16xi32>
      %or3A_401 = arith.ori %or3A_391, %select_n3A_400 : vector<16xi32>
      %get3A_402 = arith.constant 224 : index
      %get3A_403 = tpu.vector_load %arg6[%get3A_402] {strides = array<i32>} : memref<1024xf32, #tpu.memory_space<vmem>>, vector<16xf32>,
      %get3A_404 = vector.shape_cast %get3A_403 : vector<16xf32> to vector<16xf32>
      %ge3A_405 = arith.cmpf oge, %get3A_404, %max3A_263 : vector<16xf32>
      %jit3A_406 = arith.constant 16384 : i32
      %jit3A_407 = arith.constant 0 : i32
      %broadcast_in_dim3A_408 = vector.broadcast %jit3A_406 : i32 to vector<16xi32>
      %broadcast_in_dim3A_409 = vector.broadcast %jit3A_407 : i32 to vector<16xi32>
      %select_n3A_410 = arith.select %ge3A_405, %broadcast_in_dim3A_408, %broadcast_in_dim3A_409 : vector<16xi1>, vector<16xi32>
      %or3A_411 = arith.ori %or3A_401, %select_n3A_410 : vector<16xi32>
      %get3A_412 = arith.constant 240 : index
      %get3A_413 = tpu.vector_load %arg6[%get3A_412] {strides = array<i32>} : memref<1024xf32, #tpu.memory_space<vmem>>, vector<16xf32>,
      %get3A_414 = vector.shape_cast %get3A_413 : vector<16xf32> to vector<16xf32>
      %ge3A_415 = arith.cmpf oge, %get3A_414, %max3A_263 : vector<16xf32>
      %jit3A_416 = arith.constant 32768 : i32
      %jit3A_417 = arith.constant 0 : i32
      %broadcast_in_dim3A_418 = vector.broadcast %jit3A_416 : i32 to vector<16xi32>
      %broadcast_in_dim3A_419 = vector.broadcast %jit3A_417 : i32 to vector<16xi32>
      %select_n3A_420 = arith.select %ge3A_415, %broadcast_in_dim3A_418, %broadcast_in_dim3A_419 : vector<16xi1>, vector<16xi32>
      %or3A_421 = arith.ori %or3A_411, %select_n3A_420 : vector<16xi32>
      %get3A_422 = arith.constant 256 : index
      %get3A_423 = tpu.vector_load %arg6[%get3A_422] {strides = array<i32>} : memref<1024xf32, #tpu.memory_space<vmem>>, vector<16xf32>,
      %get3A_424 = vector.shape_cast %get3A_423 : vector<16xf32> to vector<16xf32>
      %ge3A_425 = arith.cmpf oge, %get3A_424, %max3A_263 : vector<16xf32>
      %jit3A_426 = arith.constant 65536 : i32
      %jit3A_427 = arith.constant 0 : i32
      %broadcast_in_dim3A_428 = vector.broadcast %jit3A_426 : i32 to vector<16xi32>
      %broadcast_in_dim3A_429 = vector.broadcast %jit3A_427 : i32 to vector<16xi32>
      %select_n3A_430 = arith.select %ge3A_425, %broadcast_in_dim3A_428, %broadcast_in_dim3A_429 : vector<16xi1>, vector<16xi32>
      %or3A_431 = arith.ori %or3A_421, %select_n3A_430 : vector<16xi32>
      %get3A_432 = arith.constant 272 : index
      %get3A_433 = tpu.vector_load %arg6[%get3A_432] {strides = array<i32>} : memref<1024xf32, #tpu.memory_space<vmem>>, vector<16xf32>,
      %get3A_434 = vector.shape_cast %get3A_433 : vector<16xf32> to vector<16xf32>
      %ge3A_435 = arith.cmpf oge, %get3A_434, %max3A_263 : vector<16xf32>
      %jit3A_436 = arith.constant 131072 : i32
      %jit3A_437 = arith.constant 0 : i32
      %broadcast_in_dim3A_438 = vector.broadcast %jit3A_436 : i32 to vector<16xi32>
      %broadcast_in_dim3A_439 = vector.broadcast %jit3A_437 : i32 to vector<16xi32>
      %select_n3A_440 = arith.select %ge3A_435, %broadcast_in_dim3A_438, %broadcast_in_dim3A_439 : vector<16xi1>, vector<16xi32>
      %or3A_441 = arith.ori %or3A_431, %select_n3A_440 : vector<16xi32>
      %get3A_442 = arith.constant 288 : index
      %get3A_443 = tpu.vector_load %arg6[%get3A_442] {strides = array<i32>} : memref<1024xf32, #tpu.memory_space<vmem>>, vector<16xf32>,
      %get3A_444 = vector.shape_cast %get3A_443 : vector<16xf32> to vector<16xf32>
      %ge3A_445 = arith.cmpf oge, %get3A_444, %max3A_263 : vector<16xf32>
      %jit3A_446 = arith.constant 262144 : i32
      %jit3A_447 = arith.constant 0 : i32
      %broadcast_in_dim3A_448 = vector.broadcast %jit3A_446 : i32 to vector<16xi32>
      %broadcast_in_dim3A_449 = vector.broadcast %jit3A_447 : i32 to vector<16xi32>
      %select_n3A_450 = arith.select %ge3A_445, %broadcast_in_dim3A_448, %broadcast_in_dim3A_449 : vector<16xi1>, vector<16xi32>
      %or3A_451 = arith.ori %or3A_441, %select_n3A_450 : vector<16xi32>
      %get3A_452 = arith.constant 304 : index
      %get3A_453 = tpu.vector_load %arg6[%get3A_452] {strides = array<i32>} : memref<1024xf32, #tpu.memory_space<vmem>>, vector<16xf32>,
      %get3A_454 = vector.shape_cast %get3A_453 : vector<16xf32> to vector<16xf32>
      %ge3A_455 = arith.cmpf oge, %get3A_454, %max3A_263 : vector<16xf32>
      %jit3A_456 = arith.constant 524288 : i32
      %jit3A_457 = arith.constant 0 : i32
      %broadcast_in_dim3A_458 = vector.broadcast %jit3A_456 : i32 to vector<16xi32>
      %broadcast_in_dim3A_459 = vector.broadcast %jit3A_457 : i32 to vector<16xi32>
      %select_n3A_460 = arith.select %ge3A_455, %broadcast_in_dim3A_458, %broadcast_in_dim3A_459 : vector<16xi1>, vector<16xi32>
      %or3A_461 = arith.ori %or3A_451, %select_n3A_460 : vector<16xi32>
      %get3A_462 = arith.constant 320 : index
      %get3A_463 = tpu.vector_load %arg6[%get3A_462] {strides = array<i32>} : memref<1024xf32, #tpu.memory_space<vmem>>, vector<16xf32>,
      %get3A_464 = vector.shape_cast %get3A_463 : vector<16xf32> to vector<16xf32>
      %ge3A_465 = arith.cmpf oge, %get3A_464, %max3A_263 : vector<16xf32>
      %jit3A_466 = arith.constant 1048576 : i32
      %jit3A_467 = arith.constant 0 : i32
      %broadcast_in_dim3A_468 = vector.broadcast %jit3A_466 : i32 to vector<16xi32>
      %broadcast_in_dim3A_469 = vector.broadcast %jit3A_467 : i32 to vector<16xi32>
      %select_n3A_470 = arith.select %ge3A_465, %broadcast_in_dim3A_468, %broadcast_in_dim3A_469 : vector<16xi1>, vector<16xi32>
      %or3A_471 = arith.ori %or3A_461, %select_n3A_470 : vector<16xi32>
      %get3A_472 = arith.constant 336 : index
      %get3A_473 = tpu.vector_load %arg6[%get3A_472] {strides = array<i32>} : memref<1024xf32, #tpu.memory_space<vmem>>, vector<16xf32>,
      %get3A_474 = vector.shape_cast %get3A_473 : vector<16xf32> to vector<16xf32>
      %ge3A_475 = arith.cmpf oge, %get3A_474, %max3A_263 : vector<16xf32>
      %jit3A_476 = arith.constant 2097152 : i32
      %jit3A_477 = arith.constant 0 : i32
      %broadcast_in_dim3A_478 = vector.broadcast %jit3A_476 : i32 to vector<16xi32>
      %broadcast_in_dim3A_479 = vector.broadcast %jit3A_477 : i32 to vector<16xi32>
      %select_n3A_480 = arith.select %ge3A_475, %broadcast_in_dim3A_478, %broadcast_in_dim3A_479 : vector<16xi1>, vector<16xi32>
      %or3A_481 = arith.ori %or3A_471, %select_n3A_480 : vector<16xi32>
      %get3A_482 = arith.constant 352 : index
      %get3A_483 = tpu.vector_load %arg6[%get3A_482] {strides = array<i32>} : memref<1024xf32, #tpu.memory_space<vmem>>, vector<16xf32>,
      %get3A_484 = vector.shape_cast %get3A_483 : vector<16xf32> to vector<16xf32>
      %ge3A_485 = arith.cmpf oge, %get3A_484, %max3A_263 : vector<16xf32>
      %jit3A_486 = arith.constant 4194304 : i32
      %jit3A_487 = arith.constant 0 : i32
      %broadcast_in_dim3A_488 = vector.broadcast %jit3A_486 : i32 to vector<16xi32>
      %broadcast_in_dim3A_489 = vector.broadcast %jit3A_487 : i32 to vector<16xi32>
      %select_n3A_490 = arith.select %ge3A_485, %broadcast_in_dim3A_488, %broadcast_in_dim3A_489 : vector<16xi1>, vector<16xi32>
      %or3A_491 = arith.ori %or3A_481, %select_n3A_490 : vector<16xi32>
      %get3A_492 = arith.constant 368 : index
      %get3A_493 = tpu.vector_load %arg6[%get3A_492] {strides = array<i32>} : memref<1024xf32, #tpu.memory_space<vmem>>, vector<16xf32>,
      %get3A_494 = vector.shape_cast %get3A_493 : vector<16xf32> to vector<16xf32>
      %ge3A_495 = arith.cmpf oge, %get3A_494, %max3A_263 : vector<16xf32>
      %jit3A_496 = arith.constant 8388608 : i32
      %jit3A_497 = arith.constant 0 : i32
      %broadcast_in_dim3A_498 = vector.broadcast %jit3A_496 : i32 to vector<16xi32>
      %broadcast_in_dim3A_499 = vector.broadcast %jit3A_497 : i32 to vector<16xi32>
      %select_n3A_500 = arith.select %ge3A_495, %broadcast_in_dim3A_498, %broadcast_in_dim3A_499 : vector<16xi1>, vector<16xi32>
      %or3A_501 = arith.ori %or3A_491, %select_n3A_500 : vector<16xi32>
      %get3A_502 = arith.constant 384 : index
      %get3A_503 = tpu.vector_load %arg6[%get3A_502] {strides = array<i32>} : memref<1024xf32, #tpu.memory_space<vmem>>, vector<16xf32>,
      %get3A_504 = vector.shape_cast %get3A_503 : vector<16xf32> to vector<16xf32>
      %ge3A_505 = arith.cmpf oge, %get3A_504, %max3A_263 : vector<16xf32>
      %jit3A_506 = arith.constant 16777216 : i32
      %jit3A_507 = arith.constant 0 : i32
      %broadcast_in_dim3A_508 = vector.broadcast %jit3A_506 : i32 to vector<16xi32>
      %broadcast_in_dim3A_509 = vector.broadcast %jit3A_507 : i32 to vector<16xi32>
      %select_n3A_510 = arith.select %ge3A_505, %broadcast_in_dim3A_508, %broadcast_in_dim3A_509 : vector<16xi1>, vector<16xi32>
      %or3A_511 = arith.ori %or3A_501, %select_n3A_510 : vector<16xi32>
      %get3A_512 = arith.constant 400 : index
      %get3A_513 = tpu.vector_load %arg6[%get3A_512] {strides = array<i32>} : memref<1024xf32, #tpu.memory_space<vmem>>, vector<16xf32>,
      %get3A_514 = vector.shape_cast %get3A_513 : vector<16xf32> to vector<16xf32>
      %ge3A_515 = arith.cmpf oge, %get3A_514, %max3A_263 : vector<16xf32>
      %jit3A_516 = arith.constant 33554432 : i32
      %jit3A_517 = arith.constant 0 : i32
      %broadcast_in_dim3A_518 = vector.broadcast %jit3A_516 : i32 to vector<16xi32>
      %broadcast_in_dim3A_519 = vector.broadcast %jit3A_517 : i32 to vector<16xi32>
      %select_n3A_520 = arith.select %ge3A_515, %broadcast_in_dim3A_518, %broadcast_in_dim3A_519 : vector<16xi1>, vector<16xi32>
      %or3A_521 = arith.ori %or3A_511, %select_n3A_520 : vector<16xi32>
      %get3A_522 = arith.constant 416 : index
      %get3A_523 = tpu.vector_load %arg6[%get3A_522] {strides = array<i32>} : memref<1024xf32, #tpu.memory_space<vmem>>, vector<16xf32>,
      %get3A_524 = vector.shape_cast %get3A_523 : vector<16xf32> to vector<16xf32>
      %ge3A_525 = arith.cmpf oge, %get3A_524, %max3A_263 : vector<16xf32>
      %jit3A_526 = arith.constant 67108864 : i32
      %jit3A_527 = arith.constant 0 : i32
      %broadcast_in_dim3A_528 = vector.broadcast %jit3A_526 : i32 to vector<16xi32>
      %broadcast_in_dim3A_529 = vector.broadcast %jit3A_527 : i32 to vector<16xi32>
      %select_n3A_530 = arith.select %ge3A_525, %broadcast_in_dim3A_528, %broadcast_in_dim3A_529 : vector<16xi1>, vector<16xi32>
      %or3A_531 = arith.ori %or3A_521, %select_n3A_530 : vector<16xi32>
      %get3A_532 = arith.constant 432 : index
      %get3A_533 = tpu.vector_load %arg6[%get3A_532] {strides = array<i32>} : memref<1024xf32, #tpu.memory_space<vmem>>, vector<16xf32>,
      %get3A_534 = vector.shape_cast %get3A_533 : vector<16xf32> to vector<16xf32>
      %ge3A_535 = arith.cmpf oge, %get3A_534, %max3A_263 : vector<16xf32>
      %jit3A_536 = arith.constant 134217728 : i32
      %jit3A_537 = arith.constant 0 : i32
      %broadcast_in_dim3A_538 = vector.broadcast %jit3A_536 : i32 to vector<16xi32>
      %broadcast_in_dim3A_539 = vector.broadcast %jit3A_537 : i32 to vector<16xi32>
      %select_n3A_540 = arith.select %ge3A_535, %broadcast_in_dim3A_538, %broadcast_in_dim3A_539 : vector<16xi1>, vector<16xi32>
      %or3A_541 = arith.ori %or3A_531, %select_n3A_540 : vector<16xi32>
      %get3A_542 = arith.constant 448 : index
      %get3A_543 = tpu.vector_load %arg6[%get3A_542] {strides = array<i32>} : memref<1024xf32, #tpu.memory_space<vmem>>, vector<16xf32>,
      %get3A_544 = vector.shape_cast %get3A_543 : vector<16xf32> to vector<16xf32>
      %ge3A_545 = arith.cmpf oge, %get3A_544, %max3A_263 : vector<16xf32>
      %jit3A_546 = arith.constant 268435456 : i32
      %jit3A_547 = arith.constant 0 : i32
      %broadcast_in_dim3A_548 = vector.broadcast %jit3A_546 : i32 to vector<16xi32>
      %broadcast_in_dim3A_549 = vector.broadcast %jit3A_547 : i32 to vector<16xi32>
      %select_n3A_550 = arith.select %ge3A_545, %broadcast_in_dim3A_548, %broadcast_in_dim3A_549 : vector<16xi1>, vector<16xi32>
      %or3A_551 = arith.ori %or3A_541, %select_n3A_550 : vector<16xi32>
      %get3A_552 = arith.constant 464 : index
      %get3A_553 = tpu.vector_load %arg6[%get3A_552] {strides = array<i32>} : memref<1024xf32, #tpu.memory_space<vmem>>, vector<16xf32>,
      %get3A_554 = vector.shape_cast %get3A_553 : vector<16xf32> to vector<16xf32>
      %ge3A_555 = arith.cmpf oge, %get3A_554, %max3A_263 : vector<16xf32>
      %jit3A_556 = arith.constant 536870912 : i32
      %jit3A_557 = arith.constant 0 : i32
      %broadcast_in_dim3A_558 = vector.broadcast %jit3A_556 : i32 to vector<16xi32>
      %broadcast_in_dim3A_559 = vector.broadcast %jit3A_557 : i32 to vector<16xi32>
      %select_n3A_560 = arith.select %ge3A_555, %broadcast_in_dim3A_558, %broadcast_in_dim3A_559 : vector<16xi1>, vector<16xi32>
      %or3A_561 = arith.ori %or3A_551, %select_n3A_560 : vector<16xi32>
      %get3A_562 = arith.constant 480 : index
      %get3A_563 = tpu.vector_load %arg6[%get3A_562] {strides = array<i32>} : memref<1024xf32, #tpu.memory_space<vmem>>, vector<16xf32>,
      %get3A_564 = vector.shape_cast %get3A_563 : vector<16xf32> to vector<16xf32>
      %ge3A_565 = arith.cmpf oge, %get3A_564, %max3A_263 : vector<16xf32>
      %jit3A_566 = arith.constant 1073741824 : i32
      %jit3A_567 = arith.constant 0 : i32
      %broadcast_in_dim3A_568 = vector.broadcast %jit3A_566 : i32 to vector<16xi32>
      %broadcast_in_dim3A_569 = vector.broadcast %jit3A_567 : i32 to vector<16xi32>
      %select_n3A_570 = arith.select %ge3A_565, %broadcast_in_dim3A_568, %broadcast_in_dim3A_569 : vector<16xi1>, vector<16xi32>
      %or3A_571 = arith.ori %or3A_561, %select_n3A_570 : vector<16xi32>
      %get3A_572 = arith.constant 496 : index
      %get3A_573 = tpu.vector_load %arg6[%get3A_572] {strides = array<i32>} : memref<1024xf32, #tpu.memory_space<vmem>>, vector<16xf32>,
      %get3A_574 = vector.shape_cast %get3A_573 : vector<16xf32> to vector<16xf32>
      %ge3A_575 = arith.cmpf oge, %get3A_574, %max3A_263 : vector<16xf32>
      %jit3A_576 = arith.constant -2147483648 : i32
      %jit3A_577 = arith.constant 0 : i32
      %broadcast_in_dim3A_578 = vector.broadcast %jit3A_576 : i32 to vector<16xi32>
      %broadcast_in_dim3A_579 = vector.broadcast %jit3A_577 : i32 to vector<16xi32>
      %select_n3A_580 = arith.select %ge3A_575, %broadcast_in_dim3A_578, %broadcast_in_dim3A_579 : vector<16xi1>, vector<16xi32>
      %or3A_581 = arith.ori %or3A_571, %select_n3A_580 : vector<16xi32>
      %get3A_582 = arith.constant 512 : index
      %get3A_583 = tpu.vector_load %arg6[%get3A_582] {strides = array<i32>} : memref<1024xf32, #tpu.memory_space<vmem>>, vector<16xf32>,
      %get3A_584 = vector.shape_cast %get3A_583 : vector<16xf32> to vector<16xf32>
      %ge3A_585 = arith.cmpf oge, %get3A_584, %max3A_263 : vector<16xf32>
      %jit3A_586 = arith.constant 1 : i32
      %jit3A_587 = arith.constant 0 : i32
      %broadcast_in_dim3A_588 = vector.broadcast %jit3A_586 : i32 to vector<16xi32>
      %broadcast_in_dim3A_589 = vector.broadcast %jit3A_587 : i32 to vector<16xi32>
      %select_n3A_590 = arith.select %ge3A_585, %broadcast_in_dim3A_588, %broadcast_in_dim3A_589 : vector<16xi1>, vector<16xi32>
      %or3A_591 = arith.ori %broadcast_in_dim3A_265, %select_n3A_590 : vector<16xi32>
      %get3A_592 = arith.constant 528 : index
      %get3A_593 = tpu.vector_load %arg6[%get3A_592] {strides = array<i32>} : memref<1024xf32, #tpu.memory_space<vmem>>, vector<16xf32>,
      %get3A_594 = vector.shape_cast %get3A_593 : vector<16xf32> to vector<16xf32>
      %ge3A_595 = arith.cmpf oge, %get3A_594, %max3A_263 : vector<16xf32>
      %jit3A_596 = arith.constant 2 : i32
      %jit3A_597 = arith.constant 0 : i32
      %broadcast_in_dim3A_598 = vector.broadcast %jit3A_596 : i32 to vector<16xi32>
      %broadcast_in_dim3A_599 = vector.broadcast %jit3A_597 : i32 to vector<16xi32>
      %select_n3A_600 = arith.select %ge3A_595, %broadcast_in_dim3A_598, %broadcast_in_dim3A_599 : vector<16xi1>, vector<16xi32>
      %or3A_601 = arith.ori %or3A_591, %select_n3A_600 : vector<16xi32>
      %get3A_602 = arith.constant 544 : index
      %get3A_603 = tpu.vector_load %arg6[%get3A_602] {strides = array<i32>} : memref<1024xf32, #tpu.memory_space<vmem>>, vector<16xf32>,
      %get3A_604 = vector.shape_cast %get3A_603 : vector<16xf32> to vector<16xf32>
      %ge3A_605 = arith.cmpf oge, %get3A_604, %max3A_263 : vector<16xf32>
      %jit3A_606 = arith.constant 4 : i32
      %jit3A_607 = arith.constant 0 : i32
      %broadcast_in_dim3A_608 = vector.broadcast %jit3A_606 : i32 to vector<16xi32>
      %broadcast_in_dim3A_609 = vector.broadcast %jit3A_607 : i32 to vector<16xi32>
      %select_n3A_610 = arith.select %ge3A_605, %broadcast_in_dim3A_608, %broadcast_in_dim3A_609 : vector<16xi1>, vector<16xi32>
      %or3A_611 = arith.ori %or3A_601, %select_n3A_610 : vector<16xi32>
      %get3A_612 = arith.constant 560 : index
      %get3A_613 = tpu.vector_load %arg6[%get3A_612] {strides = array<i32>} : memref<1024xf32, #tpu.memory_space<vmem>>, vector<16xf32>,
      %get3A_614 = vector.shape_cast %get3A_613 : vector<16xf32> to vector<16xf32>
      %ge3A_615 = arith.cmpf oge, %get3A_614, %max3A_263 : vector<16xf32>
      %jit3A_616 = arith.constant 8 : i32
      %jit3A_617 = arith.constant 0 : i32
      %broadcast_in_dim3A_618 = vector.broadcast %jit3A_616 : i32 to vector<16xi32>
      %broadcast_in_dim3A_619 = vector.broadcast %jit3A_617 : i32 to vector<16xi32>
      %select_n3A_620 = arith.select %ge3A_615, %broadcast_in_dim3A_618, %broadcast_in_dim3A_619 : vector<16xi1>, vector<16xi32>
      %or3A_621 = arith.ori %or3A_611, %select_n3A_620 : vector<16xi32>
      %get3A_622 = arith.constant 576 : index
      %get3A_623 = tpu.vector_load %arg6[%get3A_622] {strides = array<i32>} : memref<1024xf32, #tpu.memory_space<vmem>>, vector<16xf32>,
      %get3A_624 = vector.shape_cast %get3A_623 : vector<16xf32> to vector<16xf32>
      %ge3A_625 = arith.cmpf oge, %get3A_624, %max3A_263 : vector<16xf32>
      %jit3A_626 = arith.constant 16 : i32
      %jit3A_627 = arith.constant 0 : i32
      %broadcast_in_dim3A_628 = vector.broadcast %jit3A_626 : i32 to vector<16xi32>
      %broadcast_in_dim3A_629 = vector.broadcast %jit3A_627 : i32 to vector<16xi32>
      %select_n3A_630 = arith.select %ge3A_625, %broadcast_in_dim3A_628, %broadcast_in_dim3A_629 : vector<16xi1>, vector<16xi32>
      %or3A_631 = arith.ori %or3A_621, %select_n3A_630 : vector<16xi32>
      %get3A_632 = arith.constant 592 : index
      %get3A_633 = tpu.vector_load %arg6[%get3A_632] {strides = array<i32>} : memref<1024xf32, #tpu.memory_space<vmem>>, vector<16xf32>,
      %get3A_634 = vector.shape_cast %get3A_633 : vector<16xf32> to vector<16xf32>
      %ge3A_635 = arith.cmpf oge, %get3A_634, %max3A_263 : vector<16xf32>
      %jit3A_636 = arith.constant 32 : i32
      %jit3A_637 = arith.constant 0 : i32
      %broadcast_in_dim3A_638 = vector.broadcast %jit3A_636 : i32 to vector<16xi32>
      %broadcast_in_dim3A_639 = vector.broadcast %jit3A_637 : i32 to vector<16xi32>
      %select_n3A_640 = arith.select %ge3A_635, %broadcast_in_dim3A_638, %broadcast_in_dim3A_639 : vector<16xi1>, vector<16xi32>
      %or3A_641 = arith.ori %or3A_631, %select_n3A_640 : vector<16xi32>
      %get3A_642 = arith.constant 608 : index
      %get3A_643 = tpu.vector_load %arg6[%get3A_642] {strides = array<i32>} : memref<1024xf32, #tpu.memory_space<vmem>>, vector<16xf32>,
      %get3A_644 = vector.shape_cast %get3A_643 : vector<16xf32> to vector<16xf32>
      %ge3A_645 = arith.cmpf oge, %get3A_644, %max3A_263 : vector<16xf32>
      %jit3A_646 = arith.constant 64 : i32
      %jit3A_647 = arith.constant 0 : i32
      %broadcast_in_dim3A_648 = vector.broadcast %jit3A_646 : i32 to vector<16xi32>
      %broadcast_in_dim3A_649 = vector.broadcast %jit3A_647 : i32 to vector<16xi32>
      %select_n3A_650 = arith.select %ge3A_645, %broadcast_in_dim3A_648, %broadcast_in_dim3A_649 : vector<16xi1>, vector<16xi32>
      %or3A_651 = arith.ori %or3A_641, %select_n3A_650 : vector<16xi32>
      %get3A_652 = arith.constant 624 : index
      %get3A_653 = tpu.vector_load %arg6[%get3A_652] {strides = array<i32>} : memref<1024xf32, #tpu.memory_space<vmem>>, vector<16xf32>,
      %get3A_654 = vector.shape_cast %get3A_653 : vector<16xf32> to vector<16xf32>
      %ge3A_655 = arith.cmpf oge, %get3A_654, %max3A_263 : vector<16xf32>
      %jit3A_656 = arith.constant 128 : i32
      %jit3A_657 = arith.constant 0 : i32
      %broadcast_in_dim3A_658 = vector.broadcast %jit3A_656 : i32 to vector<16xi32>
      %broadcast_in_dim3A_659 = vector.broadcast %jit3A_657 : i32 to vector<16xi32>
      %select_n3A_660 = arith.select %ge3A_655, %broadcast_in_dim3A_658, %broadcast_in_dim3A_659 : vector<16xi1>, vector<16xi32>
      %or3A_661 = arith.ori %or3A_651, %select_n3A_660 : vector<16xi32>
      %get3A_662 = arith.constant 640 : index
      %get3A_663 = tpu.vector_load %arg6[%get3A_662] {strides = array<i32>} : memref<1024xf32, #tpu.memory_space<vmem>>, vector<16xf32>,
      %get3A_664 = vector.shape_cast %get3A_663 : vector<16xf32> to vector<16xf32>
      %ge3A_665 = arith.cmpf oge, %get3A_664, %max3A_263 : vector<16xf32>
      %jit3A_666 = arith.constant 256 : i32
      %jit3A_667 = arith.constant 0 : i32
      %broadcast_in_dim3A_668 = vector.broadcast %jit3A_666 : i32 to vector<16xi32>
      %broadcast_in_dim3A_669 = vector.broadcast %jit3A_667 : i32 to vector<16xi32>
      %select_n3A_670 = arith.select %ge3A_665, %broadcast_in_dim3A_668, %broadcast_in_dim3A_669 : vector<16xi1>, vector<16xi32>
      %or3A_671 = arith.ori %or3A_661, %select_n3A_670 : vector<16xi32>
      %get3A_672 = arith.constant 656 : index
      %get3A_673 = tpu.vector_load %arg6[%get3A_672] {strides = array<i32>} : memref<1024xf32, #tpu.memory_space<vmem>>, vector<16xf32>,
      %get3A_674 = vector.shape_cast %get3A_673 : vector<16xf32> to vector<16xf32>
      %ge3A_675 = arith.cmpf oge, %get3A_674, %max3A_263 : vector<16xf32>
      %jit3A_676 = arith.constant 512 : i32
      %jit3A_677 = arith.constant 0 : i32
      %broadcast_in_dim3A_678 = vector.broadcast %jit3A_676 : i32 to vector<16xi32>
      %broadcast_in_dim3A_679 = vector.broadcast %jit3A_677 : i32 to vector<16xi32>
      %select_n3A_680 = arith.select %ge3A_675, %broadcast_in_dim3A_678, %broadcast_in_dim3A_679 : vector<16xi1>, vector<16xi32>
      %or3A_681 = arith.ori %or3A_671, %select_n3A_680 : vector<16xi32>
      %get3A_682 = arith.constant 672 : index
      %get3A_683 = tpu.vector_load %arg6[%get3A_682] {strides = array<i32>} : memref<1024xf32, #tpu.memory_space<vmem>>, vector<16xf32>,
      %get3A_684 = vector.shape_cast %get3A_683 : vector<16xf32> to vector<16xf32>
      %ge3A_685 = arith.cmpf oge, %get3A_684, %max3A_263 : vector<16xf32>
      %jit3A_686 = arith.constant 1024 : i32
      %jit3A_687 = arith.constant 0 : i32
      %broadcast_in_dim3A_688 = vector.broadcast %jit3A_686 : i32 to vector<16xi32>
      %broadcast_in_dim3A_689 = vector.broadcast %jit3A_687 : i32 to vector<16xi32>
      %select_n3A_690 = arith.select %ge3A_685, %broadcast_in_dim3A_688, %broadcast_in_dim3A_689 : vector<16xi1>, vector<16xi32>
      %or3A_691 = arith.ori %or3A_681, %select_n3A_690 : vector<16xi32>
      %get3A_692 = arith.constant 688 : index
      %get3A_693 = tpu.vector_load %arg6[%get3A_692] {strides = array<i32>} : memref<1024xf32, #tpu.memory_space<vmem>>, vector<16xf32>,
      %get3A_694 = vector.shape_cast %get3A_693 : vector<16xf32> to vector<16xf32>
      %ge3A_695 = arith.cmpf oge, %get3A_694, %max3A_263 : vector<16xf32>
      %jit3A_696 = arith.constant 2048 : i32
      %jit3A_697 = arith.constant 0 : i32
      %broadcast_in_dim3A_698 = vector.broadcast %jit3A_696 : i32 to vector<16xi32>
      %broadcast_in_dim3A_699 = vector.broadcast %jit3A_697 : i32 to vector<16xi32>
      %select_n3A_700 = arith.select %ge3A_695, %broadcast_in_dim3A_698, %broadcast_in_dim3A_699 : vector<16xi1>, vector<16xi32>
      %or3A_701 = arith.ori %or3A_691, %select_n3A_700 : vector<16xi32>
      %get3A_702 = arith.constant 704 : index
      %get3A_703 = tpu.vector_load %arg6[%get3A_702] {strides = array<i32>} : memref<1024xf32, #tpu.memory_space<vmem>>, vector<16xf32>,
      %get3A_704 = vector.shape_cast %get3A_703 : vector<16xf32> to vector<16xf32>
      %ge3A_705 = arith.cmpf oge, %get3A_704, %max3A_263 : vector<16xf32>
      %jit3A_706 = arith.constant 4096 : i32
      %jit3A_707 = arith.constant 0 : i32
      %broadcast_in_dim3A_708 = vector.broadcast %jit3A_706 : i32 to vector<16xi32>
      %broadcast_in_dim3A_709 = vector.broadcast %jit3A_707 : i32 to vector<16xi32>
      %select_n3A_710 = arith.select %ge3A_705, %broadcast_in_dim3A_708, %broadcast_in_dim3A_709 : vector<16xi1>, vector<16xi32>
      %or3A_711 = arith.ori %or3A_701, %select_n3A_710 : vector<16xi32>
      %get3A_712 = arith.constant 720 : index
      %get3A_713 = tpu.vector_load %arg6[%get3A_712] {strides = array<i32>} : memref<1024xf32, #tpu.memory_space<vmem>>, vector<16xf32>,
      %get3A_714 = vector.shape_cast %get3A_713 : vector<16xf32> to vector<16xf32>
      %ge3A_715 = arith.cmpf oge, %get3A_714, %max3A_263 : vector<16xf32>
      %jit3A_716 = arith.constant 8192 : i32
      %jit3A_717 = arith.constant 0 : i32
      %broadcast_in_dim3A_718 = vector.broadcast %jit3A_716 : i32 to vector<16xi32>
      %broadcast_in_dim3A_719 = vector.broadcast %jit3A_717 : i32 to vector<16xi32>
      %select_n3A_720 = arith.select %ge3A_715, %broadcast_in_dim3A_718, %broadcast_in_dim3A_719 : vector<16xi1>, vector<16xi32>
      %or3A_721 = arith.ori %or3A_711, %select_n3A_720 : vector<16xi32>
      %get3A_722 = arith.constant 736 : index
      %get3A_723 = tpu.vector_load %arg6[%get3A_722] {strides = array<i32>} : memref<1024xf32, #tpu.memory_space<vmem>>, vector<16xf32>,
      %get3A_724 = vector.shape_cast %get3A_723 : vector<16xf32> to vector<16xf32>
      %ge3A_725 = arith.cmpf oge, %get3A_724, %max3A_263 : vector<16xf32>
      %jit3A_726 = arith.constant 16384 : i32
      %jit3A_727 = arith.constant 0 : i32
      %broadcast_in_dim3A_728 = vector.broadcast %jit3A_726 : i32 to vector<16xi32>
      %broadcast_in_dim3A_729 = vector.broadcast %jit3A_727 : i32 to vector<16xi32>
      %select_n3A_730 = arith.select %ge3A_725, %broadcast_in_dim3A_728, %broadcast_in_dim3A_729 : vector<16xi1>, vector<16xi32>
      %or3A_731 = arith.ori %or3A_721, %select_n3A_730 : vector<16xi32>
      %get3A_732 = arith.constant 752 : index
      %get3A_733 = tpu.vector_load %arg6[%get3A_732] {strides = array<i32>} : memref<1024xf32, #tpu.memory_space<vmem>>, vector<16xf32>,
      %get3A_734 = vector.shape_cast %get3A_733 : vector<16xf32> to vector<16xf32>
      %ge3A_735 = arith.cmpf oge, %get3A_734, %max3A_263 : vector<16xf32>
      %jit3A_736 = arith.constant 32768 : i32
      %jit3A_737 = arith.constant 0 : i32
      %broadcast_in_dim3A_738 = vector.broadcast %jit3A_736 : i32 to vector<16xi32>
      %broadcast_in_dim3A_739 = vector.broadcast %jit3A_737 : i32 to vector<16xi32>
      %select_n3A_740 = arith.select %ge3A_735, %broadcast_in_dim3A_738, %broadcast_in_dim3A_739 : vector<16xi1>, vector<16xi32>
      %or3A_741 = arith.ori %or3A_731, %select_n3A_740 : vector<16xi32>
      %get3A_742 = arith.constant 768 : index
      %get3A_743 = tpu.vector_load %arg6[%get3A_742] {strides = array<i32>} : memref<1024xf32, #tpu.memory_space<vmem>>, vector<16xf32>,
      %get3A_744 = vector.shape_cast %get3A_743 : vector<16xf32> to vector<16xf32>
      %ge3A_745 = arith.cmpf oge, %get3A_744, %max3A_263 : vector<16xf32>
      %jit3A_746 = arith.constant 65536 : i32
      %jit3A_747 = arith.constant 0 : i32
      %broadcast_in_dim3A_748 = vector.broadcast %jit3A_746 : i32 to vector<16xi32>
      %broadcast_in_dim3A_749 = vector.broadcast %jit3A_747 : i32 to vector<16xi32>
      %select_n3A_750 = arith.select %ge3A_745, %broadcast_in_dim3A_748, %broadcast_in_dim3A_749 : vector<16xi1>, vector<16xi32>
      %or3A_751 = arith.ori %or3A_741, %select_n3A_750 : vector<16xi32>
      %get3A_752 = arith.constant 784 : index
      %get3A_753 = tpu.vector_load %arg6[%get3A_752] {strides = array<i32>} : memref<1024xf32, #tpu.memory_space<vmem>>, vector<16xf32>,
      %get3A_754 = vector.shape_cast %get3A_753 : vector<16xf32> to vector<16xf32>
      %ge3A_755 = arith.cmpf oge, %get3A_754, %max3A_263 : vector<16xf32>
      %jit3A_756 = arith.constant 131072 : i32
      %jit3A_757 = arith.constant 0 : i32
      %broadcast_in_dim3A_758 = vector.broadcast %jit3A_756 : i32 to vector<16xi32>
      %broadcast_in_dim3A_759 = vector.broadcast %jit3A_757 : i32 to vector<16xi32>
      %select_n3A_760 = arith.select %ge3A_755, %broadcast_in_dim3A_758, %broadcast_in_dim3A_759 : vector<16xi1>, vector<16xi32>
      %or3A_761 = arith.ori %or3A_751, %select_n3A_760 : vector<16xi32>
      %get3A_762 = arith.constant 800 : index
      %get3A_763 = tpu.vector_load %arg6[%get3A_762] {strides = array<i32>} : memref<1024xf32, #tpu.memory_space<vmem>>, vector<16xf32>,
      %get3A_764 = vector.shape_cast %get3A_763 : vector<16xf32> to vector<16xf32>
      %ge3A_765 = arith.cmpf oge, %get3A_764, %max3A_263 : vector<16xf32>
      %jit3A_766 = arith.constant 262144 : i32
      %jit3A_767 = arith.constant 0 : i32
      %broadcast_in_dim3A_768 = vector.broadcast %jit3A_766 : i32 to vector<16xi32>
      %broadcast_in_dim3A_769 = vector.broadcast %jit3A_767 : i32 to vector<16xi32>
      %select_n3A_770 = arith.select %ge3A_765, %broadcast_in_dim3A_768, %broadcast_in_dim3A_769 : vector<16xi1>, vector<16xi32>
      %or3A_771 = arith.ori %or3A_761, %select_n3A_770 : vector<16xi32>
      %get3A_772 = arith.constant 816 : index
      %get3A_773 = tpu.vector_load %arg6[%get3A_772] {strides = array<i32>} : memref<1024xf32, #tpu.memory_space<vmem>>, vector<16xf32>,
      %get3A_774 = vector.shape_cast %get3A_773 : vector<16xf32> to vector<16xf32>
      %ge3A_775 = arith.cmpf oge, %get3A_774, %max3A_263 : vector<16xf32>
      %jit3A_776 = arith.constant 524288 : i32
      %jit3A_777 = arith.constant 0 : i32
      %broadcast_in_dim3A_778 = vector.broadcast %jit3A_776 : i32 to vector<16xi32>
      %broadcast_in_dim3A_779 = vector.broadcast %jit3A_777 : i32 to vector<16xi32>
      %select_n3A_780 = arith.select %ge3A_775, %broadcast_in_dim3A_778, %broadcast_in_dim3A_779 : vector<16xi1>, vector<16xi32>
      %or3A_781 = arith.ori %or3A_771, %select_n3A_780 : vector<16xi32>
      %get3A_782 = arith.constant 832 : index
      %get3A_783 = tpu.vector_load %arg6[%get3A_782] {strides = array<i32>} : memref<1024xf32, #tpu.memory_space<vmem>>, vector<16xf32>,
      %get3A_784 = vector.shape_cast %get3A_783 : vector<16xf32> to vector<16xf32>
      %ge3A_785 = arith.cmpf oge, %get3A_784, %max3A_263 : vector<16xf32>
      %jit3A_786 = arith.constant 1048576 : i32
      %jit3A_787 = arith.constant 0 : i32
      %broadcast_in_dim3A_788 = vector.broadcast %jit3A_786 : i32 to vector<16xi32>
      %broadcast_in_dim3A_789 = vector.broadcast %jit3A_787 : i32 to vector<16xi32>
      %select_n3A_790 = arith.select %ge3A_785, %broadcast_in_dim3A_788, %broadcast_in_dim3A_789 : vector<16xi1>, vector<16xi32>
      %or3A_791 = arith.ori %or3A_781, %select_n3A_790 : vector<16xi32>
      %get3A_792 = arith.constant 848 : index
      %get3A_793 = tpu.vector_load %arg6[%get3A_792] {strides = array<i32>} : memref<1024xf32, #tpu.memory_space<vmem>>, vector<16xf32>,
      %get3A_794 = vector.shape_cast %get3A_793 : vector<16xf32> to vector<16xf32>
      %ge3A_795 = arith.cmpf oge, %get3A_794, %max3A_263 : vector<16xf32>
      %jit3A_796 = arith.constant 2097152 : i32
      %jit3A_797 = arith.constant 0 : i32
      %broadcast_in_dim3A_798 = vector.broadcast %jit3A_796 : i32 to vector<16xi32>
      %broadcast_in_dim3A_799 = vector.broadcast %jit3A_797 : i32 to vector<16xi32>
      %select_n3A_800 = arith.select %ge3A_795, %broadcast_in_dim3A_798, %broadcast_in_dim3A_799 : vector<16xi1>, vector<16xi32>
      %or3A_801 = arith.ori %or3A_791, %select_n3A_800 : vector<16xi32>
      %get3A_802 = arith.constant 864 : index
      %get3A_803 = tpu.vector_load %arg6[%get3A_802] {strides = array<i32>} : memref<1024xf32, #tpu.memory_space<vmem>>, vector<16xf32>,
      %get3A_804 = vector.shape_cast %get3A_803 : vector<16xf32> to vector<16xf32>
      %ge3A_805 = arith.cmpf oge, %get3A_804, %max3A_263 : vector<16xf32>
      %jit3A_806 = arith.constant 4194304 : i32
      %jit3A_807 = arith.constant 0 : i32
      %broadcast_in_dim3A_808 = vector.broadcast %jit3A_806 : i32 to vector<16xi32>
      %broadcast_in_dim3A_809 = vector.broadcast %jit3A_807 : i32 to vector<16xi32>
      %select_n3A_810 = arith.select %ge3A_805, %broadcast_in_dim3A_808, %broadcast_in_dim3A_809 : vector<16xi1>, vector<16xi32>
      %or3A_811 = arith.ori %or3A_801, %select_n3A_810 : vector<16xi32>
      %get3A_812 = arith.constant 880 : index
      %get3A_813 = tpu.vector_load %arg6[%get3A_812] {strides = array<i32>} : memref<1024xf32, #tpu.memory_space<vmem>>, vector<16xf32>,
      %get3A_814 = vector.shape_cast %get3A_813 : vector<16xf32> to vector<16xf32>
      %ge3A_815 = arith.cmpf oge, %get3A_814, %max3A_263 : vector<16xf32>
      %jit3A_816 = arith.constant 8388608 : i32
      %jit3A_817 = arith.constant 0 : i32
      %broadcast_in_dim3A_818 = vector.broadcast %jit3A_816 : i32 to vector<16xi32>
      %broadcast_in_dim3A_819 = vector.broadcast %jit3A_817 : i32 to vector<16xi32>
      %select_n3A_820 = arith.select %ge3A_815, %broadcast_in_dim3A_818, %broadcast_in_dim3A_819 : vector<16xi1>, vector<16xi32>
      %or3A_821 = arith.ori %or3A_811, %select_n3A_820 : vector<16xi32>
      %get3A_822 = arith.constant 896 : index
      %get3A_823 = tpu.vector_load %arg6[%get3A_822] {strides = array<i32>} : memref<1024xf32, #tpu.memory_space<vmem>>, vector<16xf32>,
      %get3A_824 = vector.shape_cast %get3A_823 : vector<16xf32> to vector<16xf32>
      %ge3A_825 = arith.cmpf oge, %get3A_824, %max3A_263 : vector<16xf32>
      %jit3A_826 = arith.constant 16777216 : i32
      %jit3A_827 = arith.constant 0 : i32
      %broadcast_in_dim3A_828 = vector.broadcast %jit3A_826 : i32 to vector<16xi32>
      %broadcast_in_dim3A_829 = vector.broadcast %jit3A_827 : i32 to vector<16xi32>
      %select_n3A_830 = arith.select %ge3A_825, %broadcast_in_dim3A_828, %broadcast_in_dim3A_829 : vector<16xi1>, vector<16xi32>
      %or3A_831 = arith.ori %or3A_821, %select_n3A_830 : vector<16xi32>
      %get3A_832 = arith.constant 912 : index
      %get3A_833 = tpu.vector_load %arg6[%get3A_832] {strides = array<i32>} : memref<1024xf32, #tpu.memory_space<vmem>>, vector<16xf32>,
      %get3A_834 = vector.shape_cast %get3A_833 : vector<16xf32> to vector<16xf32>
      %ge3A_835 = arith.cmpf oge, %get3A_834, %max3A_263 : vector<16xf32>
      %jit3A_836 = arith.constant 33554432 : i32
      %jit3A_837 = arith.constant 0 : i32
      %broadcast_in_dim3A_838 = vector.broadcast %jit3A_836 : i32 to vector<16xi32>
      %broadcast_in_dim3A_839 = vector.broadcast %jit3A_837 : i32 to vector<16xi32>
      %select_n3A_840 = arith.select %ge3A_835, %broadcast_in_dim3A_838, %broadcast_in_dim3A_839 : vector<16xi1>, vector<16xi32>
      %or3A_841 = arith.ori %or3A_831, %select_n3A_840 : vector<16xi32>
      %get3A_842 = arith.constant 928 : index
      %get3A_843 = tpu.vector_load %arg6[%get3A_842] {strides = array<i32>} : memref<1024xf32, #tpu.memory_space<vmem>>, vector<16xf32>,
      %get3A_844 = vector.shape_cast %get3A_843 : vector<16xf32> to vector<16xf32>
      %ge3A_845 = arith.cmpf oge, %get3A_844, %max3A_263 : vector<16xf32>
      %jit3A_846 = arith.constant 67108864 : i32
      %jit3A_847 = arith.constant 0 : i32
      %broadcast_in_dim3A_848 = vector.broadcast %jit3A_846 : i32 to vector<16xi32>
      %broadcast_in_dim3A_849 = vector.broadcast %jit3A_847 : i32 to vector<16xi32>
      %select_n3A_850 = arith.select %ge3A_845, %broadcast_in_dim3A_848, %broadcast_in_dim3A_849 : vector<16xi1>, vector<16xi32>
      %or3A_851 = arith.ori %or3A_841, %select_n3A_850 : vector<16xi32>
      %get3A_852 = arith.constant 944 : index
      %get3A_853 = tpu.vector_load %arg6[%get3A_852] {strides = array<i32>} : memref<1024xf32, #tpu.memory_space<vmem>>, vector<16xf32>,
      %get3A_854 = vector.shape_cast %get3A_853 : vector<16xf32> to vector<16xf32>
      %ge3A_855 = arith.cmpf oge, %get3A_854, %max3A_263 : vector<16xf32>
      %jit3A_856 = arith.constant 134217728 : i32
      %jit3A_857 = arith.constant 0 : i32
      %broadcast_in_dim3A_858 = vector.broadcast %jit3A_856 : i32 to vector<16xi32>
      %broadcast_in_dim3A_859 = vector.broadcast %jit3A_857 : i32 to vector<16xi32>
      %select_n3A_860 = arith.select %ge3A_855, %broadcast_in_dim3A_858, %broadcast_in_dim3A_859 : vector<16xi1>, vector<16xi32>
      %or3A_861 = arith.ori %or3A_851, %select_n3A_860 : vector<16xi32>
      %get3A_862 = arith.constant 960 : index
      %get3A_863 = tpu.vector_load %arg6[%get3A_862] {strides = array<i32>} : memref<1024xf32, #tpu.memory_space<vmem>>, vector<16xf32>,
      %get3A_864 = vector.shape_cast %get3A_863 : vector<16xf32> to vector<16xf32>
      %ge3A_865 = arith.cmpf oge, %get3A_864, %max3A_263 : vector<16xf32>
      %jit3A_866 = arith.constant 268435456 : i32
      %jit3A_867 = arith.constant 0 : i32
      %broadcast_in_dim3A_868 = vector.broadcast %jit3A_866 : i32 to vector<16xi32>
      %broadcast_in_dim3A_869 = vector.broadcast %jit3A_867 : i32 to vector<16xi32>
      %select_n3A_870 = arith.select %ge3A_865, %broadcast_in_dim3A_868, %broadcast_in_dim3A_869 : vector<16xi1>, vector<16xi32>
      %or3A_871 = arith.ori %or3A_861, %select_n3A_870 : vector<16xi32>
      %get3A_872 = arith.constant 976 : index
      %get3A_873 = tpu.vector_load %arg6[%get3A_872] {strides = array<i32>} : memref<1024xf32, #tpu.memory_space<vmem>>, vector<16xf32>,
      %get3A_874 = vector.shape_cast %get3A_873 : vector<16xf32> to vector<16xf32>
      %ge3A_875 = arith.cmpf oge, %get3A_874, %max3A_263 : vector<16xf32>
      %jit3A_876 = arith.constant 536870912 : i32
      %jit3A_877 = arith.constant 0 : i32
      %broadcast_in_dim3A_878 = vector.broadcast %jit3A_876 : i32 to vector<16xi32>
      %broadcast_in_dim3A_879 = vector.broadcast %jit3A_877 : i32 to vector<16xi32>
      %select_n3A_880 = arith.select %ge3A_875, %broadcast_in_dim3A_878, %broadcast_in_dim3A_879 : vector<16xi1>, vector<16xi32>
      %or3A_881 = arith.ori %or3A_871, %select_n3A_880 : vector<16xi32>
      %get3A_882 = arith.constant 992 : index
      %get3A_883 = tpu.vector_load %arg6[%get3A_882] {strides = array<i32>} : memref<1024xf32, #tpu.memory_space<vmem>>, vector<16xf32>,
      %get3A_884 = vector.shape_cast %get3A_883 : vector<16xf32> to vector<16xf32>
      %ge3A_885 = arith.cmpf oge, %get3A_884, %max3A_263 : vector<16xf32>
      %jit3A_886 = arith.constant 1073741824 : i32
      %jit3A_887 = arith.constant 0 : i32
      %broadcast_in_dim3A_888 = vector.broadcast %jit3A_886 : i32 to vector<16xi32>
      %broadcast_in_dim3A_889 = vector.broadcast %jit3A_887 : i32 to vector<16xi32>
      %select_n3A_890 = arith.select %ge3A_885, %broadcast_in_dim3A_888, %broadcast_in_dim3A_889 : vector<16xi1>, vector<16xi32>
      %or3A_891 = arith.ori %or3A_881, %select_n3A_890 : vector<16xi32>
      %get3A_892 = arith.constant 1008 : index
      %get3A_893 = tpu.vector_load %arg6[%get3A_892] {strides = array<i32>} : memref<1024xf32, #tpu.memory_space<vmem>>, vector<16xf32>,
      %get3A_894 = vector.shape_cast %get3A_893 : vector<16xf32> to vector<16xf32>
      %ge3A_895 = arith.cmpf oge, %get3A_894, %max3A_263 : vector<16xf32>
      %jit3A_896 = arith.constant -2147483648 : i32
      %jit3A_897 = arith.constant 0 : i32
      %broadcast_in_dim3A_898 = vector.broadcast %jit3A_896 : i32 to vector<16xi32>
      %broadcast_in_dim3A_899 = vector.broadcast %jit3A_897 : i32 to vector<16xi32>
      %select_n3A_900 = arith.select %ge3A_895, %broadcast_in_dim3A_898, %broadcast_in_dim3A_899 : vector<16xi1>, vector<16xi32>
      %or3A_901 = arith.ori %or3A_891, %select_n3A_900 : vector<16xi32>
      %xor3A_902 = arith.constant 1 : i32
      %xor3A_903 = vector.broadcast %xor3A_902 : i32 to vector<16xi32>
      %xor3A_904 = arith.xori %iota3A_108, %xor3A_903 : vector<16xi32>
      %broadcast_in_dim3A_905 = vector.shape_cast %xor3A_904 : vector<16xi32> to vector<16x1xi32>
      %gather3A_906 = vector.shape_cast %broadcast_in_dim3A_905 : vector<16x1xi32> to vector<16xi32>
      %gather3A_907 = tpu.dynamic_gather %or3A_581[%gather3A_906] in [0] : vector<16xi32>, vector<16xi32> -> vector<16xi32>
      %or3A_908 = arith.ori %or3A_581, %gather3A_907 : vector<16xi32>
      %xor3A_909 = arith.constant 2 : i32
      %xor3A_910 = vector.broadcast %xor3A_909 : i32 to vector<16xi32>
      %xor3A_911 = arith.xori %iota3A_108, %xor3A_910 : vector<16xi32>
      %broadcast_in_dim3A_912 = vector.shape_cast %xor3A_911 : vector<16xi32> to vector<16x1xi32>
      %gather3A_913 = vector.shape_cast %broadcast_in_dim3A_912 : vector<16x1xi32> to vector<16xi32>
      %gather3A_914 = tpu.dynamic_gather %or3A_908[%gather3A_913] in [0] : vector<16xi32>, vector<16xi32> -> vector<16xi32>
      %or3A_915 = arith.ori %or3A_908, %gather3A_914 : vector<16xi32>
      %xor3A_916 = arith.constant 4 : i32
      %xor3A_917 = vector.broadcast %xor3A_916 : i32 to vector<16xi32>
      %xor3A_918 = arith.xori %iota3A_108, %xor3A_917 : vector<16xi32>
      %broadcast_in_dim3A_919 = vector.shape_cast %xor3A_918 : vector<16xi32> to vector<16x1xi32>
      %gather3A_920 = vector.shape_cast %broadcast_in_dim3A_919 : vector<16x1xi32> to vector<16xi32>
      %gather3A_921 = tpu.dynamic_gather %or3A_915[%gather3A_920] in [0] : vector<16xi32>, vector<16xi32> -> vector<16xi32>
      %or3A_922 = arith.ori %or3A_915, %gather3A_921 : vector<16xi32>
      %xor3A_923 = arith.constant 8 : i32
      %xor3A_924 = vector.broadcast %xor3A_923 : i32 to vector<16xi32>
      %xor3A_925 = arith.xori %iota3A_108, %xor3A_924 : vector<16xi32>
      %broadcast_in_dim3A_926 = vector.shape_cast %xor3A_925 : vector<16xi32> to vector<16x1xi32>
      %gather3A_927 = vector.shape_cast %broadcast_in_dim3A_926 : vector<16x1xi32> to vector<16xi32>
      %gather3A_928 = tpu.dynamic_gather %or3A_922[%gather3A_927] in [0] : vector<16xi32>, vector<16xi32> -> vector<16xi32>
      %or3A_929 = arith.ori %or3A_922, %gather3A_928 : vector<16xi32>
      %slice3A = vector.extract_strided_slice %or3A_929 {offsets = [0], sizes = [1], strides = [1]} : vector<16xi32> to vector<1xi32>
      %squeeze3A = vector.extract %slice3A[0] : i32 from vector<1xi32>
      %xor3A_930 = arith.constant 1 : i32
      %xor3A_931 = vector.broadcast %xor3A_930 : i32 to vector<16xi32>
      %xor3A_932 = arith.xori %iota3A_108, %xor3A_931 : vector<16xi32>
      %broadcast_in_dim3A_933 = vector.shape_cast %xor3A_932 : vector<16xi32> to vector<16x1xi32>
      %gather3A_934 = vector.shape_cast %broadcast_in_dim3A_933 : vector<16x1xi32> to vector<16xi32>
      %gather3A_935 = tpu.dynamic_gather %or3A_901[%gather3A_934] in [0] : vector<16xi32>, vector<16xi32> -> vector<16xi32>
      %or3A_936 = arith.ori %or3A_901, %gather3A_935 : vector<16xi32>
      %xor3A_937 = arith.constant 2 : i32
      %xor3A_938 = vector.broadcast %xor3A_937 : i32 to vector<16xi32>
      %xor3A_939 = arith.xori %iota3A_108, %xor3A_938 : vector<16xi32>
      %broadcast_in_dim3A_940 = vector.shape_cast %xor3A_939 : vector<16xi32> to vector<16x1xi32>
      %gather3A_941 = vector.shape_cast %broadcast_in_dim3A_940 : vector<16x1xi32> to vector<16xi32>
      %gather3A_942 = tpu.dynamic_gather %or3A_936[%gather3A_941] in [0] : vector<16xi32>, vector<16xi32> -> vector<16xi32>
      %or3A_943 = arith.ori %or3A_936, %gather3A_942 : vector<16xi32>
      %xor3A_944 = arith.constant 4 : i32
      %xor3A_945 = vector.broadcast %xor3A_944 : i32 to vector<16xi32>
      %xor3A_946 = arith.xori %iota3A_108, %xor3A_945 : vector<16xi32>
      %broadcast_in_dim3A_947 = vector.shape_cast %xor3A_946 : vector<16xi32> to vector<16x1xi32>
      %gather3A_948 = vector.shape_cast %broadcast_in_dim3A_947 : vector<16x1xi32> to vector<16xi32>
      %gather3A_949 = tpu.dynamic_gather %or3A_943[%gather3A_948] in [0] : vector<16xi32>, vector<16xi32> -> vector<16xi32>
      %or3A_950 = arith.ori %or3A_943, %gather3A_949 : vector<16xi32>
      %xor3A_951 = arith.constant 8 : i32
      %xor3A_952 = vector.broadcast %xor3A_951 : i32 to vector<16xi32>
      %xor3A_953 = arith.xori %iota3A_108, %xor3A_952 : vector<16xi32>
      %broadcast_in_dim3A_954 = vector.shape_cast %xor3A_953 : vector<16xi32> to vector<16x1xi32>
      %gather3A_955 = vector.shape_cast %broadcast_in_dim3A_954 : vector<16x1xi32> to vector<16xi32>
      %gather3A_956 = tpu.dynamic_gather %or3A_950[%gather3A_955] in [0] : vector<16xi32>, vector<16xi32> -> vector<16xi32>
      %or3A_957 = arith.ori %or3A_950, %gather3A_956 : vector<16xi32>
      %slice3A_958 = vector.extract_strided_slice %or3A_957 {offsets = [0], sizes = [1], strides = [1]} : vector<16xi32> to vector<1xi32>
      %squeeze3A_959 = vector.extract %slice3A_958[0] : i32 from vector<1xi32>
      %swap3A = arith.constant 0 : index
      %swap3A_960 = tpu.vector_load %arg7[%swap3A] {strides = array<i32>} : memref<48xf32, #tpu.memory_space<vmem>>, vector<16xf32>,
      %swap3A_961 = vector.shape_cast %swap3A_960 : vector<16xf32> to vector<16xf32>
      %swap3A_962 = vector.shape_cast %broadcast_in_dim3A_110 : vector<16xf32> to vector<16xf32>
      tpu.vector_store %arg7[%swap3A], %swap3A_962 {strides = array<i32>} : memref<48xf32, #tpu.memory_space<vmem>>, vector<16xf32>,
      %swap3A_963 = arith.constant 0 : index
      %swap3A_964 = tpu.vector_load %arg8[%swap3A_963] {strides = array<i32>} : memref<48xi32, #tpu.memory_space<vmem>>, vector<16xi32>,
      %swap3A_965 = vector.shape_cast %swap3A_964 : vector<16xi32> to vector<16xi32>
      %swap3A_966 = vector.shape_cast %broadcast_in_dim3A_112 : vector<16xi32> to vector<16xi32>
      tpu.vector_store %arg8[%swap3A_963], %swap3A_966 {strides = array<i32>} : memref<48xi32, #tpu.memory_space<vmem>>, vector<16xi32>,
      %swap3A_967 = arith.constant 16 : index
      %swap3A_968 = tpu.vector_load %arg7[%swap3A_967] {strides = array<i32>} : memref<48xf32, #tpu.memory_space<vmem>>, vector<16xf32>,
      %swap3A_969 = vector.shape_cast %swap3A_968 : vector<16xf32> to vector<16xf32>
      %swap3A_970 = vector.shape_cast %broadcast_in_dim3A_110 : vector<16xf32> to vector<16xf32>
      tpu.vector_store %arg7[%swap3A_967], %swap3A_970 {strides = array<i32>} : memref<48xf32, #tpu.memory_space<vmem>>, vector<16xf32>,
      %swap3A_971 = arith.constant 16 : index
      %swap3A_972 = tpu.vector_load %arg8[%swap3A_971] {strides = array<i32>} : memref<48xi32, #tpu.memory_space<vmem>>, vector<16xi32>,
      %swap3A_973 = vector.shape_cast %swap3A_972 : vector<16xi32> to vector<16xi32>
      %swap3A_974 = vector.shape_cast %broadcast_in_dim3A_112 : vector<16xi32> to vector<16xi32>
      tpu.vector_store %arg8[%swap3A_971], %swap3A_974 {strides = array<i32>} : memref<48xi32, #tpu.memory_space<vmem>>, vector<16xi32>,
      %swap3A_975 = arith.constant 32 : index
      %swap3A_976 = tpu.vector_load %arg7[%swap3A_975] {strides = array<i32>} : memref<48xf32, #tpu.memory_space<vmem>>, vector<16xf32>,
      %swap3A_977 = vector.shape_cast %swap3A_976 : vector<16xf32> to vector<16xf32>
      %swap3A_978 = vector.shape_cast %broadcast_in_dim3A_110 : vector<16xf32> to vector<16xf32>
      tpu.vector_store %arg7[%swap3A_975], %swap3A_978 {strides = array<i32>} : memref<48xf32, #tpu.memory_space<vmem>>, vector<16xf32>,
      %swap3A_979 = arith.constant 32 : index
      %swap3A_980 = tpu.vector_load %arg8[%swap3A_979] {strides = array<i32>} : memref<48xi32, #tpu.memory_space<vmem>>, vector<16xi32>,
      %swap3A_981 = vector.shape_cast %swap3A_980 : vector<16xi32> to vector<16xi32>
      %swap3A_982 = vector.shape_cast %broadcast_in_dim3A_112 : vector<16xi32> to vector<16xi32>
      tpu.vector_store %arg8[%swap3A_979], %swap3A_982 {strides = array<i32>} : memref<48xi32, #tpu.memory_space<vmem>>, vector<16xi32>,
      %scan3A_983 = arith.constant 0 : i32
      %scan3A_984 = arith.constant 0 : i32
      %scan3A_985 = arith.constant 32 : i32
      %scan3A_986 = arith.addi %scan3A_984, %scan3A_985 : i32
      %scan3A_987 = arith.constant 1 : i32
      scf.for %scan3A_1474 = %scan3A_984 to %scan3A_986 step %scan3A_987  : i32 {
        %lt3A_1475 = arith.constant 16 : i32
        %lt3A_1476 = arith.cmpi slt, %scan3A_1474, %lt3A_1475 : i32
        %select_n3A_1477 = arith.select %lt3A_1476, %squeeze3A, %squeeze3A_959 : i32
        %mul3A_1478 = arith.constant 2 : i32
        %mul3A_1479 = arith.muli %scan3A_1474, %mul3A_1478 : i32
        %add3A_1480 = arith.constant 0 : i32
        %add3A_1481 = arith.addi %mul3A_1479, %add3A_1480 : i32
        %and3A_1482 = arith.constant 31 : i32
        %and3A_1483 = arith.andi %add3A_1481, %and3A_1482 : i32
        %shift_right_logical3A = arith.shrui %select_n3A_1477, %and3A_1483 : i32
        %and3A_1484 = arith.constant 1 : i32
        %and3A_1485 = arith.andi %shift_right_logical3A, %and3A_1484 : i32
        %ne3A_1486 = arith.constant 0 : i32
        %ne3A_1487 = arith.cmpi ne, %and3A_1485, %ne3A_1486 : i32
        %convert_element_type3A_1488 = arith.extui %ne3A_1487 : i1 to i32
        %cond3A_1489 = arith.constant 0 : i32
        %cond3A_1490 = arith.cmpi ne, %convert_element_type3A_1488, %cond3A_1489 : i32
        scf.if %cond3A_1490 {
          %get3A_1505 = arith.constant 0 : index
          %get3A_1506 = tpu.vector_load %arg7[%get3A_1505] {strides = array<i32>} : memref<48xf32, #tpu.memory_space<vmem>>, vector<16xf32>,
          %get3A_1507 = vector.shape_cast %get3A_1506 : vector<16xf32> to vector<16xf32>
          %get3A_1508 = arith.constant 16 : index
          %get3A_1509 = tpu.vector_load %arg7[%get3A_1508] {strides = array<i32>} : memref<48xf32, #tpu.memory_space<vmem>>, vector<16xf32>,
          %get3A_1510 = vector.shape_cast %get3A_1509 : vector<16xf32> to vector<16xf32>
          %get3A_1511 = arith.constant 32 : index
          %get3A_1512 = tpu.vector_load %arg7[%get3A_1511] {strides = array<i32>} : memref<48xf32, #tpu.memory_space<vmem>>, vector<16xf32>,
          %get3A_1513 = vector.shape_cast %get3A_1512 : vector<16xf32> to vector<16xf32>
          %get3A_1514 = arith.constant 0 : index
          %get3A_1515 = tpu.vector_load %arg8[%get3A_1514] {strides = array<i32>} : memref<48xi32, #tpu.memory_space<vmem>>, vector<16xi32>,
          %get3A_1516 = vector.shape_cast %get3A_1515 : vector<16xi32> to vector<16xi32>
          %get3A_1517 = arith.constant 16 : index
          %get3A_1518 = tpu.vector_load %arg8[%get3A_1517] {strides = array<i32>} : memref<48xi32, #tpu.memory_space<vmem>>, vector<16xi32>,
          %get3A_1519 = vector.shape_cast %get3A_1518 : vector<16xi32> to vector<16xi32>
          %get3A_1520 = arith.constant 32 : index
          %get3A_1521 = tpu.vector_load %arg8[%get3A_1520] {strides = array<i32>} : memref<48xi32, #tpu.memory_space<vmem>>, vector<16xi32>,
          %get3A_1522 = vector.shape_cast %get3A_1521 : vector<16xi32> to vector<16xi32>
          %mul3A_1523 = arith.constant 512 : i32
          %mul3A_1524 = arith.muli %add3A_1481, %mul3A_1523 : i32
          %add3A_1525 = arith.constant 0 : i32
          %add3A_1526 = arith.addi %mul3A_1524, %add3A_1525 : i32
          %get3A_1527 = arith.constant 0 : i32
          %get3A_1528 = tpu.memref_slice %arg4[%and3A_87, %get3A_1527] : memref<2x32768xf32, #tpu.memory_space<vmem>> -> memref<1x32768xf32, #tpu.memory_space<vmem>>
          %get3A_1529 = tpu.memref_squeeze %get3A_1528 : memref<1x32768xf32, #tpu.memory_space<vmem>> -> memref<32768xf32, #tpu.memory_space<vmem>>
          %get3A_1530 = arith.index_cast %add3A_1526 : i32 to index
          %get3A_1531 = tpu.vector_load %get3A_1529[%get3A_1530] {strides = array<i32>} : memref<32768xf32, #tpu.memory_space<vmem>>, vector<16xf32>,
          %get3A_1532 = vector.shape_cast %get3A_1531 : vector<16xf32> to vector<16xf32>
          %add3A_1533 = arith.constant 0 : i32
          %add3A_1534 = arith.addi %mul3A_1524, %add3A_1533 : i32
          %add3A_1535 = vector.broadcast %add3A_1534 : i32 to vector<16xi32>
          %add3A_1536 = arith.addi %iota3A_108, %add3A_1535 : vector<16xi32>
          %ge3A_1537 = arith.cmpf oge, %get3A_1532, %get3A_1507 : vector<16xf32>
          %ge3A_1538 = arith.cmpf oge, %get3A_1532, %get3A_1510 : vector<16xf32>
          %ge3A_1539 = arith.cmpf oge, %get3A_1532, %get3A_1513 : vector<16xf32>
          %select_n3A_1540 = arith.select %ge3A_1538, %get3A_1510, %get3A_1532 : vector<16xi1>, vector<16xf32>
          %select_n3A_1541 = arith.select %ge3A_1539, %select_n3A_1540, %get3A_1513 : vector<16xi1>, vector<16xf32>
          %select_n3A_1542 = arith.select %ge3A_1538, %get3A_1519, %add3A_1536 : vector<16xi1>, vector<16xi32>
          %select_n3A_1543 = arith.select %ge3A_1539, %select_n3A_1542, %get3A_1522 : vector<16xi1>, vector<16xi32>
          %select_n3A_1544 = arith.select %ge3A_1537, %get3A_1507, %get3A_1532 : vector<16xi1>, vector<16xf32>
          %select_n3A_1545 = arith.select %ge3A_1538, %select_n3A_1544, %get3A_1510 : vector<16xi1>, vector<16xf32>
          %select_n3A_1546 = arith.select %ge3A_1537, %get3A_1516, %add3A_1536 : vector<16xi1>, vector<16xi32>
          %select_n3A_1547 = arith.select %ge3A_1538, %select_n3A_1546, %get3A_1519 : vector<16xi1>, vector<16xi32>
          %select_n3A_1548 = arith.select %ge3A_1537, %get3A_1532, %get3A_1507 : vector<16xi1>, vector<16xf32>
          %select_n3A_1549 = arith.select %ge3A_1537, %add3A_1536, %get3A_1516 : vector<16xi1>, vector<16xi32>
          %add3A_1550 = arith.constant 16 : i32
          %add3A_1551 = arith.addi %mul3A_1524, %add3A_1550 : i32
          %get3A_1552 = arith.constant 0 : i32
          %get3A_1553 = tpu.memref_slice %arg4[%and3A_87, %get3A_1552] : memref<2x32768xf32, #tpu.memory_space<vmem>> -> memref<1x32768xf32, #tpu.memory_space<vmem>>
          %get3A_1554 = tpu.memref_squeeze %get3A_1553 : memref<1x32768xf32, #tpu.memory_space<vmem>> -> memref<32768xf32, #tpu.memory_space<vmem>>
          %get3A_1555 = arith.index_cast %add3A_1551 : i32 to index
          %get3A_1556 = tpu.vector_load %get3A_1554[%get3A_1555] {strides = array<i32>} : memref<32768xf32, #tpu.memory_space<vmem>>, vector<16xf32>,
          %get3A_1557 = vector.shape_cast %get3A_1556 : vector<16xf32> to vector<16xf32>
          %add3A_1558 = arith.constant 16 : i32
          %add3A_1559 = arith.addi %mul3A_1524, %add3A_1558 : i32
          %add3A_1560 = vector.broadcast %add3A_1559 : i32 to vector<16xi32>
          %add3A_1561 = arith.addi %iota3A_108, %add3A_1560 : vector<16xi32>
          %ge3A_1562 = arith.cmpf oge, %get3A_1557, %select_n3A_1548 : vector<16xf32>
          %ge3A_1563 = arith.cmpf oge, %get3A_1557, %select_n3A_1545 : vector<16xf32>
          %ge3A_1564 = arith.cmpf oge, %get3A_1557, %select_n3A_1541 : vector<16xf32>
          %select_n3A_1565 = arith.select %ge3A_1563, %select_n3A_1545, %get3A_1557 : vector<16xi1>, vector<16xf32>
          %select_n3A_1566 = arith.select %ge3A_1564, %select_n3A_1565, %select_n3A_1541 : vector<16xi1>, vector<16xf32>
          %select_n3A_1567 = arith.select %ge3A_1563, %select_n3A_1547, %add3A_1561 : vector<16xi1>, vector<16xi32>
          %select_n3A_1568 = arith.select %ge3A_1564, %select_n3A_1567, %select_n3A_1543 : vector<16xi1>, vector<16xi32>
          %select_n3A_1569 = arith.select %ge3A_1562, %select_n3A_1548, %get3A_1557 : vector<16xi1>, vector<16xf32>
          %select_n3A_1570 = arith.select %ge3A_1563, %select_n3A_1569, %select_n3A_1545 : vector<16xi1>, vector<16xf32>
          %select_n3A_1571 = arith.select %ge3A_1562, %select_n3A_1549, %add3A_1561 : vector<16xi1>, vector<16xi32>
          %select_n3A_1572 = arith.select %ge3A_1563, %select_n3A_1571, %select_n3A_1547 : vector<16xi1>, vector<16xi32>
          %select_n3A_1573 = arith.select %ge3A_1562, %get3A_1557, %select_n3A_1548 : vector<16xi1>, vector<16xf32>
          %select_n3A_1574 = arith.select %ge3A_1562, %add3A_1561, %select_n3A_1549 : vector<16xi1>, vector<16xi32>
          %add3A_1575 = arith.constant 32 : i32
          %add3A_1576 = arith.addi %mul3A_1524, %add3A_1575 : i32
          %get3A_1577 = arith.constant 0 : i32
          %get3A_1578 = tpu.memref_slice %arg4[%and3A_87, %get3A_1577] : memref<2x32768xf32, #tpu.memory_space<vmem>> -> memref<1x32768xf32, #tpu.memory_space<vmem>>
          %get3A_1579 = tpu.memref_squeeze %get3A_1578 : memref<1x32768xf32, #tpu.memory_space<vmem>> -> memref<32768xf32, #tpu.memory_space<vmem>>
          %get3A_1580 = arith.index_cast %add3A_1576 : i32 to index
          %get3A_1581 = tpu.vector_load %get3A_1579[%get3A_1580] {strides = array<i32>} : memref<32768xf32, #tpu.memory_space<vmem>>, vector<16xf32>,
          %get3A_1582 = vector.shape_cast %get3A_1581 : vector<16xf32> to vector<16xf32>
          %add3A_1583 = arith.constant 32 : i32
          %add3A_1584 = arith.addi %mul3A_1524, %add3A_1583 : i32
          %add3A_1585 = vector.broadcast %add3A_1584 : i32 to vector<16xi32>
          %add3A_1586 = arith.addi %iota3A_108, %add3A_1585 : vector<16xi32>
          %ge3A_1587 = arith.cmpf oge, %get3A_1582, %select_n3A_1573 : vector<16xf32>
          %ge3A_1588 = arith.cmpf oge, %get3A_1582, %select_n3A_1570 : vector<16xf32>
          %ge3A_1589 = arith.cmpf oge, %get3A_1582, %select_n3A_1566 : vector<16xf32>
          %select_n3A_1590 = arith.select %ge3A_1588, %select_n3A_1570, %get3A_1582 : vector<16xi1>, vector<16xf32>
          %select_n3A_1591 = arith.select %ge3A_1589, %select_n3A_1590, %select_n3A_1566 : vector<16xi1>, vector<16xf32>
          %select_n3A_1592 = arith.select %ge3A_1588, %select_n3A_1572, %add3A_1586 : vector<16xi1>, vector<16xi32>
          %select_n3A_1593 = arith.select %ge3A_1589, %select_n3A_1592, %select_n3A_1568 : vector<16xi1>, vector<16xi32>
          %select_n3A_1594 = arith.select %ge3A_1587, %select_n3A_1573, %get3A_1582 : vector<16xi1>, vector<16xf32>
          %select_n3A_1595 = arith.select %ge3A_1588, %select_n3A_1594, %select_n3A_1570 : vector<16xi1>, vector<16xf32>
          %select_n3A_1596 = arith.select %ge3A_1587, %select_n3A_1574, %add3A_1586 : vector<16xi1>, vector<16xi32>
          %select_n3A_1597 = arith.select %ge3A_1588, %select_n3A_1596, %select_n3A_1572 : vector<16xi1>, vector<16xi32>
          %select_n3A_1598 = arith.select %ge3A_1587, %get3A_1582, %select_n3A_1573 : vector<16xi1>, vector<16xf32>
          %select_n3A_1599 = arith.select %ge3A_1587, %add3A_1586, %select_n3A_1574 : vector<16xi1>, vector<16xi32>
          %add3A_1600 = arith.constant 48 : i32
          %add3A_1601 = arith.addi %mul3A_1524, %add3A_1600 : i32
          %get3A_1602 = arith.constant 0 : i32
          %get3A_1603 = tpu.memref_slice %arg4[%and3A_87, %get3A_1602] : memref<2x32768xf32, #tpu.memory_space<vmem>> -> memref<1x32768xf32, #tpu.memory_space<vmem>>
          %get3A_1604 = tpu.memref_squeeze %get3A_1603 : memref<1x32768xf32, #tpu.memory_space<vmem>> -> memref<32768xf32, #tpu.memory_space<vmem>>
          %get3A_1605 = arith.index_cast %add3A_1601 : i32 to index
          %get3A_1606 = tpu.vector_load %get3A_1604[%get3A_1605] {strides = array<i32>} : memref<32768xf32, #tpu.memory_space<vmem>>, vector<16xf32>,
          %get3A_1607 = vector.shape_cast %get3A_1606 : vector<16xf32> to vector<16xf32>
          %add3A_1608 = arith.constant 48 : i32
          %add3A_1609 = arith.addi %mul3A_1524, %add3A_1608 : i32
          %add3A_1610 = vector.broadcast %add3A_1609 : i32 to vector<16xi32>
          %add3A_1611 = arith.addi %iota3A_108, %add3A_1610 : vector<16xi32>
          %ge3A_1612 = arith.cmpf oge, %get3A_1607, %select_n3A_1598 : vector<16xf32>
          %ge3A_1613 = arith.cmpf oge, %get3A_1607, %select_n3A_1595 : vector<16xf32>
          %ge3A_1614 = arith.cmpf oge, %get3A_1607, %select_n3A_1591 : vector<16xf32>
          %select_n3A_1615 = arith.select %ge3A_1613, %select_n3A_1595, %get3A_1607 : vector<16xi1>, vector<16xf32>
          %select_n3A_1616 = arith.select %ge3A_1614, %select_n3A_1615, %select_n3A_1591 : vector<16xi1>, vector<16xf32>
          %select_n3A_1617 = arith.select %ge3A_1613, %select_n3A_1597, %add3A_1611 : vector<16xi1>, vector<16xi32>
          %select_n3A_1618 = arith.select %ge3A_1614, %select_n3A_1617, %select_n3A_1593 : vector<16xi1>, vector<16xi32>
          %select_n3A_1619 = arith.select %ge3A_1612, %select_n3A_1598, %get3A_1607 : vector<16xi1>, vector<16xf32>
          %select_n3A_1620 = arith.select %ge3A_1613, %select_n3A_1619, %select_n3A_1595 : vector<16xi1>, vector<16xf32>
          %select_n3A_1621 = arith.select %ge3A_1612, %select_n3A_1599, %add3A_1611 : vector<16xi1>, vector<16xi32>
          %select_n3A_1622 = arith.select %ge3A_1613, %select_n3A_1621, %select_n3A_1597 : vector<16xi1>, vector<16xi32>
          %select_n3A_1623 = arith.select %ge3A_1612, %get3A_1607, %select_n3A_1598 : vector<16xi1>, vector<16xf32>
          %select_n3A_1624 = arith.select %ge3A_1612, %add3A_1611, %select_n3A_1599 : vector<16xi1>, vector<16xi32>
          %add3A_1625 = arith.constant 64 : i32
          %add3A_1626 = arith.addi %mul3A_1524, %add3A_1625 : i32
          %get3A_1627 = arith.constant 0 : i32
          %get3A_1628 = tpu.memref_slice %arg4[%and3A_87, %get3A_1627] : memref<2x32768xf32, #tpu.memory_space<vmem>> -> memref<1x32768xf32, #tpu.memory_space<vmem>>
          %get3A_1629 = tpu.memref_squeeze %get3A_1628 : memref<1x32768xf32, #tpu.memory_space<vmem>> -> memref<32768xf32, #tpu.memory_space<vmem>>
          %get3A_1630 = arith.index_cast %add3A_1626 : i32 to index
          %get3A_1631 = tpu.vector_load %get3A_1629[%get3A_1630] {strides = array<i32>} : memref<32768xf32, #tpu.memory_space<vmem>>, vector<16xf32>,
          %get3A_1632 = vector.shape_cast %get3A_1631 : vector<16xf32> to vector<16xf32>
          %add3A_1633 = arith.constant 64 : i32
          %add3A_1634 = arith.addi %mul3A_1524, %add3A_1633 : i32
          %add3A_1635 = vector.broadcast %add3A_1634 : i32 to vector<16xi32>
          %add3A_1636 = arith.addi %iota3A_108, %add3A_1635 : vector<16xi32>
          %ge3A_1637 = arith.cmpf oge, %get3A_1632, %select_n3A_1623 : vector<16xf32>
          %ge3A_1638 = arith.cmpf oge, %get3A_1632, %select_n3A_1620 : vector<16xf32>
          %ge3A_1639 = arith.cmpf oge, %get3A_1632, %select_n3A_1616 : vector<16xf32>
          %select_n3A_1640 = arith.select %ge3A_1638, %select_n3A_1620, %get3A_1632 : vector<16xi1>, vector<16xf32>
          %select_n3A_1641 = arith.select %ge3A_1639, %select_n3A_1640, %select_n3A_1616 : vector<16xi1>, vector<16xf32>
          %select_n3A_1642 = arith.select %ge3A_1638, %select_n3A_1622, %add3A_1636 : vector<16xi1>, vector<16xi32>
          %select_n3A_1643 = arith.select %ge3A_1639, %select_n3A_1642, %select_n3A_1618 : vector<16xi1>, vector<16xi32>
          %select_n3A_1644 = arith.select %ge3A_1637, %select_n3A_1623, %get3A_1632 : vector<16xi1>, vector<16xf32>
          %select_n3A_1645 = arith.select %ge3A_1638, %select_n3A_1644, %select_n3A_1620 : vector<16xi1>, vector<16xf32>
          %select_n3A_1646 = arith.select %ge3A_1637, %select_n3A_1624, %add3A_1636 : vector<16xi1>, vector<16xi32>
          %select_n3A_1647 = arith.select %ge3A_1638, %select_n3A_1646, %select_n3A_1622 : vector<16xi1>, vector<16xi32>
          %select_n3A_1648 = arith.select %ge3A_1637, %get3A_1632, %select_n3A_1623 : vector<16xi1>, vector<16xf32>
          %select_n3A_1649 = arith.select %ge3A_1637, %add3A_1636, %select_n3A_1624 : vector<16xi1>, vector<16xi32>
          %add3A_1650 = arith.constant 80 : i32
          %add3A_1651 = arith.addi %mul3A_1524, %add3A_1650 : i32
          %get3A_1652 = arith.constant 0 : i32
          %get3A_1653 = tpu.memref_slice %arg4[%and3A_87, %get3A_1652] : memref<2x32768xf32, #tpu.memory_space<vmem>> -> memref<1x32768xf32, #tpu.memory_space<vmem>>
          %get3A_1654 = tpu.memref_squeeze %get3A_1653 : memref<1x32768xf32, #tpu.memory_space<vmem>> -> memref<32768xf32, #tpu.memory_space<vmem>>
          %get3A_1655 = arith.index_cast %add3A_1651 : i32 to index
          %get3A_1656 = tpu.vector_load %get3A_1654[%get3A_1655] {strides = array<i32>} : memref<32768xf32, #tpu.memory_space<vmem>>, vector<16xf32>,
          %get3A_1657 = vector.shape_cast %get3A_1656 : vector<16xf32> to vector<16xf32>
          %add3A_1658 = arith.constant 80 : i32
          %add3A_1659 = arith.addi %mul3A_1524, %add3A_1658 : i32
          %add3A_1660 = vector.broadcast %add3A_1659 : i32 to vector<16xi32>
          %add3A_1661 = arith.addi %iota3A_108, %add3A_1660 : vector<16xi32>
          %ge3A_1662 = arith.cmpf oge, %get3A_1657, %select_n3A_1648 : vector<16xf32>
          %ge3A_1663 = arith.cmpf oge, %get3A_1657, %select_n3A_1645 : vector<16xf32>
          %ge3A_1664 = arith.cmpf oge, %get3A_1657, %select_n3A_1641 : vector<16xf32>
          %select_n3A_1665 = arith.select %ge3A_1663, %select_n3A_1645, %get3A_1657 : vector<16xi1>, vector<16xf32>
          %select_n3A_1666 = arith.select %ge3A_1664, %select_n3A_1665, %select_n3A_1641 : vector<16xi1>, vector<16xf32>
          %select_n3A_1667 = arith.select %ge3A_1663, %select_n3A_1647, %add3A_1661 : vector<16xi1>, vector<16xi32>
          %select_n3A_1668 = arith.select %ge3A_1664, %select_n3A_1667, %select_n3A_1643 : vector<16xi1>, vector<16xi32>
          %select_n3A_1669 = arith.select %ge3A_1662, %select_n3A_1648, %get3A_1657 : vector<16xi1>, vector<16xf32>
          %select_n3A_1670 = arith.select %ge3A_1663, %select_n3A_1669, %select_n3A_1645 : vector<16xi1>, vector<16xf32>
          %select_n3A_1671 = arith.select %ge3A_1662, %select_n3A_1649, %add3A_1661 : vector<16xi1>, vector<16xi32>
          %select_n3A_1672 = arith.select %ge3A_1663, %select_n3A_1671, %select_n3A_1647 : vector<16xi1>, vector<16xi32>
          %select_n3A_1673 = arith.select %ge3A_1662, %get3A_1657, %select_n3A_1648 : vector<16xi1>, vector<16xf32>
          %select_n3A_1674 = arith.select %ge3A_1662, %add3A_1661, %select_n3A_1649 : vector<16xi1>, vector<16xi32>
          %add3A_1675 = arith.constant 96 : i32
          %add3A_1676 = arith.addi %mul3A_1524, %add3A_1675 : i32
          %get3A_1677 = arith.constant 0 : i32
          %get3A_1678 = tpu.memref_slice %arg4[%and3A_87, %get3A_1677] : memref<2x32768xf32, #tpu.memory_space<vmem>> -> memref<1x32768xf32, #tpu.memory_space<vmem>>
          %get3A_1679 = tpu.memref_squeeze %get3A_1678 : memref<1x32768xf32, #tpu.memory_space<vmem>> -> memref<32768xf32, #tpu.memory_space<vmem>>
          %get3A_1680 = arith.index_cast %add3A_1676 : i32 to index
          %get3A_1681 = tpu.vector_load %get3A_1679[%get3A_1680] {strides = array<i32>} : memref<32768xf32, #tpu.memory_space<vmem>>, vector<16xf32>,
          %get3A_1682 = vector.shape_cast %get3A_1681 : vector<16xf32> to vector<16xf32>
          %add3A_1683 = arith.constant 96 : i32
          %add3A_1684 = arith.addi %mul3A_1524, %add3A_1683 : i32
          %add3A_1685 = vector.broadcast %add3A_1684 : i32 to vector<16xi32>
          %add3A_1686 = arith.addi %iota3A_108, %add3A_1685 : vector<16xi32>
          %ge3A_1687 = arith.cmpf oge, %get3A_1682, %select_n3A_1673 : vector<16xf32>
          %ge3A_1688 = arith.cmpf oge, %get3A_1682, %select_n3A_1670 : vector<16xf32>
          %ge3A_1689 = arith.cmpf oge, %get3A_1682, %select_n3A_1666 : vector<16xf32>
          %select_n3A_1690 = arith.select %ge3A_1688, %select_n3A_1670, %get3A_1682 : vector<16xi1>, vector<16xf32>
          %select_n3A_1691 = arith.select %ge3A_1689, %select_n3A_1690, %select_n3A_1666 : vector<16xi1>, vector<16xf32>
          %select_n3A_1692 = arith.select %ge3A_1688, %select_n3A_1672, %add3A_1686 : vector<16xi1>, vector<16xi32>
          %select_n3A_1693 = arith.select %ge3A_1689, %select_n3A_1692, %select_n3A_1668 : vector<16xi1>, vector<16xi32>
          %select_n3A_1694 = arith.select %ge3A_1687, %select_n3A_1673, %get3A_1682 : vector<16xi1>, vector<16xf32>
          %select_n3A_1695 = arith.select %ge3A_1688, %select_n3A_1694, %select_n3A_1670 : vector<16xi1>, vector<16xf32>
          %select_n3A_1696 = arith.select %ge3A_1687, %select_n3A_1674, %add3A_1686 : vector<16xi1>, vector<16xi32>
          %select_n3A_1697 = arith.select %ge3A_1688, %select_n3A_1696, %select_n3A_1672 : vector<16xi1>, vector<16xi32>
          %select_n3A_1698 = arith.select %ge3A_1687, %get3A_1682, %select_n3A_1673 : vector<16xi1>, vector<16xf32>
          %select_n3A_1699 = arith.select %ge3A_1687, %add3A_1686, %select_n3A_1674 : vector<16xi1>, vector<16xi32>
          %add3A_1700 = arith.constant 112 : i32
          %add3A_1701 = arith.addi %mul3A_1524, %add3A_1700 : i32
          %get3A_1702 = arith.constant 0 : i32
          %get3A_1703 = tpu.memref_slice %arg4[%and3A_87, %get3A_1702] : memref<2x32768xf32, #tpu.memory_space<vmem>> -> memref<1x32768xf32, #tpu.memory_space<vmem>>
          %get3A_1704 = tpu.memref_squeeze %get3A_1703 : memref<1x32768xf32, #tpu.memory_space<vmem>> -> memref<32768xf32, #tpu.memory_space<vmem>>
          %get3A_1705 = arith.index_cast %add3A_1701 : i32 to index
          %get3A_1706 = tpu.vector_load %get3A_1704[%get3A_1705] {strides = array<i32>} : memref<32768xf32, #tpu.memory_space<vmem>>, vector<16xf32>,
          %get3A_1707 = vector.shape_cast %get3A_1706 : vector<16xf32> to vector<16xf32>
          %add3A_1708 = arith.constant 112 : i32
          %add3A_1709 = arith.addi %mul3A_1524, %add3A_1708 : i32
          %add3A_1710 = vector.broadcast %add3A_1709 : i32 to vector<16xi32>
          %add3A_1711 = arith.addi %iota3A_108, %add3A_1710 : vector<16xi32>
          %ge3A_1712 = arith.cmpf oge, %get3A_1707, %select_n3A_1698 : vector<16xf32>
          %ge3A_1713 = arith.cmpf oge, %get3A_1707, %select_n3A_1695 : vector<16xf32>
          %ge3A_1714 = arith.cmpf oge, %get3A_1707, %select_n3A_1691 : vector<16xf32>
          %select_n3A_1715 = arith.select %ge3A_1713, %select_n3A_1695, %get3A_1707 : vector<16xi1>, vector<16xf32>
          %select_n3A_1716 = arith.select %ge3A_1714, %select_n3A_1715, %select_n3A_1691 : vector<16xi1>, vector<16xf32>
          %select_n3A_1717 = arith.select %ge3A_1713, %select_n3A_1697, %add3A_1711 : vector<16xi1>, vector<16xi32>
          %select_n3A_1718 = arith.select %ge3A_1714, %select_n3A_1717, %select_n3A_1693 : vector<16xi1>, vector<16xi32>
          %select_n3A_1719 = arith.select %ge3A_1712, %select_n3A_1698, %get3A_1707 : vector<16xi1>, vector<16xf32>
          %select_n3A_1720 = arith.select %ge3A_1713, %select_n3A_1719, %select_n3A_1695 : vector<16xi1>, vector<16xf32>
          %select_n3A_1721 = arith.select %ge3A_1712, %select_n3A_1699, %add3A_1711 : vector<16xi1>, vector<16xi32>
          %select_n3A_1722 = arith.select %ge3A_1713, %select_n3A_1721, %select_n3A_1697 : vector<16xi1>, vector<16xi32>
          %select_n3A_1723 = arith.select %ge3A_1712, %get3A_1707, %select_n3A_1698 : vector<16xi1>, vector<16xf32>
          %select_n3A_1724 = arith.select %ge3A_1712, %add3A_1711, %select_n3A_1699 : vector<16xi1>, vector<16xi32>
          %add3A_1725 = arith.constant 128 : i32
          %add3A_1726 = arith.addi %mul3A_1524, %add3A_1725 : i32
          %get3A_1727 = arith.constant 0 : i32
          %get3A_1728 = tpu.memref_slice %arg4[%and3A_87, %get3A_1727] : memref<2x32768xf32, #tpu.memory_space<vmem>> -> memref<1x32768xf32, #tpu.memory_space<vmem>>
          %get3A_1729 = tpu.memref_squeeze %get3A_1728 : memref<1x32768xf32, #tpu.memory_space<vmem>> -> memref<32768xf32, #tpu.memory_space<vmem>>
          %get3A_1730 = arith.index_cast %add3A_1726 : i32 to index
          %get3A_1731 = tpu.vector_load %get3A_1729[%get3A_1730] {strides = array<i32>} : memref<32768xf32, #tpu.memory_space<vmem>>, vector<16xf32>,
          %get3A_1732 = vector.shape_cast %get3A_1731 : vector<16xf32> to vector<16xf32>
          %add3A_1733 = arith.constant 128 : i32
          %add3A_1734 = arith.addi %mul3A_1524, %add3A_1733 : i32
          %add3A_1735 = vector.broadcast %add3A_1734 : i32 to vector<16xi32>
          %add3A_1736 = arith.addi %iota3A_108, %add3A_1735 : vector<16xi32>
          %ge3A_1737 = arith.cmpf oge, %get3A_1732, %select_n3A_1723 : vector<16xf32>
          %ge3A_1738 = arith.cmpf oge, %get3A_1732, %select_n3A_1720 : vector<16xf32>
          %ge3A_1739 = arith.cmpf oge, %get3A_1732, %select_n3A_1716 : vector<16xf32>
          %select_n3A_1740 = arith.select %ge3A_1738, %select_n3A_1720, %get3A_1732 : vector<16xi1>, vector<16xf32>
          %select_n3A_1741 = arith.select %ge3A_1739, %select_n3A_1740, %select_n3A_1716 : vector<16xi1>, vector<16xf32>
          %select_n3A_1742 = arith.select %ge3A_1738, %select_n3A_1722, %add3A_1736 : vector<16xi1>, vector<16xi32>
          %select_n3A_1743 = arith.select %ge3A_1739, %select_n3A_1742, %select_n3A_1718 : vector<16xi1>, vector<16xi32>
          %select_n3A_1744 = arith.select %ge3A_1737, %select_n3A_1723, %get3A_1732 : vector<16xi1>, vector<16xf32>
          %select_n3A_1745 = arith.select %ge3A_1738, %select_n3A_1744, %select_n3A_1720 : vector<16xi1>, vector<16xf32>
          %select_n3A_1746 = arith.select %ge3A_1737, %select_n3A_1724, %add3A_1736 : vector<16xi1>, vector<16xi32>
          %select_n3A_1747 = arith.select %ge3A_1738, %select_n3A_1746, %select_n3A_1722 : vector<16xi1>, vector<16xi32>
          %select_n3A_1748 = arith.select %ge3A_1737, %get3A_1732, %select_n3A_1723 : vector<16xi1>, vector<16xf32>
          %select_n3A_1749 = arith.select %ge3A_1737, %add3A_1736, %select_n3A_1724 : vector<16xi1>, vector<16xi32>
          %add3A_1750 = arith.constant 144 : i32
          %add3A_1751 = arith.addi %mul3A_1524, %add3A_1750 : i32
          %get3A_1752 = arith.constant 0 : i32
          %get3A_1753 = tpu.memref_slice %arg4[%and3A_87, %get3A_1752] : memref<2x32768xf32, #tpu.memory_space<vmem>> -> memref<1x32768xf32, #tpu.memory_space<vmem>>
          %get3A_1754 = tpu.memref_squeeze %get3A_1753 : memref<1x32768xf32, #tpu.memory_space<vmem>> -> memref<32768xf32, #tpu.memory_space<vmem>>
          %get3A_1755 = arith.index_cast %add3A_1751 : i32 to index
          %get3A_1756 = tpu.vector_load %get3A_1754[%get3A_1755] {strides = array<i32>} : memref<32768xf32, #tpu.memory_space<vmem>>, vector<16xf32>,
          %get3A_1757 = vector.shape_cast %get3A_1756 : vector<16xf32> to vector<16xf32>
          %add3A_1758 = arith.constant 144 : i32
          %add3A_1759 = arith.addi %mul3A_1524, %add3A_1758 : i32
          %add3A_1760 = vector.broadcast %add3A_1759 : i32 to vector<16xi32>
          %add3A_1761 = arith.addi %iota3A_108, %add3A_1760 : vector<16xi32>
          %ge3A_1762 = arith.cmpf oge, %get3A_1757, %select_n3A_1748 : vector<16xf32>
          %ge3A_1763 = arith.cmpf oge, %get3A_1757, %select_n3A_1745 : vector<16xf32>
          %ge3A_1764 = arith.cmpf oge, %get3A_1757, %select_n3A_1741 : vector<16xf32>
          %select_n3A_1765 = arith.select %ge3A_1763, %select_n3A_1745, %get3A_1757 : vector<16xi1>, vector<16xf32>
          %select_n3A_1766 = arith.select %ge3A_1764, %select_n3A_1765, %select_n3A_1741 : vector<16xi1>, vector<16xf32>
          %select_n3A_1767 = arith.select %ge3A_1763, %select_n3A_1747, %add3A_1761 : vector<16xi1>, vector<16xi32>
          %select_n3A_1768 = arith.select %ge3A_1764, %select_n3A_1767, %select_n3A_1743 : vector<16xi1>, vector<16xi32>
          %select_n3A_1769 = arith.select %ge3A_1762, %select_n3A_1748, %get3A_1757 : vector<16xi1>, vector<16xf32>
          %select_n3A_1770 = arith.select %ge3A_1763, %select_n3A_1769, %select_n3A_1745 : vector<16xi1>, vector<16xf32>
          %select_n3A_1771 = arith.select %ge3A_1762, %select_n3A_1749, %add3A_1761 : vector<16xi1>, vector<16xi32>
          %select_n3A_1772 = arith.select %ge3A_1763, %select_n3A_1771, %select_n3A_1747 : vector<16xi1>, vector<16xi32>
          %select_n3A_1773 = arith.select %ge3A_1762, %get3A_1757, %select_n3A_1748 : vector<16xi1>, vector<16xf32>
          %select_n3A_1774 = arith.select %ge3A_1762, %add3A_1761, %select_n3A_1749 : vector<16xi1>, vector<16xi32>
          %add3A_1775 = arith.constant 160 : i32
          %add3A_1776 = arith.addi %mul3A_1524, %add3A_1775 : i32
          %get3A_1777 = arith.constant 0 : i32
          %get3A_1778 = tpu.memref_slice %arg4[%and3A_87, %get3A_1777] : memref<2x32768xf32, #tpu.memory_space<vmem>> -> memref<1x32768xf32, #tpu.memory_space<vmem>>
          %get3A_1779 = tpu.memref_squeeze %get3A_1778 : memref<1x32768xf32, #tpu.memory_space<vmem>> -> memref<32768xf32, #tpu.memory_space<vmem>>
          %get3A_1780 = arith.index_cast %add3A_1776 : i32 to index
          %get3A_1781 = tpu.vector_load %get3A_1779[%get3A_1780] {strides = array<i32>} : memref<32768xf32, #tpu.memory_space<vmem>>, vector<16xf32>,
          %get3A_1782 = vector.shape_cast %get3A_1781 : vector<16xf32> to vector<16xf32>
          %add3A_1783 = arith.constant 160 : i32
          %add3A_1784 = arith.addi %mul3A_1524, %add3A_1783 : i32
          %add3A_1785 = vector.broadcast %add3A_1784 : i32 to vector<16xi32>
          %add3A_1786 = arith.addi %iota3A_108, %add3A_1785 : vector<16xi32>
          %ge3A_1787 = arith.cmpf oge, %get3A_1782, %select_n3A_1773 : vector<16xf32>
          %ge3A_1788 = arith.cmpf oge, %get3A_1782, %select_n3A_1770 : vector<16xf32>
          %ge3A_1789 = arith.cmpf oge, %get3A_1782, %select_n3A_1766 : vector<16xf32>
          %select_n3A_1790 = arith.select %ge3A_1788, %select_n3A_1770, %get3A_1782 : vector<16xi1>, vector<16xf32>
          %select_n3A_1791 = arith.select %ge3A_1789, %select_n3A_1790, %select_n3A_1766 : vector<16xi1>, vector<16xf32>
          %select_n3A_1792 = arith.select %ge3A_1788, %select_n3A_1772, %add3A_1786 : vector<16xi1>, vector<16xi32>
          %select_n3A_1793 = arith.select %ge3A_1789, %select_n3A_1792, %select_n3A_1768 : vector<16xi1>, vector<16xi32>
          %select_n3A_1794 = arith.select %ge3A_1787, %select_n3A_1773, %get3A_1782 : vector<16xi1>, vector<16xf32>
          %select_n3A_1795 = arith.select %ge3A_1788, %select_n3A_1794, %select_n3A_1770 : vector<16xi1>, vector<16xf32>
          %select_n3A_1796 = arith.select %ge3A_1787, %select_n3A_1774, %add3A_1786 : vector<16xi1>, vector<16xi32>
          %select_n3A_1797 = arith.select %ge3A_1788, %select_n3A_1796, %select_n3A_1772 : vector<16xi1>, vector<16xi32>
          %select_n3A_1798 = arith.select %ge3A_1787, %get3A_1782, %select_n3A_1773 : vector<16xi1>, vector<16xf32>
          %select_n3A_1799 = arith.select %ge3A_1787, %add3A_1786, %select_n3A_1774 : vector<16xi1>, vector<16xi32>
          %add3A_1800 = arith.constant 176 : i32
          %add3A_1801 = arith.addi %mul3A_1524, %add3A_1800 : i32
          %get3A_1802 = arith.constant 0 : i32
          %get3A_1803 = tpu.memref_slice %arg4[%and3A_87, %get3A_1802] : memref<2x32768xf32, #tpu.memory_space<vmem>> -> memref<1x32768xf32, #tpu.memory_space<vmem>>
          %get3A_1804 = tpu.memref_squeeze %get3A_1803 : memref<1x32768xf32, #tpu.memory_space<vmem>> -> memref<32768xf32, #tpu.memory_space<vmem>>
          %get3A_1805 = arith.index_cast %add3A_1801 : i32 to index
          %get3A_1806 = tpu.vector_load %get3A_1804[%get3A_1805] {strides = array<i32>} : memref<32768xf32, #tpu.memory_space<vmem>>, vector<16xf32>,
          %get3A_1807 = vector.shape_cast %get3A_1806 : vector<16xf32> to vector<16xf32>
          %add3A_1808 = arith.constant 176 : i32
          %add3A_1809 = arith.addi %mul3A_1524, %add3A_1808 : i32
          %add3A_1810 = vector.broadcast %add3A_1809 : i32 to vector<16xi32>
          %add3A_1811 = arith.addi %iota3A_108, %add3A_1810 : vector<16xi32>
          %ge3A_1812 = arith.cmpf oge, %get3A_1807, %select_n3A_1798 : vector<16xf32>
          %ge3A_1813 = arith.cmpf oge, %get3A_1807, %select_n3A_1795 : vector<16xf32>
          %ge3A_1814 = arith.cmpf oge, %get3A_1807, %select_n3A_1791 : vector<16xf32>
          %select_n3A_1815 = arith.select %ge3A_1813, %select_n3A_1795, %get3A_1807 : vector<16xi1>, vector<16xf32>
          %select_n3A_1816 = arith.select %ge3A_1814, %select_n3A_1815, %select_n3A_1791 : vector<16xi1>, vector<16xf32>
          %select_n3A_1817 = arith.select %ge3A_1813, %select_n3A_1797, %add3A_1811 : vector<16xi1>, vector<16xi32>
          %select_n3A_1818 = arith.select %ge3A_1814, %select_n3A_1817, %select_n3A_1793 : vector<16xi1>, vector<16xi32>
          %select_n3A_1819 = arith.select %ge3A_1812, %select_n3A_1798, %get3A_1807 : vector<16xi1>, vector<16xf32>
          %select_n3A_1820 = arith.select %ge3A_1813, %select_n3A_1819, %select_n3A_1795 : vector<16xi1>, vector<16xf32>
          %select_n3A_1821 = arith.select %ge3A_1812, %select_n3A_1799, %add3A_1811 : vector<16xi1>, vector<16xi32>
          %select_n3A_1822 = arith.select %ge3A_1813, %select_n3A_1821, %select_n3A_1797 : vector<16xi1>, vector<16xi32>
          %select_n3A_1823 = arith.select %ge3A_1812, %get3A_1807, %select_n3A_1798 : vector<16xi1>, vector<16xf32>
          %select_n3A_1824 = arith.select %ge3A_1812, %add3A_1811, %select_n3A_1799 : vector<16xi1>, vector<16xi32>
          %add3A_1825 = arith.constant 192 : i32
          %add3A_1826 = arith.addi %mul3A_1524, %add3A_1825 : i32
          %get3A_1827 = arith.constant 0 : i32
          %get3A_1828 = tpu.memref_slice %arg4[%and3A_87, %get3A_1827] : memref<2x32768xf32, #tpu.memory_space<vmem>> -> memref<1x32768xf32, #tpu.memory_space<vmem>>
          %get3A_1829 = tpu.memref_squeeze %get3A_1828 : memref<1x32768xf32, #tpu.memory_space<vmem>> -> memref<32768xf32, #tpu.memory_space<vmem>>
          %get3A_1830 = arith.index_cast %add3A_1826 : i32 to index
          %get3A_1831 = tpu.vector_load %get3A_1829[%get3A_1830] {strides = array<i32>} : memref<32768xf32, #tpu.memory_space<vmem>>, vector<16xf32>,
          %get3A_1832 = vector.shape_cast %get3A_1831 : vector<16xf32> to vector<16xf32>
          %add3A_1833 = arith.constant 192 : i32
          %add3A_1834 = arith.addi %mul3A_1524, %add3A_1833 : i32
          %add3A_1835 = vector.broadcast %add3A_1834 : i32 to vector<16xi32>
          %add3A_1836 = arith.addi %iota3A_108, %add3A_1835 : vector<16xi32>
          %ge3A_1837 = arith.cmpf oge, %get3A_1832, %select_n3A_1823 : vector<16xf32>
          %ge3A_1838 = arith.cmpf oge, %get3A_1832, %select_n3A_1820 : vector<16xf32>
          %ge3A_1839 = arith.cmpf oge, %get3A_1832, %select_n3A_1816 : vector<16xf32>
          %select_n3A_1840 = arith.select %ge3A_1838, %select_n3A_1820, %get3A_1832 : vector<16xi1>, vector<16xf32>
          %select_n3A_1841 = arith.select %ge3A_1839, %select_n3A_1840, %select_n3A_1816 : vector<16xi1>, vector<16xf32>
          %select_n3A_1842 = arith.select %ge3A_1838, %select_n3A_1822, %add3A_1836 : vector<16xi1>, vector<16xi32>
          %select_n3A_1843 = arith.select %ge3A_1839, %select_n3A_1842, %select_n3A_1818 : vector<16xi1>, vector<16xi32>
          %select_n3A_1844 = arith.select %ge3A_1837, %select_n3A_1823, %get3A_1832 : vector<16xi1>, vector<16xf32>
          %select_n3A_1845 = arith.select %ge3A_1838, %select_n3A_1844, %select_n3A_1820 : vector<16xi1>, vector<16xf32>
          %select_n3A_1846 = arith.select %ge3A_1837, %select_n3A_1824, %add3A_1836 : vector<16xi1>, vector<16xi32>
          %select_n3A_1847 = arith.select %ge3A_1838, %select_n3A_1846, %select_n3A_1822 : vector<16xi1>, vector<16xi32>
          %select_n3A_1848 = arith.select %ge3A_1837, %get3A_1832, %select_n3A_1823 : vector<16xi1>, vector<16xf32>
          %select_n3A_1849 = arith.select %ge3A_1837, %add3A_1836, %select_n3A_1824 : vector<16xi1>, vector<16xi32>
          %add3A_1850 = arith.constant 208 : i32
          %add3A_1851 = arith.addi %mul3A_1524, %add3A_1850 : i32
          %get3A_1852 = arith.constant 0 : i32
          %get3A_1853 = tpu.memref_slice %arg4[%and3A_87, %get3A_1852] : memref<2x32768xf32, #tpu.memory_space<vmem>> -> memref<1x32768xf32, #tpu.memory_space<vmem>>
          %get3A_1854 = tpu.memref_squeeze %get3A_1853 : memref<1x32768xf32, #tpu.memory_space<vmem>> -> memref<32768xf32, #tpu.memory_space<vmem>>
          %get3A_1855 = arith.index_cast %add3A_1851 : i32 to index
          %get3A_1856 = tpu.vector_load %get3A_1854[%get3A_1855] {strides = array<i32>} : memref<32768xf32, #tpu.memory_space<vmem>>, vector<16xf32>,
          %get3A_1857 = vector.shape_cast %get3A_1856 : vector<16xf32> to vector<16xf32>
          %add3A_1858 = arith.constant 208 : i32
          %add3A_1859 = arith.addi %mul3A_1524, %add3A_1858 : i32
          %add3A_1860 = vector.broadcast %add3A_1859 : i32 to vector<16xi32>
          %add3A_1861 = arith.addi %iota3A_108, %add3A_1860 : vector<16xi32>
          %ge3A_1862 = arith.cmpf oge, %get3A_1857, %select_n3A_1848 : vector<16xf32>
          %ge3A_1863 = arith.cmpf oge, %get3A_1857, %select_n3A_1845 : vector<16xf32>
          %ge3A_1864 = arith.cmpf oge, %get3A_1857, %select_n3A_1841 : vector<16xf32>
          %select_n3A_1865 = arith.select %ge3A_1863, %select_n3A_1845, %get3A_1857 : vector<16xi1>, vector<16xf32>
          %select_n3A_1866 = arith.select %ge3A_1864, %select_n3A_1865, %select_n3A_1841 : vector<16xi1>, vector<16xf32>
          %select_n3A_1867 = arith.select %ge3A_1863, %select_n3A_1847, %add3A_1861 : vector<16xi1>, vector<16xi32>
          %select_n3A_1868 = arith.select %ge3A_1864, %select_n3A_1867, %select_n3A_1843 : vector<16xi1>, vector<16xi32>
          %select_n3A_1869 = arith.select %ge3A_1862, %select_n3A_1848, %get3A_1857 : vector<16xi1>, vector<16xf32>
          %select_n3A_1870 = arith.select %ge3A_1863, %select_n3A_1869, %select_n3A_1845 : vector<16xi1>, vector<16xf32>
          %select_n3A_1871 = arith.select %ge3A_1862, %select_n3A_1849, %add3A_1861 : vector<16xi1>, vector<16xi32>
          %select_n3A_1872 = arith.select %ge3A_1863, %select_n3A_1871, %select_n3A_1847 : vector<16xi1>, vector<16xi32>
          %select_n3A_1873 = arith.select %ge3A_1862, %get3A_1857, %select_n3A_1848 : vector<16xi1>, vector<16xf32>
          %select_n3A_1874 = arith.select %ge3A_1862, %add3A_1861, %select_n3A_1849 : vector<16xi1>, vector<16xi32>
          %add3A_1875 = arith.constant 224 : i32
          %add3A_1876 = arith.addi %mul3A_1524, %add3A_1875 : i32
          %get3A_1877 = arith.constant 0 : i32
          %get3A_1878 = tpu.memref_slice %arg4[%and3A_87, %get3A_1877] : memref<2x32768xf32, #tpu.memory_space<vmem>> -> memref<1x32768xf32, #tpu.memory_space<vmem>>
          %get3A_1879 = tpu.memref_squeeze %get3A_1878 : memref<1x32768xf32, #tpu.memory_space<vmem>> -> memref<32768xf32, #tpu.memory_space<vmem>>
          %get3A_1880 = arith.index_cast %add3A_1876 : i32 to index
          %get3A_1881 = tpu.vector_load %get3A_1879[%get3A_1880] {strides = array<i32>} : memref<32768xf32, #tpu.memory_space<vmem>>, vector<16xf32>,
          %get3A_1882 = vector.shape_cast %get3A_1881 : vector<16xf32> to vector<16xf32>
          %add3A_1883 = arith.constant 224 : i32
          %add3A_1884 = arith.addi %mul3A_1524, %add3A_1883 : i32
          %add3A_1885 = vector.broadcast %add3A_1884 : i32 to vector<16xi32>
          %add3A_1886 = arith.addi %iota3A_108, %add3A_1885 : vector<16xi32>
          %ge3A_1887 = arith.cmpf oge, %get3A_1882, %select_n3A_1873 : vector<16xf32>
          %ge3A_1888 = arith.cmpf oge, %get3A_1882, %select_n3A_1870 : vector<16xf32>
          %ge3A_1889 = arith.cmpf oge, %get3A_1882, %select_n3A_1866 : vector<16xf32>
          %select_n3A_1890 = arith.select %ge3A_1888, %select_n3A_1870, %get3A_1882 : vector<16xi1>, vector<16xf32>
          %select_n3A_1891 = arith.select %ge3A_1889, %select_n3A_1890, %select_n3A_1866 : vector<16xi1>, vector<16xf32>
          %select_n3A_1892 = arith.select %ge3A_1888, %select_n3A_1872, %add3A_1886 : vector<16xi1>, vector<16xi32>
          %select_n3A_1893 = arith.select %ge3A_1889, %select_n3A_1892, %select_n3A_1868 : vector<16xi1>, vector<16xi32>
          %select_n3A_1894 = arith.select %ge3A_1887, %select_n3A_1873, %get3A_1882 : vector<16xi1>, vector<16xf32>
          %select_n3A_1895 = arith.select %ge3A_1888, %select_n3A_1894, %select_n3A_1870 : vector<16xi1>, vector<16xf32>
          %select_n3A_1896 = arith.select %ge3A_1887, %select_n3A_1874, %add3A_1886 : vector<16xi1>, vector<16xi32>
          %select_n3A_1897 = arith.select %ge3A_1888, %select_n3A_1896, %select_n3A_1872 : vector<16xi1>, vector<16xi32>
          %select_n3A_1898 = arith.select %ge3A_1887, %get3A_1882, %select_n3A_1873 : vector<16xi1>, vector<16xf32>
          %select_n3A_1899 = arith.select %ge3A_1887, %add3A_1886, %select_n3A_1874 : vector<16xi1>, vector<16xi32>
          %add3A_1900 = arith.constant 240 : i32
          %add3A_1901 = arith.addi %mul3A_1524, %add3A_1900 : i32
          %get3A_1902 = arith.constant 0 : i32
          %get3A_1903 = tpu.memref_slice %arg4[%and3A_87, %get3A_1902] : memref<2x32768xf32, #tpu.memory_space<vmem>> -> memref<1x32768xf32, #tpu.memory_space<vmem>>
          %get3A_1904 = tpu.memref_squeeze %get3A_1903 : memref<1x32768xf32, #tpu.memory_space<vmem>> -> memref<32768xf32, #tpu.memory_space<vmem>>
          %get3A_1905 = arith.index_cast %add3A_1901 : i32 to index
          %get3A_1906 = tpu.vector_load %get3A_1904[%get3A_1905] {strides = array<i32>} : memref<32768xf32, #tpu.memory_space<vmem>>, vector<16xf32>,
          %get3A_1907 = vector.shape_cast %get3A_1906 : vector<16xf32> to vector<16xf32>
          %add3A_1908 = arith.constant 240 : i32
          %add3A_1909 = arith.addi %mul3A_1524, %add3A_1908 : i32
          %add3A_1910 = vector.broadcast %add3A_1909 : i32 to vector<16xi32>
          %add3A_1911 = arith.addi %iota3A_108, %add3A_1910 : vector<16xi32>
          %ge3A_1912 = arith.cmpf oge, %get3A_1907, %select_n3A_1898 : vector<16xf32>
          %ge3A_1913 = arith.cmpf oge, %get3A_1907, %select_n3A_1895 : vector<16xf32>
          %ge3A_1914 = arith.cmpf oge, %get3A_1907, %select_n3A_1891 : vector<16xf32>
          %select_n3A_1915 = arith.select %ge3A_1913, %select_n3A_1895, %get3A_1907 : vector<16xi1>, vector<16xf32>
          %select_n3A_1916 = arith.select %ge3A_1914, %select_n3A_1915, %select_n3A_1891 : vector<16xi1>, vector<16xf32>
          %select_n3A_1917 = arith.select %ge3A_1913, %select_n3A_1897, %add3A_1911 : vector<16xi1>, vector<16xi32>
          %select_n3A_1918 = arith.select %ge3A_1914, %select_n3A_1917, %select_n3A_1893 : vector<16xi1>, vector<16xi32>
          %select_n3A_1919 = arith.select %ge3A_1912, %select_n3A_1898, %get3A_1907 : vector<16xi1>, vector<16xf32>
          %select_n3A_1920 = arith.select %ge3A_1913, %select_n3A_1919, %select_n3A_1895 : vector<16xi1>, vector<16xf32>
          %select_n3A_1921 = arith.select %ge3A_1912, %select_n3A_1899, %add3A_1911 : vector<16xi1>, vector<16xi32>
          %select_n3A_1922 = arith.select %ge3A_1913, %select_n3A_1921, %select_n3A_1897 : vector<16xi1>, vector<16xi32>
          %select_n3A_1923 = arith.select %ge3A_1912, %get3A_1907, %select_n3A_1898 : vector<16xi1>, vector<16xf32>
          %select_n3A_1924 = arith.select %ge3A_1912, %add3A_1911, %select_n3A_1899 : vector<16xi1>, vector<16xi32>
          %add3A_1925 = arith.constant 256 : i32
          %add3A_1926 = arith.addi %mul3A_1524, %add3A_1925 : i32
          %get3A_1927 = arith.constant 0 : i32
          %get3A_1928 = tpu.memref_slice %arg4[%and3A_87, %get3A_1927] : memref<2x32768xf32, #tpu.memory_space<vmem>> -> memref<1x32768xf32, #tpu.memory_space<vmem>>
          %get3A_1929 = tpu.memref_squeeze %get3A_1928 : memref<1x32768xf32, #tpu.memory_space<vmem>> -> memref<32768xf32, #tpu.memory_space<vmem>>
          %get3A_1930 = arith.index_cast %add3A_1926 : i32 to index
          %get3A_1931 = tpu.vector_load %get3A_1929[%get3A_1930] {strides = array<i32>} : memref<32768xf32, #tpu.memory_space<vmem>>, vector<16xf32>,
          %get3A_1932 = vector.shape_cast %get3A_1931 : vector<16xf32> to vector<16xf32>
          %add3A_1933 = arith.constant 256 : i32
          %add3A_1934 = arith.addi %mul3A_1524, %add3A_1933 : i32
          %add3A_1935 = vector.broadcast %add3A_1934 : i32 to vector<16xi32>
          %add3A_1936 = arith.addi %iota3A_108, %add3A_1935 : vector<16xi32>
          %ge3A_1937 = arith.cmpf oge, %get3A_1932, %select_n3A_1923 : vector<16xf32>
          %ge3A_1938 = arith.cmpf oge, %get3A_1932, %select_n3A_1920 : vector<16xf32>
          %ge3A_1939 = arith.cmpf oge, %get3A_1932, %select_n3A_1916 : vector<16xf32>
          %select_n3A_1940 = arith.select %ge3A_1938, %select_n3A_1920, %get3A_1932 : vector<16xi1>, vector<16xf32>
          %select_n3A_1941 = arith.select %ge3A_1939, %select_n3A_1940, %select_n3A_1916 : vector<16xi1>, vector<16xf32>
          %select_n3A_1942 = arith.select %ge3A_1938, %select_n3A_1922, %add3A_1936 : vector<16xi1>, vector<16xi32>
          %select_n3A_1943 = arith.select %ge3A_1939, %select_n3A_1942, %select_n3A_1918 : vector<16xi1>, vector<16xi32>
          %select_n3A_1944 = arith.select %ge3A_1937, %select_n3A_1923, %get3A_1932 : vector<16xi1>, vector<16xf32>
          %select_n3A_1945 = arith.select %ge3A_1938, %select_n3A_1944, %select_n3A_1920 : vector<16xi1>, vector<16xf32>
          %select_n3A_1946 = arith.select %ge3A_1937, %select_n3A_1924, %add3A_1936 : vector<16xi1>, vector<16xi32>
          %select_n3A_1947 = arith.select %ge3A_1938, %select_n3A_1946, %select_n3A_1922 : vector<16xi1>, vector<16xi32>
          %select_n3A_1948 = arith.select %ge3A_1937, %get3A_1932, %select_n3A_1923 : vector<16xi1>, vector<16xf32>
          %select_n3A_1949 = arith.select %ge3A_1937, %add3A_1936, %select_n3A_1924 : vector<16xi1>, vector<16xi32>
          %add3A_1950 = arith.constant 272 : i32
          %add3A_1951 = arith.addi %mul3A_1524, %add3A_1950 : i32
          %get3A_1952 = arith.constant 0 : i32
          %get3A_1953 = tpu.memref_slice %arg4[%and3A_87, %get3A_1952] : memref<2x32768xf32, #tpu.memory_space<vmem>> -> memref<1x32768xf32, #tpu.memory_space<vmem>>
          %get3A_1954 = tpu.memref_squeeze %get3A_1953 : memref<1x32768xf32, #tpu.memory_space<vmem>> -> memref<32768xf32, #tpu.memory_space<vmem>>
          %get3A_1955 = arith.index_cast %add3A_1951 : i32 to index
          %get3A_1956 = tpu.vector_load %get3A_1954[%get3A_1955] {strides = array<i32>} : memref<32768xf32, #tpu.memory_space<vmem>>, vector<16xf32>,
          %get3A_1957 = vector.shape_cast %get3A_1956 : vector<16xf32> to vector<16xf32>
          %add3A_1958 = arith.constant 272 : i32
          %add3A_1959 = arith.addi %mul3A_1524, %add3A_1958 : i32
          %add3A_1960 = vector.broadcast %add3A_1959 : i32 to vector<16xi32>
          %add3A_1961 = arith.addi %iota3A_108, %add3A_1960 : vector<16xi32>
          %ge3A_1962 = arith.cmpf oge, %get3A_1957, %select_n3A_1948 : vector<16xf32>
          %ge3A_1963 = arith.cmpf oge, %get3A_1957, %select_n3A_1945 : vector<16xf32>
          %ge3A_1964 = arith.cmpf oge, %get3A_1957, %select_n3A_1941 : vector<16xf32>
          %select_n3A_1965 = arith.select %ge3A_1963, %select_n3A_1945, %get3A_1957 : vector<16xi1>, vector<16xf32>
          %select_n3A_1966 = arith.select %ge3A_1964, %select_n3A_1965, %select_n3A_1941 : vector<16xi1>, vector<16xf32>
          %select_n3A_1967 = arith.select %ge3A_1963, %select_n3A_1947, %add3A_1961 : vector<16xi1>, vector<16xi32>
          %select_n3A_1968 = arith.select %ge3A_1964, %select_n3A_1967, %select_n3A_1943 : vector<16xi1>, vector<16xi32>
          %select_n3A_1969 = arith.select %ge3A_1962, %select_n3A_1948, %get3A_1957 : vector<16xi1>, vector<16xf32>
          %select_n3A_1970 = arith.select %ge3A_1963, %select_n3A_1969, %select_n3A_1945 : vector<16xi1>, vector<16xf32>
          %select_n3A_1971 = arith.select %ge3A_1962, %select_n3A_1949, %add3A_1961 : vector<16xi1>, vector<16xi32>
          %select_n3A_1972 = arith.select %ge3A_1963, %select_n3A_1971, %select_n3A_1947 : vector<16xi1>, vector<16xi32>
          %select_n3A_1973 = arith.select %ge3A_1962, %get3A_1957, %select_n3A_1948 : vector<16xi1>, vector<16xf32>
          %select_n3A_1974 = arith.select %ge3A_1962, %add3A_1961, %select_n3A_1949 : vector<16xi1>, vector<16xi32>
          %add3A_1975 = arith.constant 288 : i32
          %add3A_1976 = arith.addi %mul3A_1524, %add3A_1975 : i32
          %get3A_1977 = arith.constant 0 : i32
          %get3A_1978 = tpu.memref_slice %arg4[%and3A_87, %get3A_1977] : memref<2x32768xf32, #tpu.memory_space<vmem>> -> memref<1x32768xf32, #tpu.memory_space<vmem>>
          %get3A_1979 = tpu.memref_squeeze %get3A_1978 : memref<1x32768xf32, #tpu.memory_space<vmem>> -> memref<32768xf32, #tpu.memory_space<vmem>>
          %get3A_1980 = arith.index_cast %add3A_1976 : i32 to index
          %get3A_1981 = tpu.vector_load %get3A_1979[%get3A_1980] {strides = array<i32>} : memref<32768xf32, #tpu.memory_space<vmem>>, vector<16xf32>,
          %get3A_1982 = vector.shape_cast %get3A_1981 : vector<16xf32> to vector<16xf32>
          %add3A_1983 = arith.constant 288 : i32
          %add3A_1984 = arith.addi %mul3A_1524, %add3A_1983 : i32
          %add3A_1985 = vector.broadcast %add3A_1984 : i32 to vector<16xi32>
          %add3A_1986 = arith.addi %iota3A_108, %add3A_1985 : vector<16xi32>
          %ge3A_1987 = arith.cmpf oge, %get3A_1982, %select_n3A_1973 : vector<16xf32>
          %ge3A_1988 = arith.cmpf oge, %get3A_1982, %select_n3A_1970 : vector<16xf32>
          %ge3A_1989 = arith.cmpf oge, %get3A_1982, %select_n3A_1966 : vector<16xf32>
          %select_n3A_1990 = arith.select %ge3A_1988, %select_n3A_1970, %get3A_1982 : vector<16xi1>, vector<16xf32>
          %select_n3A_1991 = arith.select %ge3A_1989, %select_n3A_1990, %select_n3A_1966 : vector<16xi1>, vector<16xf32>
          %select_n3A_1992 = arith.select %ge3A_1988, %select_n3A_1972, %add3A_1986 : vector<16xi1>, vector<16xi32>
          %select_n3A_1993 = arith.select %ge3A_1989, %select_n3A_1992, %select_n3A_1968 : vector<16xi1>, vector<16xi32>
          %select_n3A_1994 = arith.select %ge3A_1987, %select_n3A_1973, %get3A_1982 : vector<16xi1>, vector<16xf32>
          %select_n3A_1995 = arith.select %ge3A_1988, %select_n3A_1994, %select_n3A_1970 : vector<16xi1>, vector<16xf32>
          %select_n3A_1996 = arith.select %ge3A_1987, %select_n3A_1974, %add3A_1986 : vector<16xi1>, vector<16xi32>
          %select_n3A_1997 = arith.select %ge3A_1988, %select_n3A_1996, %select_n3A_1972 : vector<16xi1>, vector<16xi32>
          %select_n3A_1998 = arith.select %ge3A_1987, %get3A_1982, %select_n3A_1973 : vector<16xi1>, vector<16xf32>
          %select_n3A_1999 = arith.select %ge3A_1987, %add3A_1986, %select_n3A_1974 : vector<16xi1>, vector<16xi32>
          %add3A_2000 = arith.constant 304 : i32
          %add3A_2001 = arith.addi %mul3A_1524, %add3A_2000 : i32
          %get3A_2002 = arith.constant 0 : i32
          %get3A_2003 = tpu.memref_slice %arg4[%and3A_87, %get3A_2002] : memref<2x32768xf32, #tpu.memory_space<vmem>> -> memref<1x32768xf32, #tpu.memory_space<vmem>>
          %get3A_2004 = tpu.memref_squeeze %get3A_2003 : memref<1x32768xf32, #tpu.memory_space<vmem>> -> memref<32768xf32, #tpu.memory_space<vmem>>
          %get3A_2005 = arith.index_cast %add3A_2001 : i32 to index
          %get3A_2006 = tpu.vector_load %get3A_2004[%get3A_2005] {strides = array<i32>} : memref<32768xf32, #tpu.memory_space<vmem>>, vector<16xf32>,
          %get3A_2007 = vector.shape_cast %get3A_2006 : vector<16xf32> to vector<16xf32>
          %add3A_2008 = arith.constant 304 : i32
          %add3A_2009 = arith.addi %mul3A_1524, %add3A_2008 : i32
          %add3A_2010 = vector.broadcast %add3A_2009 : i32 to vector<16xi32>
          %add3A_2011 = arith.addi %iota3A_108, %add3A_2010 : vector<16xi32>
          %ge3A_2012 = arith.cmpf oge, %get3A_2007, %select_n3A_1998 : vector<16xf32>
          %ge3A_2013 = arith.cmpf oge, %get3A_2007, %select_n3A_1995 : vector<16xf32>
          %ge3A_2014 = arith.cmpf oge, %get3A_2007, %select_n3A_1991 : vector<16xf32>
          %select_n3A_2015 = arith.select %ge3A_2013, %select_n3A_1995, %get3A_2007 : vector<16xi1>, vector<16xf32>
          %select_n3A_2016 = arith.select %ge3A_2014, %select_n3A_2015, %select_n3A_1991 : vector<16xi1>, vector<16xf32>
          %select_n3A_2017 = arith.select %ge3A_2013, %select_n3A_1997, %add3A_2011 : vector<16xi1>, vector<16xi32>
          %select_n3A_2018 = arith.select %ge3A_2014, %select_n3A_2017, %select_n3A_1993 : vector<16xi1>, vector<16xi32>
          %select_n3A_2019 = arith.select %ge3A_2012, %select_n3A_1998, %get3A_2007 : vector<16xi1>, vector<16xf32>
          %select_n3A_2020 = arith.select %ge3A_2013, %select_n3A_2019, %select_n3A_1995 : vector<16xi1>, vector<16xf32>
          %select_n3A_2021 = arith.select %ge3A_2012, %select_n3A_1999, %add3A_2011 : vector<16xi1>, vector<16xi32>
          %select_n3A_2022 = arith.select %ge3A_2013, %select_n3A_2021, %select_n3A_1997 : vector<16xi1>, vector<16xi32>
          %select_n3A_2023 = arith.select %ge3A_2012, %get3A_2007, %select_n3A_1998 : vector<16xi1>, vector<16xf32>
          %select_n3A_2024 = arith.select %ge3A_2012, %add3A_2011, %select_n3A_1999 : vector<16xi1>, vector<16xi32>
          %add3A_2025 = arith.constant 320 : i32
          %add3A_2026 = arith.addi %mul3A_1524, %add3A_2025 : i32
          %get3A_2027 = arith.constant 0 : i32
          %get3A_2028 = tpu.memref_slice %arg4[%and3A_87, %get3A_2027] : memref<2x32768xf32, #tpu.memory_space<vmem>> -> memref<1x32768xf32, #tpu.memory_space<vmem>>
          %get3A_2029 = tpu.memref_squeeze %get3A_2028 : memref<1x32768xf32, #tpu.memory_space<vmem>> -> memref<32768xf32, #tpu.memory_space<vmem>>
          %get3A_2030 = arith.index_cast %add3A_2026 : i32 to index
          %get3A_2031 = tpu.vector_load %get3A_2029[%get3A_2030] {strides = array<i32>} : memref<32768xf32, #tpu.memory_space<vmem>>, vector<16xf32>,
          %get3A_2032 = vector.shape_cast %get3A_2031 : vector<16xf32> to vector<16xf32>
          %add3A_2033 = arith.constant 320 : i32
          %add3A_2034 = arith.addi %mul3A_1524, %add3A_2033 : i32
          %add3A_2035 = vector.broadcast %add3A_2034 : i32 to vector<16xi32>
          %add3A_2036 = arith.addi %iota3A_108, %add3A_2035 : vector<16xi32>
          %ge3A_2037 = arith.cmpf oge, %get3A_2032, %select_n3A_2023 : vector<16xf32>
          %ge3A_2038 = arith.cmpf oge, %get3A_2032, %select_n3A_2020 : vector<16xf32>
          %ge3A_2039 = arith.cmpf oge, %get3A_2032, %select_n3A_2016 : vector<16xf32>
          %select_n3A_2040 = arith.select %ge3A_2038, %select_n3A_2020, %get3A_2032 : vector<16xi1>, vector<16xf32>
          %select_n3A_2041 = arith.select %ge3A_2039, %select_n3A_2040, %select_n3A_2016 : vector<16xi1>, vector<16xf32>
          %select_n3A_2042 = arith.select %ge3A_2038, %select_n3A_2022, %add3A_2036 : vector<16xi1>, vector<16xi32>
          %select_n3A_2043 = arith.select %ge3A_2039, %select_n3A_2042, %select_n3A_2018 : vector<16xi1>, vector<16xi32>
          %select_n3A_2044 = arith.select %ge3A_2037, %select_n3A_2023, %get3A_2032 : vector<16xi1>, vector<16xf32>
          %select_n3A_2045 = arith.select %ge3A_2038, %select_n3A_2044, %select_n3A_2020 : vector<16xi1>, vector<16xf32>
          %select_n3A_2046 = arith.select %ge3A_2037, %select_n3A_2024, %add3A_2036 : vector<16xi1>, vector<16xi32>
          %select_n3A_2047 = arith.select %ge3A_2038, %select_n3A_2046, %select_n3A_2022 : vector<16xi1>, vector<16xi32>
          %select_n3A_2048 = arith.select %ge3A_2037, %get3A_2032, %select_n3A_2023 : vector<16xi1>, vector<16xf32>
          %select_n3A_2049 = arith.select %ge3A_2037, %add3A_2036, %select_n3A_2024 : vector<16xi1>, vector<16xi32>
          %add3A_2050 = arith.constant 336 : i32
          %add3A_2051 = arith.addi %mul3A_1524, %add3A_2050 : i32
          %get3A_2052 = arith.constant 0 : i32
          %get3A_2053 = tpu.memref_slice %arg4[%and3A_87, %get3A_2052] : memref<2x32768xf32, #tpu.memory_space<vmem>> -> memref<1x32768xf32, #tpu.memory_space<vmem>>
          %get3A_2054 = tpu.memref_squeeze %get3A_2053 : memref<1x32768xf32, #tpu.memory_space<vmem>> -> memref<32768xf32, #tpu.memory_space<vmem>>
          %get3A_2055 = arith.index_cast %add3A_2051 : i32 to index
          %get3A_2056 = tpu.vector_load %get3A_2054[%get3A_2055] {strides = array<i32>} : memref<32768xf32, #tpu.memory_space<vmem>>, vector<16xf32>,
          %get3A_2057 = vector.shape_cast %get3A_2056 : vector<16xf32> to vector<16xf32>
          %add3A_2058 = arith.constant 336 : i32
          %add3A_2059 = arith.addi %mul3A_1524, %add3A_2058 : i32
          %add3A_2060 = vector.broadcast %add3A_2059 : i32 to vector<16xi32>
          %add3A_2061 = arith.addi %iota3A_108, %add3A_2060 : vector<16xi32>
          %ge3A_2062 = arith.cmpf oge, %get3A_2057, %select_n3A_2048 : vector<16xf32>
          %ge3A_2063 = arith.cmpf oge, %get3A_2057, %select_n3A_2045 : vector<16xf32>
          %ge3A_2064 = arith.cmpf oge, %get3A_2057, %select_n3A_2041 : vector<16xf32>
          %select_n3A_2065 = arith.select %ge3A_2063, %select_n3A_2045, %get3A_2057 : vector<16xi1>, vector<16xf32>
          %select_n3A_2066 = arith.select %ge3A_2064, %select_n3A_2065, %select_n3A_2041 : vector<16xi1>, vector<16xf32>
          %select_n3A_2067 = arith.select %ge3A_2063, %select_n3A_2047, %add3A_2061 : vector<16xi1>, vector<16xi32>
          %select_n3A_2068 = arith.select %ge3A_2064, %select_n3A_2067, %select_n3A_2043 : vector<16xi1>, vector<16xi32>
          %select_n3A_2069 = arith.select %ge3A_2062, %select_n3A_2048, %get3A_2057 : vector<16xi1>, vector<16xf32>
          %select_n3A_2070 = arith.select %ge3A_2063, %select_n3A_2069, %select_n3A_2045 : vector<16xi1>, vector<16xf32>
          %select_n3A_2071 = arith.select %ge3A_2062, %select_n3A_2049, %add3A_2061 : vector<16xi1>, vector<16xi32>
          %select_n3A_2072 = arith.select %ge3A_2063, %select_n3A_2071, %select_n3A_2047 : vector<16xi1>, vector<16xi32>
          %select_n3A_2073 = arith.select %ge3A_2062, %get3A_2057, %select_n3A_2048 : vector<16xi1>, vector<16xf32>
          %select_n3A_2074 = arith.select %ge3A_2062, %add3A_2061, %select_n3A_2049 : vector<16xi1>, vector<16xi32>
          %add3A_2075 = arith.constant 352 : i32
          %add3A_2076 = arith.addi %mul3A_1524, %add3A_2075 : i32
          %get3A_2077 = arith.constant 0 : i32
          %get3A_2078 = tpu.memref_slice %arg4[%and3A_87, %get3A_2077] : memref<2x32768xf32, #tpu.memory_space<vmem>> -> memref<1x32768xf32, #tpu.memory_space<vmem>>
          %get3A_2079 = tpu.memref_squeeze %get3A_2078 : memref<1x32768xf32, #tpu.memory_space<vmem>> -> memref<32768xf32, #tpu.memory_space<vmem>>
          %get3A_2080 = arith.index_cast %add3A_2076 : i32 to index
          %get3A_2081 = tpu.vector_load %get3A_2079[%get3A_2080] {strides = array<i32>} : memref<32768xf32, #tpu.memory_space<vmem>>, vector<16xf32>,
          %get3A_2082 = vector.shape_cast %get3A_2081 : vector<16xf32> to vector<16xf32>
          %add3A_2083 = arith.constant 352 : i32
          %add3A_2084 = arith.addi %mul3A_1524, %add3A_2083 : i32
          %add3A_2085 = vector.broadcast %add3A_2084 : i32 to vector<16xi32>
          %add3A_2086 = arith.addi %iota3A_108, %add3A_2085 : vector<16xi32>
          %ge3A_2087 = arith.cmpf oge, %get3A_2082, %select_n3A_2073 : vector<16xf32>
          %ge3A_2088 = arith.cmpf oge, %get3A_2082, %select_n3A_2070 : vector<16xf32>
          %ge3A_2089 = arith.cmpf oge, %get3A_2082, %select_n3A_2066 : vector<16xf32>
          %select_n3A_2090 = arith.select %ge3A_2088, %select_n3A_2070, %get3A_2082 : vector<16xi1>, vector<16xf32>
          %select_n3A_2091 = arith.select %ge3A_2089, %select_n3A_2090, %select_n3A_2066 : vector<16xi1>, vector<16xf32>
          %select_n3A_2092 = arith.select %ge3A_2088, %select_n3A_2072, %add3A_2086 : vector<16xi1>, vector<16xi32>
          %select_n3A_2093 = arith.select %ge3A_2089, %select_n3A_2092, %select_n3A_2068 : vector<16xi1>, vector<16xi32>
          %select_n3A_2094 = arith.select %ge3A_2087, %select_n3A_2073, %get3A_2082 : vector<16xi1>, vector<16xf32>
          %select_n3A_2095 = arith.select %ge3A_2088, %select_n3A_2094, %select_n3A_2070 : vector<16xi1>, vector<16xf32>
          %select_n3A_2096 = arith.select %ge3A_2087, %select_n3A_2074, %add3A_2086 : vector<16xi1>, vector<16xi32>
          %select_n3A_2097 = arith.select %ge3A_2088, %select_n3A_2096, %select_n3A_2072 : vector<16xi1>, vector<16xi32>
          %select_n3A_2098 = arith.select %ge3A_2087, %get3A_2082, %select_n3A_2073 : vector<16xi1>, vector<16xf32>
          %select_n3A_2099 = arith.select %ge3A_2087, %add3A_2086, %select_n3A_2074 : vector<16xi1>, vector<16xi32>
          %add3A_2100 = arith.constant 368 : i32
          %add3A_2101 = arith.addi %mul3A_1524, %add3A_2100 : i32
          %get3A_2102 = arith.constant 0 : i32
          %get3A_2103 = tpu.memref_slice %arg4[%and3A_87, %get3A_2102] : memref<2x32768xf32, #tpu.memory_space<vmem>> -> memref<1x32768xf32, #tpu.memory_space<vmem>>
          %get3A_2104 = tpu.memref_squeeze %get3A_2103 : memref<1x32768xf32, #tpu.memory_space<vmem>> -> memref<32768xf32, #tpu.memory_space<vmem>>
          %get3A_2105 = arith.index_cast %add3A_2101 : i32 to index
          %get3A_2106 = tpu.vector_load %get3A_2104[%get3A_2105] {strides = array<i32>} : memref<32768xf32, #tpu.memory_space<vmem>>, vector<16xf32>,
          %get3A_2107 = vector.shape_cast %get3A_2106 : vector<16xf32> to vector<16xf32>
          %add3A_2108 = arith.constant 368 : i32
          %add3A_2109 = arith.addi %mul3A_1524, %add3A_2108 : i32
          %add3A_2110 = vector.broadcast %add3A_2109 : i32 to vector<16xi32>
          %add3A_2111 = arith.addi %iota3A_108, %add3A_2110 : vector<16xi32>
          %ge3A_2112 = arith.cmpf oge, %get3A_2107, %select_n3A_2098 : vector<16xf32>
          %ge3A_2113 = arith.cmpf oge, %get3A_2107, %select_n3A_2095 : vector<16xf32>
          %ge3A_2114 = arith.cmpf oge, %get3A_2107, %select_n3A_2091 : vector<16xf32>
          %select_n3A_2115 = arith.select %ge3A_2113, %select_n3A_2095, %get3A_2107 : vector<16xi1>, vector<16xf32>
          %select_n3A_2116 = arith.select %ge3A_2114, %select_n3A_2115, %select_n3A_2091 : vector<16xi1>, vector<16xf32>
          %select_n3A_2117 = arith.select %ge3A_2113, %select_n3A_2097, %add3A_2111 : vector<16xi1>, vector<16xi32>
          %select_n3A_2118 = arith.select %ge3A_2114, %select_n3A_2117, %select_n3A_2093 : vector<16xi1>, vector<16xi32>
          %select_n3A_2119 = arith.select %ge3A_2112, %select_n3A_2098, %get3A_2107 : vector<16xi1>, vector<16xf32>
          %select_n3A_2120 = arith.select %ge3A_2113, %select_n3A_2119, %select_n3A_2095 : vector<16xi1>, vector<16xf32>
          %select_n3A_2121 = arith.select %ge3A_2112, %select_n3A_2099, %add3A_2111 : vector<16xi1>, vector<16xi32>
          %select_n3A_2122 = arith.select %ge3A_2113, %select_n3A_2121, %select_n3A_2097 : vector<16xi1>, vector<16xi32>
          %select_n3A_2123 = arith.select %ge3A_2112, %get3A_2107, %select_n3A_2098 : vector<16xi1>, vector<16xf32>
          %select_n3A_2124 = arith.select %ge3A_2112, %add3A_2111, %select_n3A_2099 : vector<16xi1>, vector<16xi32>
          %add3A_2125 = arith.constant 384 : i32
          %add3A_2126 = arith.addi %mul3A_1524, %add3A_2125 : i32
          %get3A_2127 = arith.constant 0 : i32
          %get3A_2128 = tpu.memref_slice %arg4[%and3A_87, %get3A_2127] : memref<2x32768xf32, #tpu.memory_space<vmem>> -> memref<1x32768xf32, #tpu.memory_space<vmem>>
          %get3A_2129 = tpu.memref_squeeze %get3A_2128 : memref<1x32768xf32, #tpu.memory_space<vmem>> -> memref<32768xf32, #tpu.memory_space<vmem>>
          %get3A_2130 = arith.index_cast %add3A_2126 : i32 to index
          %get3A_2131 = tpu.vector_load %get3A_2129[%get3A_2130] {strides = array<i32>} : memref<32768xf32, #tpu.memory_space<vmem>>, vector<16xf32>,
          %get3A_2132 = vector.shape_cast %get3A_2131 : vector<16xf32> to vector<16xf32>
          %add3A_2133 = arith.constant 384 : i32
          %add3A_2134 = arith.addi %mul3A_1524, %add3A_2133 : i32
          %add3A_2135 = vector.broadcast %add3A_2134 : i32 to vector<16xi32>
          %add3A_2136 = arith.addi %iota3A_108, %add3A_2135 : vector<16xi32>
          %ge3A_2137 = arith.cmpf oge, %get3A_2132, %select_n3A_2123 : vector<16xf32>
          %ge3A_2138 = arith.cmpf oge, %get3A_2132, %select_n3A_2120 : vector<16xf32>
          %ge3A_2139 = arith.cmpf oge, %get3A_2132, %select_n3A_2116 : vector<16xf32>
          %select_n3A_2140 = arith.select %ge3A_2138, %select_n3A_2120, %get3A_2132 : vector<16xi1>, vector<16xf32>
          %select_n3A_2141 = arith.select %ge3A_2139, %select_n3A_2140, %select_n3A_2116 : vector<16xi1>, vector<16xf32>
          %select_n3A_2142 = arith.select %ge3A_2138, %select_n3A_2122, %add3A_2136 : vector<16xi1>, vector<16xi32>
          %select_n3A_2143 = arith.select %ge3A_2139, %select_n3A_2142, %select_n3A_2118 : vector<16xi1>, vector<16xi32>
          %select_n3A_2144 = arith.select %ge3A_2137, %select_n3A_2123, %get3A_2132 : vector<16xi1>, vector<16xf32>
          %select_n3A_2145 = arith.select %ge3A_2138, %select_n3A_2144, %select_n3A_2120 : vector<16xi1>, vector<16xf32>
          %select_n3A_2146 = arith.select %ge3A_2137, %select_n3A_2124, %add3A_2136 : vector<16xi1>, vector<16xi32>
          %select_n3A_2147 = arith.select %ge3A_2138, %select_n3A_2146, %select_n3A_2122 : vector<16xi1>, vector<16xi32>
          %select_n3A_2148 = arith.select %ge3A_2137, %get3A_2132, %select_n3A_2123 : vector<16xi1>, vector<16xf32>
          %select_n3A_2149 = arith.select %ge3A_2137, %add3A_2136, %select_n3A_2124 : vector<16xi1>, vector<16xi32>
          %add3A_2150 = arith.constant 400 : i32
          %add3A_2151 = arith.addi %mul3A_1524, %add3A_2150 : i32
          %get3A_2152 = arith.constant 0 : i32
          %get3A_2153 = tpu.memref_slice %arg4[%and3A_87, %get3A_2152] : memref<2x32768xf32, #tpu.memory_space<vmem>> -> memref<1x32768xf32, #tpu.memory_space<vmem>>
          %get3A_2154 = tpu.memref_squeeze %get3A_2153 : memref<1x32768xf32, #tpu.memory_space<vmem>> -> memref<32768xf32, #tpu.memory_space<vmem>>
          %get3A_2155 = arith.index_cast %add3A_2151 : i32 to index
          %get3A_2156 = tpu.vector_load %get3A_2154[%get3A_2155] {strides = array<i32>} : memref<32768xf32, #tpu.memory_space<vmem>>, vector<16xf32>,
          %get3A_2157 = vector.shape_cast %get3A_2156 : vector<16xf32> to vector<16xf32>
          %add3A_2158 = arith.constant 400 : i32
          %add3A_2159 = arith.addi %mul3A_1524, %add3A_2158 : i32
          %add3A_2160 = vector.broadcast %add3A_2159 : i32 to vector<16xi32>
          %add3A_2161 = arith.addi %iota3A_108, %add3A_2160 : vector<16xi32>
          %ge3A_2162 = arith.cmpf oge, %get3A_2157, %select_n3A_2148 : vector<16xf32>
          %ge3A_2163 = arith.cmpf oge, %get3A_2157, %select_n3A_2145 : vector<16xf32>
          %ge3A_2164 = arith.cmpf oge, %get3A_2157, %select_n3A_2141 : vector<16xf32>
          %select_n3A_2165 = arith.select %ge3A_2163, %select_n3A_2145, %get3A_2157 : vector<16xi1>, vector<16xf32>
          %select_n3A_2166 = arith.select %ge3A_2164, %select_n3A_2165, %select_n3A_2141 : vector<16xi1>, vector<16xf32>
          %select_n3A_2167 = arith.select %ge3A_2163, %select_n3A_2147, %add3A_2161 : vector<16xi1>, vector<16xi32>
          %select_n3A_2168 = arith.select %ge3A_2164, %select_n3A_2167, %select_n3A_2143 : vector<16xi1>, vector<16xi32>
          %select_n3A_2169 = arith.select %ge3A_2162, %select_n3A_2148, %get3A_2157 : vector<16xi1>, vector<16xf32>
          %select_n3A_2170 = arith.select %ge3A_2163, %select_n3A_2169, %select_n3A_2145 : vector<16xi1>, vector<16xf32>
          %select_n3A_2171 = arith.select %ge3A_2162, %select_n3A_2149, %add3A_2161 : vector<16xi1>, vector<16xi32>
          %select_n3A_2172 = arith.select %ge3A_2163, %select_n3A_2171, %select_n3A_2147 : vector<16xi1>, vector<16xi32>
          %select_n3A_2173 = arith.select %ge3A_2162, %get3A_2157, %select_n3A_2148 : vector<16xi1>, vector<16xf32>
          %select_n3A_2174 = arith.select %ge3A_2162, %add3A_2161, %select_n3A_2149 : vector<16xi1>, vector<16xi32>
          %add3A_2175 = arith.constant 416 : i32
          %add3A_2176 = arith.addi %mul3A_1524, %add3A_2175 : i32
          %get3A_2177 = arith.constant 0 : i32
          %get3A_2178 = tpu.memref_slice %arg4[%and3A_87, %get3A_2177] : memref<2x32768xf32, #tpu.memory_space<vmem>> -> memref<1x32768xf32, #tpu.memory_space<vmem>>
          %get3A_2179 = tpu.memref_squeeze %get3A_2178 : memref<1x32768xf32, #tpu.memory_space<vmem>> -> memref<32768xf32, #tpu.memory_space<vmem>>
          %get3A_2180 = arith.index_cast %add3A_2176 : i32 to index
          %get3A_2181 = tpu.vector_load %get3A_2179[%get3A_2180] {strides = array<i32>} : memref<32768xf32, #tpu.memory_space<vmem>>, vector<16xf32>,
          %get3A_2182 = vector.shape_cast %get3A_2181 : vector<16xf32> to vector<16xf32>
          %add3A_2183 = arith.constant 416 : i32
          %add3A_2184 = arith.addi %mul3A_1524, %add3A_2183 : i32
          %add3A_2185 = vector.broadcast %add3A_2184 : i32 to vector<16xi32>
          %add3A_2186 = arith.addi %iota3A_108, %add3A_2185 : vector<16xi32>
          %ge3A_2187 = arith.cmpf oge, %get3A_2182, %select_n3A_2173 : vector<16xf32>
          %ge3A_2188 = arith.cmpf oge, %get3A_2182, %select_n3A_2170 : vector<16xf32>
          %ge3A_2189 = arith.cmpf oge, %get3A_2182, %select_n3A_2166 : vector<16xf32>
          %select_n3A_2190 = arith.select %ge3A_2188, %select_n3A_2170, %get3A_2182 : vector<16xi1>, vector<16xf32>
          %select_n3A_2191 = arith.select %ge3A_2189, %select_n3A_2190, %select_n3A_2166 : vector<16xi1>, vector<16xf32>
          %select_n3A_2192 = arith.select %ge3A_2188, %select_n3A_2172, %add3A_2186 : vector<16xi1>, vector<16xi32>
          %select_n3A_2193 = arith.select %ge3A_2189, %select_n3A_2192, %select_n3A_2168 : vector<16xi1>, vector<16xi32>
          %select_n3A_2194 = arith.select %ge3A_2187, %select_n3A_2173, %get3A_2182 : vector<16xi1>, vector<16xf32>
          %select_n3A_2195 = arith.select %ge3A_2188, %select_n3A_2194, %select_n3A_2170 : vector<16xi1>, vector<16xf32>
          %select_n3A_2196 = arith.select %ge3A_2187, %select_n3A_2174, %add3A_2186 : vector<16xi1>, vector<16xi32>
          %select_n3A_2197 = arith.select %ge3A_2188, %select_n3A_2196, %select_n3A_2172 : vector<16xi1>, vector<16xi32>
          %select_n3A_2198 = arith.select %ge3A_2187, %get3A_2182, %select_n3A_2173 : vector<16xi1>, vector<16xf32>
          %select_n3A_2199 = arith.select %ge3A_2187, %add3A_2186, %select_n3A_2174 : vector<16xi1>, vector<16xi32>
          %add3A_2200 = arith.constant 432 : i32
          %add3A_2201 = arith.addi %mul3A_1524, %add3A_2200 : i32
          %get3A_2202 = arith.constant 0 : i32
          %get3A_2203 = tpu.memref_slice %arg4[%and3A_87, %get3A_2202] : memref<2x32768xf32, #tpu.memory_space<vmem>> -> memref<1x32768xf32, #tpu.memory_space<vmem>>
          %get3A_2204 = tpu.memref_squeeze %get3A_2203 : memref<1x32768xf32, #tpu.memory_space<vmem>> -> memref<32768xf32, #tpu.memory_space<vmem>>
          %get3A_2205 = arith.index_cast %add3A_2201 : i32 to index
          %get3A_2206 = tpu.vector_load %get3A_2204[%get3A_2205] {strides = array<i32>} : memref<32768xf32, #tpu.memory_space<vmem>>, vector<16xf32>,
          %get3A_2207 = vector.shape_cast %get3A_2206 : vector<16xf32> to vector<16xf32>
          %add3A_2208 = arith.constant 432 : i32
          %add3A_2209 = arith.addi %mul3A_1524, %add3A_2208 : i32
          %add3A_2210 = vector.broadcast %add3A_2209 : i32 to vector<16xi32>
          %add3A_2211 = arith.addi %iota3A_108, %add3A_2210 : vector<16xi32>
          %ge3A_2212 = arith.cmpf oge, %get3A_2207, %select_n3A_2198 : vector<16xf32>
          %ge3A_2213 = arith.cmpf oge, %get3A_2207, %select_n3A_2195 : vector<16xf32>
          %ge3A_2214 = arith.cmpf oge, %get3A_2207, %select_n3A_2191 : vector<16xf32>
          %select_n3A_2215 = arith.select %ge3A_2213, %select_n3A_2195, %get3A_2207 : vector<16xi1>, vector<16xf32>
          %select_n3A_2216 = arith.select %ge3A_2214, %select_n3A_2215, %select_n3A_2191 : vector<16xi1>, vector<16xf32>
          %select_n3A_2217 = arith.select %ge3A_2213, %select_n3A_2197, %add3A_2211 : vector<16xi1>, vector<16xi32>
          %select_n3A_2218 = arith.select %ge3A_2214, %select_n3A_2217, %select_n3A_2193 : vector<16xi1>, vector<16xi32>
          %select_n3A_2219 = arith.select %ge3A_2212, %select_n3A_2198, %get3A_2207 : vector<16xi1>, vector<16xf32>
          %select_n3A_2220 = arith.select %ge3A_2213, %select_n3A_2219, %select_n3A_2195 : vector<16xi1>, vector<16xf32>
          %select_n3A_2221 = arith.select %ge3A_2212, %select_n3A_2199, %add3A_2211 : vector<16xi1>, vector<16xi32>
          %select_n3A_2222 = arith.select %ge3A_2213, %select_n3A_2221, %select_n3A_2197 : vector<16xi1>, vector<16xi32>
          %select_n3A_2223 = arith.select %ge3A_2212, %get3A_2207, %select_n3A_2198 : vector<16xi1>, vector<16xf32>
          %select_n3A_2224 = arith.select %ge3A_2212, %add3A_2211, %select_n3A_2199 : vector<16xi1>, vector<16xi32>
          %add3A_2225 = arith.constant 448 : i32
          %add3A_2226 = arith.addi %mul3A_1524, %add3A_2225 : i32
          %get3A_2227 = arith.constant 0 : i32
          %get3A_2228 = tpu.memref_slice %arg4[%and3A_87, %get3A_2227] : memref<2x32768xf32, #tpu.memory_space<vmem>> -> memref<1x32768xf32, #tpu.memory_space<vmem>>
          %get3A_2229 = tpu.memref_squeeze %get3A_2228 : memref<1x32768xf32, #tpu.memory_space<vmem>> -> memref<32768xf32, #tpu.memory_space<vmem>>
          %get3A_2230 = arith.index_cast %add3A_2226 : i32 to index
          %get3A_2231 = tpu.vector_load %get3A_2229[%get3A_2230] {strides = array<i32>} : memref<32768xf32, #tpu.memory_space<vmem>>, vector<16xf32>,
          %get3A_2232 = vector.shape_cast %get3A_2231 : vector<16xf32> to vector<16xf32>
          %add3A_2233 = arith.constant 448 : i32
          %add3A_2234 = arith.addi %mul3A_1524, %add3A_2233 : i32
          %add3A_2235 = vector.broadcast %add3A_2234 : i32 to vector<16xi32>
          %add3A_2236 = arith.addi %iota3A_108, %add3A_2235 : vector<16xi32>
          %ge3A_2237 = arith.cmpf oge, %get3A_2232, %select_n3A_2223 : vector<16xf32>
          %ge3A_2238 = arith.cmpf oge, %get3A_2232, %select_n3A_2220 : vector<16xf32>
          %ge3A_2239 = arith.cmpf oge, %get3A_2232, %select_n3A_2216 : vector<16xf32>
          %select_n3A_2240 = arith.select %ge3A_2238, %select_n3A_2220, %get3A_2232 : vector<16xi1>, vector<16xf32>
          %select_n3A_2241 = arith.select %ge3A_2239, %select_n3A_2240, %select_n3A_2216 : vector<16xi1>, vector<16xf32>
          %select_n3A_2242 = arith.select %ge3A_2238, %select_n3A_2222, %add3A_2236 : vector<16xi1>, vector<16xi32>
          %select_n3A_2243 = arith.select %ge3A_2239, %select_n3A_2242, %select_n3A_2218 : vector<16xi1>, vector<16xi32>
          %select_n3A_2244 = arith.select %ge3A_2237, %select_n3A_2223, %get3A_2232 : vector<16xi1>, vector<16xf32>
          %select_n3A_2245 = arith.select %ge3A_2238, %select_n3A_2244, %select_n3A_2220 : vector<16xi1>, vector<16xf32>
          %select_n3A_2246 = arith.select %ge3A_2237, %select_n3A_2224, %add3A_2236 : vector<16xi1>, vector<16xi32>
          %select_n3A_2247 = arith.select %ge3A_2238, %select_n3A_2246, %select_n3A_2222 : vector<16xi1>, vector<16xi32>
          %select_n3A_2248 = arith.select %ge3A_2237, %get3A_2232, %select_n3A_2223 : vector<16xi1>, vector<16xf32>
          %select_n3A_2249 = arith.select %ge3A_2237, %add3A_2236, %select_n3A_2224 : vector<16xi1>, vector<16xi32>
          %add3A_2250 = arith.constant 464 : i32
          %add3A_2251 = arith.addi %mul3A_1524, %add3A_2250 : i32
          %get3A_2252 = arith.constant 0 : i32
          %get3A_2253 = tpu.memref_slice %arg4[%and3A_87, %get3A_2252] : memref<2x32768xf32, #tpu.memory_space<vmem>> -> memref<1x32768xf32, #tpu.memory_space<vmem>>
          %get3A_2254 = tpu.memref_squeeze %get3A_2253 : memref<1x32768xf32, #tpu.memory_space<vmem>> -> memref<32768xf32, #tpu.memory_space<vmem>>
          %get3A_2255 = arith.index_cast %add3A_2251 : i32 to index
          %get3A_2256 = tpu.vector_load %get3A_2254[%get3A_2255] {strides = array<i32>} : memref<32768xf32, #tpu.memory_space<vmem>>, vector<16xf32>,
          %get3A_2257 = vector.shape_cast %get3A_2256 : vector<16xf32> to vector<16xf32>
          %add3A_2258 = arith.constant 464 : i32
          %add3A_2259 = arith.addi %mul3A_1524, %add3A_2258 : i32
          %add3A_2260 = vector.broadcast %add3A_2259 : i32 to vector<16xi32>
          %add3A_2261 = arith.addi %iota3A_108, %add3A_2260 : vector<16xi32>
          %ge3A_2262 = arith.cmpf oge, %get3A_2257, %select_n3A_2248 : vector<16xf32>
          %ge3A_2263 = arith.cmpf oge, %get3A_2257, %select_n3A_2245 : vector<16xf32>
          %ge3A_2264 = arith.cmpf oge, %get3A_2257, %select_n3A_2241 : vector<16xf32>
          %select_n3A_2265 = arith.select %ge3A_2263, %select_n3A_2245, %get3A_2257 : vector<16xi1>, vector<16xf32>
          %select_n3A_2266 = arith.select %ge3A_2264, %select_n3A_2265, %select_n3A_2241 : vector<16xi1>, vector<16xf32>
          %select_n3A_2267 = arith.select %ge3A_2263, %select_n3A_2247, %add3A_2261 : vector<16xi1>, vector<16xi32>
          %select_n3A_2268 = arith.select %ge3A_2264, %select_n3A_2267, %select_n3A_2243 : vector<16xi1>, vector<16xi32>
          %select_n3A_2269 = arith.select %ge3A_2262, %select_n3A_2248, %get3A_2257 : vector<16xi1>, vector<16xf32>
          %select_n3A_2270 = arith.select %ge3A_2263, %select_n3A_2269, %select_n3A_2245 : vector<16xi1>, vector<16xf32>
          %select_n3A_2271 = arith.select %ge3A_2262, %select_n3A_2249, %add3A_2261 : vector<16xi1>, vector<16xi32>
          %select_n3A_2272 = arith.select %ge3A_2263, %select_n3A_2271, %select_n3A_2247 : vector<16xi1>, vector<16xi32>
          %select_n3A_2273 = arith.select %ge3A_2262, %get3A_2257, %select_n3A_2248 : vector<16xi1>, vector<16xf32>
          %select_n3A_2274 = arith.select %ge3A_2262, %add3A_2261, %select_n3A_2249 : vector<16xi1>, vector<16xi32>
          %add3A_2275 = arith.constant 480 : i32
          %add3A_2276 = arith.addi %mul3A_1524, %add3A_2275 : i32
          %get3A_2277 = arith.constant 0 : i32
          %get3A_2278 = tpu.memref_slice %arg4[%and3A_87, %get3A_2277] : memref<2x32768xf32, #tpu.memory_space<vmem>> -> memref<1x32768xf32, #tpu.memory_space<vmem>>
          %get3A_2279 = tpu.memref_squeeze %get3A_2278 : memref<1x32768xf32, #tpu.memory_space<vmem>> -> memref<32768xf32, #tpu.memory_space<vmem>>
          %get3A_2280 = arith.index_cast %add3A_2276 : i32 to index
          %get3A_2281 = tpu.vector_load %get3A_2279[%get3A_2280] {strides = array<i32>} : memref<32768xf32, #tpu.memory_space<vmem>>, vector<16xf32>,
          %get3A_2282 = vector.shape_cast %get3A_2281 : vector<16xf32> to vector<16xf32>
          %add3A_2283 = arith.constant 480 : i32
          %add3A_2284 = arith.addi %mul3A_1524, %add3A_2283 : i32
          %add3A_2285 = vector.broadcast %add3A_2284 : i32 to vector<16xi32>
          %add3A_2286 = arith.addi %iota3A_108, %add3A_2285 : vector<16xi32>
          %ge3A_2287 = arith.cmpf oge, %get3A_2282, %select_n3A_2273 : vector<16xf32>
          %ge3A_2288 = arith.cmpf oge, %get3A_2282, %select_n3A_2270 : vector<16xf32>
          %ge3A_2289 = arith.cmpf oge, %get3A_2282, %select_n3A_2266 : vector<16xf32>
          %select_n3A_2290 = arith.select %ge3A_2288, %select_n3A_2270, %get3A_2282 : vector<16xi1>, vector<16xf32>
          %select_n3A_2291 = arith.select %ge3A_2289, %select_n3A_2290, %select_n3A_2266 : vector<16xi1>, vector<16xf32>
          %select_n3A_2292 = arith.select %ge3A_2288, %select_n3A_2272, %add3A_2286 : vector<16xi1>, vector<16xi32>
          %select_n3A_2293 = arith.select %ge3A_2289, %select_n3A_2292, %select_n3A_2268 : vector<16xi1>, vector<16xi32>
          %select_n3A_2294 = arith.select %ge3A_2287, %select_n3A_2273, %get3A_2282 : vector<16xi1>, vector<16xf32>
          %select_n3A_2295 = arith.select %ge3A_2288, %select_n3A_2294, %select_n3A_2270 : vector<16xi1>, vector<16xf32>
          %select_n3A_2296 = arith.select %ge3A_2287, %select_n3A_2274, %add3A_2286 : vector<16xi1>, vector<16xi32>
          %select_n3A_2297 = arith.select %ge3A_2288, %select_n3A_2296, %select_n3A_2272 : vector<16xi1>, vector<16xi32>
          %select_n3A_2298 = arith.select %ge3A_2287, %get3A_2282, %select_n3A_2273 : vector<16xi1>, vector<16xf32>
          %select_n3A_2299 = arith.select %ge3A_2287, %add3A_2286, %select_n3A_2274 : vector<16xi1>, vector<16xi32>
          %add3A_2300 = arith.constant 496 : i32
          %add3A_2301 = arith.addi %mul3A_1524, %add3A_2300 : i32
          %get3A_2302 = arith.constant 0 : i32
          %get3A_2303 = tpu.memref_slice %arg4[%and3A_87, %get3A_2302] : memref<2x32768xf32, #tpu.memory_space<vmem>> -> memref<1x32768xf32, #tpu.memory_space<vmem>>
          %get3A_2304 = tpu.memref_squeeze %get3A_2303 : memref<1x32768xf32, #tpu.memory_space<vmem>> -> memref<32768xf32, #tpu.memory_space<vmem>>
          %get3A_2305 = arith.index_cast %add3A_2301 : i32 to index
          %get3A_2306 = tpu.vector_load %get3A_2304[%get3A_2305] {strides = array<i32>} : memref<32768xf32, #tpu.memory_space<vmem>>, vector<16xf32>,
          %get3A_2307 = vector.shape_cast %get3A_2306 : vector<16xf32> to vector<16xf32>
          %add3A_2308 = arith.constant 496 : i32
          %add3A_2309 = arith.addi %mul3A_1524, %add3A_2308 : i32
          %add3A_2310 = vector.broadcast %add3A_2309 : i32 to vector<16xi32>
          %add3A_2311 = arith.addi %iota3A_108, %add3A_2310 : vector<16xi32>
          %ge3A_2312 = arith.cmpf oge, %get3A_2307, %select_n3A_2298 : vector<16xf32>
          %ge3A_2313 = arith.cmpf oge, %get3A_2307, %select_n3A_2295 : vector<16xf32>
          %ge3A_2314 = arith.cmpf oge, %get3A_2307, %select_n3A_2291 : vector<16xf32>
          %select_n3A_2315 = arith.select %ge3A_2313, %select_n3A_2295, %get3A_2307 : vector<16xi1>, vector<16xf32>
          %select_n3A_2316 = arith.select %ge3A_2314, %select_n3A_2315, %select_n3A_2291 : vector<16xi1>, vector<16xf32>
          %select_n3A_2317 = arith.select %ge3A_2313, %select_n3A_2297, %add3A_2311 : vector<16xi1>, vector<16xi32>
          %select_n3A_2318 = arith.select %ge3A_2314, %select_n3A_2317, %select_n3A_2293 : vector<16xi1>, vector<16xi32>
          %select_n3A_2319 = arith.select %ge3A_2312, %select_n3A_2298, %get3A_2307 : vector<16xi1>, vector<16xf32>
          %select_n3A_2320 = arith.select %ge3A_2313, %select_n3A_2319, %select_n3A_2295 : vector<16xi1>, vector<16xf32>
          %select_n3A_2321 = arith.select %ge3A_2312, %select_n3A_2299, %add3A_2311 : vector<16xi1>, vector<16xi32>
          %select_n3A_2322 = arith.select %ge3A_2313, %select_n3A_2321, %select_n3A_2297 : vector<16xi1>, vector<16xi32>
          %select_n3A_2323 = arith.select %ge3A_2312, %get3A_2307, %select_n3A_2298 : vector<16xi1>, vector<16xf32>
          %select_n3A_2324 = arith.select %ge3A_2312, %add3A_2311, %select_n3A_2299 : vector<16xi1>, vector<16xi32>
          %swap3A_2325 = arith.constant 0 : index
          %swap3A_2326 = tpu.vector_load %arg7[%swap3A_2325] {strides = array<i32>} : memref<48xf32, #tpu.memory_space<vmem>>, vector<16xf32>,
          %swap3A_2327 = vector.shape_cast %swap3A_2326 : vector<16xf32> to vector<16xf32>
          %swap3A_2328 = vector.shape_cast %select_n3A_2323 : vector<16xf32> to vector<16xf32>
          tpu.vector_store %arg7[%swap3A_2325], %swap3A_2328 {strides = array<i32>} : memref<48xf32, #tpu.memory_space<vmem>>, vector<16xf32>,
          %swap3A_2329 = arith.constant 16 : index
          %swap3A_2330 = tpu.vector_load %arg7[%swap3A_2329] {strides = array<i32>} : memref<48xf32, #tpu.memory_space<vmem>>, vector<16xf32>,
          %swap3A_2331 = vector.shape_cast %swap3A_2330 : vector<16xf32> to vector<16xf32>
          %swap3A_2332 = vector.shape_cast %select_n3A_2320 : vector<16xf32> to vector<16xf32>
          tpu.vector_store %arg7[%swap3A_2329], %swap3A_2332 {strides = array<i32>} : memref<48xf32, #tpu.memory_space<vmem>>, vector<16xf32>,
          %swap3A_2333 = arith.constant 32 : index
          %swap3A_2334 = tpu.vector_load %arg7[%swap3A_2333] {strides = array<i32>} : memref<48xf32, #tpu.memory_space<vmem>>, vector<16xf32>,
          %swap3A_2335 = vector.shape_cast %swap3A_2334 : vector<16xf32> to vector<16xf32>
          %swap3A_2336 = vector.shape_cast %select_n3A_2316 : vector<16xf32> to vector<16xf32>
          tpu.vector_store %arg7[%swap3A_2333], %swap3A_2336 {strides = array<i32>} : memref<48xf32, #tpu.memory_space<vmem>>, vector<16xf32>,
          %swap3A_2337 = arith.constant 0 : index
          %swap3A_2338 = tpu.vector_load %arg8[%swap3A_2337] {strides = array<i32>} : memref<48xi32, #tpu.memory_space<vmem>>, vector<16xi32>,
          %swap3A_2339 = vector.shape_cast %swap3A_2338 : vector<16xi32> to vector<16xi32>
          %swap3A_2340 = vector.shape_cast %select_n3A_2324 : vector<16xi32> to vector<16xi32>
          tpu.vector_store %arg8[%swap3A_2337], %swap3A_2340 {strides = array<i32>} : memref<48xi32, #tpu.memory_space<vmem>>, vector<16xi32>,
          %swap3A_2341 = arith.constant 16 : index
          %swap3A_2342 = tpu.vector_load %arg8[%swap3A_2341] {strides = array<i32>} : memref<48xi32, #tpu.memory_space<vmem>>, vector<16xi32>,
          %swap3A_2343 = vector.shape_cast %swap3A_2342 : vector<16xi32> to vector<16xi32>
          %swap3A_2344 = vector.shape_cast %select_n3A_2322 : vector<16xi32> to vector<16xi32>
          tpu.vector_store %arg8[%swap3A_2341], %swap3A_2344 {strides = array<i32>} : memref<48xi32, #tpu.memory_space<vmem>>, vector<16xi32>,
          %swap3A_2345 = arith.constant 32 : index
          %swap3A_2346 = tpu.vector_load %arg8[%swap3A_2345] {strides = array<i32>} : memref<48xi32, #tpu.memory_space<vmem>>, vector<16xi32>,
          %swap3A_2347 = vector.shape_cast %swap3A_2346 : vector<16xi32> to vector<16xi32>
          %swap3A_2348 = vector.shape_cast %select_n3A_2318 : vector<16xi32> to vector<16xi32>
          tpu.vector_store %arg8[%swap3A_2345], %swap3A_2348 {strides = array<i32>} : memref<48xi32, #tpu.memory_space<vmem>>, vector<16xi32>,
        } else {
        }
        %mul3A_1491 = arith.constant 2 : i32
        %mul3A_1492 = arith.muli %scan3A_1474, %mul3A_1491 : i32
        %add3A_1493 = arith.constant 1 : i32
        %add3A_1494 = arith.addi %mul3A_1492, %add3A_1493 : i32
        %and3A_1495 = arith.constant 31 : i32
        %and3A_1496 = arith.andi %add3A_1494, %and3A_1495 : i32
        %shift_right_logical3A_1497 = arith.shrui %select_n3A_1477, %and3A_1496 : i32
        %and3A_1498 = arith.constant 1 : i32
        %and3A_1499 = arith.andi %shift_right_logical3A_1497, %and3A_1498 : i32
        %ne3A_1500 = arith.constant 0 : i32
        %ne3A_1501 = arith.cmpi ne, %and3A_1499, %ne3A_1500 : i32
        %convert_element_type3A_1502 = arith.extui %ne3A_1501 : i1 to i32
        %cond3A_1503 = arith.constant 0 : i32
        %cond3A_1504 = arith.cmpi ne, %convert_element_type3A_1502, %cond3A_1503 : i32
        scf.if %cond3A_1504 {
          %get3A_1505 = arith.constant 0 : index
          %get3A_1506 = tpu.vector_load %arg7[%get3A_1505] {strides = array<i32>} : memref<48xf32, #tpu.memory_space<vmem>>, vector<16xf32>,
          %get3A_1507 = vector.shape_cast %get3A_1506 : vector<16xf32> to vector<16xf32>
          %get3A_1508 = arith.constant 16 : index
          %get3A_1509 = tpu.vector_load %arg7[%get3A_1508] {strides = array<i32>} : memref<48xf32, #tpu.memory_space<vmem>>, vector<16xf32>,
          %get3A_1510 = vector.shape_cast %get3A_1509 : vector<16xf32> to vector<16xf32>
          %get3A_1511 = arith.constant 32 : index
          %get3A_1512 = tpu.vector_load %arg7[%get3A_1511] {strides = array<i32>} : memref<48xf32, #tpu.memory_space<vmem>>, vector<16xf32>,
          %get3A_1513 = vector.shape_cast %get3A_1512 : vector<16xf32> to vector<16xf32>
          %get3A_1514 = arith.constant 0 : index
          %get3A_1515 = tpu.vector_load %arg8[%get3A_1514] {strides = array<i32>} : memref<48xi32, #tpu.memory_space<vmem>>, vector<16xi32>,
          %get3A_1516 = vector.shape_cast %get3A_1515 : vector<16xi32> to vector<16xi32>
          %get3A_1517 = arith.constant 16 : index
          %get3A_1518 = tpu.vector_load %arg8[%get3A_1517] {strides = array<i32>} : memref<48xi32, #tpu.memory_space<vmem>>, vector<16xi32>,
          %get3A_1519 = vector.shape_cast %get3A_1518 : vector<16xi32> to vector<16xi32>
          %get3A_1520 = arith.constant 32 : index
          %get3A_1521 = tpu.vector_load %arg8[%get3A_1520] {strides = array<i32>} : memref<48xi32, #tpu.memory_space<vmem>>, vector<16xi32>,
          %get3A_1522 = vector.shape_cast %get3A_1521 : vector<16xi32> to vector<16xi32>
          %mul3A_1523 = arith.constant 512 : i32
          %mul3A_1524 = arith.muli %add3A_1494, %mul3A_1523 : i32
          %add3A_1525 = arith.constant 0 : i32
          %add3A_1526 = arith.addi %mul3A_1524, %add3A_1525 : i32
          %get3A_1527 = arith.constant 0 : i32
          %get3A_1528 = tpu.memref_slice %arg4[%and3A_87, %get3A_1527] : memref<2x32768xf32, #tpu.memory_space<vmem>> -> memref<1x32768xf32, #tpu.memory_space<vmem>>
          %get3A_1529 = tpu.memref_squeeze %get3A_1528 : memref<1x32768xf32, #tpu.memory_space<vmem>> -> memref<32768xf32, #tpu.memory_space<vmem>>
          %get3A_1530 = arith.index_cast %add3A_1526 : i32 to index
          %get3A_1531 = tpu.vector_load %get3A_1529[%get3A_1530] {strides = array<i32>} : memref<32768xf32, #tpu.memory_space<vmem>>, vector<16xf32>,
          %get3A_1532 = vector.shape_cast %get3A_1531 : vector<16xf32> to vector<16xf32>
          %add3A_1533 = arith.constant 0 : i32
          %add3A_1534 = arith.addi %mul3A_1524, %add3A_1533 : i32
          %add3A_1535 = vector.broadcast %add3A_1534 : i32 to vector<16xi32>
          %add3A_1536 = arith.addi %iota3A_108, %add3A_1535 : vector<16xi32>
          %ge3A_1537 = arith.cmpf oge, %get3A_1532, %get3A_1507 : vector<16xf32>
          %ge3A_1538 = arith.cmpf oge, %get3A_1532, %get3A_1510 : vector<16xf32>
          %ge3A_1539 = arith.cmpf oge, %get3A_1532, %get3A_1513 : vector<16xf32>
          %select_n3A_1540 = arith.select %ge3A_1538, %get3A_1510, %get3A_1532 : vector<16xi1>, vector<16xf32>
          %select_n3A_1541 = arith.select %ge3A_1539, %select_n3A_1540, %get3A_1513 : vector<16xi1>, vector<16xf32>
          %select_n3A_1542 = arith.select %ge3A_1538, %get3A_1519, %add3A_1536 : vector<16xi1>, vector<16xi32>
          %select_n3A_1543 = arith.select %ge3A_1539, %select_n3A_1542, %get3A_1522 : vector<16xi1>, vector<16xi32>
          %select_n3A_1544 = arith.select %ge3A_1537, %get3A_1507, %get3A_1532 : vector<16xi1>, vector<16xf32>
          %select_n3A_1545 = arith.select %ge3A_1538, %select_n3A_1544, %get3A_1510 : vector<16xi1>, vector<16xf32>
          %select_n3A_1546 = arith.select %ge3A_1537, %get3A_1516, %add3A_1536 : vector<16xi1>, vector<16xi32>
          %select_n3A_1547 = arith.select %ge3A_1538, %select_n3A_1546, %get3A_1519 : vector<16xi1>, vector<16xi32>
          %select_n3A_1548 = arith.select %ge3A_1537, %get3A_1532, %get3A_1507 : vector<16xi1>, vector<16xf32>
          %select_n3A_1549 = arith.select %ge3A_1537, %add3A_1536, %get3A_1516 : vector<16xi1>, vector<16xi32>
          %add3A_1550 = arith.constant 16 : i32
          %add3A_1551 = arith.addi %mul3A_1524, %add3A_1550 : i32
          %get3A_1552 = arith.constant 0 : i32
          %get3A_1553 = tpu.memref_slice %arg4[%and3A_87, %get3A_1552] : memref<2x32768xf32, #tpu.memory_space<vmem>> -> memref<1x32768xf32, #tpu.memory_space<vmem>>
          %get3A_1554 = tpu.memref_squeeze %get3A_1553 : memref<1x32768xf32, #tpu.memory_space<vmem>> -> memref<32768xf32, #tpu.memory_space<vmem>>
          %get3A_1555 = arith.index_cast %add3A_1551 : i32 to index
          %get3A_1556 = tpu.vector_load %get3A_1554[%get3A_1555] {strides = array<i32>} : memref<32768xf32, #tpu.memory_space<vmem>>, vector<16xf32>,
          %get3A_1557 = vector.shape_cast %get3A_1556 : vector<16xf32> to vector<16xf32>
          %add3A_1558 = arith.constant 16 : i32
          %add3A_1559 = arith.addi %mul3A_1524, %add3A_1558 : i32
          %add3A_1560 = vector.broadcast %add3A_1559 : i32 to vector<16xi32>
          %add3A_1561 = arith.addi %iota3A_108, %add3A_1560 : vector<16xi32>
          %ge3A_1562 = arith.cmpf oge, %get3A_1557, %select_n3A_1548 : vector<16xf32>
          %ge3A_1563 = arith.cmpf oge, %get3A_1557, %select_n3A_1545 : vector<16xf32>
          %ge3A_1564 = arith.cmpf oge, %get3A_1557, %select_n3A_1541 : vector<16xf32>
          %select_n3A_1565 = arith.select %ge3A_1563, %select_n3A_1545, %get3A_1557 : vector<16xi1>, vector<16xf32>
          %select_n3A_1566 = arith.select %ge3A_1564, %select_n3A_1565, %select_n3A_1541 : vector<16xi1>, vector<16xf32>
          %select_n3A_1567 = arith.select %ge3A_1563, %select_n3A_1547, %add3A_1561 : vector<16xi1>, vector<16xi32>
          %select_n3A_1568 = arith.select %ge3A_1564, %select_n3A_1567, %select_n3A_1543 : vector<16xi1>, vector<16xi32>
          %select_n3A_1569 = arith.select %ge3A_1562, %select_n3A_1548, %get3A_1557 : vector<16xi1>, vector<16xf32>
          %select_n3A_1570 = arith.select %ge3A_1563, %select_n3A_1569, %select_n3A_1545 : vector<16xi1>, vector<16xf32>
          %select_n3A_1571 = arith.select %ge3A_1562, %select_n3A_1549, %add3A_1561 : vector<16xi1>, vector<16xi32>
          %select_n3A_1572 = arith.select %ge3A_1563, %select_n3A_1571, %select_n3A_1547 : vector<16xi1>, vector<16xi32>
          %select_n3A_1573 = arith.select %ge3A_1562, %get3A_1557, %select_n3A_1548 : vector<16xi1>, vector<16xf32>
          %select_n3A_1574 = arith.select %ge3A_1562, %add3A_1561, %select_n3A_1549 : vector<16xi1>, vector<16xi32>
          %add3A_1575 = arith.constant 32 : i32
          %add3A_1576 = arith.addi %mul3A_1524, %add3A_1575 : i32
          %get3A_1577 = arith.constant 0 : i32
          %get3A_1578 = tpu.memref_slice %arg4[%and3A_87, %get3A_1577] : memref<2x32768xf32, #tpu.memory_space<vmem>> -> memref<1x32768xf32, #tpu.memory_space<vmem>>
          %get3A_1579 = tpu.memref_squeeze %get3A_1578 : memref<1x32768xf32, #tpu.memory_space<vmem>> -> memref<32768xf32, #tpu.memory_space<vmem>>
          %get3A_1580 = arith.index_cast %add3A_1576 : i32 to index
          %get3A_1581 = tpu.vector_load %get3A_1579[%get3A_1580] {strides = array<i32>} : memref<32768xf32, #tpu.memory_space<vmem>>, vector<16xf32>,
          %get3A_1582 = vector.shape_cast %get3A_1581 : vector<16xf32> to vector<16xf32>
          %add3A_1583 = arith.constant 32 : i32
          %add3A_1584 = arith.addi %mul3A_1524, %add3A_1583 : i32
          %add3A_1585 = vector.broadcast %add3A_1584 : i32 to vector<16xi32>
          %add3A_1586 = arith.addi %iota3A_108, %add3A_1585 : vector<16xi32>
          %ge3A_1587 = arith.cmpf oge, %get3A_1582, %select_n3A_1573 : vector<16xf32>
          %ge3A_1588 = arith.cmpf oge, %get3A_1582, %select_n3A_1570 : vector<16xf32>
          %ge3A_1589 = arith.cmpf oge, %get3A_1582, %select_n3A_1566 : vector<16xf32>
          %select_n3A_1590 = arith.select %ge3A_1588, %select_n3A_1570, %get3A_1582 : vector<16xi1>, vector<16xf32>
          %select_n3A_1591 = arith.select %ge3A_1589, %select_n3A_1590, %select_n3A_1566 : vector<16xi1>, vector<16xf32>
          %select_n3A_1592 = arith.select %ge3A_1588, %select_n3A_1572, %add3A_1586 : vector<16xi1>, vector<16xi32>
          %select_n3A_1593 = arith.select %ge3A_1589, %select_n3A_1592, %select_n3A_1568 : vector<16xi1>, vector<16xi32>
          %select_n3A_1594 = arith.select %ge3A_1587, %select_n3A_1573, %get3A_1582 : vector<16xi1>, vector<16xf32>
          %select_n3A_1595 = arith.select %ge3A_1588, %select_n3A_1594, %select_n3A_1570 : vector<16xi1>, vector<16xf32>
          %select_n3A_1596 = arith.select %ge3A_1587, %select_n3A_1574, %add3A_1586 : vector<16xi1>, vector<16xi32>
          %select_n3A_1597 = arith.select %ge3A_1588, %select_n3A_1596, %select_n3A_1572 : vector<16xi1>, vector<16xi32>
          %select_n3A_1598 = arith.select %ge3A_1587, %get3A_1582, %select_n3A_1573 : vector<16xi1>, vector<16xf32>
          %select_n3A_1599 = arith.select %ge3A_1587, %add3A_1586, %select_n3A_1574 : vector<16xi1>, vector<16xi32>
          %add3A_1600 = arith.constant 48 : i32
          %add3A_1601 = arith.addi %mul3A_1524, %add3A_1600 : i32
          %get3A_1602 = arith.constant 0 : i32
          %get3A_1603 = tpu.memref_slice %arg4[%and3A_87, %get3A_1602] : memref<2x32768xf32, #tpu.memory_space<vmem>> -> memref<1x32768xf32, #tpu.memory_space<vmem>>
          %get3A_1604 = tpu.memref_squeeze %get3A_1603 : memref<1x32768xf32, #tpu.memory_space<vmem>> -> memref<32768xf32, #tpu.memory_space<vmem>>
          %get3A_1605 = arith.index_cast %add3A_1601 : i32 to index
          %get3A_1606 = tpu.vector_load %get3A_1604[%get3A_1605] {strides = array<i32>} : memref<32768xf32, #tpu.memory_space<vmem>>, vector<16xf32>,
          %get3A_1607 = vector.shape_cast %get3A_1606 : vector<16xf32> to vector<16xf32>
          %add3A_1608 = arith.constant 48 : i32
          %add3A_1609 = arith.addi %mul3A_1524, %add3A_1608 : i32
          %add3A_1610 = vector.broadcast %add3A_1609 : i32 to vector<16xi32>
          %add3A_1611 = arith.addi %iota3A_108, %add3A_1610 : vector<16xi32>
          %ge3A_1612 = arith.cmpf oge, %get3A_1607, %select_n3A_1598 : vector<16xf32>
          %ge3A_1613 = arith.cmpf oge, %get3A_1607, %select_n3A_1595 : vector<16xf32>
          %ge3A_1614 = arith.cmpf oge, %get3A_1607, %select_n3A_1591 : vector<16xf32>
          %select_n3A_1615 = arith.select %ge3A_1613, %select_n3A_1595, %get3A_1607 : vector<16xi1>, vector<16xf32>
          %select_n3A_1616 = arith.select %ge3A_1614, %select_n3A_1615, %select_n3A_1591 : vector<16xi1>, vector<16xf32>
          %select_n3A_1617 = arith.select %ge3A_1613, %select_n3A_1597, %add3A_1611 : vector<16xi1>, vector<16xi32>
          %select_n3A_1618 = arith.select %ge3A_1614, %select_n3A_1617, %select_n3A_1593 : vector<16xi1>, vector<16xi32>
          %select_n3A_1619 = arith.select %ge3A_1612, %select_n3A_1598, %get3A_1607 : vector<16xi1>, vector<16xf32>
          %select_n3A_1620 = arith.select %ge3A_1613, %select_n3A_1619, %select_n3A_1595 : vector<16xi1>, vector<16xf32>
          %select_n3A_1621 = arith.select %ge3A_1612, %select_n3A_1599, %add3A_1611 : vector<16xi1>, vector<16xi32>
          %select_n3A_1622 = arith.select %ge3A_1613, %select_n3A_1621, %select_n3A_1597 : vector<16xi1>, vector<16xi32>
          %select_n3A_1623 = arith.select %ge3A_1612, %get3A_1607, %select_n3A_1598 : vector<16xi1>, vector<16xf32>
          %select_n3A_1624 = arith.select %ge3A_1612, %add3A_1611, %select_n3A_1599 : vector<16xi1>, vector<16xi32>
          %add3A_1625 = arith.constant 64 : i32
          %add3A_1626 = arith.addi %mul3A_1524, %add3A_1625 : i32
          %get3A_1627 = arith.constant 0 : i32
          %get3A_1628 = tpu.memref_slice %arg4[%and3A_87, %get3A_1627] : memref<2x32768xf32, #tpu.memory_space<vmem>> -> memref<1x32768xf32, #tpu.memory_space<vmem>>
          %get3A_1629 = tpu.memref_squeeze %get3A_1628 : memref<1x32768xf32, #tpu.memory_space<vmem>> -> memref<32768xf32, #tpu.memory_space<vmem>>
          %get3A_1630 = arith.index_cast %add3A_1626 : i32 to index
          %get3A_1631 = tpu.vector_load %get3A_1629[%get3A_1630] {strides = array<i32>} : memref<32768xf32, #tpu.memory_space<vmem>>, vector<16xf32>,
          %get3A_1632 = vector.shape_cast %get3A_1631 : vector<16xf32> to vector<16xf32>
          %add3A_1633 = arith.constant 64 : i32
          %add3A_1634 = arith.addi %mul3A_1524, %add3A_1633 : i32
          %add3A_1635 = vector.broadcast %add3A_1634 : i32 to vector<16xi32>
          %add3A_1636 = arith.addi %iota3A_108, %add3A_1635 : vector<16xi32>
          %ge3A_1637 = arith.cmpf oge, %get3A_1632, %select_n3A_1623 : vector<16xf32>
          %ge3A_1638 = arith.cmpf oge, %get3A_1632, %select_n3A_1620 : vector<16xf32>
          %ge3A_1639 = arith.cmpf oge, %get3A_1632, %select_n3A_1616 : vector<16xf32>
          %select_n3A_1640 = arith.select %ge3A_1638, %select_n3A_1620, %get3A_1632 : vector<16xi1>, vector<16xf32>
          %select_n3A_1641 = arith.select %ge3A_1639, %select_n3A_1640, %select_n3A_1616 : vector<16xi1>, vector<16xf32>
          %select_n3A_1642 = arith.select %ge3A_1638, %select_n3A_1622, %add3A_1636 : vector<16xi1>, vector<16xi32>
          %select_n3A_1643 = arith.select %ge3A_1639, %select_n3A_1642, %select_n3A_1618 : vector<16xi1>, vector<16xi32>
          %select_n3A_1644 = arith.select %ge3A_1637, %select_n3A_1623, %get3A_1632 : vector<16xi1>, vector<16xf32>
          %select_n3A_1645 = arith.select %ge3A_1638, %select_n3A_1644, %select_n3A_1620 : vector<16xi1>, vector<16xf32>
          %select_n3A_1646 = arith.select %ge3A_1637, %select_n3A_1624, %add3A_1636 : vector<16xi1>, vector<16xi32>
          %select_n3A_1647 = arith.select %ge3A_1638, %select_n3A_1646, %select_n3A_1622 : vector<16xi1>, vector<16xi32>
          %select_n3A_1648 = arith.select %ge3A_1637, %get3A_1632, %select_n3A_1623 : vector<16xi1>, vector<16xf32>
          %select_n3A_1649 = arith.select %ge3A_1637, %add3A_1636, %select_n3A_1624 : vector<16xi1>, vector<16xi32>
          %add3A_1650 = arith.constant 80 : i32
          %add3A_1651 = arith.addi %mul3A_1524, %add3A_1650 : i32
          %get3A_1652 = arith.constant 0 : i32
          %get3A_1653 = tpu.memref_slice %arg4[%and3A_87, %get3A_1652] : memref<2x32768xf32, #tpu.memory_space<vmem>> -> memref<1x32768xf32, #tpu.memory_space<vmem>>
          %get3A_1654 = tpu.memref_squeeze %get3A_1653 : memref<1x32768xf32, #tpu.memory_space<vmem>> -> memref<32768xf32, #tpu.memory_space<vmem>>
          %get3A_1655 = arith.index_cast %add3A_1651 : i32 to index
          %get3A_1656 = tpu.vector_load %get3A_1654[%get3A_1655] {strides = array<i32>} : memref<32768xf32, #tpu.memory_space<vmem>>, vector<16xf32>,
          %get3A_1657 = vector.shape_cast %get3A_1656 : vector<16xf32> to vector<16xf32>
          %add3A_1658 = arith.constant 80 : i32
          %add3A_1659 = arith.addi %mul3A_1524, %add3A_1658 : i32
          %add3A_1660 = vector.broadcast %add3A_1659 : i32 to vector<16xi32>
          %add3A_1661 = arith.addi %iota3A_108, %add3A_1660 : vector<16xi32>
          %ge3A_1662 = arith.cmpf oge, %get3A_1657, %select_n3A_1648 : vector<16xf32>
          %ge3A_1663 = arith.cmpf oge, %get3A_1657, %select_n3A_1645 : vector<16xf32>
          %ge3A_1664 = arith.cmpf oge, %get3A_1657, %select_n3A_1641 : vector<16xf32>
          %select_n3A_1665 = arith.select %ge3A_1663, %select_n3A_1645, %get3A_1657 : vector<16xi1>, vector<16xf32>
          %select_n3A_1666 = arith.select %ge3A_1664, %select_n3A_1665, %select_n3A_1641 : vector<16xi1>, vector<16xf32>
          %select_n3A_1667 = arith.select %ge3A_1663, %select_n3A_1647, %add3A_1661 : vector<16xi1>, vector<16xi32>
          %select_n3A_1668 = arith.select %ge3A_1664, %select_n3A_1667, %select_n3A_1643 : vector<16xi1>, vector<16xi32>
          %select_n3A_1669 = arith.select %ge3A_1662, %select_n3A_1648, %get3A_1657 : vector<16xi1>, vector<16xf32>
          %select_n3A_1670 = arith.select %ge3A_1663, %select_n3A_1669, %select_n3A_1645 : vector<16xi1>, vector<16xf32>
          %select_n3A_1671 = arith.select %ge3A_1662, %select_n3A_1649, %add3A_1661 : vector<16xi1>, vector<16xi32>
          %select_n3A_1672 = arith.select %ge3A_1663, %select_n3A_1671, %select_n3A_1647 : vector<16xi1>, vector<16xi32>
          %select_n3A_1673 = arith.select %ge3A_1662, %get3A_1657, %select_n3A_1648 : vector<16xi1>, vector<16xf32>
          %select_n3A_1674 = arith.select %ge3A_1662, %add3A_1661, %select_n3A_1649 : vector<16xi1>, vector<16xi32>
          %add3A_1675 = arith.constant 96 : i32
          %add3A_1676 = arith.addi %mul3A_1524, %add3A_1675 : i32
          %get3A_1677 = arith.constant 0 : i32
          %get3A_1678 = tpu.memref_slice %arg4[%and3A_87, %get3A_1677] : memref<2x32768xf32, #tpu.memory_space<vmem>> -> memref<1x32768xf32, #tpu.memory_space<vmem>>
          %get3A_1679 = tpu.memref_squeeze %get3A_1678 : memref<1x32768xf32, #tpu.memory_space<vmem>> -> memref<32768xf32, #tpu.memory_space<vmem>>
          %get3A_1680 = arith.index_cast %add3A_1676 : i32 to index
          %get3A_1681 = tpu.vector_load %get3A_1679[%get3A_1680] {strides = array<i32>} : memref<32768xf32, #tpu.memory_space<vmem>>, vector<16xf32>,
          %get3A_1682 = vector.shape_cast %get3A_1681 : vector<16xf32> to vector<16xf32>
          %add3A_1683 = arith.constant 96 : i32
          %add3A_1684 = arith.addi %mul3A_1524, %add3A_1683 : i32
          %add3A_1685 = vector.broadcast %add3A_1684 : i32 to vector<16xi32>
          %add3A_1686 = arith.addi %iota3A_108, %add3A_1685 : vector<16xi32>
          %ge3A_1687 = arith.cmpf oge, %get3A_1682, %select_n3A_1673 : vector<16xf32>
          %ge3A_1688 = arith.cmpf oge, %get3A_1682, %select_n3A_1670 : vector<16xf32>
          %ge3A_1689 = arith.cmpf oge, %get3A_1682, %select_n3A_1666 : vector<16xf32>
          %select_n3A_1690 = arith.select %ge3A_1688, %select_n3A_1670, %get3A_1682 : vector<16xi1>, vector<16xf32>
          %select_n3A_1691 = arith.select %ge3A_1689, %select_n3A_1690, %select_n3A_1666 : vector<16xi1>, vector<16xf32>
          %select_n3A_1692 = arith.select %ge3A_1688, %select_n3A_1672, %add3A_1686 : vector<16xi1>, vector<16xi32>
          %select_n3A_1693 = arith.select %ge3A_1689, %select_n3A_1692, %select_n3A_1668 : vector<16xi1>, vector<16xi32>
          %select_n3A_1694 = arith.select %ge3A_1687, %select_n3A_1673, %get3A_1682 : vector<16xi1>, vector<16xf32>
          %select_n3A_1695 = arith.select %ge3A_1688, %select_n3A_1694, %select_n3A_1670 : vector<16xi1>, vector<16xf32>
          %select_n3A_1696 = arith.select %ge3A_1687, %select_n3A_1674, %add3A_1686 : vector<16xi1>, vector<16xi32>
          %select_n3A_1697 = arith.select %ge3A_1688, %select_n3A_1696, %select_n3A_1672 : vector<16xi1>, vector<16xi32>
          %select_n3A_1698 = arith.select %ge3A_1687, %get3A_1682, %select_n3A_1673 : vector<16xi1>, vector<16xf32>
          %select_n3A_1699 = arith.select %ge3A_1687, %add3A_1686, %select_n3A_1674 : vector<16xi1>, vector<16xi32>
          %add3A_1700 = arith.constant 112 : i32
          %add3A_1701 = arith.addi %mul3A_1524, %add3A_1700 : i32
          %get3A_1702 = arith.constant 0 : i32
          %get3A_1703 = tpu.memref_slice %arg4[%and3A_87, %get3A_1702] : memref<2x32768xf32, #tpu.memory_space<vmem>> -> memref<1x32768xf32, #tpu.memory_space<vmem>>
          %get3A_1704 = tpu.memref_squeeze %get3A_1703 : memref<1x32768xf32, #tpu.memory_space<vmem>> -> memref<32768xf32, #tpu.memory_space<vmem>>
          %get3A_1705 = arith.index_cast %add3A_1701 : i32 to index
          %get3A_1706 = tpu.vector_load %get3A_1704[%get3A_1705] {strides = array<i32>} : memref<32768xf32, #tpu.memory_space<vmem>>, vector<16xf32>,
          %get3A_1707 = vector.shape_cast %get3A_1706 : vector<16xf32> to vector<16xf32>
          %add3A_1708 = arith.constant 112 : i32
          %add3A_1709 = arith.addi %mul3A_1524, %add3A_1708 : i32
          %add3A_1710 = vector.broadcast %add3A_1709 : i32 to vector<16xi32>
          %add3A_1711 = arith.addi %iota3A_108, %add3A_1710 : vector<16xi32>
          %ge3A_1712 = arith.cmpf oge, %get3A_1707, %select_n3A_1698 : vector<16xf32>
          %ge3A_1713 = arith.cmpf oge, %get3A_1707, %select_n3A_1695 : vector<16xf32>
          %ge3A_1714 = arith.cmpf oge, %get3A_1707, %select_n3A_1691 : vector<16xf32>
          %select_n3A_1715 = arith.select %ge3A_1713, %select_n3A_1695, %get3A_1707 : vector<16xi1>, vector<16xf32>
          %select_n3A_1716 = arith.select %ge3A_1714, %select_n3A_1715, %select_n3A_1691 : vector<16xi1>, vector<16xf32>
          %select_n3A_1717 = arith.select %ge3A_1713, %select_n3A_1697, %add3A_1711 : vector<16xi1>, vector<16xi32>
          %select_n3A_1718 = arith.select %ge3A_1714, %select_n3A_1717, %select_n3A_1693 : vector<16xi1>, vector<16xi32>
          %select_n3A_1719 = arith.select %ge3A_1712, %select_n3A_1698, %get3A_1707 : vector<16xi1>, vector<16xf32>
          %select_n3A_1720 = arith.select %ge3A_1713, %select_n3A_1719, %select_n3A_1695 : vector<16xi1>, vector<16xf32>
          %select_n3A_1721 = arith.select %ge3A_1712, %select_n3A_1699, %add3A_1711 : vector<16xi1>, vector<16xi32>
          %select_n3A_1722 = arith.select %ge3A_1713, %select_n3A_1721, %select_n3A_1697 : vector<16xi1>, vector<16xi32>
          %select_n3A_1723 = arith.select %ge3A_1712, %get3A_1707, %select_n3A_1698 : vector<16xi1>, vector<16xf32>
          %select_n3A_1724 = arith.select %ge3A_1712, %add3A_1711, %select_n3A_1699 : vector<16xi1>, vector<16xi32>
          %add3A_1725 = arith.constant 128 : i32
          %add3A_1726 = arith.addi %mul3A_1524, %add3A_1725 : i32
          %get3A_1727 = arith.constant 0 : i32
          %get3A_1728 = tpu.memref_slice %arg4[%and3A_87, %get3A_1727] : memref<2x32768xf32, #tpu.memory_space<vmem>> -> memref<1x32768xf32, #tpu.memory_space<vmem>>
          %get3A_1729 = tpu.memref_squeeze %get3A_1728 : memref<1x32768xf32, #tpu.memory_space<vmem>> -> memref<32768xf32, #tpu.memory_space<vmem>>
          %get3A_1730 = arith.index_cast %add3A_1726 : i32 to index
          %get3A_1731 = tpu.vector_load %get3A_1729[%get3A_1730] {strides = array<i32>} : memref<32768xf32, #tpu.memory_space<vmem>>, vector<16xf32>,
          %get3A_1732 = vector.shape_cast %get3A_1731 : vector<16xf32> to vector<16xf32>
          %add3A_1733 = arith.constant 128 : i32
          %add3A_1734 = arith.addi %mul3A_1524, %add3A_1733 : i32
          %add3A_1735 = vector.broadcast %add3A_1734 : i32 to vector<16xi32>
          %add3A_1736 = arith.addi %iota3A_108, %add3A_1735 : vector<16xi32>
          %ge3A_1737 = arith.cmpf oge, %get3A_1732, %select_n3A_1723 : vector<16xf32>
          %ge3A_1738 = arith.cmpf oge, %get3A_1732, %select_n3A_1720 : vector<16xf32>
          %ge3A_1739 = arith.cmpf oge, %get3A_1732, %select_n3A_1716 : vector<16xf32>
          %select_n3A_1740 = arith.select %ge3A_1738, %select_n3A_1720, %get3A_1732 : vector<16xi1>, vector<16xf32>
          %select_n3A_1741 = arith.select %ge3A_1739, %select_n3A_1740, %select_n3A_1716 : vector<16xi1>, vector<16xf32>
          %select_n3A_1742 = arith.select %ge3A_1738, %select_n3A_1722, %add3A_1736 : vector<16xi1>, vector<16xi32>
          %select_n3A_1743 = arith.select %ge3A_1739, %select_n3A_1742, %select_n3A_1718 : vector<16xi1>, vector<16xi32>
          %select_n3A_1744 = arith.select %ge3A_1737, %select_n3A_1723, %get3A_1732 : vector<16xi1>, vector<16xf32>
          %select_n3A_1745 = arith.select %ge3A_1738, %select_n3A_1744, %select_n3A_1720 : vector<16xi1>, vector<16xf32>
          %select_n3A_1746 = arith.select %ge3A_1737, %select_n3A_1724, %add3A_1736 : vector<16xi1>, vector<16xi32>
          %select_n3A_1747 = arith.select %ge3A_1738, %select_n3A_1746, %select_n3A_1722 : vector<16xi1>, vector<16xi32>
          %select_n3A_1748 = arith.select %ge3A_1737, %get3A_1732, %select_n3A_1723 : vector<16xi1>, vector<16xf32>
          %select_n3A_1749 = arith.select %ge3A_1737, %add3A_1736, %select_n3A_1724 : vector<16xi1>, vector<16xi32>
          %add3A_1750 = arith.constant 144 : i32
          %add3A_1751 = arith.addi %mul3A_1524, %add3A_1750 : i32
          %get3A_1752 = arith.constant 0 : i32
          %get3A_1753 = tpu.memref_slice %arg4[%and3A_87, %get3A_1752] : memref<2x32768xf32, #tpu.memory_space<vmem>> -> memref<1x32768xf32, #tpu.memory_space<vmem>>
          %get3A_1754 = tpu.memref_squeeze %get3A_1753 : memref<1x32768xf32, #tpu.memory_space<vmem>> -> memref<32768xf32, #tpu.memory_space<vmem>>
          %get3A_1755 = arith.index_cast %add3A_1751 : i32 to index
          %get3A_1756 = tpu.vector_load %get3A_1754[%get3A_1755] {strides = array<i32>} : memref<32768xf32, #tpu.memory_space<vmem>>, vector<16xf32>,
          %get3A_1757 = vector.shape_cast %get3A_1756 : vector<16xf32> to vector<16xf32>
          %add3A_1758 = arith.constant 144 : i32
          %add3A_1759 = arith.addi %mul3A_1524, %add3A_1758 : i32
          %add3A_1760 = vector.broadcast %add3A_1759 : i32 to vector<16xi32>
          %add3A_1761 = arith.addi %iota3A_108, %add3A_1760 : vector<16xi32>
          %ge3A_1762 = arith.cmpf oge, %get3A_1757, %select_n3A_1748 : vector<16xf32>
          %ge3A_1763 = arith.cmpf oge, %get3A_1757, %select_n3A_1745 : vector<16xf32>
          %ge3A_1764 = arith.cmpf oge, %get3A_1757, %select_n3A_1741 : vector<16xf32>
          %select_n3A_1765 = arith.select %ge3A_1763, %select_n3A_1745, %get3A_1757 : vector<16xi1>, vector<16xf32>
          %select_n3A_1766 = arith.select %ge3A_1764, %select_n3A_1765, %select_n3A_1741 : vector<16xi1>, vector<16xf32>
          %select_n3A_1767 = arith.select %ge3A_1763, %select_n3A_1747, %add3A_1761 : vector<16xi1>, vector<16xi32>
          %select_n3A_1768 = arith.select %ge3A_1764, %select_n3A_1767, %select_n3A_1743 : vector<16xi1>, vector<16xi32>
          %select_n3A_1769 = arith.select %ge3A_1762, %select_n3A_1748, %get3A_1757 : vector<16xi1>, vector<16xf32>
          %select_n3A_1770 = arith.select %ge3A_1763, %select_n3A_1769, %select_n3A_1745 : vector<16xi1>, vector<16xf32>
          %select_n3A_1771 = arith.select %ge3A_1762, %select_n3A_1749, %add3A_1761 : vector<16xi1>, vector<16xi32>
          %select_n3A_1772 = arith.select %ge3A_1763, %select_n3A_1771, %select_n3A_1747 : vector<16xi1>, vector<16xi32>
          %select_n3A_1773 = arith.select %ge3A_1762, %get3A_1757, %select_n3A_1748 : vector<16xi1>, vector<16xf32>
          %select_n3A_1774 = arith.select %ge3A_1762, %add3A_1761, %select_n3A_1749 : vector<16xi1>, vector<16xi32>
          %add3A_1775 = arith.constant 160 : i32
          %add3A_1776 = arith.addi %mul3A_1524, %add3A_1775 : i32
          %get3A_1777 = arith.constant 0 : i32
          %get3A_1778 = tpu.memref_slice %arg4[%and3A_87, %get3A_1777] : memref<2x32768xf32, #tpu.memory_space<vmem>> -> memref<1x32768xf32, #tpu.memory_space<vmem>>
          %get3A_1779 = tpu.memref_squeeze %get3A_1778 : memref<1x32768xf32, #tpu.memory_space<vmem>> -> memref<32768xf32, #tpu.memory_space<vmem>>
          %get3A_1780 = arith.index_cast %add3A_1776 : i32 to index
          %get3A_1781 = tpu.vector_load %get3A_1779[%get3A_1780] {strides = array<i32>} : memref<32768xf32, #tpu.memory_space<vmem>>, vector<16xf32>,
          %get3A_1782 = vector.shape_cast %get3A_1781 : vector<16xf32> to vector<16xf32>
          %add3A_1783 = arith.constant 160 : i32
          %add3A_1784 = arith.addi %mul3A_1524, %add3A_1783 : i32
          %add3A_1785 = vector.broadcast %add3A_1784 : i32 to vector<16xi32>
          %add3A_1786 = arith.addi %iota3A_108, %add3A_1785 : vector<16xi32>
          %ge3A_1787 = arith.cmpf oge, %get3A_1782, %select_n3A_1773 : vector<16xf32>
          %ge3A_1788 = arith.cmpf oge, %get3A_1782, %select_n3A_1770 : vector<16xf32>
          %ge3A_1789 = arith.cmpf oge, %get3A_1782, %select_n3A_1766 : vector<16xf32>
          %select_n3A_1790 = arith.select %ge3A_1788, %select_n3A_1770, %get3A_1782 : vector<16xi1>, vector<16xf32>
          %select_n3A_1791 = arith.select %ge3A_1789, %select_n3A_1790, %select_n3A_1766 : vector<16xi1>, vector<16xf32>
          %select_n3A_1792 = arith.select %ge3A_1788, %select_n3A_1772, %add3A_1786 : vector<16xi1>, vector<16xi32>
          %select_n3A_1793 = arith.select %ge3A_1789, %select_n3A_1792, %select_n3A_1768 : vector<16xi1>, vector<16xi32>
          %select_n3A_1794 = arith.select %ge3A_1787, %select_n3A_1773, %get3A_1782 : vector<16xi1>, vector<16xf32>
          %select_n3A_1795 = arith.select %ge3A_1788, %select_n3A_1794, %select_n3A_1770 : vector<16xi1>, vector<16xf32>
          %select_n3A_1796 = arith.select %ge3A_1787, %select_n3A_1774, %add3A_1786 : vector<16xi1>, vector<16xi32>
          %select_n3A_1797 = arith.select %ge3A_1788, %select_n3A_1796, %select_n3A_1772 : vector<16xi1>, vector<16xi32>
          %select_n3A_1798 = arith.select %ge3A_1787, %get3A_1782, %select_n3A_1773 : vector<16xi1>, vector<16xf32>
          %select_n3A_1799 = arith.select %ge3A_1787, %add3A_1786, %select_n3A_1774 : vector<16xi1>, vector<16xi32>
          %add3A_1800 = arith.constant 176 : i32
          %add3A_1801 = arith.addi %mul3A_1524, %add3A_1800 : i32
          %get3A_1802 = arith.constant 0 : i32
          %get3A_1803 = tpu.memref_slice %arg4[%and3A_87, %get3A_1802] : memref<2x32768xf32, #tpu.memory_space<vmem>> -> memref<1x32768xf32, #tpu.memory_space<vmem>>
          %get3A_1804 = tpu.memref_squeeze %get3A_1803 : memref<1x32768xf32, #tpu.memory_space<vmem>> -> memref<32768xf32, #tpu.memory_space<vmem>>
          %get3A_1805 = arith.index_cast %add3A_1801 : i32 to index
          %get3A_1806 = tpu.vector_load %get3A_1804[%get3A_1805] {strides = array<i32>} : memref<32768xf32, #tpu.memory_space<vmem>>, vector<16xf32>,
          %get3A_1807 = vector.shape_cast %get3A_1806 : vector<16xf32> to vector<16xf32>
          %add3A_1808 = arith.constant 176 : i32
          %add3A_1809 = arith.addi %mul3A_1524, %add3A_1808 : i32
          %add3A_1810 = vector.broadcast %add3A_1809 : i32 to vector<16xi32>
          %add3A_1811 = arith.addi %iota3A_108, %add3A_1810 : vector<16xi32>
          %ge3A_1812 = arith.cmpf oge, %get3A_1807, %select_n3A_1798 : vector<16xf32>
          %ge3A_1813 = arith.cmpf oge, %get3A_1807, %select_n3A_1795 : vector<16xf32>
          %ge3A_1814 = arith.cmpf oge, %get3A_1807, %select_n3A_1791 : vector<16xf32>
          %select_n3A_1815 = arith.select %ge3A_1813, %select_n3A_1795, %get3A_1807 : vector<16xi1>, vector<16xf32>
          %select_n3A_1816 = arith.select %ge3A_1814, %select_n3A_1815, %select_n3A_1791 : vector<16xi1>, vector<16xf32>
          %select_n3A_1817 = arith.select %ge3A_1813, %select_n3A_1797, %add3A_1811 : vector<16xi1>, vector<16xi32>
          %select_n3A_1818 = arith.select %ge3A_1814, %select_n3A_1817, %select_n3A_1793 : vector<16xi1>, vector<16xi32>
          %select_n3A_1819 = arith.select %ge3A_1812, %select_n3A_1798, %get3A_1807 : vector<16xi1>, vector<16xf32>
          %select_n3A_1820 = arith.select %ge3A_1813, %select_n3A_1819, %select_n3A_1795 : vector<16xi1>, vector<16xf32>
          %select_n3A_1821 = arith.select %ge3A_1812, %select_n3A_1799, %add3A_1811 : vector<16xi1>, vector<16xi32>
          %select_n3A_1822 = arith.select %ge3A_1813, %select_n3A_1821, %select_n3A_1797 : vector<16xi1>, vector<16xi32>
          %select_n3A_1823 = arith.select %ge3A_1812, %get3A_1807, %select_n3A_1798 : vector<16xi1>, vector<16xf32>
          %select_n3A_1824 = arith.select %ge3A_1812, %add3A_1811, %select_n3A_1799 : vector<16xi1>, vector<16xi32>
          %add3A_1825 = arith.constant 192 : i32
          %add3A_1826 = arith.addi %mul3A_1524, %add3A_1825 : i32
          %get3A_1827 = arith.constant 0 : i32
          %get3A_1828 = tpu.memref_slice %arg4[%and3A_87, %get3A_1827] : memref<2x32768xf32, #tpu.memory_space<vmem>> -> memref<1x32768xf32, #tpu.memory_space<vmem>>
          %get3A_1829 = tpu.memref_squeeze %get3A_1828 : memref<1x32768xf32, #tpu.memory_space<vmem>> -> memref<32768xf32, #tpu.memory_space<vmem>>
          %get3A_1830 = arith.index_cast %add3A_1826 : i32 to index
          %get3A_1831 = tpu.vector_load %get3A_1829[%get3A_1830] {strides = array<i32>} : memref<32768xf32, #tpu.memory_space<vmem>>, vector<16xf32>,
          %get3A_1832 = vector.shape_cast %get3A_1831 : vector<16xf32> to vector<16xf32>
          %add3A_1833 = arith.constant 192 : i32
          %add3A_1834 = arith.addi %mul3A_1524, %add3A_1833 : i32
          %add3A_1835 = vector.broadcast %add3A_1834 : i32 to vector<16xi32>
          %add3A_1836 = arith.addi %iota3A_108, %add3A_1835 : vector<16xi32>
          %ge3A_1837 = arith.cmpf oge, %get3A_1832, %select_n3A_1823 : vector<16xf32>
          %ge3A_1838 = arith.cmpf oge, %get3A_1832, %select_n3A_1820 : vector<16xf32>
          %ge3A_1839 = arith.cmpf oge, %get3A_1832, %select_n3A_1816 : vector<16xf32>
          %select_n3A_1840 = arith.select %ge3A_1838, %select_n3A_1820, %get3A_1832 : vector<16xi1>, vector<16xf32>
          %select_n3A_1841 = arith.select %ge3A_1839, %select_n3A_1840, %select_n3A_1816 : vector<16xi1>, vector<16xf32>
          %select_n3A_1842 = arith.select %ge3A_1838, %select_n3A_1822, %add3A_1836 : vector<16xi1>, vector<16xi32>
          %select_n3A_1843 = arith.select %ge3A_1839, %select_n3A_1842, %select_n3A_1818 : vector<16xi1>, vector<16xi32>
          %select_n3A_1844 = arith.select %ge3A_1837, %select_n3A_1823, %get3A_1832 : vector<16xi1>, vector<16xf32>
          %select_n3A_1845 = arith.select %ge3A_1838, %select_n3A_1844, %select_n3A_1820 : vector<16xi1>, vector<16xf32>
          %select_n3A_1846 = arith.select %ge3A_1837, %select_n3A_1824, %add3A_1836 : vector<16xi1>, vector<16xi32>
          %select_n3A_1847 = arith.select %ge3A_1838, %select_n3A_1846, %select_n3A_1822 : vector<16xi1>, vector<16xi32>
          %select_n3A_1848 = arith.select %ge3A_1837, %get3A_1832, %select_n3A_1823 : vector<16xi1>, vector<16xf32>
          %select_n3A_1849 = arith.select %ge3A_1837, %add3A_1836, %select_n3A_1824 : vector<16xi1>, vector<16xi32>
          %add3A_1850 = arith.constant 208 : i32
          %add3A_1851 = arith.addi %mul3A_1524, %add3A_1850 : i32
          %get3A_1852 = arith.constant 0 : i32
          %get3A_1853 = tpu.memref_slice %arg4[%and3A_87, %get3A_1852] : memref<2x32768xf32, #tpu.memory_space<vmem>> -> memref<1x32768xf32, #tpu.memory_space<vmem>>
          %get3A_1854 = tpu.memref_squeeze %get3A_1853 : memref<1x32768xf32, #tpu.memory_space<vmem>> -> memref<32768xf32, #tpu.memory_space<vmem>>
          %get3A_1855 = arith.index_cast %add3A_1851 : i32 to index
          %get3A_1856 = tpu.vector_load %get3A_1854[%get3A_1855] {strides = array<i32>} : memref<32768xf32, #tpu.memory_space<vmem>>, vector<16xf32>,
          %get3A_1857 = vector.shape_cast %get3A_1856 : vector<16xf32> to vector<16xf32>
          %add3A_1858 = arith.constant 208 : i32
          %add3A_1859 = arith.addi %mul3A_1524, %add3A_1858 : i32
          %add3A_1860 = vector.broadcast %add3A_1859 : i32 to vector<16xi32>
          %add3A_1861 = arith.addi %iota3A_108, %add3A_1860 : vector<16xi32>
          %ge3A_1862 = arith.cmpf oge, %get3A_1857, %select_n3A_1848 : vector<16xf32>
          %ge3A_1863 = arith.cmpf oge, %get3A_1857, %select_n3A_1845 : vector<16xf32>
          %ge3A_1864 = arith.cmpf oge, %get3A_1857, %select_n3A_1841 : vector<16xf32>
          %select_n3A_1865 = arith.select %ge3A_1863, %select_n3A_1845, %get3A_1857 : vector<16xi1>, vector<16xf32>
          %select_n3A_1866 = arith.select %ge3A_1864, %select_n3A_1865, %select_n3A_1841 : vector<16xi1>, vector<16xf32>
          %select_n3A_1867 = arith.select %ge3A_1863, %select_n3A_1847, %add3A_1861 : vector<16xi1>, vector<16xi32>
          %select_n3A_1868 = arith.select %ge3A_1864, %select_n3A_1867, %select_n3A_1843 : vector<16xi1>, vector<16xi32>
          %select_n3A_1869 = arith.select %ge3A_1862, %select_n3A_1848, %get3A_1857 : vector<16xi1>, vector<16xf32>
          %select_n3A_1870 = arith.select %ge3A_1863, %select_n3A_1869, %select_n3A_1845 : vector<16xi1>, vector<16xf32>
          %select_n3A_1871 = arith.select %ge3A_1862, %select_n3A_1849, %add3A_1861 : vector<16xi1>, vector<16xi32>
          %select_n3A_1872 = arith.select %ge3A_1863, %select_n3A_1871, %select_n3A_1847 : vector<16xi1>, vector<16xi32>
          %select_n3A_1873 = arith.select %ge3A_1862, %get3A_1857, %select_n3A_1848 : vector<16xi1>, vector<16xf32>
          %select_n3A_1874 = arith.select %ge3A_1862, %add3A_1861, %select_n3A_1849 : vector<16xi1>, vector<16xi32>
          %add3A_1875 = arith.constant 224 : i32
          %add3A_1876 = arith.addi %mul3A_1524, %add3A_1875 : i32
          %get3A_1877 = arith.constant 0 : i32
          %get3A_1878 = tpu.memref_slice %arg4[%and3A_87, %get3A_1877] : memref<2x32768xf32, #tpu.memory_space<vmem>> -> memref<1x32768xf32, #tpu.memory_space<vmem>>
          %get3A_1879 = tpu.memref_squeeze %get3A_1878 : memref<1x32768xf32, #tpu.memory_space<vmem>> -> memref<32768xf32, #tpu.memory_space<vmem>>
          %get3A_1880 = arith.index_cast %add3A_1876 : i32 to index
          %get3A_1881 = tpu.vector_load %get3A_1879[%get3A_1880] {strides = array<i32>} : memref<32768xf32, #tpu.memory_space<vmem>>, vector<16xf32>,
          %get3A_1882 = vector.shape_cast %get3A_1881 : vector<16xf32> to vector<16xf32>
          %add3A_1883 = arith.constant 224 : i32
          %add3A_1884 = arith.addi %mul3A_1524, %add3A_1883 : i32
          %add3A_1885 = vector.broadcast %add3A_1884 : i32 to vector<16xi32>
          %add3A_1886 = arith.addi %iota3A_108, %add3A_1885 : vector<16xi32>
          %ge3A_1887 = arith.cmpf oge, %get3A_1882, %select_n3A_1873 : vector<16xf32>
          %ge3A_1888 = arith.cmpf oge, %get3A_1882, %select_n3A_1870 : vector<16xf32>
          %ge3A_1889 = arith.cmpf oge, %get3A_1882, %select_n3A_1866 : vector<16xf32>
          %select_n3A_1890 = arith.select %ge3A_1888, %select_n3A_1870, %get3A_1882 : vector<16xi1>, vector<16xf32>
          %select_n3A_1891 = arith.select %ge3A_1889, %select_n3A_1890, %select_n3A_1866 : vector<16xi1>, vector<16xf32>
          %select_n3A_1892 = arith.select %ge3A_1888, %select_n3A_1872, %add3A_1886 : vector<16xi1>, vector<16xi32>
          %select_n3A_1893 = arith.select %ge3A_1889, %select_n3A_1892, %select_n3A_1868 : vector<16xi1>, vector<16xi32>
          %select_n3A_1894 = arith.select %ge3A_1887, %select_n3A_1873, %get3A_1882 : vector<16xi1>, vector<16xf32>
          %select_n3A_1895 = arith.select %ge3A_1888, %select_n3A_1894, %select_n3A_1870 : vector<16xi1>, vector<16xf32>
          %select_n3A_1896 = arith.select %ge3A_1887, %select_n3A_1874, %add3A_1886 : vector<16xi1>, vector<16xi32>
          %select_n3A_1897 = arith.select %ge3A_1888, %select_n3A_1896, %select_n3A_1872 : vector<16xi1>, vector<16xi32>
          %select_n3A_1898 = arith.select %ge3A_1887, %get3A_1882, %select_n3A_1873 : vector<16xi1>, vector<16xf32>
          %select_n3A_1899 = arith.select %ge3A_1887, %add3A_1886, %select_n3A_1874 : vector<16xi1>, vector<16xi32>
          %add3A_1900 = arith.constant 240 : i32
          %add3A_1901 = arith.addi %mul3A_1524, %add3A_1900 : i32
          %get3A_1902 = arith.constant 0 : i32
          %get3A_1903 = tpu.memref_slice %arg4[%and3A_87, %get3A_1902] : memref<2x32768xf32, #tpu.memory_space<vmem>> -> memref<1x32768xf32, #tpu.memory_space<vmem>>
          %get3A_1904 = tpu.memref_squeeze %get3A_1903 : memref<1x32768xf32, #tpu.memory_space<vmem>> -> memref<32768xf32, #tpu.memory_space<vmem>>
          %get3A_1905 = arith.index_cast %add3A_1901 : i32 to index
          %get3A_1906 = tpu.vector_load %get3A_1904[%get3A_1905] {strides = array<i32>} : memref<32768xf32, #tpu.memory_space<vmem>>, vector<16xf32>,
          %get3A_1907 = vector.shape_cast %get3A_1906 : vector<16xf32> to vector<16xf32>
          %add3A_1908 = arith.constant 240 : i32
          %add3A_1909 = arith.addi %mul3A_1524, %add3A_1908 : i32
          %add3A_1910 = vector.broadcast %add3A_1909 : i32 to vector<16xi32>
          %add3A_1911 = arith.addi %iota3A_108, %add3A_1910 : vector<16xi32>
          %ge3A_1912 = arith.cmpf oge, %get3A_1907, %select_n3A_1898 : vector<16xf32>
          %ge3A_1913 = arith.cmpf oge, %get3A_1907, %select_n3A_1895 : vector<16xf32>
          %ge3A_1914 = arith.cmpf oge, %get3A_1907, %select_n3A_1891 : vector<16xf32>
          %select_n3A_1915 = arith.select %ge3A_1913, %select_n3A_1895, %get3A_1907 : vector<16xi1>, vector<16xf32>
          %select_n3A_1916 = arith.select %ge3A_1914, %select_n3A_1915, %select_n3A_1891 : vector<16xi1>, vector<16xf32>
          %select_n3A_1917 = arith.select %ge3A_1913, %select_n3A_1897, %add3A_1911 : vector<16xi1>, vector<16xi32>
          %select_n3A_1918 = arith.select %ge3A_1914, %select_n3A_1917, %select_n3A_1893 : vector<16xi1>, vector<16xi32>
          %select_n3A_1919 = arith.select %ge3A_1912, %select_n3A_1898, %get3A_1907 : vector<16xi1>, vector<16xf32>
          %select_n3A_1920 = arith.select %ge3A_1913, %select_n3A_1919, %select_n3A_1895 : vector<16xi1>, vector<16xf32>
          %select_n3A_1921 = arith.select %ge3A_1912, %select_n3A_1899, %add3A_1911 : vector<16xi1>, vector<16xi32>
          %select_n3A_1922 = arith.select %ge3A_1913, %select_n3A_1921, %select_n3A_1897 : vector<16xi1>, vector<16xi32>
          %select_n3A_1923 = arith.select %ge3A_1912, %get3A_1907, %select_n3A_1898 : vector<16xi1>, vector<16xf32>
          %select_n3A_1924 = arith.select %ge3A_1912, %add3A_1911, %select_n3A_1899 : vector<16xi1>, vector<16xi32>
          %add3A_1925 = arith.constant 256 : i32
          %add3A_1926 = arith.addi %mul3A_1524, %add3A_1925 : i32
          %get3A_1927 = arith.constant 0 : i32
          %get3A_1928 = tpu.memref_slice %arg4[%and3A_87, %get3A_1927] : memref<2x32768xf32, #tpu.memory_space<vmem>> -> memref<1x32768xf32, #tpu.memory_space<vmem>>
          %get3A_1929 = tpu.memref_squeeze %get3A_1928 : memref<1x32768xf32, #tpu.memory_space<vmem>> -> memref<32768xf32, #tpu.memory_space<vmem>>
          %get3A_1930 = arith.index_cast %add3A_1926 : i32 to index
          %get3A_1931 = tpu.vector_load %get3A_1929[%get3A_1930] {strides = array<i32>} : memref<32768xf32, #tpu.memory_space<vmem>>, vector<16xf32>,
          %get3A_1932 = vector.shape_cast %get3A_1931 : vector<16xf32> to vector<16xf32>
          %add3A_1933 = arith.constant 256 : i32
          %add3A_1934 = arith.addi %mul3A_1524, %add3A_1933 : i32
          %add3A_1935 = vector.broadcast %add3A_1934 : i32 to vector<16xi32>
          %add3A_1936 = arith.addi %iota3A_108, %add3A_1935 : vector<16xi32>
          %ge3A_1937 = arith.cmpf oge, %get3A_1932, %select_n3A_1923 : vector<16xf32>
          %ge3A_1938 = arith.cmpf oge, %get3A_1932, %select_n3A_1920 : vector<16xf32>
          %ge3A_1939 = arith.cmpf oge, %get3A_1932, %select_n3A_1916 : vector<16xf32>
          %select_n3A_1940 = arith.select %ge3A_1938, %select_n3A_1920, %get3A_1932 : vector<16xi1>, vector<16xf32>
          %select_n3A_1941 = arith.select %ge3A_1939, %select_n3A_1940, %select_n3A_1916 : vector<16xi1>, vector<16xf32>
          %select_n3A_1942 = arith.select %ge3A_1938, %select_n3A_1922, %add3A_1936 : vector<16xi1>, vector<16xi32>
          %select_n3A_1943 = arith.select %ge3A_1939, %select_n3A_1942, %select_n3A_1918 : vector<16xi1>, vector<16xi32>
          %select_n3A_1944 = arith.select %ge3A_1937, %select_n3A_1923, %get3A_1932 : vector<16xi1>, vector<16xf32>
          %select_n3A_1945 = arith.select %ge3A_1938, %select_n3A_1944, %select_n3A_1920 : vector<16xi1>, vector<16xf32>
          %select_n3A_1946 = arith.select %ge3A_1937, %select_n3A_1924, %add3A_1936 : vector<16xi1>, vector<16xi32>
          %select_n3A_1947 = arith.select %ge3A_1938, %select_n3A_1946, %select_n3A_1922 : vector<16xi1>, vector<16xi32>
          %select_n3A_1948 = arith.select %ge3A_1937, %get3A_1932, %select_n3A_1923 : vector<16xi1>, vector<16xf32>
          %select_n3A_1949 = arith.select %ge3A_1937, %add3A_1936, %select_n3A_1924 : vector<16xi1>, vector<16xi32>
          %add3A_1950 = arith.constant 272 : i32
          %add3A_1951 = arith.addi %mul3A_1524, %add3A_1950 : i32
          %get3A_1952 = arith.constant 0 : i32
          %get3A_1953 = tpu.memref_slice %arg4[%and3A_87, %get3A_1952] : memref<2x32768xf32, #tpu.memory_space<vmem>> -> memref<1x32768xf32, #tpu.memory_space<vmem>>
          %get3A_1954 = tpu.memref_squeeze %get3A_1953 : memref<1x32768xf32, #tpu.memory_space<vmem>> -> memref<32768xf32, #tpu.memory_space<vmem>>
          %get3A_1955 = arith.index_cast %add3A_1951 : i32 to index
          %get3A_1956 = tpu.vector_load %get3A_1954[%get3A_1955] {strides = array<i32>} : memref<32768xf32, #tpu.memory_space<vmem>>, vector<16xf32>,
          %get3A_1957 = vector.shape_cast %get3A_1956 : vector<16xf32> to vector<16xf32>
          %add3A_1958 = arith.constant 272 : i32
          %add3A_1959 = arith.addi %mul3A_1524, %add3A_1958 : i32
          %add3A_1960 = vector.broadcast %add3A_1959 : i32 to vector<16xi32>
          %add3A_1961 = arith.addi %iota3A_108, %add3A_1960 : vector<16xi32>
          %ge3A_1962 = arith.cmpf oge, %get3A_1957, %select_n3A_1948 : vector<16xf32>
          %ge3A_1963 = arith.cmpf oge, %get3A_1957, %select_n3A_1945 : vector<16xf32>
          %ge3A_1964 = arith.cmpf oge, %get3A_1957, %select_n3A_1941 : vector<16xf32>
          %select_n3A_1965 = arith.select %ge3A_1963, %select_n3A_1945, %get3A_1957 : vector<16xi1>, vector<16xf32>
          %select_n3A_1966 = arith.select %ge3A_1964, %select_n3A_1965, %select_n3A_1941 : vector<16xi1>, vector<16xf32>
          %select_n3A_1967 = arith.select %ge3A_1963, %select_n3A_1947, %add3A_1961 : vector<16xi1>, vector<16xi32>
          %select_n3A_1968 = arith.select %ge3A_1964, %select_n3A_1967, %select_n3A_1943 : vector<16xi1>, vector<16xi32>
          %select_n3A_1969 = arith.select %ge3A_1962, %select_n3A_1948, %get3A_1957 : vector<16xi1>, vector<16xf32>
          %select_n3A_1970 = arith.select %ge3A_1963, %select_n3A_1969, %select_n3A_1945 : vector<16xi1>, vector<16xf32>
          %select_n3A_1971 = arith.select %ge3A_1962, %select_n3A_1949, %add3A_1961 : vector<16xi1>, vector<16xi32>
          %select_n3A_1972 = arith.select %ge3A_1963, %select_n3A_1971, %select_n3A_1947 : vector<16xi1>, vector<16xi32>
          %select_n3A_1973 = arith.select %ge3A_1962, %get3A_1957, %select_n3A_1948 : vector<16xi1>, vector<16xf32>
          %select_n3A_1974 = arith.select %ge3A_1962, %add3A_1961, %select_n3A_1949 : vector<16xi1>, vector<16xi32>
          %add3A_1975 = arith.constant 288 : i32
          %add3A_1976 = arith.addi %mul3A_1524, %add3A_1975 : i32
          %get3A_1977 = arith.constant 0 : i32
          %get3A_1978 = tpu.memref_slice %arg4[%and3A_87, %get3A_1977] : memref<2x32768xf32, #tpu.memory_space<vmem>> -> memref<1x32768xf32, #tpu.memory_space<vmem>>
          %get3A_1979 = tpu.memref_squeeze %get3A_1978 : memref<1x32768xf32, #tpu.memory_space<vmem>> -> memref<32768xf32, #tpu.memory_space<vmem>>
          %get3A_1980 = arith.index_cast %add3A_1976 : i32 to index
          %get3A_1981 = tpu.vector_load %get3A_1979[%get3A_1980] {strides = array<i32>} : memref<32768xf32, #tpu.memory_space<vmem>>, vector<16xf32>,
          %get3A_1982 = vector.shape_cast %get3A_1981 : vector<16xf32> to vector<16xf32>
          %add3A_1983 = arith.constant 288 : i32
          %add3A_1984 = arith.addi %mul3A_1524, %add3A_1983 : i32
          %add3A_1985 = vector.broadcast %add3A_1984 : i32 to vector<16xi32>
          %add3A_1986 = arith.addi %iota3A_108, %add3A_1985 : vector<16xi32>
          %ge3A_1987 = arith.cmpf oge, %get3A_1982, %select_n3A_1973 : vector<16xf32>
          %ge3A_1988 = arith.cmpf oge, %get3A_1982, %select_n3A_1970 : vector<16xf32>
          %ge3A_1989 = arith.cmpf oge, %get3A_1982, %select_n3A_1966 : vector<16xf32>
          %select_n3A_1990 = arith.select %ge3A_1988, %select_n3A_1970, %get3A_1982 : vector<16xi1>, vector<16xf32>
          %select_n3A_1991 = arith.select %ge3A_1989, %select_n3A_1990, %select_n3A_1966 : vector<16xi1>, vector<16xf32>
          %select_n3A_1992 = arith.select %ge3A_1988, %select_n3A_1972, %add3A_1986 : vector<16xi1>, vector<16xi32>
          %select_n3A_1993 = arith.select %ge3A_1989, %select_n3A_1992, %select_n3A_1968 : vector<16xi1>, vector<16xi32>
          %select_n3A_1994 = arith.select %ge3A_1987, %select_n3A_1973, %get3A_1982 : vector<16xi1>, vector<16xf32>
          %select_n3A_1995 = arith.select %ge3A_1988, %select_n3A_1994, %select_n3A_1970 : vector<16xi1>, vector<16xf32>
          %select_n3A_1996 = arith.select %ge3A_1987, %select_n3A_1974, %add3A_1986 : vector<16xi1>, vector<16xi32>
          %select_n3A_1997 = arith.select %ge3A_1988, %select_n3A_1996, %select_n3A_1972 : vector<16xi1>, vector<16xi32>
          %select_n3A_1998 = arith.select %ge3A_1987, %get3A_1982, %select_n3A_1973 : vector<16xi1>, vector<16xf32>
          %select_n3A_1999 = arith.select %ge3A_1987, %add3A_1986, %select_n3A_1974 : vector<16xi1>, vector<16xi32>
          %add3A_2000 = arith.constant 304 : i32
          %add3A_2001 = arith.addi %mul3A_1524, %add3A_2000 : i32
          %get3A_2002 = arith.constant 0 : i32
          %get3A_2003 = tpu.memref_slice %arg4[%and3A_87, %get3A_2002] : memref<2x32768xf32, #tpu.memory_space<vmem>> -> memref<1x32768xf32, #tpu.memory_space<vmem>>
          %get3A_2004 = tpu.memref_squeeze %get3A_2003 : memref<1x32768xf32, #tpu.memory_space<vmem>> -> memref<32768xf32, #tpu.memory_space<vmem>>
          %get3A_2005 = arith.index_cast %add3A_2001 : i32 to index
          %get3A_2006 = tpu.vector_load %get3A_2004[%get3A_2005] {strides = array<i32>} : memref<32768xf32, #tpu.memory_space<vmem>>, vector<16xf32>,
          %get3A_2007 = vector.shape_cast %get3A_2006 : vector<16xf32> to vector<16xf32>
          %add3A_2008 = arith.constant 304 : i32
          %add3A_2009 = arith.addi %mul3A_1524, %add3A_2008 : i32
          %add3A_2010 = vector.broadcast %add3A_2009 : i32 to vector<16xi32>
          %add3A_2011 = arith.addi %iota3A_108, %add3A_2010 : vector<16xi32>
          %ge3A_2012 = arith.cmpf oge, %get3A_2007, %select_n3A_1998 : vector<16xf32>
          %ge3A_2013 = arith.cmpf oge, %get3A_2007, %select_n3A_1995 : vector<16xf32>
          %ge3A_2014 = arith.cmpf oge, %get3A_2007, %select_n3A_1991 : vector<16xf32>
          %select_n3A_2015 = arith.select %ge3A_2013, %select_n3A_1995, %get3A_2007 : vector<16xi1>, vector<16xf32>
          %select_n3A_2016 = arith.select %ge3A_2014, %select_n3A_2015, %select_n3A_1991 : vector<16xi1>, vector<16xf32>
          %select_n3A_2017 = arith.select %ge3A_2013, %select_n3A_1997, %add3A_2011 : vector<16xi1>, vector<16xi32>
          %select_n3A_2018 = arith.select %ge3A_2014, %select_n3A_2017, %select_n3A_1993 : vector<16xi1>, vector<16xi32>
          %select_n3A_2019 = arith.select %ge3A_2012, %select_n3A_1998, %get3A_2007 : vector<16xi1>, vector<16xf32>
          %select_n3A_2020 = arith.select %ge3A_2013, %select_n3A_2019, %select_n3A_1995 : vector<16xi1>, vector<16xf32>
          %select_n3A_2021 = arith.select %ge3A_2012, %select_n3A_1999, %add3A_2011 : vector<16xi1>, vector<16xi32>
          %select_n3A_2022 = arith.select %ge3A_2013, %select_n3A_2021, %select_n3A_1997 : vector<16xi1>, vector<16xi32>
          %select_n3A_2023 = arith.select %ge3A_2012, %get3A_2007, %select_n3A_1998 : vector<16xi1>, vector<16xf32>
          %select_n3A_2024 = arith.select %ge3A_2012, %add3A_2011, %select_n3A_1999 : vector<16xi1>, vector<16xi32>
          %add3A_2025 = arith.constant 320 : i32
          %add3A_2026 = arith.addi %mul3A_1524, %add3A_2025 : i32
          %get3A_2027 = arith.constant 0 : i32
          %get3A_2028 = tpu.memref_slice %arg4[%and3A_87, %get3A_2027] : memref<2x32768xf32, #tpu.memory_space<vmem>> -> memref<1x32768xf32, #tpu.memory_space<vmem>>
          %get3A_2029 = tpu.memref_squeeze %get3A_2028 : memref<1x32768xf32, #tpu.memory_space<vmem>> -> memref<32768xf32, #tpu.memory_space<vmem>>
          %get3A_2030 = arith.index_cast %add3A_2026 : i32 to index
          %get3A_2031 = tpu.vector_load %get3A_2029[%get3A_2030] {strides = array<i32>} : memref<32768xf32, #tpu.memory_space<vmem>>, vector<16xf32>,
          %get3A_2032 = vector.shape_cast %get3A_2031 : vector<16xf32> to vector<16xf32>
          %add3A_2033 = arith.constant 320 : i32
          %add3A_2034 = arith.addi %mul3A_1524, %add3A_2033 : i32
          %add3A_2035 = vector.broadcast %add3A_2034 : i32 to vector<16xi32>
          %add3A_2036 = arith.addi %iota3A_108, %add3A_2035 : vector<16xi32>
          %ge3A_2037 = arith.cmpf oge, %get3A_2032, %select_n3A_2023 : vector<16xf32>
          %ge3A_2038 = arith.cmpf oge, %get3A_2032, %select_n3A_2020 : vector<16xf32>
          %ge3A_2039 = arith.cmpf oge, %get3A_2032, %select_n3A_2016 : vector<16xf32>
          %select_n3A_2040 = arith.select %ge3A_2038, %select_n3A_2020, %get3A_2032 : vector<16xi1>, vector<16xf32>
          %select_n3A_2041 = arith.select %ge3A_2039, %select_n3A_2040, %select_n3A_2016 : vector<16xi1>, vector<16xf32>
          %select_n3A_2042 = arith.select %ge3A_2038, %select_n3A_2022, %add3A_2036 : vector<16xi1>, vector<16xi32>
          %select_n3A_2043 = arith.select %ge3A_2039, %select_n3A_2042, %select_n3A_2018 : vector<16xi1>, vector<16xi32>
          %select_n3A_2044 = arith.select %ge3A_2037, %select_n3A_2023, %get3A_2032 : vector<16xi1>, vector<16xf32>
          %select_n3A_2045 = arith.select %ge3A_2038, %select_n3A_2044, %select_n3A_2020 : vector<16xi1>, vector<16xf32>
          %select_n3A_2046 = arith.select %ge3A_2037, %select_n3A_2024, %add3A_2036 : vector<16xi1>, vector<16xi32>
          %select_n3A_2047 = arith.select %ge3A_2038, %select_n3A_2046, %select_n3A_2022 : vector<16xi1>, vector<16xi32>
          %select_n3A_2048 = arith.select %ge3A_2037, %get3A_2032, %select_n3A_2023 : vector<16xi1>, vector<16xf32>
          %select_n3A_2049 = arith.select %ge3A_2037, %add3A_2036, %select_n3A_2024 : vector<16xi1>, vector<16xi32>
          %add3A_2050 = arith.constant 336 : i32
          %add3A_2051 = arith.addi %mul3A_1524, %add3A_2050 : i32
          %get3A_2052 = arith.constant 0 : i32
          %get3A_2053 = tpu.memref_slice %arg4[%and3A_87, %get3A_2052] : memref<2x32768xf32, #tpu.memory_space<vmem>> -> memref<1x32768xf32, #tpu.memory_space<vmem>>
          %get3A_2054 = tpu.memref_squeeze %get3A_2053 : memref<1x32768xf32, #tpu.memory_space<vmem>> -> memref<32768xf32, #tpu.memory_space<vmem>>
          %get3A_2055 = arith.index_cast %add3A_2051 : i32 to index
          %get3A_2056 = tpu.vector_load %get3A_2054[%get3A_2055] {strides = array<i32>} : memref<32768xf32, #tpu.memory_space<vmem>>, vector<16xf32>,
          %get3A_2057 = vector.shape_cast %get3A_2056 : vector<16xf32> to vector<16xf32>
          %add3A_2058 = arith.constant 336 : i32
          %add3A_2059 = arith.addi %mul3A_1524, %add3A_2058 : i32
          %add3A_2060 = vector.broadcast %add3A_2059 : i32 to vector<16xi32>
          %add3A_2061 = arith.addi %iota3A_108, %add3A_2060 : vector<16xi32>
          %ge3A_2062 = arith.cmpf oge, %get3A_2057, %select_n3A_2048 : vector<16xf32>
          %ge3A_2063 = arith.cmpf oge, %get3A_2057, %select_n3A_2045 : vector<16xf32>
          %ge3A_2064 = arith.cmpf oge, %get3A_2057, %select_n3A_2041 : vector<16xf32>
          %select_n3A_2065 = arith.select %ge3A_2063, %select_n3A_2045, %get3A_2057 : vector<16xi1>, vector<16xf32>
          %select_n3A_2066 = arith.select %ge3A_2064, %select_n3A_2065, %select_n3A_2041 : vector<16xi1>, vector<16xf32>
          %select_n3A_2067 = arith.select %ge3A_2063, %select_n3A_2047, %add3A_2061 : vector<16xi1>, vector<16xi32>
          %select_n3A_2068 = arith.select %ge3A_2064, %select_n3A_2067, %select_n3A_2043 : vector<16xi1>, vector<16xi32>
          %select_n3A_2069 = arith.select %ge3A_2062, %select_n3A_2048, %get3A_2057 : vector<16xi1>, vector<16xf32>
          %select_n3A_2070 = arith.select %ge3A_2063, %select_n3A_2069, %select_n3A_2045 : vector<16xi1>, vector<16xf32>
          %select_n3A_2071 = arith.select %ge3A_2062, %select_n3A_2049, %add3A_2061 : vector<16xi1>, vector<16xi32>
          %select_n3A_2072 = arith.select %ge3A_2063, %select_n3A_2071, %select_n3A_2047 : vector<16xi1>, vector<16xi32>
          %select_n3A_2073 = arith.select %ge3A_2062, %get3A_2057, %select_n3A_2048 : vector<16xi1>, vector<16xf32>
          %select_n3A_2074 = arith.select %ge3A_2062, %add3A_2061, %select_n3A_2049 : vector<16xi1>, vector<16xi32>
          %add3A_2075 = arith.constant 352 : i32
          %add3A_2076 = arith.addi %mul3A_1524, %add3A_2075 : i32
          %get3A_2077 = arith.constant 0 : i32
          %get3A_2078 = tpu.memref_slice %arg4[%and3A_87, %get3A_2077] : memref<2x32768xf32, #tpu.memory_space<vmem>> -> memref<1x32768xf32, #tpu.memory_space<vmem>>
          %get3A_2079 = tpu.memref_squeeze %get3A_2078 : memref<1x32768xf32, #tpu.memory_space<vmem>> -> memref<32768xf32, #tpu.memory_space<vmem>>
          %get3A_2080 = arith.index_cast %add3A_2076 : i32 to index
          %get3A_2081 = tpu.vector_load %get3A_2079[%get3A_2080] {strides = array<i32>} : memref<32768xf32, #tpu.memory_space<vmem>>, vector<16xf32>,
          %get3A_2082 = vector.shape_cast %get3A_2081 : vector<16xf32> to vector<16xf32>
          %add3A_2083 = arith.constant 352 : i32
          %add3A_2084 = arith.addi %mul3A_1524, %add3A_2083 : i32
          %add3A_2085 = vector.broadcast %add3A_2084 : i32 to vector<16xi32>
          %add3A_2086 = arith.addi %iota3A_108, %add3A_2085 : vector<16xi32>
          %ge3A_2087 = arith.cmpf oge, %get3A_2082, %select_n3A_2073 : vector<16xf32>
          %ge3A_2088 = arith.cmpf oge, %get3A_2082, %select_n3A_2070 : vector<16xf32>
          %ge3A_2089 = arith.cmpf oge, %get3A_2082, %select_n3A_2066 : vector<16xf32>
          %select_n3A_2090 = arith.select %ge3A_2088, %select_n3A_2070, %get3A_2082 : vector<16xi1>, vector<16xf32>
          %select_n3A_2091 = arith.select %ge3A_2089, %select_n3A_2090, %select_n3A_2066 : vector<16xi1>, vector<16xf32>
          %select_n3A_2092 = arith.select %ge3A_2088, %select_n3A_2072, %add3A_2086 : vector<16xi1>, vector<16xi32>
          %select_n3A_2093 = arith.select %ge3A_2089, %select_n3A_2092, %select_n3A_2068 : vector<16xi1>, vector<16xi32>
          %select_n3A_2094 = arith.select %ge3A_2087, %select_n3A_2073, %get3A_2082 : vector<16xi1>, vector<16xf32>
          %select_n3A_2095 = arith.select %ge3A_2088, %select_n3A_2094, %select_n3A_2070 : vector<16xi1>, vector<16xf32>
          %select_n3A_2096 = arith.select %ge3A_2087, %select_n3A_2074, %add3A_2086 : vector<16xi1>, vector<16xi32>
          %select_n3A_2097 = arith.select %ge3A_2088, %select_n3A_2096, %select_n3A_2072 : vector<16xi1>, vector<16xi32>
          %select_n3A_2098 = arith.select %ge3A_2087, %get3A_2082, %select_n3A_2073 : vector<16xi1>, vector<16xf32>
          %select_n3A_2099 = arith.select %ge3A_2087, %add3A_2086, %select_n3A_2074 : vector<16xi1>, vector<16xi32>
          %add3A_2100 = arith.constant 368 : i32
          %add3A_2101 = arith.addi %mul3A_1524, %add3A_2100 : i32
          %get3A_2102 = arith.constant 0 : i32
          %get3A_2103 = tpu.memref_slice %arg4[%and3A_87, %get3A_2102] : memref<2x32768xf32, #tpu.memory_space<vmem>> -> memref<1x32768xf32, #tpu.memory_space<vmem>>
          %get3A_2104 = tpu.memref_squeeze %get3A_2103 : memref<1x32768xf32, #tpu.memory_space<vmem>> -> memref<32768xf32, #tpu.memory_space<vmem>>
          %get3A_2105 = arith.index_cast %add3A_2101 : i32 to index
          %get3A_2106 = tpu.vector_load %get3A_2104[%get3A_2105] {strides = array<i32>} : memref<32768xf32, #tpu.memory_space<vmem>>, vector<16xf32>,
          %get3A_2107 = vector.shape_cast %get3A_2106 : vector<16xf32> to vector<16xf32>
          %add3A_2108 = arith.constant 368 : i32
          %add3A_2109 = arith.addi %mul3A_1524, %add3A_2108 : i32
          %add3A_2110 = vector.broadcast %add3A_2109 : i32 to vector<16xi32>
          %add3A_2111 = arith.addi %iota3A_108, %add3A_2110 : vector<16xi32>
          %ge3A_2112 = arith.cmpf oge, %get3A_2107, %select_n3A_2098 : vector<16xf32>
          %ge3A_2113 = arith.cmpf oge, %get3A_2107, %select_n3A_2095 : vector<16xf32>
          %ge3A_2114 = arith.cmpf oge, %get3A_2107, %select_n3A_2091 : vector<16xf32>
          %select_n3A_2115 = arith.select %ge3A_2113, %select_n3A_2095, %get3A_2107 : vector<16xi1>, vector<16xf32>
          %select_n3A_2116 = arith.select %ge3A_2114, %select_n3A_2115, %select_n3A_2091 : vector<16xi1>, vector<16xf32>
          %select_n3A_2117 = arith.select %ge3A_2113, %select_n3A_2097, %add3A_2111 : vector<16xi1>, vector<16xi32>
          %select_n3A_2118 = arith.select %ge3A_2114, %select_n3A_2117, %select_n3A_2093 : vector<16xi1>, vector<16xi32>
          %select_n3A_2119 = arith.select %ge3A_2112, %select_n3A_2098, %get3A_2107 : vector<16xi1>, vector<16xf32>
          %select_n3A_2120 = arith.select %ge3A_2113, %select_n3A_2119, %select_n3A_2095 : vector<16xi1>, vector<16xf32>
          %select_n3A_2121 = arith.select %ge3A_2112, %select_n3A_2099, %add3A_2111 : vector<16xi1>, vector<16xi32>
          %select_n3A_2122 = arith.select %ge3A_2113, %select_n3A_2121, %select_n3A_2097 : vector<16xi1>, vector<16xi32>
          %select_n3A_2123 = arith.select %ge3A_2112, %get3A_2107, %select_n3A_2098 : vector<16xi1>, vector<16xf32>
          %select_n3A_2124 = arith.select %ge3A_2112, %add3A_2111, %select_n3A_2099 : vector<16xi1>, vector<16xi32>
          %add3A_2125 = arith.constant 384 : i32
          %add3A_2126 = arith.addi %mul3A_1524, %add3A_2125 : i32
          %get3A_2127 = arith.constant 0 : i32
          %get3A_2128 = tpu.memref_slice %arg4[%and3A_87, %get3A_2127] : memref<2x32768xf32, #tpu.memory_space<vmem>> -> memref<1x32768xf32, #tpu.memory_space<vmem>>
          %get3A_2129 = tpu.memref_squeeze %get3A_2128 : memref<1x32768xf32, #tpu.memory_space<vmem>> -> memref<32768xf32, #tpu.memory_space<vmem>>
          %get3A_2130 = arith.index_cast %add3A_2126 : i32 to index
          %get3A_2131 = tpu.vector_load %get3A_2129[%get3A_2130] {strides = array<i32>} : memref<32768xf32, #tpu.memory_space<vmem>>, vector<16xf32>,
          %get3A_2132 = vector.shape_cast %get3A_2131 : vector<16xf32> to vector<16xf32>
          %add3A_2133 = arith.constant 384 : i32
          %add3A_2134 = arith.addi %mul3A_1524, %add3A_2133 : i32
          %add3A_2135 = vector.broadcast %add3A_2134 : i32 to vector<16xi32>
          %add3A_2136 = arith.addi %iota3A_108, %add3A_2135 : vector<16xi32>
          %ge3A_2137 = arith.cmpf oge, %get3A_2132, %select_n3A_2123 : vector<16xf32>
          %ge3A_2138 = arith.cmpf oge, %get3A_2132, %select_n3A_2120 : vector<16xf32>
          %ge3A_2139 = arith.cmpf oge, %get3A_2132, %select_n3A_2116 : vector<16xf32>
          %select_n3A_2140 = arith.select %ge3A_2138, %select_n3A_2120, %get3A_2132 : vector<16xi1>, vector<16xf32>
          %select_n3A_2141 = arith.select %ge3A_2139, %select_n3A_2140, %select_n3A_2116 : vector<16xi1>, vector<16xf32>
          %select_n3A_2142 = arith.select %ge3A_2138, %select_n3A_2122, %add3A_2136 : vector<16xi1>, vector<16xi32>
          %select_n3A_2143 = arith.select %ge3A_2139, %select_n3A_2142, %select_n3A_2118 : vector<16xi1>, vector<16xi32>
          %select_n3A_2144 = arith.select %ge3A_2137, %select_n3A_2123, %get3A_2132 : vector<16xi1>, vector<16xf32>
          %select_n3A_2145 = arith.select %ge3A_2138, %select_n3A_2144, %select_n3A_2120 : vector<16xi1>, vector<16xf32>
          %select_n3A_2146 = arith.select %ge3A_2137, %select_n3A_2124, %add3A_2136 : vector<16xi1>, vector<16xi32>
          %select_n3A_2147 = arith.select %ge3A_2138, %select_n3A_2146, %select_n3A_2122 : vector<16xi1>, vector<16xi32>
          %select_n3A_2148 = arith.select %ge3A_2137, %get3A_2132, %select_n3A_2123 : vector<16xi1>, vector<16xf32>
          %select_n3A_2149 = arith.select %ge3A_2137, %add3A_2136, %select_n3A_2124 : vector<16xi1>, vector<16xi32>
          %add3A_2150 = arith.constant 400 : i32
          %add3A_2151 = arith.addi %mul3A_1524, %add3A_2150 : i32
          %get3A_2152 = arith.constant 0 : i32
          %get3A_2153 = tpu.memref_slice %arg4[%and3A_87, %get3A_2152] : memref<2x32768xf32, #tpu.memory_space<vmem>> -> memref<1x32768xf32, #tpu.memory_space<vmem>>
          %get3A_2154 = tpu.memref_squeeze %get3A_2153 : memref<1x32768xf32, #tpu.memory_space<vmem>> -> memref<32768xf32, #tpu.memory_space<vmem>>
          %get3A_2155 = arith.index_cast %add3A_2151 : i32 to index
          %get3A_2156 = tpu.vector_load %get3A_2154[%get3A_2155] {strides = array<i32>} : memref<32768xf32, #tpu.memory_space<vmem>>, vector<16xf32>,
          %get3A_2157 = vector.shape_cast %get3A_2156 : vector<16xf32> to vector<16xf32>
          %add3A_2158 = arith.constant 400 : i32
          %add3A_2159 = arith.addi %mul3A_1524, %add3A_2158 : i32
          %add3A_2160 = vector.broadcast %add3A_2159 : i32 to vector<16xi32>
          %add3A_2161 = arith.addi %iota3A_108, %add3A_2160 : vector<16xi32>
          %ge3A_2162 = arith.cmpf oge, %get3A_2157, %select_n3A_2148 : vector<16xf32>
          %ge3A_2163 = arith.cmpf oge, %get3A_2157, %select_n3A_2145 : vector<16xf32>
          %ge3A_2164 = arith.cmpf oge, %get3A_2157, %select_n3A_2141 : vector<16xf32>
          %select_n3A_2165 = arith.select %ge3A_2163, %select_n3A_2145, %get3A_2157 : vector<16xi1>, vector<16xf32>
          %select_n3A_2166 = arith.select %ge3A_2164, %select_n3A_2165, %select_n3A_2141 : vector<16xi1>, vector<16xf32>
          %select_n3A_2167 = arith.select %ge3A_2163, %select_n3A_2147, %add3A_2161 : vector<16xi1>, vector<16xi32>
          %select_n3A_2168 = arith.select %ge3A_2164, %select_n3A_2167, %select_n3A_2143 : vector<16xi1>, vector<16xi32>
          %select_n3A_2169 = arith.select %ge3A_2162, %select_n3A_2148, %get3A_2157 : vector<16xi1>, vector<16xf32>
          %select_n3A_2170 = arith.select %ge3A_2163, %select_n3A_2169, %select_n3A_2145 : vector<16xi1>, vector<16xf32>
          %select_n3A_2171 = arith.select %ge3A_2162, %select_n3A_2149, %add3A_2161 : vector<16xi1>, vector<16xi32>
          %select_n3A_2172 = arith.select %ge3A_2163, %select_n3A_2171, %select_n3A_2147 : vector<16xi1>, vector<16xi32>
          %select_n3A_2173 = arith.select %ge3A_2162, %get3A_2157, %select_n3A_2148 : vector<16xi1>, vector<16xf32>
          %select_n3A_2174 = arith.select %ge3A_2162, %add3A_2161, %select_n3A_2149 : vector<16xi1>, vector<16xi32>
          %add3A_2175 = arith.constant 416 : i32
          %add3A_2176 = arith.addi %mul3A_1524, %add3A_2175 : i32
          %get3A_2177 = arith.constant 0 : i32
          %get3A_2178 = tpu.memref_slice %arg4[%and3A_87, %get3A_2177] : memref<2x32768xf32, #tpu.memory_space<vmem>> -> memref<1x32768xf32, #tpu.memory_space<vmem>>
          %get3A_2179 = tpu.memref_squeeze %get3A_2178 : memref<1x32768xf32, #tpu.memory_space<vmem>> -> memref<32768xf32, #tpu.memory_space<vmem>>
          %get3A_2180 = arith.index_cast %add3A_2176 : i32 to index
          %get3A_2181 = tpu.vector_load %get3A_2179[%get3A_2180] {strides = array<i32>} : memref<32768xf32, #tpu.memory_space<vmem>>, vector<16xf32>,
          %get3A_2182 = vector.shape_cast %get3A_2181 : vector<16xf32> to vector<16xf32>
          %add3A_2183 = arith.constant 416 : i32
          %add3A_2184 = arith.addi %mul3A_1524, %add3A_2183 : i32
          %add3A_2185 = vector.broadcast %add3A_2184 : i32 to vector<16xi32>
          %add3A_2186 = arith.addi %iota3A_108, %add3A_2185 : vector<16xi32>
          %ge3A_2187 = arith.cmpf oge, %get3A_2182, %select_n3A_2173 : vector<16xf32>
          %ge3A_2188 = arith.cmpf oge, %get3A_2182, %select_n3A_2170 : vector<16xf32>
          %ge3A_2189 = arith.cmpf oge, %get3A_2182, %select_n3A_2166 : vector<16xf32>
          %select_n3A_2190 = arith.select %ge3A_2188, %select_n3A_2170, %get3A_2182 : vector<16xi1>, vector<16xf32>
          %select_n3A_2191 = arith.select %ge3A_2189, %select_n3A_2190, %select_n3A_2166 : vector<16xi1>, vector<16xf32>
          %select_n3A_2192 = arith.select %ge3A_2188, %select_n3A_2172, %add3A_2186 : vector<16xi1>, vector<16xi32>
          %select_n3A_2193 = arith.select %ge3A_2189, %select_n3A_2192, %select_n3A_2168 : vector<16xi1>, vector<16xi32>
          %select_n3A_2194 = arith.select %ge3A_2187, %select_n3A_2173, %get3A_2182 : vector<16xi1>, vector<16xf32>
          %select_n3A_2195 = arith.select %ge3A_2188, %select_n3A_2194, %select_n3A_2170 : vector<16xi1>, vector<16xf32>
          %select_n3A_2196 = arith.select %ge3A_2187, %select_n3A_2174, %add3A_2186 : vector<16xi1>, vector<16xi32>
          %select_n3A_2197 = arith.select %ge3A_2188, %select_n3A_2196, %select_n3A_2172 : vector<16xi1>, vector<16xi32>
          %select_n3A_2198 = arith.select %ge3A_2187, %get3A_2182, %select_n3A_2173 : vector<16xi1>, vector<16xf32>
          %select_n3A_2199 = arith.select %ge3A_2187, %add3A_2186, %select_n3A_2174 : vector<16xi1>, vector<16xi32>
          %add3A_2200 = arith.constant 432 : i32
          %add3A_2201 = arith.addi %mul3A_1524, %add3A_2200 : i32
          %get3A_2202 = arith.constant 0 : i32
          %get3A_2203 = tpu.memref_slice %arg4[%and3A_87, %get3A_2202] : memref<2x32768xf32, #tpu.memory_space<vmem>> -> memref<1x32768xf32, #tpu.memory_space<vmem>>
          %get3A_2204 = tpu.memref_squeeze %get3A_2203 : memref<1x32768xf32, #tpu.memory_space<vmem>> -> memref<32768xf32, #tpu.memory_space<vmem>>
          %get3A_2205 = arith.index_cast %add3A_2201 : i32 to index
          %get3A_2206 = tpu.vector_load %get3A_2204[%get3A_2205] {strides = array<i32>} : memref<32768xf32, #tpu.memory_space<vmem>>, vector<16xf32>,
          %get3A_2207 = vector.shape_cast %get3A_2206 : vector<16xf32> to vector<16xf32>
          %add3A_2208 = arith.constant 432 : i32
          %add3A_2209 = arith.addi %mul3A_1524, %add3A_2208 : i32
          %add3A_2210 = vector.broadcast %add3A_2209 : i32 to vector<16xi32>
          %add3A_2211 = arith.addi %iota3A_108, %add3A_2210 : vector<16xi32>
          %ge3A_2212 = arith.cmpf oge, %get3A_2207, %select_n3A_2198 : vector<16xf32>
          %ge3A_2213 = arith.cmpf oge, %get3A_2207, %select_n3A_2195 : vector<16xf32>
          %ge3A_2214 = arith.cmpf oge, %get3A_2207, %select_n3A_2191 : vector<16xf32>
          %select_n3A_2215 = arith.select %ge3A_2213, %select_n3A_2195, %get3A_2207 : vector<16xi1>, vector<16xf32>
          %select_n3A_2216 = arith.select %ge3A_2214, %select_n3A_2215, %select_n3A_2191 : vector<16xi1>, vector<16xf32>
          %select_n3A_2217 = arith.select %ge3A_2213, %select_n3A_2197, %add3A_2211 : vector<16xi1>, vector<16xi32>
          %select_n3A_2218 = arith.select %ge3A_2214, %select_n3A_2217, %select_n3A_2193 : vector<16xi1>, vector<16xi32>
          %select_n3A_2219 = arith.select %ge3A_2212, %select_n3A_2198, %get3A_2207 : vector<16xi1>, vector<16xf32>
          %select_n3A_2220 = arith.select %ge3A_2213, %select_n3A_2219, %select_n3A_2195 : vector<16xi1>, vector<16xf32>
          %select_n3A_2221 = arith.select %ge3A_2212, %select_n3A_2199, %add3A_2211 : vector<16xi1>, vector<16xi32>
          %select_n3A_2222 = arith.select %ge3A_2213, %select_n3A_2221, %select_n3A_2197 : vector<16xi1>, vector<16xi32>
          %select_n3A_2223 = arith.select %ge3A_2212, %get3A_2207, %select_n3A_2198 : vector<16xi1>, vector<16xf32>
          %select_n3A_2224 = arith.select %ge3A_2212, %add3A_2211, %select_n3A_2199 : vector<16xi1>, vector<16xi32>
          %add3A_2225 = arith.constant 448 : i32
          %add3A_2226 = arith.addi %mul3A_1524, %add3A_2225 : i32
          %get3A_2227 = arith.constant 0 : i32
          %get3A_2228 = tpu.memref_slice %arg4[%and3A_87, %get3A_2227] : memref<2x32768xf32, #tpu.memory_space<vmem>> -> memref<1x32768xf32, #tpu.memory_space<vmem>>
          %get3A_2229 = tpu.memref_squeeze %get3A_2228 : memref<1x32768xf32, #tpu.memory_space<vmem>> -> memref<32768xf32, #tpu.memory_space<vmem>>
          %get3A_2230 = arith.index_cast %add3A_2226 : i32 to index
          %get3A_2231 = tpu.vector_load %get3A_2229[%get3A_2230] {strides = array<i32>} : memref<32768xf32, #tpu.memory_space<vmem>>, vector<16xf32>,
          %get3A_2232 = vector.shape_cast %get3A_2231 : vector<16xf32> to vector<16xf32>
          %add3A_2233 = arith.constant 448 : i32
          %add3A_2234 = arith.addi %mul3A_1524, %add3A_2233 : i32
          %add3A_2235 = vector.broadcast %add3A_2234 : i32 to vector<16xi32>
          %add3A_2236 = arith.addi %iota3A_108, %add3A_2235 : vector<16xi32>
          %ge3A_2237 = arith.cmpf oge, %get3A_2232, %select_n3A_2223 : vector<16xf32>
          %ge3A_2238 = arith.cmpf oge, %get3A_2232, %select_n3A_2220 : vector<16xf32>
          %ge3A_2239 = arith.cmpf oge, %get3A_2232, %select_n3A_2216 : vector<16xf32>
          %select_n3A_2240 = arith.select %ge3A_2238, %select_n3A_2220, %get3A_2232 : vector<16xi1>, vector<16xf32>
          %select_n3A_2241 = arith.select %ge3A_2239, %select_n3A_2240, %select_n3A_2216 : vector<16xi1>, vector<16xf32>
          %select_n3A_2242 = arith.select %ge3A_2238, %select_n3A_2222, %add3A_2236 : vector<16xi1>, vector<16xi32>
          %select_n3A_2243 = arith.select %ge3A_2239, %select_n3A_2242, %select_n3A_2218 : vector<16xi1>, vector<16xi32>
          %select_n3A_2244 = arith.select %ge3A_2237, %select_n3A_2223, %get3A_2232 : vector<16xi1>, vector<16xf32>
          %select_n3A_2245 = arith.select %ge3A_2238, %select_n3A_2244, %select_n3A_2220 : vector<16xi1>, vector<16xf32>
          %select_n3A_2246 = arith.select %ge3A_2237, %select_n3A_2224, %add3A_2236 : vector<16xi1>, vector<16xi32>
          %select_n3A_2247 = arith.select %ge3A_2238, %select_n3A_2246, %select_n3A_2222 : vector<16xi1>, vector<16xi32>
          %select_n3A_2248 = arith.select %ge3A_2237, %get3A_2232, %select_n3A_2223 : vector<16xi1>, vector<16xf32>
          %select_n3A_2249 = arith.select %ge3A_2237, %add3A_2236, %select_n3A_2224 : vector<16xi1>, vector<16xi32>
          %add3A_2250 = arith.constant 464 : i32
          %add3A_2251 = arith.addi %mul3A_1524, %add3A_2250 : i32
          %get3A_2252 = arith.constant 0 : i32
          %get3A_2253 = tpu.memref_slice %arg4[%and3A_87, %get3A_2252] : memref<2x32768xf32, #tpu.memory_space<vmem>> -> memref<1x32768xf32, #tpu.memory_space<vmem>>
          %get3A_2254 = tpu.memref_squeeze %get3A_2253 : memref<1x32768xf32, #tpu.memory_space<vmem>> -> memref<32768xf32, #tpu.memory_space<vmem>>
          %get3A_2255 = arith.index_cast %add3A_2251 : i32 to index
          %get3A_2256 = tpu.vector_load %get3A_2254[%get3A_2255] {strides = array<i32>} : memref<32768xf32, #tpu.memory_space<vmem>>, vector<16xf32>,
          %get3A_2257 = vector.shape_cast %get3A_2256 : vector<16xf32> to vector<16xf32>
          %add3A_2258 = arith.constant 464 : i32
          %add3A_2259 = arith.addi %mul3A_1524, %add3A_2258 : i32
          %add3A_2260 = vector.broadcast %add3A_2259 : i32 to vector<16xi32>
          %add3A_2261 = arith.addi %iota3A_108, %add3A_2260 : vector<16xi32>
          %ge3A_2262 = arith.cmpf oge, %get3A_2257, %select_n3A_2248 : vector<16xf32>
          %ge3A_2263 = arith.cmpf oge, %get3A_2257, %select_n3A_2245 : vector<16xf32>
          %ge3A_2264 = arith.cmpf oge, %get3A_2257, %select_n3A_2241 : vector<16xf32>
          %select_n3A_2265 = arith.select %ge3A_2263, %select_n3A_2245, %get3A_2257 : vector<16xi1>, vector<16xf32>
          %select_n3A_2266 = arith.select %ge3A_2264, %select_n3A_2265, %select_n3A_2241 : vector<16xi1>, vector<16xf32>
          %select_n3A_2267 = arith.select %ge3A_2263, %select_n3A_2247, %add3A_2261 : vector<16xi1>, vector<16xi32>
          %select_n3A_2268 = arith.select %ge3A_2264, %select_n3A_2267, %select_n3A_2243 : vector<16xi1>, vector<16xi32>
          %select_n3A_2269 = arith.select %ge3A_2262, %select_n3A_2248, %get3A_2257 : vector<16xi1>, vector<16xf32>
          %select_n3A_2270 = arith.select %ge3A_2263, %select_n3A_2269, %select_n3A_2245 : vector<16xi1>, vector<16xf32>
          %select_n3A_2271 = arith.select %ge3A_2262, %select_n3A_2249, %add3A_2261 : vector<16xi1>, vector<16xi32>
          %select_n3A_2272 = arith.select %ge3A_2263, %select_n3A_2271, %select_n3A_2247 : vector<16xi1>, vector<16xi32>
          %select_n3A_2273 = arith.select %ge3A_2262, %get3A_2257, %select_n3A_2248 : vector<16xi1>, vector<16xf32>
          %select_n3A_2274 = arith.select %ge3A_2262, %add3A_2261, %select_n3A_2249 : vector<16xi1>, vector<16xi32>
          %add3A_2275 = arith.constant 480 : i32
          %add3A_2276 = arith.addi %mul3A_1524, %add3A_2275 : i32
          %get3A_2277 = arith.constant 0 : i32
          %get3A_2278 = tpu.memref_slice %arg4[%and3A_87, %get3A_2277] : memref<2x32768xf32, #tpu.memory_space<vmem>> -> memref<1x32768xf32, #tpu.memory_space<vmem>>
          %get3A_2279 = tpu.memref_squeeze %get3A_2278 : memref<1x32768xf32, #tpu.memory_space<vmem>> -> memref<32768xf32, #tpu.memory_space<vmem>>
          %get3A_2280 = arith.index_cast %add3A_2276 : i32 to index
          %get3A_2281 = tpu.vector_load %get3A_2279[%get3A_2280] {strides = array<i32>} : memref<32768xf32, #tpu.memory_space<vmem>>, vector<16xf32>,
          %get3A_2282 = vector.shape_cast %get3A_2281 : vector<16xf32> to vector<16xf32>
          %add3A_2283 = arith.constant 480 : i32
          %add3A_2284 = arith.addi %mul3A_1524, %add3A_2283 : i32
          %add3A_2285 = vector.broadcast %add3A_2284 : i32 to vector<16xi32>
          %add3A_2286 = arith.addi %iota3A_108, %add3A_2285 : vector<16xi32>
          %ge3A_2287 = arith.cmpf oge, %get3A_2282, %select_n3A_2273 : vector<16xf32>
          %ge3A_2288 = arith.cmpf oge, %get3A_2282, %select_n3A_2270 : vector<16xf32>
          %ge3A_2289 = arith.cmpf oge, %get3A_2282, %select_n3A_2266 : vector<16xf32>
          %select_n3A_2290 = arith.select %ge3A_2288, %select_n3A_2270, %get3A_2282 : vector<16xi1>, vector<16xf32>
          %select_n3A_2291 = arith.select %ge3A_2289, %select_n3A_2290, %select_n3A_2266 : vector<16xi1>, vector<16xf32>
          %select_n3A_2292 = arith.select %ge3A_2288, %select_n3A_2272, %add3A_2286 : vector<16xi1>, vector<16xi32>
          %select_n3A_2293 = arith.select %ge3A_2289, %select_n3A_2292, %select_n3A_2268 : vector<16xi1>, vector<16xi32>
          %select_n3A_2294 = arith.select %ge3A_2287, %select_n3A_2273, %get3A_2282 : vector<16xi1>, vector<16xf32>
          %select_n3A_2295 = arith.select %ge3A_2288, %select_n3A_2294, %select_n3A_2270 : vector<16xi1>, vector<16xf32>
          %select_n3A_2296 = arith.select %ge3A_2287, %select_n3A_2274, %add3A_2286 : vector<16xi1>, vector<16xi32>
          %select_n3A_2297 = arith.select %ge3A_2288, %select_n3A_2296, %select_n3A_2272 : vector<16xi1>, vector<16xi32>
          %select_n3A_2298 = arith.select %ge3A_2287, %get3A_2282, %select_n3A_2273 : vector<16xi1>, vector<16xf32>
          %select_n3A_2299 = arith.select %ge3A_2287, %add3A_2286, %select_n3A_2274 : vector<16xi1>, vector<16xi32>
          %add3A_2300 = arith.constant 496 : i32
          %add3A_2301 = arith.addi %mul3A_1524, %add3A_2300 : i32
          %get3A_2302 = arith.constant 0 : i32
          %get3A_2303 = tpu.memref_slice %arg4[%and3A_87, %get3A_2302] : memref<2x32768xf32, #tpu.memory_space<vmem>> -> memref<1x32768xf32, #tpu.memory_space<vmem>>
          %get3A_2304 = tpu.memref_squeeze %get3A_2303 : memref<1x32768xf32, #tpu.memory_space<vmem>> -> memref<32768xf32, #tpu.memory_space<vmem>>
          %get3A_2305 = arith.index_cast %add3A_2301 : i32 to index
          %get3A_2306 = tpu.vector_load %get3A_2304[%get3A_2305] {strides = array<i32>} : memref<32768xf32, #tpu.memory_space<vmem>>, vector<16xf32>,
          %get3A_2307 = vector.shape_cast %get3A_2306 : vector<16xf32> to vector<16xf32>
          %add3A_2308 = arith.constant 496 : i32
          %add3A_2309 = arith.addi %mul3A_1524, %add3A_2308 : i32
          %add3A_2310 = vector.broadcast %add3A_2309 : i32 to vector<16xi32>
          %add3A_2311 = arith.addi %iota3A_108, %add3A_2310 : vector<16xi32>
          %ge3A_2312 = arith.cmpf oge, %get3A_2307, %select_n3A_2298 : vector<16xf32>
          %ge3A_2313 = arith.cmpf oge, %get3A_2307, %select_n3A_2295 : vector<16xf32>
          %ge3A_2314 = arith.cmpf oge, %get3A_2307, %select_n3A_2291 : vector<16xf32>
          %select_n3A_2315 = arith.select %ge3A_2313, %select_n3A_2295, %get3A_2307 : vector<16xi1>, vector<16xf32>
          %select_n3A_2316 = arith.select %ge3A_2314, %select_n3A_2315, %select_n3A_2291 : vector<16xi1>, vector<16xf32>
          %select_n3A_2317 = arith.select %ge3A_2313, %select_n3A_2297, %add3A_2311 : vector<16xi1>, vector<16xi32>
          %select_n3A_2318 = arith.select %ge3A_2314, %select_n3A_2317, %select_n3A_2293 : vector<16xi1>, vector<16xi32>
          %select_n3A_2319 = arith.select %ge3A_2312, %select_n3A_2298, %get3A_2307 : vector<16xi1>, vector<16xf32>
          %select_n3A_2320 = arith.select %ge3A_2313, %select_n3A_2319, %select_n3A_2295 : vector<16xi1>, vector<16xf32>
          %select_n3A_2321 = arith.select %ge3A_2312, %select_n3A_2299, %add3A_2311 : vector<16xi1>, vector<16xi32>
          %select_n3A_2322 = arith.select %ge3A_2313, %select_n3A_2321, %select_n3A_2297 : vector<16xi1>, vector<16xi32>
          %select_n3A_2323 = arith.select %ge3A_2312, %get3A_2307, %select_n3A_2298 : vector<16xi1>, vector<16xf32>
          %select_n3A_2324 = arith.select %ge3A_2312, %add3A_2311, %select_n3A_2299 : vector<16xi1>, vector<16xi32>
          %swap3A_2325 = arith.constant 0 : index
          %swap3A_2326 = tpu.vector_load %arg7[%swap3A_2325] {strides = array<i32>} : memref<48xf32, #tpu.memory_space<vmem>>, vector<16xf32>,
          %swap3A_2327 = vector.shape_cast %swap3A_2326 : vector<16xf32> to vector<16xf32>
          %swap3A_2328 = vector.shape_cast %select_n3A_2323 : vector<16xf32> to vector<16xf32>
          tpu.vector_store %arg7[%swap3A_2325], %swap3A_2328 {strides = array<i32>} : memref<48xf32, #tpu.memory_space<vmem>>, vector<16xf32>,
          %swap3A_2329 = arith.constant 16 : index
          %swap3A_2330 = tpu.vector_load %arg7[%swap3A_2329] {strides = array<i32>} : memref<48xf32, #tpu.memory_space<vmem>>, vector<16xf32>,
          %swap3A_2331 = vector.shape_cast %swap3A_2330 : vector<16xf32> to vector<16xf32>
          %swap3A_2332 = vector.shape_cast %select_n3A_2320 : vector<16xf32> to vector<16xf32>
          tpu.vector_store %arg7[%swap3A_2329], %swap3A_2332 {strides = array<i32>} : memref<48xf32, #tpu.memory_space<vmem>>, vector<16xf32>,
          %swap3A_2333 = arith.constant 32 : index
          %swap3A_2334 = tpu.vector_load %arg7[%swap3A_2333] {strides = array<i32>} : memref<48xf32, #tpu.memory_space<vmem>>, vector<16xf32>,
          %swap3A_2335 = vector.shape_cast %swap3A_2334 : vector<16xf32> to vector<16xf32>
          %swap3A_2336 = vector.shape_cast %select_n3A_2316 : vector<16xf32> to vector<16xf32>
          tpu.vector_store %arg7[%swap3A_2333], %swap3A_2336 {strides = array<i32>} : memref<48xf32, #tpu.memory_space<vmem>>, vector<16xf32>,
          %swap3A_2337 = arith.constant 0 : index
          %swap3A_2338 = tpu.vector_load %arg8[%swap3A_2337] {strides = array<i32>} : memref<48xi32, #tpu.memory_space<vmem>>, vector<16xi32>,
          %swap3A_2339 = vector.shape_cast %swap3A_2338 : vector<16xi32> to vector<16xi32>
          %swap3A_2340 = vector.shape_cast %select_n3A_2324 : vector<16xi32> to vector<16xi32>
          tpu.vector_store %arg8[%swap3A_2337], %swap3A_2340 {strides = array<i32>} : memref<48xi32, #tpu.memory_space<vmem>>, vector<16xi32>,
          %swap3A_2341 = arith.constant 16 : index
          %swap3A_2342 = tpu.vector_load %arg8[%swap3A_2341] {strides = array<i32>} : memref<48xi32, #tpu.memory_space<vmem>>, vector<16xi32>,
          %swap3A_2343 = vector.shape_cast %swap3A_2342 : vector<16xi32> to vector<16xi32>
          %swap3A_2344 = vector.shape_cast %select_n3A_2322 : vector<16xi32> to vector<16xi32>
          tpu.vector_store %arg8[%swap3A_2341], %swap3A_2344 {strides = array<i32>} : memref<48xi32, #tpu.memory_space<vmem>>, vector<16xi32>,
          %swap3A_2345 = arith.constant 32 : index
          %swap3A_2346 = tpu.vector_load %arg8[%swap3A_2345] {strides = array<i32>} : memref<48xi32, #tpu.memory_space<vmem>>, vector<16xi32>,
          %swap3A_2347 = vector.shape_cast %swap3A_2346 : vector<16xi32> to vector<16xi32>
          %swap3A_2348 = vector.shape_cast %select_n3A_2318 : vector<16xi32> to vector<16xi32>
          tpu.vector_store %arg8[%swap3A_2345], %swap3A_2348 {strides = array<i32>} : memref<48xi32, #tpu.memory_space<vmem>>, vector<16xi32>,
        } else {
        }
      }
      %scan3A_988 = arith.constant 32 : i32
      %get3A_989 = arith.constant 0 : index
      %get3A_990 = tpu.vector_load %arg7[%get3A_989] {strides = array<i32>} : memref<48xf32, #tpu.memory_space<vmem>>, vector<16xf32>,
      %get3A_991 = vector.shape_cast %get3A_990 : vector<16xf32> to vector<16xf32>
      %get3A_992 = arith.constant 16 : index
      %get3A_993 = tpu.vector_load %arg7[%get3A_992] {strides = array<i32>} : memref<48xf32, #tpu.memory_space<vmem>>, vector<16xf32>,
      %get3A_994 = vector.shape_cast %get3A_993 : vector<16xf32> to vector<16xf32>
      %get3A_995 = arith.constant 32 : index
      %get3A_996 = tpu.vector_load %arg7[%get3A_995] {strides = array<i32>} : memref<48xf32, #tpu.memory_space<vmem>>, vector<16xf32>,
      %get3A_997 = vector.shape_cast %get3A_996 : vector<16xf32> to vector<16xf32>
      %get3A_998 = arith.constant 0 : index
      %get3A_999 = tpu.vector_load %arg8[%get3A_998] {strides = array<i32>} : memref<48xi32, #tpu.memory_space<vmem>>, vector<16xi32>,
      %get3A_1000 = vector.shape_cast %get3A_999 : vector<16xi32> to vector<16xi32>
      %get3A_1001 = arith.constant 16 : index
      %get3A_1002 = tpu.vector_load %arg8[%get3A_1001] {strides = array<i32>} : memref<48xi32, #tpu.memory_space<vmem>>, vector<16xi32>,
      %get3A_1003 = vector.shape_cast %get3A_1002 : vector<16xi32> to vector<16xi32>
      %get3A_1004 = arith.constant 32 : index
      %get3A_1005 = tpu.vector_load %arg8[%get3A_1004] {strides = array<i32>} : memref<48xi32, #tpu.memory_space<vmem>>, vector<16xi32>,
      %get3A_1006 = vector.shape_cast %get3A_1005 : vector<16xi32> to vector<16xi32>
      %broadcast_in_dim3A_1007 = arith.constant 0.000000e+00 : f32
      %broadcast_in_dim3A_1008 = vector.broadcast %broadcast_in_dim3A_1007 : f32 to vector<16xf32>
      %broadcast_in_dim3A_1009 = arith.constant 0 : i32
      %broadcast_in_dim3A_1010 = vector.broadcast %broadcast_in_dim3A_1009 : i32 to vector<16xi32>
      %xor3A_1011 = arith.constant 1 : i32
      %xor3A_1012 = vector.broadcast %xor3A_1011 : i32 to vector<16xi32>
      %xor3A_1013 = arith.xori %iota3A_108, %xor3A_1012 : vector<16xi32>
      %broadcast_in_dim3A_1014 = vector.shape_cast %xor3A_1013 : vector<16xi32> to vector<16x1xi32>
      %gather3A_1015 = vector.shape_cast %broadcast_in_dim3A_1014 : vector<16x1xi32> to vector<16xi32>
      %gather3A_1016 = tpu.dynamic_gather %get3A_991[%gather3A_1015] in [0] : vector<16xf32>, vector<16xi32> -> vector<16xf32>
      %max3A_1017 = arith.maximumf %get3A_991, %gather3A_1016 : vector<16xf32>
      %xor3A_1018 = arith.constant 2 : i32
      %xor3A_1019 = vector.broadcast %xor3A_1018 : i32 to vector<16xi32>
      %xor3A_1020 = arith.xori %iota3A_108, %xor3A_1019 : vector<16xi32>
      %broadcast_in_dim3A_1021 = vector.shape_cast %xor3A_1020 : vector<16xi32> to vector<16x1xi32>
      %gather3A_1022 = vector.shape_cast %broadcast_in_dim3A_1021 : vector<16x1xi32> to vector<16xi32>
      %gather3A_1023 = tpu.dynamic_gather %max3A_1017[%gather3A_1022] in [0] : vector<16xf32>, vector<16xi32> -> vector<16xf32>
      %max3A_1024 = arith.maximumf %max3A_1017, %gather3A_1023 : vector<16xf32>
      %xor3A_1025 = arith.constant 4 : i32
      %xor3A_1026 = vector.broadcast %xor3A_1025 : i32 to vector<16xi32>
      %xor3A_1027 = arith.xori %iota3A_108, %xor3A_1026 : vector<16xi32>
      %broadcast_in_dim3A_1028 = vector.shape_cast %xor3A_1027 : vector<16xi32> to vector<16x1xi32>
      %gather3A_1029 = vector.shape_cast %broadcast_in_dim3A_1028 : vector<16x1xi32> to vector<16xi32>
      %gather3A_1030 = tpu.dynamic_gather %max3A_1024[%gather3A_1029] in [0] : vector<16xf32>, vector<16xi32> -> vector<16xf32>
      %max3A_1031 = arith.maximumf %max3A_1024, %gather3A_1030 : vector<16xf32>
      %xor3A_1032 = arith.constant 8 : i32
      %xor3A_1033 = vector.broadcast %xor3A_1032 : i32 to vector<16xi32>
      %xor3A_1034 = arith.xori %iota3A_108, %xor3A_1033 : vector<16xi32>
      %broadcast_in_dim3A_1035 = vector.shape_cast %xor3A_1034 : vector<16xi32> to vector<16x1xi32>
      %gather3A_1036 = vector.shape_cast %broadcast_in_dim3A_1035 : vector<16x1xi32> to vector<16xi32>
      %gather3A_1037 = tpu.dynamic_gather %max3A_1031[%gather3A_1036] in [0] : vector<16xf32>, vector<16xi32> -> vector<16xf32>
      %max3A_1038 = arith.maximumf %max3A_1031, %gather3A_1037 : vector<16xf32>
      %eq3A_1039 = arith.cmpf oeq, %get3A_991, %max3A_1038 : vector<16xf32>
      %select_n3A_1040 = arith.select %eq3A_1039, %get3A_1000, %broadcast_in_dim3A_114 : vector<16xi1>, vector<16xi32>
      %xor3A_1041 = arith.constant 1 : i32
      %xor3A_1042 = vector.broadcast %xor3A_1041 : i32 to vector<16xi32>
      %xor3A_1043 = arith.xori %iota3A_108, %xor3A_1042 : vector<16xi32>
      %broadcast_in_dim3A_1044 = vector.shape_cast %xor3A_1043 : vector<16xi32> to vector<16x1xi32>
      %gather3A_1045 = vector.shape_cast %broadcast_in_dim3A_1044 : vector<16x1xi32> to vector<16xi32>
      %gather3A_1046 = tpu.dynamic_gather %select_n3A_1040[%gather3A_1045] in [0] : vector<16xi32>, vector<16xi32> -> vector<16xi32>
      %max3A_1047 = arith.maxsi %select_n3A_1040, %gather3A_1046 : vector<16xi32>
      %xor3A_1048 = arith.constant 2 : i32
      %xor3A_1049 = vector.broadcast %xor3A_1048 : i32 to vector<16xi32>
      %xor3A_1050 = arith.xori %iota3A_108, %xor3A_1049 : vector<16xi32>
      %broadcast_in_dim3A_1051 = vector.shape_cast %xor3A_1050 : vector<16xi32> to vector<16x1xi32>
      %gather3A_1052 = vector.shape_cast %broadcast_in_dim3A_1051 : vector<16x1xi32> to vector<16xi32>
      %gather3A_1053 = tpu.dynamic_gather %max3A_1047[%gather3A_1052] in [0] : vector<16xi32>, vector<16xi32> -> vector<16xi32>
      %max3A_1054 = arith.maxsi %max3A_1047, %gather3A_1053 : vector<16xi32>
      %xor3A_1055 = arith.constant 4 : i32
      %xor3A_1056 = vector.broadcast %xor3A_1055 : i32 to vector<16xi32>
      %xor3A_1057 = arith.xori %iota3A_108, %xor3A_1056 : vector<16xi32>
      %broadcast_in_dim3A_1058 = vector.shape_cast %xor3A_1057 : vector<16xi32> to vector<16x1xi32>
      %gather3A_1059 = vector.shape_cast %broadcast_in_dim3A_1058 : vector<16x1xi32> to vector<16xi32>
      %gather3A_1060 = tpu.dynamic_gather %max3A_1054[%gather3A_1059] in [0] : vector<16xi32>, vector<16xi32> -> vector<16xi32>
      %max3A_1061 = arith.maxsi %max3A_1054, %gather3A_1060 : vector<16xi32>
      %xor3A_1062 = arith.constant 8 : i32
      %xor3A_1063 = vector.broadcast %xor3A_1062 : i32 to vector<16xi32>
      %xor3A_1064 = arith.xori %iota3A_108, %xor3A_1063 : vector<16xi32>
      %broadcast_in_dim3A_1065 = vector.shape_cast %xor3A_1064 : vector<16xi32> to vector<16x1xi32>
      %gather3A_1066 = vector.shape_cast %broadcast_in_dim3A_1065 : vector<16x1xi32> to vector<16xi32>
      %gather3A_1067 = tpu.dynamic_gather %max3A_1061[%gather3A_1066] in [0] : vector<16xi32>, vector<16xi32> -> vector<16xi32>
      %max3A_1068 = arith.maxsi %max3A_1061, %gather3A_1067 : vector<16xi32>
      %eq3A_1069 = arith.cmpf oeq, %get3A_991, %max3A_1038 : vector<16xf32>
      %eq3A_1070 = arith.cmpi eq, %get3A_1000, %max3A_1068 : vector<16xi32>
      %and3A_1071 = arith.andi %eq3A_1069, %eq3A_1070 : vector<16xi1>
      %select_n3A_1072 = arith.select %and3A_1071, %get3A_994, %get3A_991 : vector<16xi1>, vector<16xf32>
      %select_n3A_1073 = arith.select %and3A_1071, %get3A_1003, %get3A_1000 : vector<16xi1>, vector<16xi32>
      %select_n3A_1074 = arith.select %and3A_1071, %get3A_997, %get3A_994 : vector<16xi1>, vector<16xf32>
      %select_n3A_1075 = arith.select %and3A_1071, %get3A_1006, %get3A_1003 : vector<16xi1>, vector<16xi32>
      %eq3A_1076 = arith.constant 0 : i32
      %eq3A_1077 = vector.broadcast %eq3A_1076 : i32 to vector<16xi32>
      %eq3A_1078 = arith.cmpi eq, %iota3A_108, %eq3A_1077 : vector<16xi32>
      %select_n3A_1079 = arith.select %eq3A_1078, %max3A_1038, %broadcast_in_dim3A_1008 : vector<16xi1>, vector<16xf32>
      %eq3A_1080 = arith.constant 0 : i32
      %eq3A_1081 = vector.broadcast %eq3A_1080 : i32 to vector<16xi32>
      %eq3A_1082 = arith.cmpi eq, %iota3A_108, %eq3A_1081 : vector<16xi32>
      %select_n3A_1083 = arith.select %eq3A_1082, %max3A_1068, %broadcast_in_dim3A_1010 : vector<16xi1>, vector<16xi32>
      %xor3A_1084 = arith.constant 1 : i32
      %xor3A_1085 = vector.broadcast %xor3A_1084 : i32 to vector<16xi32>
      %xor3A_1086 = arith.xori %iota3A_108, %xor3A_1085 : vector<16xi32>
      %broadcast_in_dim3A_1087 = vector.shape_cast %xor3A_1086 : vector<16xi32> to vector<16x1xi32>
      %gather3A_1088 = vector.shape_cast %broadcast_in_dim3A_1087 : vector<16x1xi32> to vector<16xi32>
      %gather3A_1089 = tpu.dynamic_gather %select_n3A_1072[%gather3A_1088] in [0] : vector<16xf32>, vector<16xi32> -> vector<16xf32>
      %max3A_1090 = arith.maximumf %select_n3A_1072, %gather3A_1089 : vector<16xf32>
      %xor3A_1091 = arith.constant 2 : i32
      %xor3A_1092 = vector.broadcast %xor3A_1091 : i32 to vector<16xi32>
      %xor3A_1093 = arith.xori %iota3A_108, %xor3A_1092 : vector<16xi32>
      %broadcast_in_dim3A_1094 = vector.shape_cast %xor3A_1093 : vector<16xi32> to vector<16x1xi32>
      %gather3A_1095 = vector.shape_cast %broadcast_in_dim3A_1094 : vector<16x1xi32> to vector<16xi32>
      %gather3A_1096 = tpu.dynamic_gather %max3A_1090[%gather3A_1095] in [0] : vector<16xf32>, vector<16xi32> -> vector<16xf32>
      %max3A_1097 = arith.maximumf %max3A_1090, %gather3A_1096 : vector<16xf32>
      %xor3A_1098 = arith.constant 4 : i32
      %xor3A_1099 = vector.broadcast %xor3A_1098 : i32 to vector<16xi32>
      %xor3A_1100 = arith.xori %iota3A_108, %xor3A_1099 : vector<16xi32>
      %broadcast_in_dim3A_1101 = vector.shape_cast %xor3A_1100 : vector<16xi32> to vector<16x1xi32>
      %gather3A_1102 = vector.shape_cast %broadcast_in_dim3A_1101 : vector<16x1xi32> to vector<16xi32>
      %gather3A_1103 = tpu.dynamic_gather %max3A_1097[%gather3A_1102] in [0] : vector<16xf32>, vector<16xi32> -> vector<16xf32>
      %max3A_1104 = arith.maximumf %max3A_1097, %gather3A_1103 : vector<16xf32>
      %xor3A_1105 = arith.constant 8 : i32
      %xor3A_1106 = vector.broadcast %xor3A_1105 : i32 to vector<16xi32>
      %xor3A_1107 = arith.xori %iota3A_108, %xor3A_1106 : vector<16xi32>
      %broadcast_in_dim3A_1108 = vector.shape_cast %xor3A_1107 : vector<16xi32> to vector<16x1xi32>
      %gather3A_1109 = vector.shape_cast %broadcast_in_dim3A_1108 : vector<16x1xi32> to vector<16xi32>
      %gather3A_1110 = tpu.dynamic_gather %max3A_1104[%gather3A_1109] in [0] : vector<16xf32>, vector<16xi32> -> vector<16xf32>
      %max3A_1111 = arith.maximumf %max3A_1104, %gather3A_1110 : vector<16xf32>
      %eq3A_1112 = arith.cmpf oeq, %select_n3A_1072, %max3A_1111 : vector<16xf32>
      %select_n3A_1113 = arith.select %eq3A_1112, %select_n3A_1073, %broadcast_in_dim3A_114 : vector<16xi1>, vector<16xi32>
      %xor3A_1114 = arith.constant 1 : i32
      %xor3A_1115 = vector.broadcast %xor3A_1114 : i32 to vector<16xi32>
      %xor3A_1116 = arith.xori %iota3A_108, %xor3A_1115 : vector<16xi32>
      %broadcast_in_dim3A_1117 = vector.shape_cast %xor3A_1116 : vector<16xi32> to vector<16x1xi32>
      %gather3A_1118 = vector.shape_cast %broadcast_in_dim3A_1117 : vector<16x1xi32> to vector<16xi32>
      %gather3A_1119 = tpu.dynamic_gather %select_n3A_1113[%gather3A_1118] in [0] : vector<16xi32>, vector<16xi32> -> vector<16xi32>
      %max3A_1120 = arith.maxsi %select_n3A_1113, %gather3A_1119 : vector<16xi32>
      %xor3A_1121 = arith.constant 2 : i32
      %xor3A_1122 = vector.broadcast %xor3A_1121 : i32 to vector<16xi32>
      %xor3A_1123 = arith.xori %iota3A_108, %xor3A_1122 : vector<16xi32>
      %broadcast_in_dim3A_1124 = vector.shape_cast %xor3A_1123 : vector<16xi32> to vector<16x1xi32>
      %gather3A_1125 = vector.shape_cast %broadcast_in_dim3A_1124 : vector<16x1xi32> to vector<16xi32>
      %gather3A_1126 = tpu.dynamic_gather %max3A_1120[%gather3A_1125] in [0] : vector<16xi32>, vector<16xi32> -> vector<16xi32>
      %max3A_1127 = arith.maxsi %max3A_1120, %gather3A_1126 : vector<16xi32>
      %xor3A_1128 = arith.constant 4 : i32
      %xor3A_1129 = vector.broadcast %xor3A_1128 : i32 to vector<16xi32>
      %xor3A_1130 = arith.xori %iota3A_108, %xor3A_1129 : vector<16xi32>
      %broadcast_in_dim3A_1131 = vector.shape_cast %xor3A_1130 : vector<16xi32> to vector<16x1xi32>
      %gather3A_1132 = vector.shape_cast %broadcast_in_dim3A_1131 : vector<16x1xi32> to vector<16xi32>
      %gather3A_1133 = tpu.dynamic_gather %max3A_1127[%gather3A_1132] in [0] : vector<16xi32>, vector<16xi32> -> vector<16xi32>
      %max3A_1134 = arith.maxsi %max3A_1127, %gather3A_1133 : vector<16xi32>
      %xor3A_1135 = arith.constant 8 : i32
      %xor3A_1136 = vector.broadcast %xor3A_1135 : i32 to vector<16xi32>
      %xor3A_1137 = arith.xori %iota3A_108, %xor3A_1136 : vector<16xi32>
      %broadcast_in_dim3A_1138 = vector.shape_cast %xor3A_1137 : vector<16xi32> to vector<16x1xi32>
      %gather3A_1139 = vector.shape_cast %broadcast_in_dim3A_1138 : vector<16x1xi32> to vector<16xi32>
      %gather3A_1140 = tpu.dynamic_gather %max3A_1134[%gather3A_1139] in [0] : vector<16xi32>, vector<16xi32> -> vector<16xi32>
      %max3A_1141 = arith.maxsi %max3A_1134, %gather3A_1140 : vector<16xi32>
      %eq3A_1142 = arith.cmpf oeq, %select_n3A_1072, %max3A_1111 : vector<16xf32>
      %eq3A_1143 = arith.cmpi eq, %select_n3A_1073, %max3A_1141 : vector<16xi32>
      %and3A_1144 = arith.andi %eq3A_1142, %eq3A_1143 : vector<16xi1>
      %select_n3A_1145 = arith.select %and3A_1144, %select_n3A_1074, %select_n3A_1072 : vector<16xi1>, vector<16xf32>
      %select_n3A_1146 = arith.select %and3A_1144, %select_n3A_1075, %select_n3A_1073 : vector<16xi1>, vector<16xi32>
      %select_n3A_1147 = arith.select %and3A_1144, %get3A_997, %select_n3A_1074 : vector<16xi1>, vector<16xf32>
      %select_n3A_1148 = arith.select %and3A_1144, %get3A_1006, %select_n3A_1075 : vector<16xi1>, vector<16xi32>
      %eq3A_1149 = arith.constant 1 : i32
      %eq3A_1150 = vector.broadcast %eq3A_1149 : i32 to vector<16xi32>
      %eq3A_1151 = arith.cmpi eq, %iota3A_108, %eq3A_1150 : vector<16xi32>
      %select_n3A_1152 = arith.select %eq3A_1151, %max3A_1111, %select_n3A_1079 : vector<16xi1>, vector<16xf32>
      %eq3A_1153 = arith.constant 1 : i32
      %eq3A_1154 = vector.broadcast %eq3A_1153 : i32 to vector<16xi32>
      %eq3A_1155 = arith.cmpi eq, %iota3A_108, %eq3A_1154 : vector<16xi32>
      %select_n3A_1156 = arith.select %eq3A_1155, %max3A_1141, %select_n3A_1083 : vector<16xi1>, vector<16xi32>
      %xor3A_1157 = arith.constant 1 : i32
      %xor3A_1158 = vector.broadcast %xor3A_1157 : i32 to vector<16xi32>
      %xor3A_1159 = arith.xori %iota3A_108, %xor3A_1158 : vector<16xi32>
      %broadcast_in_dim3A_1160 = vector.shape_cast %xor3A_1159 : vector<16xi32> to vector<16x1xi32>
      %gather3A_1161 = vector.shape_cast %broadcast_in_dim3A_1160 : vector<16x1xi32> to vector<16xi32>
      %gather3A_1162 = tpu.dynamic_gather %select_n3A_1145[%gather3A_1161] in [0] : vector<16xf32>, vector<16xi32> -> vector<16xf32>
      %max3A_1163 = arith.maximumf %select_n3A_1145, %gather3A_1162 : vector<16xf32>
      %xor3A_1164 = arith.constant 2 : i32
      %xor3A_1165 = vector.broadcast %xor3A_1164 : i32 to vector<16xi32>
      %xor3A_1166 = arith.xori %iota3A_108, %xor3A_1165 : vector<16xi32>
      %broadcast_in_dim3A_1167 = vector.shape_cast %xor3A_1166 : vector<16xi32> to vector<16x1xi32>
      %gather3A_1168 = vector.shape_cast %broadcast_in_dim3A_1167 : vector<16x1xi32> to vector<16xi32>
      %gather3A_1169 = tpu.dynamic_gather %max3A_1163[%gather3A_1168] in [0] : vector<16xf32>, vector<16xi32> -> vector<16xf32>
      %max3A_1170 = arith.maximumf %max3A_1163, %gather3A_1169 : vector<16xf32>
      %xor3A_1171 = arith.constant 4 : i32
      %xor3A_1172 = vector.broadcast %xor3A_1171 : i32 to vector<16xi32>
      %xor3A_1173 = arith.xori %iota3A_108, %xor3A_1172 : vector<16xi32>
      %broadcast_in_dim3A_1174 = vector.shape_cast %xor3A_1173 : vector<16xi32> to vector<16x1xi32>
      %gather3A_1175 = vector.shape_cast %broadcast_in_dim3A_1174 : vector<16x1xi32> to vector<16xi32>
      %gather3A_1176 = tpu.dynamic_gather %max3A_1170[%gather3A_1175] in [0] : vector<16xf32>, vector<16xi32> -> vector<16xf32>
      %max3A_1177 = arith.maximumf %max3A_1170, %gather3A_1176 : vector<16xf32>
      %xor3A_1178 = arith.constant 8 : i32
      %xor3A_1179 = vector.broadcast %xor3A_1178 : i32 to vector<16xi32>
      %xor3A_1180 = arith.xori %iota3A_108, %xor3A_1179 : vector<16xi32>
      %broadcast_in_dim3A_1181 = vector.shape_cast %xor3A_1180 : vector<16xi32> to vector<16x1xi32>
      %gather3A_1182 = vector.shape_cast %broadcast_in_dim3A_1181 : vector<16x1xi32> to vector<16xi32>
      %gather3A_1183 = tpu.dynamic_gather %max3A_1177[%gather3A_1182] in [0] : vector<16xf32>, vector<16xi32> -> vector<16xf32>
      %max3A_1184 = arith.maximumf %max3A_1177, %gather3A_1183 : vector<16xf32>
      %eq3A_1185 = arith.cmpf oeq, %select_n3A_1145, %max3A_1184 : vector<16xf32>
      %select_n3A_1186 = arith.select %eq3A_1185, %select_n3A_1146, %broadcast_in_dim3A_114 : vector<16xi1>, vector<16xi32>
      %xor3A_1187 = arith.constant 1 : i32
      %xor3A_1188 = vector.broadcast %xor3A_1187 : i32 to vector<16xi32>
      %xor3A_1189 = arith.xori %iota3A_108, %xor3A_1188 : vector<16xi32>
      %broadcast_in_dim3A_1190 = vector.shape_cast %xor3A_1189 : vector<16xi32> to vector<16x1xi32>
      %gather3A_1191 = vector.shape_cast %broadcast_in_dim3A_1190 : vector<16x1xi32> to vector<16xi32>
      %gather3A_1192 = tpu.dynamic_gather %select_n3A_1186[%gather3A_1191] in [0] : vector<16xi32>, vector<16xi32> -> vector<16xi32>
      %max3A_1193 = arith.maxsi %select_n3A_1186, %gather3A_1192 : vector<16xi32>
      %xor3A_1194 = arith.constant 2 : i32
      %xor3A_1195 = vector.broadcast %xor3A_1194 : i32 to vector<16xi32>
      %xor3A_1196 = arith.xori %iota3A_108, %xor3A_1195 : vector<16xi32>
      %broadcast_in_dim3A_1197 = vector.shape_cast %xor3A_1196 : vector<16xi32> to vector<16x1xi32>
      %gather3A_1198 = vector.shape_cast %broadcast_in_dim3A_1197 : vector<16x1xi32> to vector<16xi32>
      %gather3A_1199 = tpu.dynamic_gather %max3A_1193[%gather3A_1198] in [0] : vector<16xi32>, vector<16xi32> -> vector<16xi32>
      %max3A_1200 = arith.maxsi %max3A_1193, %gather3A_1199 : vector<16xi32>
      %xor3A_1201 = arith.constant 4 : i32
      %xor3A_1202 = vector.broadcast %xor3A_1201 : i32 to vector<16xi32>
      %xor3A_1203 = arith.xori %iota3A_108, %xor3A_1202 : vector<16xi32>
      %broadcast_in_dim3A_1204 = vector.shape_cast %xor3A_1203 : vector<16xi32> to vector<16x1xi32>
      %gather3A_1205 = vector.shape_cast %broadcast_in_dim3A_1204 : vector<16x1xi32> to vector<16xi32>
      %gather3A_1206 = tpu.dynamic_gather %max3A_1200[%gather3A_1205] in [0] : vector<16xi32>, vector<16xi32> -> vector<16xi32>
      %max3A_1207 = arith.maxsi %max3A_1200, %gather3A_1206 : vector<16xi32>
      %xor3A_1208 = arith.constant 8 : i32
      %xor3A_1209 = vector.broadcast %xor3A_1208 : i32 to vector<16xi32>
      %xor3A_1210 = arith.xori %iota3A_108, %xor3A_1209 : vector<16xi32>
      %broadcast_in_dim3A_1211 = vector.shape_cast %xor3A_1210 : vector<16xi32> to vector<16x1xi32>
      %gather3A_1212 = vector.shape_cast %broadcast_in_dim3A_1211 : vector<16x1xi32> to vector<16xi32>
      %gather3A_1213 = tpu.dynamic_gather %max3A_1207[%gather3A_1212] in [0] : vector<16xi32>, vector<16xi32> -> vector<16xi32>
      %max3A_1214 = arith.maxsi %max3A_1207, %gather3A_1213 : vector<16xi32>
      %eq3A_1215 = arith.cmpf oeq, %select_n3A_1145, %max3A_1184 : vector<16xf32>
      %eq3A_1216 = arith.cmpi eq, %select_n3A_1146, %max3A_1214 : vector<16xi32>
      %and3A_1217 = arith.andi %eq3A_1215, %eq3A_1216 : vector<16xi1>
      %select_n3A_1218 = arith.select %and3A_1217, %select_n3A_1147, %select_n3A_1145 : vector<16xi1>, vector<16xf32>
      %select_n3A_1219 = arith.select %and3A_1217, %select_n3A_1148, %select_n3A_1146 : vector<16xi1>, vector<16xi32>
      %select_n3A_1220 = arith.select %and3A_1217, %get3A_997, %select_n3A_1147 : vector<16xi1>, vector<16xf32>
      %select_n3A_1221 = arith.select %and3A_1217, %get3A_1006, %select_n3A_1148 : vector<16xi1>, vector<16xi32>
      %eq3A_1222 = arith.constant 2 : i32
      %eq3A_1223 = vector.broadcast %eq3A_1222 : i32 to vector<16xi32>
      %eq3A_1224 = arith.cmpi eq, %iota3A_108, %eq3A_1223 : vector<16xi32>
      %select_n3A_1225 = arith.select %eq3A_1224, %max3A_1184, %select_n3A_1152 : vector<16xi1>, vector<16xf32>
      %eq3A_1226 = arith.constant 2 : i32
      %eq3A_1227 = vector.broadcast %eq3A_1226 : i32 to vector<16xi32>
      %eq3A_1228 = arith.cmpi eq, %iota3A_108, %eq3A_1227 : vector<16xi32>
      %select_n3A_1229 = arith.select %eq3A_1228, %max3A_1214, %select_n3A_1156 : vector<16xi1>, vector<16xi32>
      %gt3A = arith.constant 0 : i32
      %gt3A_1230 = arith.cmpi sgt, %scan3A_86, %gt3A : i32
      %convert_element_type3A_1231 = arith.extui %gt3A_1230 : i1 to i32
      %cond3A_1232 = arith.constant 0 : i32
      %cond3A_1233 = arith.cmpi ne, %convert_element_type3A_1231, %cond3A_1232 : i32
      scf.if %cond3A_1233 {
        %dma_wait3A_1474 = arith.constant 0 : i32
        %dma_wait3A_1475 = arith.constant 0 : i32
        %dma_wait3A_1476 = tpu.memref_slice %arg9[%dma_wait3A_1474, %dma_wait3A_1475] : memref<3x16xf32, #tpu.memory_space<vmem>> -> memref<1x16xf32, #tpu.memory_space<vmem>>
        %dma_wait3A_1477 = tpu.memref_squeeze %dma_wait3A_1476 : memref<1x16xf32, #tpu.memory_space<vmem>> -> memref<16xf32, #tpu.memory_space<vmem>>
        %dma_wait3A_1478 = arith.constant 0 : i32
        %dma_wait3A_1479 = tpu.memref_slice %arg3[%add3A_89, %dma_wait3A_1478] : memref<128x32768xf32, #tpu.memory_space<hbm>> -> memref<1x32768xf32, #tpu.memory_space<hbm>>
        %dma_wait3A_1480 = tpu.memref_squeeze %dma_wait3A_1479 : memref<1x32768xf32, #tpu.memory_space<hbm>> -> memref<32768xf32, #tpu.memory_space<hbm>>
        %dma_wait3A_1481 = arith.constant 0 : i32
        %dma_wait3A_1482 = tpu.memref_slice %dma_wait3A_1480[%dma_wait3A_1481] : memref<32768xf32, #tpu.memory_space<hbm>> -> memref<16xf32, #tpu.memory_space<hbm>>
        %dma_wait3A_1483 = arith.constant 0 : i32
        %dma_wait3A_1484 = tpu.memref_slice %arg3[%add3A_89, %dma_wait3A_1483] : memref<128x32768xf32, #tpu.memory_space<hbm>> -> memref<1x32768xf32, #tpu.memory_space<hbm>>
        %dma_wait3A_1485 = tpu.memref_squeeze %dma_wait3A_1484 : memref<1x32768xf32, #tpu.memory_space<hbm>> -> memref<32768xf32, #tpu.memory_space<hbm>>
        %dma_wait3A_1486 = arith.constant 0 : i32
        %dma_wait3A_1487 = tpu.memref_slice %dma_wait3A_1485[%dma_wait3A_1486] : memref<32768xf32, #tpu.memory_space<hbm>> -> memref<16xf32, #tpu.memory_space<hbm>>
        %dma_wait3A_1488 = arith.constant 0 : i32
        %dma_wait3A_1489 = tpu.memref_slice %arg9[%dma_wait3A_1474, %dma_wait3A_1488] : memref<3x16xf32, #tpu.memory_space<vmem>> -> memref<1x16xf32, #tpu.memory_space<vmem>>
        %dma_wait3A_1490 = tpu.memref_squeeze %dma_wait3A_1489 : memref<1x16xf32, #tpu.memory_space<vmem>> -> memref<16xf32, #tpu.memory_space<vmem>>
        tpu.wait_dma2 semaphore(%arg12 : memref<!tpu.dma_semaphore, #tpu.memory_space<semaphore_mem>>) src(%dma_wait3A_1490 : memref<16xf32, #tpu.memory_space<vmem>>) dst(%dma_wait3A_1487 : memref<16xf32, #tpu.memory_space<hbm>>)
        %dma_wait3A_1491 = arith.constant 1 : i32
        %dma_wait3A_1492 = arith.constant 0 : i32
        %dma_wait3A_1493 = tpu.memref_slice %arg9[%dma_wait3A_1491, %dma_wait3A_1492] : memref<3x16xf32, #tpu.memory_space<vmem>> -> memref<1x16xf32, #tpu.memory_space<vmem>>
        %dma_wait3A_1494 = tpu.memref_squeeze %dma_wait3A_1493 : memref<1x16xf32, #tpu.memory_space<vmem>> -> memref<16xf32, #tpu.memory_space<vmem>>
        %dma_wait3A_1495 = arith.constant 0 : i32
        %dma_wait3A_1496 = tpu.memref_slice %arg3[%add3A_89, %dma_wait3A_1495] : memref<128x32768xf32, #tpu.memory_space<hbm>> -> memref<1x32768xf32, #tpu.memory_space<hbm>>
        %dma_wait3A_1497 = tpu.memref_squeeze %dma_wait3A_1496 : memref<1x32768xf32, #tpu.memory_space<hbm>> -> memref<32768xf32, #tpu.memory_space<hbm>>
        %dma_wait3A_1498 = arith.constant 0 : i32
        %dma_wait3A_1499 = tpu.memref_slice %dma_wait3A_1497[%dma_wait3A_1498] : memref<32768xf32, #tpu.memory_space<hbm>> -> memref<16xf32, #tpu.memory_space<hbm>>
        %dma_wait3A_1500 = arith.constant 0 : i32
        %dma_wait3A_1501 = tpu.memref_slice %arg3[%add3A_89, %dma_wait3A_1500] : memref<128x32768xf32, #tpu.memory_space<hbm>> -> memref<1x32768xf32, #tpu.memory_space<hbm>>
        %dma_wait3A_1502 = tpu.memref_squeeze %dma_wait3A_1501 : memref<1x32768xf32, #tpu.memory_space<hbm>> -> memref<32768xf32, #tpu.memory_space<hbm>>
        %dma_wait3A_1503 = arith.constant 0 : i32
        %dma_wait3A_1504 = tpu.memref_slice %dma_wait3A_1502[%dma_wait3A_1503] : memref<32768xf32, #tpu.memory_space<hbm>> -> memref<16xf32, #tpu.memory_space<hbm>>
        %dma_wait3A_1505 = arith.constant 0 : i32
        %dma_wait3A_1506 = tpu.memref_slice %arg9[%dma_wait3A_1491, %dma_wait3A_1505] : memref<3x16xf32, #tpu.memory_space<vmem>> -> memref<1x16xf32, #tpu.memory_space<vmem>>
        %dma_wait3A_1507 = tpu.memref_squeeze %dma_wait3A_1506 : memref<1x16xf32, #tpu.memory_space<vmem>> -> memref<16xf32, #tpu.memory_space<vmem>>
        tpu.wait_dma2 semaphore(%arg12 : memref<!tpu.dma_semaphore, #tpu.memory_space<semaphore_mem>>) src(%dma_wait3A_1507 : memref<16xf32, #tpu.memory_space<vmem>>) dst(%dma_wait3A_1504 : memref<16xf32, #tpu.memory_space<hbm>>)
        %dma_wait3A_1508 = arith.constant 2 : i32
        %dma_wait3A_1509 = arith.constant 0 : i32
        %dma_wait3A_1510 = tpu.memref_slice %arg9[%dma_wait3A_1508, %dma_wait3A_1509] : memref<3x16xf32, #tpu.memory_space<vmem>> -> memref<1x16xf32, #tpu.memory_space<vmem>>
        %dma_wait3A_1511 = tpu.memref_squeeze %dma_wait3A_1510 : memref<1x16xf32, #tpu.memory_space<vmem>> -> memref<16xf32, #tpu.memory_space<vmem>>
        %dma_wait3A_1512 = arith.constant 0 : i32
        %dma_wait3A_1513 = tpu.memref_slice %arg3[%add3A_89, %dma_wait3A_1512] : memref<128x32768xf32, #tpu.memory_space<hbm>> -> memref<1x32768xf32, #tpu.memory_space<hbm>>
        %dma_wait3A_1514 = tpu.memref_squeeze %dma_wait3A_1513 : memref<1x32768xf32, #tpu.memory_space<hbm>> -> memref<32768xf32, #tpu.memory_space<hbm>>
        %dma_wait3A_1515 = arith.constant 0 : i32
        %dma_wait3A_1516 = tpu.memref_slice %dma_wait3A_1514[%dma_wait3A_1515] : memref<32768xf32, #tpu.memory_space<hbm>> -> memref<16xf32, #tpu.memory_space<hbm>>
        %dma_wait3A_1517 = arith.constant 0 : i32
        %dma_wait3A_1518 = tpu.memref_slice %arg3[%add3A_89, %dma_wait3A_1517] : memref<128x32768xf32, #tpu.memory_space<hbm>> -> memref<1x32768xf32, #tpu.memory_space<hbm>>
        %dma_wait3A_1519 = tpu.memref_squeeze %dma_wait3A_1518 : memref<1x32768xf32, #tpu.memory_space<hbm>> -> memref<32768xf32, #tpu.memory_space<hbm>>
        %dma_wait3A_1520 = arith.constant 0 : i32
        %dma_wait3A_1521 = tpu.memref_slice %dma_wait3A_1519[%dma_wait3A_1520] : memref<32768xf32, #tpu.memory_space<hbm>> -> memref<16xf32, #tpu.memory_space<hbm>>
        %dma_wait3A_1522 = arith.constant 0 : i32
        %dma_wait3A_1523 = tpu.memref_slice %arg9[%dma_wait3A_1508, %dma_wait3A_1522] : memref<3x16xf32, #tpu.memory_space<vmem>> -> memref<1x16xf32, #tpu.memory_space<vmem>>
        %dma_wait3A_1524 = tpu.memref_squeeze %dma_wait3A_1523 : memref<1x16xf32, #tpu.memory_space<vmem>> -> memref<16xf32, #tpu.memory_space<vmem>>
        tpu.wait_dma2 semaphore(%arg12 : memref<!tpu.dma_semaphore, #tpu.memory_space<semaphore_mem>>) src(%dma_wait3A_1524 : memref<16xf32, #tpu.memory_space<vmem>>) dst(%dma_wait3A_1521 : memref<16xf32, #tpu.memory_space<hbm>>)
      } else {
      }
      %dma_wait3A_1234 = arith.constant 0 : i32
      %dma_wait3A_1235 = tpu.memref_slice %arg3[%add3A_89, %dma_wait3A_1234] : memref<128x32768xf32, #tpu.memory_space<hbm>> -> memref<1x32768xf32, #tpu.memory_space<hbm>>
      %dma_wait3A_1236 = tpu.memref_squeeze %dma_wait3A_1235 : memref<1x32768xf32, #tpu.memory_space<hbm>> -> memref<32768xf32, #tpu.memory_space<hbm>>
      %dma_wait3A_1237 = arith.constant 0 : i32
      %dma_wait3A_1238 = tpu.memref_slice %arg3[%add3A_89, %dma_wait3A_1237] : memref<128x32768xf32, #tpu.memory_space<hbm>> -> memref<1x32768xf32, #tpu.memory_space<hbm>>
      %dma_wait3A_1239 = tpu.memref_squeeze %dma_wait3A_1238 : memref<1x32768xf32, #tpu.memory_space<hbm>> -> memref<32768xf32, #tpu.memory_space<hbm>>
      tpu.wait_dma2 semaphore(%arg11 : memref<!tpu.dma_semaphore, #tpu.memory_space<semaphore_mem>>) src(%arg5 : memref<32768xf32, #tpu.memory_space<vmem>>) dst(%dma_wait3A_1239 : memref<32768xf32, #tpu.memory_space<hbm>>)
      %gt3A_1240 = arith.constant 5.000000e-02 : f32
      %gt3A_1241 = vector.broadcast %gt3A_1240 : f32 to vector<16xf32>
      %gt3A_1242 = arith.cmpf ogt, %select_n3A_1225, %gt3A_1241 : vector<16xf32>
      %jit3A_1243 = arith.constant 0.000000e+00 : f32
      %broadcast_in_dim3A_1244 = vector.broadcast %jit3A_1243 : f32 to vector<16xf32>
      %select_n3A_1245 = arith.select %gt3A_1242, %select_n3A_1225, %broadcast_in_dim3A_1244 : vector<16xi1>, vector<16xf32>
      %slice3A_1246 = vector.extract_strided_slice %select_n3A_1229 {offsets = [0], sizes = [1], strides = [1]} : vector<16xi32> to vector<1xi32>
      %squeeze3A_1247 = vector.extract %slice3A_1246[0] : i32 from vector<1xi32>
      %jit3A_1248 = arith.constant 16 : i32
      %div3A = arith.divsi %squeeze3A_1247, %jit3A_1248 : i32
      %sign3A = arith.constant 0 : i32
      %sign3A_1249 = arith.cmpi sgt, %squeeze3A_1247, %sign3A : i32
      %sign3A_1250 = arith.extui %sign3A_1249 : i1 to i32
      %sign3A_1251 = arith.constant 0 : i32
      %sign3A_1252 = arith.cmpi slt, %squeeze3A_1247, %sign3A_1251 : i32
      %sign3A_1253 = arith.extui %sign3A_1252 : i1 to i32
      %sign3A_1254 = arith.subi %sign3A_1250, %sign3A_1253 : i32
      %sign3A_1255 = arith.constant 0 : i32
      %sign3A_1256 = arith.cmpi sgt, %jit3A_1248, %sign3A_1255 : i32
      %sign3A_1257 = arith.extui %sign3A_1256 : i1 to i32
      %sign3A_1258 = arith.constant 0 : i32
      %sign3A_1259 = arith.cmpi slt, %jit3A_1248, %sign3A_1258 : i32
      %sign3A_1260 = arith.extui %sign3A_1259 : i1 to i32
      %sign3A_1261 = arith.subi %sign3A_1257, %sign3A_1260 : i32
      %ne3A = arith.cmpi ne, %sign3A_1254, %sign3A_1261 : i32
      %rem3A = arith.remsi %squeeze3A_1247, %jit3A_1248 : i32
      %ne3A_1262 = arith.constant 0 : i32
      %ne3A_1263 = arith.cmpi ne, %rem3A, %ne3A_1262 : i32
      %and3A_1264 = arith.andi %ne3A, %ne3A_1263 : i1
      %sub3A_1265 = arith.constant 1 : i32
      %sub3A_1266 = arith.subi %div3A, %sub3A_1265 : i32
      %select_n3A_1267 = arith.select %and3A_1264, %sub3A_1266, %div3A : i32
      %mul3A_1268 = arith.constant 16 : i32
      %mul3A_1269 = arith.muli %select_n3A_1267, %mul3A_1268 : i32
      %sub3A_1270 = arith.subi %squeeze3A_1247, %mul3A_1269 : i32
      %slice3A_1271 = vector.extract_strided_slice %select_n3A_1245 {offsets = [0], sizes = [1], strides = [1]} : vector<16xf32> to vector<1xf32>
      %squeeze3A_1272 = vector.extract %slice3A_1271[0] : f32 from vector<1xf32>
      %slice3A_1273 = vector.extract_strided_slice %select_n3A_1229 {offsets = [1], sizes = [1], strides = [1]} : vector<16xi32> to vector<1xi32>
      %squeeze3A_1274 = vector.extract %slice3A_1273[0] : i32 from vector<1xi32>
      %jit3A_1275 = arith.constant 16 : i32
      %div3A_1276 = arith.divsi %squeeze3A_1274, %jit3A_1275 : i32
      %sign3A_1277 = arith.constant 0 : i32
      %sign3A_1278 = arith.cmpi sgt, %squeeze3A_1274, %sign3A_1277 : i32
      %sign3A_1279 = arith.extui %sign3A_1278 : i1 to i32
      %sign3A_1280 = arith.constant 0 : i32
      %sign3A_1281 = arith.cmpi slt, %squeeze3A_1274, %sign3A_1280 : i32
      %sign3A_1282 = arith.extui %sign3A_1281 : i1 to i32
      %sign3A_1283 = arith.subi %sign3A_1279, %sign3A_1282 : i32
      %sign3A_1284 = arith.constant 0 : i32
      %sign3A_1285 = arith.cmpi sgt, %jit3A_1275, %sign3A_1284 : i32
      %sign3A_1286 = arith.extui %sign3A_1285 : i1 to i32
      %sign3A_1287 = arith.constant 0 : i32
      %sign3A_1288 = arith.cmpi slt, %jit3A_1275, %sign3A_1287 : i32
      %sign3A_1289 = arith.extui %sign3A_1288 : i1 to i32
      %sign3A_1290 = arith.subi %sign3A_1286, %sign3A_1289 : i32
      %ne3A_1291 = arith.cmpi ne, %sign3A_1283, %sign3A_1290 : i32
      %rem3A_1292 = arith.remsi %squeeze3A_1274, %jit3A_1275 : i32
      %ne3A_1293 = arith.constant 0 : i32
      %ne3A_1294 = arith.cmpi ne, %rem3A_1292, %ne3A_1293 : i32
      %and3A_1295 = arith.andi %ne3A_1291, %ne3A_1294 : i1
      %sub3A_1296 = arith.constant 1 : i32
      %sub3A_1297 = arith.subi %div3A_1276, %sub3A_1296 : i32
      %select_n3A_1298 = arith.select %and3A_1295, %sub3A_1297, %div3A_1276 : i32
      %mul3A_1299 = arith.constant 16 : i32
      %mul3A_1300 = arith.muli %select_n3A_1298, %mul3A_1299 : i32
      %sub3A_1301 = arith.subi %squeeze3A_1274, %mul3A_1300 : i32
      %slice3A_1302 = vector.extract_strided_slice %select_n3A_1245 {offsets = [1], sizes = [1], strides = [1]} : vector<16xf32> to vector<1xf32>
      %squeeze3A_1303 = vector.extract %slice3A_1302[0] : f32 from vector<1xf32>
      %slice3A_1304 = vector.extract_strided_slice %select_n3A_1229 {offsets = [2], sizes = [1], strides = [1]} : vector<16xi32> to vector<1xi32>
      %squeeze3A_1305 = vector.extract %slice3A_1304[0] : i32 from vector<1xi32>
      %jit3A_1306 = arith.constant 16 : i32
      %div3A_1307 = arith.divsi %squeeze3A_1305, %jit3A_1306 : i32
      %sign3A_1308 = arith.constant 0 : i32
      %sign3A_1309 = arith.cmpi sgt, %squeeze3A_1305, %sign3A_1308 : i32
      %sign3A_1310 = arith.extui %sign3A_1309 : i1 to i32
      %sign3A_1311 = arith.constant 0 : i32
      %sign3A_1312 = arith.cmpi slt, %squeeze3A_1305, %sign3A_1311 : i32
      %sign3A_1313 = arith.extui %sign3A_1312 : i1 to i32
      %sign3A_1314 = arith.subi %sign3A_1310, %sign3A_1313 : i32
      %sign3A_1315 = arith.constant 0 : i32
      %sign3A_1316 = arith.cmpi sgt, %jit3A_1306, %sign3A_1315 : i32
      %sign3A_1317 = arith.extui %sign3A_1316 : i1 to i32
      %sign3A_1318 = arith.constant 0 : i32
      %sign3A_1319 = arith.cmpi slt, %jit3A_1306, %sign3A_1318 : i32
      %sign3A_1320 = arith.extui %sign3A_1319 : i1 to i32
      %sign3A_1321 = arith.subi %sign3A_1317, %sign3A_1320 : i32
      %ne3A_1322 = arith.cmpi ne, %sign3A_1314, %sign3A_1321 : i32
      %rem3A_1323 = arith.remsi %squeeze3A_1305, %jit3A_1306 : i32
      %ne3A_1324 = arith.constant 0 : i32
      %ne3A_1325 = arith.cmpi ne, %rem3A_1323, %ne3A_1324 : i32
      %and3A_1326 = arith.andi %ne3A_1322, %ne3A_1325 : i1
      %sub3A_1327 = arith.constant 1 : i32
      %sub3A_1328 = arith.subi %div3A_1307, %sub3A_1327 : i32
      %select_n3A_1329 = arith.select %and3A_1326, %sub3A_1328, %div3A_1307 : i32
      %mul3A_1330 = arith.constant 16 : i32
      %mul3A_1331 = arith.muli %select_n3A_1329, %mul3A_1330 : i32
      %sub3A_1332 = arith.subi %squeeze3A_1305, %mul3A_1331 : i32
      %slice3A_1333 = vector.extract_strided_slice %select_n3A_1245 {offsets = [2], sizes = [1], strides = [1]} : vector<16xf32> to vector<1xf32>
      %squeeze3A_1334 = vector.extract %slice3A_1333[0] : f32 from vector<1xf32>
      %broadcast_in_dim3A_1335 = arith.constant 0.000000e+00 : f32
      %broadcast_in_dim3A_1336 = vector.broadcast %broadcast_in_dim3A_1335 : f32 to vector<16xf32>
      %sub3A_1337 = arith.subi %mul3A_1269, %mul3A_1269 : i32
      %add3A_1338 = vector.broadcast %sub3A_1337 : i32 to vector<16xi32>
      %add3A_1339 = arith.addi %iota3A, %add3A_1338 : vector<16xi32>
      %eq3A_1340 = vector.broadcast %sub3A_1270 : i32 to vector<16xi32>
      %eq3A_1341 = arith.cmpi eq, %add3A_1339, %eq3A_1340 : vector<16xi32>
      %broadcast_in_dim3A_1342 = vector.broadcast %squeeze3A_1272 : f32 to vector<16xf32>
      %select_n3A_1343 = arith.select %eq3A_1341, %broadcast_in_dim3A_1342, %broadcast_in_dim3A_1336 : vector<16xi1>, vector<16xf32>
      %sub3A_1344 = arith.subi %mul3A_1300, %mul3A_1269 : i32
      %add3A_1345 = vector.broadcast %sub3A_1344 : i32 to vector<16xi32>
      %add3A_1346 = arith.addi %iota3A, %add3A_1345 : vector<16xi32>
      %eq3A_1347 = vector.broadcast %sub3A_1301 : i32 to vector<16xi32>
      %eq3A_1348 = arith.cmpi eq, %add3A_1346, %eq3A_1347 : vector<16xi32>
      %broadcast_in_dim3A_1349 = vector.broadcast %squeeze3A_1303 : f32 to vector<16xf32>
      %select_n3A_1350 = arith.select %eq3A_1348, %broadcast_in_dim3A_1349, %select_n3A_1343 : vector<16xi1>, vector<16xf32>
      %sub3A_1351 = arith.subi %mul3A_1331, %mul3A_1269 : i32
      %add3A_1352 = vector.broadcast %sub3A_1351 : i32 to vector<16xi32>
      %add3A_1353 = arith.addi %iota3A, %add3A_1352 : vector<16xi32>
      %eq3A_1354 = vector.broadcast %sub3A_1332 : i32 to vector<16xi32>
      %eq3A_1355 = arith.cmpi eq, %add3A_1353, %eq3A_1354 : vector<16xi32>
      %broadcast_in_dim3A_1356 = vector.broadcast %squeeze3A_1334 : f32 to vector<16xf32>
      %select_n3A_1357 = arith.select %eq3A_1355, %broadcast_in_dim3A_1356, %select_n3A_1350 : vector<16xi1>, vector<16xf32>
      %swap3A_1358 = arith.constant 0 : i32
      %swap3A_1359 = arith.index_cast %swap3A_1358 : i32 to index
      %swap3A_1360 = arith.constant 0 : index
      %swap3A_1361 = tpu.vector_load %arg9[%swap3A_1359, %swap3A_1360] {strides = array<i32>} : memref<3x16xf32, #tpu.memory_space<vmem>>, vector<1x16xf32>,
      %swap3A_1362 = vector.shape_cast %swap3A_1361 : vector<1x16xf32> to vector<16xf32>
      %swap3A_1363 = vector.shape_cast %select_n3A_1357 : vector<16xf32> to vector<1x16xf32>
      tpu.vector_store %arg9[%swap3A_1359, %swap3A_1360], %swap3A_1363 {strides = array<i32>} : memref<3x16xf32, #tpu.memory_space<vmem>>, vector<1x16xf32>,
      %dma_start3A_1364 = arith.constant 0 : i32
      %dma_start3A_1365 = arith.constant 0 : i32
      %dma_start3A_1366 = tpu.memref_slice %arg9[%dma_start3A_1364, %dma_start3A_1365] : memref<3x16xf32, #tpu.memory_space<vmem>> -> memref<1x16xf32, #tpu.memory_space<vmem>>
      %dma_start3A_1367 = tpu.memref_squeeze %dma_start3A_1366 : memref<1x16xf32, #tpu.memory_space<vmem>> -> memref<16xf32, #tpu.memory_space<vmem>>
      %dma_start3A_1368 = arith.constant 0 : i32
      %dma_start3A_1369 = tpu.memref_slice %arg3[%add3A_89, %dma_start3A_1368] : memref<128x32768xf32, #tpu.memory_space<hbm>> -> memref<1x32768xf32, #tpu.memory_space<hbm>>
      %dma_start3A_1370 = tpu.memref_squeeze %dma_start3A_1369 : memref<1x32768xf32, #tpu.memory_space<hbm>> -> memref<32768xf32, #tpu.memory_space<hbm>>
      %dma_start3A_1371 = tpu.memref_slice %dma_start3A_1370[%mul3A_1269] : memref<32768xf32, #tpu.memory_space<hbm>> -> memref<16xf32, #tpu.memory_space<hbm>>
      %dma_start3A_1372 = arith.constant 0 : i32
      %dma_start3A_1373 = tpu.memref_slice %arg3[%add3A_89, %dma_start3A_1372] : memref<128x32768xf32, #tpu.memory_space<hbm>> -> memref<1x32768xf32, #tpu.memory_space<hbm>>
      %dma_start3A_1374 = tpu.memref_squeeze %dma_start3A_1373 : memref<1x32768xf32, #tpu.memory_space<hbm>> -> memref<32768xf32, #tpu.memory_space<hbm>>
      %dma_start3A_1375 = tpu.memref_slice %dma_start3A_1374[%mul3A_1269] : memref<32768xf32, #tpu.memory_space<hbm>> -> memref<16xf32, #tpu.memory_space<hbm>>
      %dma_start3A_1376 = arith.constant 0 : i32
      %dma_start3A_1377 = tpu.memref_slice %arg9[%dma_start3A_1364, %dma_start3A_1376] : memref<3x16xf32, #tpu.memory_space<vmem>> -> memref<1x16xf32, #tpu.memory_space<vmem>>
      %dma_start3A_1378 = tpu.memref_squeeze %dma_start3A_1377 : memref<1x16xf32, #tpu.memory_space<vmem>> -> memref<16xf32, #tpu.memory_space<vmem>>
      tpu.enqueue_dma source(%dma_start3A_1378 : memref<16xf32, #tpu.memory_space<vmem>>) target(%dma_start3A_1375 : memref<16xf32, #tpu.memory_space<hbm>>) target_semaphore(%arg12 : memref<!tpu.dma_semaphore, #tpu.memory_space<semaphore_mem>>)
      %broadcast_in_dim3A_1379 = arith.constant 0.000000e+00 : f32
      %broadcast_in_dim3A_1380 = vector.broadcast %broadcast_in_dim3A_1379 : f32 to vector<16xf32>
      %sub3A_1381 = arith.subi %mul3A_1269, %mul3A_1300 : i32
      %add3A_1382 = vector.broadcast %sub3A_1381 : i32 to vector<16xi32>
      %add3A_1383 = arith.addi %iota3A, %add3A_1382 : vector<16xi32>
      %eq3A_1384 = vector.broadcast %sub3A_1270 : i32 to vector<16xi32>
      %eq3A_1385 = arith.cmpi eq, %add3A_1383, %eq3A_1384 : vector<16xi32>
      %broadcast_in_dim3A_1386 = vector.broadcast %squeeze3A_1272 : f32 to vector<16xf32>
      %select_n3A_1387 = arith.select %eq3A_1385, %broadcast_in_dim3A_1386, %broadcast_in_dim3A_1380 : vector<16xi1>, vector<16xf32>
      %sub3A_1388 = arith.subi %mul3A_1300, %mul3A_1300 : i32
      %add3A_1389 = vector.broadcast %sub3A_1388 : i32 to vector<16xi32>
      %add3A_1390 = arith.addi %iota3A, %add3A_1389 : vector<16xi32>
      %eq3A_1391 = vector.broadcast %sub3A_1301 : i32 to vector<16xi32>
      %eq3A_1392 = arith.cmpi eq, %add3A_1390, %eq3A_1391 : vector<16xi32>
      %broadcast_in_dim3A_1393 = vector.broadcast %squeeze3A_1303 : f32 to vector<16xf32>
      %select_n3A_1394 = arith.select %eq3A_1392, %broadcast_in_dim3A_1393, %select_n3A_1387 : vector<16xi1>, vector<16xf32>
      %sub3A_1395 = arith.subi %mul3A_1331, %mul3A_1300 : i32
      %add3A_1396 = vector.broadcast %sub3A_1395 : i32 to vector<16xi32>
      %add3A_1397 = arith.addi %iota3A, %add3A_1396 : vector<16xi32>
      %eq3A_1398 = vector.broadcast %sub3A_1332 : i32 to vector<16xi32>
      %eq3A_1399 = arith.cmpi eq, %add3A_1397, %eq3A_1398 : vector<16xi32>
      %broadcast_in_dim3A_1400 = vector.broadcast %squeeze3A_1334 : f32 to vector<16xf32>
      %select_n3A_1401 = arith.select %eq3A_1399, %broadcast_in_dim3A_1400, %select_n3A_1394 : vector<16xi1>, vector<16xf32>
      %swap3A_1402 = arith.constant 1 : i32
      %swap3A_1403 = arith.index_cast %swap3A_1402 : i32 to index
      %swap3A_1404 = arith.constant 0 : index
      %swap3A_1405 = tpu.vector_load %arg9[%swap3A_1403, %swap3A_1404] {strides = array<i32>} : memref<3x16xf32, #tpu.memory_space<vmem>>, vector<1x16xf32>,
      %swap3A_1406 = vector.shape_cast %swap3A_1405 : vector<1x16xf32> to vector<16xf32>
      %swap3A_1407 = vector.shape_cast %select_n3A_1401 : vector<16xf32> to vector<1x16xf32>
      tpu.vector_store %arg9[%swap3A_1403, %swap3A_1404], %swap3A_1407 {strides = array<i32>} : memref<3x16xf32, #tpu.memory_space<vmem>>, vector<1x16xf32>,
      %dma_start3A_1408 = arith.constant 1 : i32
      %dma_start3A_1409 = arith.constant 0 : i32
      %dma_start3A_1410 = tpu.memref_slice %arg9[%dma_start3A_1408, %dma_start3A_1409] : memref<3x16xf32, #tpu.memory_space<vmem>> -> memref<1x16xf32, #tpu.memory_space<vmem>>
      %dma_start3A_1411 = tpu.memref_squeeze %dma_start3A_1410 : memref<1x16xf32, #tpu.memory_space<vmem>> -> memref<16xf32, #tpu.memory_space<vmem>>
      %dma_start3A_1412 = arith.constant 0 : i32
      %dma_start3A_1413 = tpu.memref_slice %arg3[%add3A_89, %dma_start3A_1412] : memref<128x32768xf32, #tpu.memory_space<hbm>> -> memref<1x32768xf32, #tpu.memory_space<hbm>>
      %dma_start3A_1414 = tpu.memref_squeeze %dma_start3A_1413 : memref<1x32768xf32, #tpu.memory_space<hbm>> -> memref<32768xf32, #tpu.memory_space<hbm>>
      %dma_start3A_1415 = tpu.memref_slice %dma_start3A_1414[%mul3A_1300] : memref<32768xf32, #tpu.memory_space<hbm>> -> memref<16xf32, #tpu.memory_space<hbm>>
      %dma_start3A_1416 = arith.constant 0 : i32
      %dma_start3A_1417 = tpu.memref_slice %arg3[%add3A_89, %dma_start3A_1416] : memref<128x32768xf32, #tpu.memory_space<hbm>> -> memref<1x32768xf32, #tpu.memory_space<hbm>>
      %dma_start3A_1418 = tpu.memref_squeeze %dma_start3A_1417 : memref<1x32768xf32, #tpu.memory_space<hbm>> -> memref<32768xf32, #tpu.memory_space<hbm>>
      %dma_start3A_1419 = tpu.memref_slice %dma_start3A_1418[%mul3A_1300] : memref<32768xf32, #tpu.memory_space<hbm>> -> memref<16xf32, #tpu.memory_space<hbm>>
      %dma_start3A_1420 = arith.constant 0 : i32
      %dma_start3A_1421 = tpu.memref_slice %arg9[%dma_start3A_1408, %dma_start3A_1420] : memref<3x16xf32, #tpu.memory_space<vmem>> -> memref<1x16xf32, #tpu.memory_space<vmem>>
      %dma_start3A_1422 = tpu.memref_squeeze %dma_start3A_1421 : memref<1x16xf32, #tpu.memory_space<vmem>> -> memref<16xf32, #tpu.memory_space<vmem>>
      tpu.enqueue_dma source(%dma_start3A_1422 : memref<16xf32, #tpu.memory_space<vmem>>) target(%dma_start3A_1419 : memref<16xf32, #tpu.memory_space<hbm>>) target_semaphore(%arg12 : memref<!tpu.dma_semaphore, #tpu.memory_space<semaphore_mem>>)
      %broadcast_in_dim3A_1423 = arith.constant 0.000000e+00 : f32
      %broadcast_in_dim3A_1424 = vector.broadcast %broadcast_in_dim3A_1423 : f32 to vector<16xf32>
      %sub3A_1425 = arith.subi %mul3A_1269, %mul3A_1331 : i32
      %add3A_1426 = vector.broadcast %sub3A_1425 : i32 to vector<16xi32>
      %add3A_1427 = arith.addi %iota3A, %add3A_1426 : vector<16xi32>
      %eq3A_1428 = vector.broadcast %sub3A_1270 : i32 to vector<16xi32>
      %eq3A_1429 = arith.cmpi eq, %add3A_1427, %eq3A_1428 : vector<16xi32>
      %broadcast_in_dim3A_1430 = vector.broadcast %squeeze3A_1272 : f32 to vector<16xf32>
      %select_n3A_1431 = arith.select %eq3A_1429, %broadcast_in_dim3A_1430, %broadcast_in_dim3A_1424 : vector<16xi1>, vector<16xf32>
      %sub3A_1432 = arith.subi %mul3A_1300, %mul3A_1331 : i32
      %add3A_1433 = vector.broadcast %sub3A_1432 : i32 to vector<16xi32>
      %add3A_1434 = arith.addi %iota3A, %add3A_1433 : vector<16xi32>
      %eq3A_1435 = vector.broadcast %sub3A_1301 : i32 to vector<16xi32>
      %eq3A_1436 = arith.cmpi eq, %add3A_1434, %eq3A_1435 : vector<16xi32>
      %broadcast_in_dim3A_1437 = vector.broadcast %squeeze3A_1303 : f32 to vector<16xf32>
      %select_n3A_1438 = arith.select %eq3A_1436, %broadcast_in_dim3A_1437, %select_n3A_1431 : vector<16xi1>, vector<16xf32>
      %sub3A_1439 = arith.subi %mul3A_1331, %mul3A_1331 : i32
      %add3A_1440 = vector.broadcast %sub3A_1439 : i32 to vector<16xi32>
      %add3A_1441 = arith.addi %iota3A, %add3A_1440 : vector<16xi32>
      %eq3A_1442 = vector.broadcast %sub3A_1332 : i32 to vector<16xi32>
      %eq3A_1443 = arith.cmpi eq, %add3A_1441, %eq3A_1442 : vector<16xi32>
      %broadcast_in_dim3A_1444 = vector.broadcast %squeeze3A_1334 : f32 to vector<16xf32>
      %select_n3A_1445 = arith.select %eq3A_1443, %broadcast_in_dim3A_1444, %select_n3A_1438 : vector<16xi1>, vector<16xf32>
      %swap3A_1446 = arith.constant 2 : i32
      %swap3A_1447 = arith.index_cast %swap3A_1446 : i32 to index
      %swap3A_1448 = arith.constant 0 : index
      %swap3A_1449 = tpu.vector_load %arg9[%swap3A_1447, %swap3A_1448] {strides = array<i32>} : memref<3x16xf32, #tpu.memory_space<vmem>>, vector<1x16xf32>,
      %swap3A_1450 = vector.shape_cast %swap3A_1449 : vector<1x16xf32> to vector<16xf32>
      %swap3A_1451 = vector.shape_cast %select_n3A_1445 : vector<16xf32> to vector<1x16xf32>
      tpu.vector_store %arg9[%swap3A_1447, %swap3A_1448], %swap3A_1451 {strides = array<i32>} : memref<3x16xf32, #tpu.memory_space<vmem>>, vector<1x16xf32>,
      %dma_start3A_1452 = arith.constant 2 : i32
      %dma_start3A_1453 = arith.constant 0 : i32
      %dma_start3A_1454 = tpu.memref_slice %arg9[%dma_start3A_1452, %dma_start3A_1453] : memref<3x16xf32, #tpu.memory_space<vmem>> -> memref<1x16xf32, #tpu.memory_space<vmem>>
      %dma_start3A_1455 = tpu.memref_squeeze %dma_start3A_1454 : memref<1x16xf32, #tpu.memory_space<vmem>> -> memref<16xf32, #tpu.memory_space<vmem>>
      %dma_start3A_1456 = arith.constant 0 : i32
      %dma_start3A_1457 = tpu.memref_slice %arg3[%add3A_89, %dma_start3A_1456] : memref<128x32768xf32, #tpu.memory_space<hbm>> -> memref<1x32768xf32, #tpu.memory_space<hbm>>
      %dma_start3A_1458 = tpu.memref_squeeze %dma_start3A_1457 : memref<1x32768xf32, #tpu.memory_space<hbm>> -> memref<32768xf32, #tpu.memory_space<hbm>>
      %dma_start3A_1459 = tpu.memref_slice %dma_start3A_1458[%mul3A_1331] : memref<32768xf32, #tpu.memory_space<hbm>> -> memref<16xf32, #tpu.memory_space<hbm>>
      %dma_start3A_1460 = arith.constant 0 : i32
      %dma_start3A_1461 = tpu.memref_slice %arg3[%add3A_89, %dma_start3A_1460] : memref<128x32768xf32, #tpu.memory_space<hbm>> -> memref<1x32768xf32, #tpu.memory_space<hbm>>
      %dma_start3A_1462 = tpu.memref_squeeze %dma_start3A_1461 : memref<1x32768xf32, #tpu.memory_space<hbm>> -> memref<32768xf32, #tpu.memory_space<hbm>>
      %dma_start3A_1463 = tpu.memref_slice %dma_start3A_1462[%mul3A_1331] : memref<32768xf32, #tpu.memory_space<hbm>> -> memref<16xf32, #tpu.memory_space<hbm>>
      %dma_start3A_1464 = arith.constant 0 : i32
      %dma_start3A_1465 = tpu.memref_slice %arg9[%dma_start3A_1452, %dma_start3A_1464] : memref<3x16xf32, #tpu.memory_space<vmem>> -> memref<1x16xf32, #tpu.memory_space<vmem>>
      %dma_start3A_1466 = tpu.memref_squeeze %dma_start3A_1465 : memref<1x16xf32, #tpu.memory_space<vmem>> -> memref<16xf32, #tpu.memory_space<vmem>>
      tpu.enqueue_dma source(%dma_start3A_1466 : memref<16xf32, #tpu.memory_space<vmem>>) target(%dma_start3A_1463 : memref<16xf32, #tpu.memory_space<hbm>>) target_semaphore(%arg12 : memref<!tpu.dma_semaphore, #tpu.memory_space<semaphore_mem>>)
      %add3A_1467 = arith.constant 1 : i32
      %add3A_1468 = arith.addi %scan3A_86, %add3A_1467 : i32
      %lt3A_1469 = arith.constant 4 : i32
      %lt3A_1470 = arith.cmpi slt, %add3A_1468, %lt3A_1469 : i32
      %convert_element_type3A_1471 = arith.extui %lt3A_1470 : i1 to i32
      %cond3A_1472 = arith.constant 0 : i32
      %cond3A_1473 = arith.cmpi ne, %convert_element_type3A_1471, %cond3A_1472 : i32
      scf.if %cond3A_1473 {
        %add3A_1474 = arith.constant 1 : i32
        %add3A_1475 = arith.addi %add3A_89, %add3A_1474 : i32
        %dma_start3A_1476 = arith.constant 0 : i32
        %dma_start3A_1477 = tpu.memref_slice %arg3[%add3A_1475, %dma_start3A_1476] : memref<128x32768xf32, #tpu.memory_space<hbm>> -> memref<1x32768xf32, #tpu.memory_space<hbm>>
        %dma_start3A_1478 = tpu.memref_squeeze %dma_start3A_1477 : memref<1x32768xf32, #tpu.memory_space<hbm>> -> memref<32768xf32, #tpu.memory_space<hbm>>
        %dma_start3A_1479 = arith.constant 0 : i32
        %dma_start3A_1480 = tpu.memref_slice %arg3[%add3A_1475, %dma_start3A_1479] : memref<128x32768xf32, #tpu.memory_space<hbm>> -> memref<1x32768xf32, #tpu.memory_space<hbm>>
        %dma_start3A_1481 = tpu.memref_squeeze %dma_start3A_1480 : memref<1x32768xf32, #tpu.memory_space<hbm>> -> memref<32768xf32, #tpu.memory_space<hbm>>
        tpu.enqueue_dma source(%arg5 : memref<32768xf32, #tpu.memory_space<vmem>>) target(%dma_start3A_1481 : memref<32768xf32, #tpu.memory_space<hbm>>) target_semaphore(%arg11 : memref<!tpu.dma_semaphore, #tpu.memory_space<semaphore_mem>>)
      } else {
      }
    }
    %scan3A_35 = arith.constant 4 : i32
    %dma_wait3A = arith.constant 0 : i32
    %dma_wait3A_36 = arith.constant 0 : i32
    %dma_wait3A_37 = tpu.memref_slice %arg9[%dma_wait3A, %dma_wait3A_36] : memref<3x16xf32, #tpu.memory_space<vmem>> -> memref<1x16xf32, #tpu.memory_space<vmem>>
    %dma_wait3A_38 = tpu.memref_squeeze %dma_wait3A_37 : memref<1x16xf32, #tpu.memory_space<vmem>> -> memref<16xf32, #tpu.memory_space<vmem>>
    %dma_wait3A_39 = arith.constant 0 : i32
    %dma_wait3A_40 = tpu.memref_slice %arg3[%mul3A_2, %dma_wait3A_39] : memref<128x32768xf32, #tpu.memory_space<hbm>> -> memref<1x32768xf32, #tpu.memory_space<hbm>>
    %dma_wait3A_41 = tpu.memref_squeeze %dma_wait3A_40 : memref<1x32768xf32, #tpu.memory_space<hbm>> -> memref<32768xf32, #tpu.memory_space<hbm>>
    %dma_wait3A_42 = arith.constant 0 : i32
    %dma_wait3A_43 = tpu.memref_slice %dma_wait3A_41[%dma_wait3A_42] : memref<32768xf32, #tpu.memory_space<hbm>> -> memref<16xf32, #tpu.memory_space<hbm>>
    %dma_wait3A_44 = arith.constant 0 : i32
    %dma_wait3A_45 = tpu.memref_slice %arg3[%mul3A_2, %dma_wait3A_44] : memref<128x32768xf32, #tpu.memory_space<hbm>> -> memref<1x32768xf32, #tpu.memory_space<hbm>>
    %dma_wait3A_46 = tpu.memref_squeeze %dma_wait3A_45 : memref<1x32768xf32, #tpu.memory_space<hbm>> -> memref<32768xf32, #tpu.memory_space<hbm>>
    %dma_wait3A_47 = arith.constant 0 : i32
    %dma_wait3A_48 = tpu.memref_slice %dma_wait3A_46[%dma_wait3A_47] : memref<32768xf32, #tpu.memory_space<hbm>> -> memref<16xf32, #tpu.memory_space<hbm>>
    %dma_wait3A_49 = arith.constant 0 : i32
    %dma_wait3A_50 = tpu.memref_slice %arg9[%dma_wait3A, %dma_wait3A_49] : memref<3x16xf32, #tpu.memory_space<vmem>> -> memref<1x16xf32, #tpu.memory_space<vmem>>
    %dma_wait3A_51 = tpu.memref_squeeze %dma_wait3A_50 : memref<1x16xf32, #tpu.memory_space<vmem>> -> memref<16xf32, #tpu.memory_space<vmem>>
    tpu.wait_dma2 semaphore(%arg12 : memref<!tpu.dma_semaphore, #tpu.memory_space<semaphore_mem>>) src(%dma_wait3A_51 : memref<16xf32, #tpu.memory_space<vmem>>) dst(%dma_wait3A_48 : memref<16xf32, #tpu.memory_space<hbm>>)
    %dma_wait3A_52 = arith.constant 1 : i32
    %dma_wait3A_53 = arith.constant 0 : i32
    %dma_wait3A_54 = tpu.memref_slice %arg9[%dma_wait3A_52, %dma_wait3A_53] : memref<3x16xf32, #tpu.memory_space<vmem>> -> memref<1x16xf32, #tpu.memory_space<vmem>>
    %dma_wait3A_55 = tpu.memref_squeeze %dma_wait3A_54 : memref<1x16xf32, #tpu.memory_space<vmem>> -> memref<16xf32, #tpu.memory_space<vmem>>
    %dma_wait3A_56 = arith.constant 0 : i32
    %dma_wait3A_57 = tpu.memref_slice %arg3[%mul3A_2, %dma_wait3A_56] : memref<128x32768xf32, #tpu.memory_space<hbm>> -> memref<1x32768xf32, #tpu.memory_space<hbm>>
    %dma_wait3A_58 = tpu.memref_squeeze %dma_wait3A_57 : memref<1x32768xf32, #tpu.memory_space<hbm>> -> memref<32768xf32, #tpu.memory_space<hbm>>
    %dma_wait3A_59 = arith.constant 0 : i32
    %dma_wait3A_60 = tpu.memref_slice %dma_wait3A_58[%dma_wait3A_59] : memref<32768xf32, #tpu.memory_space<hbm>> -> memref<16xf32, #tpu.memory_space<hbm>>
    %dma_wait3A_61 = arith.constant 0 : i32
    %dma_wait3A_62 = tpu.memref_slice %arg3[%mul3A_2, %dma_wait3A_61] : memref<128x32768xf32, #tpu.memory_space<hbm>> -> memref<1x32768xf32, #tpu.memory_space<hbm>>
    %dma_wait3A_63 = tpu.memref_squeeze %dma_wait3A_62 : memref<1x32768xf32, #tpu.memory_space<hbm>> -> memref<32768xf32, #tpu.memory_space<hbm>>
    %dma_wait3A_64 = arith.constant 0 : i32
    %dma_wait3A_65 = tpu.memref_slice %dma_wait3A_63[%dma_wait3A_64] : memref<32768xf32, #tpu.memory_space<hbm>> -> memref<16xf32, #tpu.memory_space<hbm>>
    %dma_wait3A_66 = arith.constant 0 : i32
    %dma_wait3A_67 = tpu.memref_slice %arg9[%dma_wait3A_52, %dma_wait3A_66] : memref<3x16xf32, #tpu.memory_space<vmem>> -> memref<1x16xf32, #tpu.memory_space<vmem>>
    %dma_wait3A_68 = tpu.memref_squeeze %dma_wait3A_67 : memref<1x16xf32, #tpu.memory_space<vmem>> -> memref<16xf32, #tpu.memory_space<vmem>>
    tpu.wait_dma2 semaphore(%arg12 : memref<!tpu.dma_semaphore, #tpu.memory_space<semaphore_mem>>) src(%dma_wait3A_68 : memref<16xf32, #tpu.memory_space<vmem>>) dst(%dma_wait3A_65 : memref<16xf32, #tpu.memory_space<hbm>>)
    %dma_wait3A_69 = arith.constant 2 : i32
    %dma_wait3A_70 = arith.constant 0 : i32
    %dma_wait3A_71 = tpu.memref_slice %arg9[%dma_wait3A_69, %dma_wait3A_70] : memref<3x16xf32, #tpu.memory_space<vmem>> -> memref<1x16xf32, #tpu.memory_space<vmem>>
    %dma_wait3A_72 = tpu.memref_squeeze %dma_wait3A_71 : memref<1x16xf32, #tpu.memory_space<vmem>> -> memref<16xf32, #tpu.memory_space<vmem>>
    %dma_wait3A_73 = arith.constant 0 : i32
    %dma_wait3A_74 = tpu.memref_slice %arg3[%mul3A_2, %dma_wait3A_73] : memref<128x32768xf32, #tpu.memory_space<hbm>> -> memref<1x32768xf32, #tpu.memory_space<hbm>>
    %dma_wait3A_75 = tpu.memref_squeeze %dma_wait3A_74 : memref<1x32768xf32, #tpu.memory_space<hbm>> -> memref<32768xf32, #tpu.memory_space<hbm>>
    %dma_wait3A_76 = arith.constant 0 : i32
    %dma_wait3A_77 = tpu.memref_slice %dma_wait3A_75[%dma_wait3A_76] : memref<32768xf32, #tpu.memory_space<hbm>> -> memref<16xf32, #tpu.memory_space<hbm>>
    %dma_wait3A_78 = arith.constant 0 : i32
    %dma_wait3A_79 = tpu.memref_slice %arg3[%mul3A_2, %dma_wait3A_78] : memref<128x32768xf32, #tpu.memory_space<hbm>> -> memref<1x32768xf32, #tpu.memory_space<hbm>>
    %dma_wait3A_80 = tpu.memref_squeeze %dma_wait3A_79 : memref<1x32768xf32, #tpu.memory_space<hbm>> -> memref<32768xf32, #tpu.memory_space<hbm>>
    %dma_wait3A_81 = arith.constant 0 : i32
    %dma_wait3A_82 = tpu.memref_slice %dma_wait3A_80[%dma_wait3A_81] : memref<32768xf32, #tpu.memory_space<hbm>> -> memref<16xf32, #tpu.memory_space<hbm>>
    %dma_wait3A_83 = arith.constant 0 : i32
    %dma_wait3A_84 = tpu.memref_slice %arg9[%dma_wait3A_69, %dma_wait3A_83] : memref<3x16xf32, #tpu.memory_space<vmem>> -> memref<1x16xf32, #tpu.memory_space<vmem>>
    %dma_wait3A_85 = tpu.memref_squeeze %dma_wait3A_84 : memref<1x16xf32, #tpu.memory_space<vmem>> -> memref<16xf32, #tpu.memory_space<vmem>>
    tpu.wait_dma2 semaphore(%arg12 : memref<!tpu.dma_semaphore, #tpu.memory_space<semaphore_mem>>) src(%dma_wait3A_85 : memref<16xf32, #tpu.memory_space<vmem>>) dst(%dma_wait3A_82 : memref<16xf32, #tpu.memory_space<hbm>>)
    return
  }
}

</mosaic_0001>

<sc_bundles>
// kernel: kernel.3.cloned.1.call-start
scs
__scs_entry_jumppad:
0x0: {  	(pc) =	sbr.rel $0x88, $3  }
0x1: {  	(tag) =	ssettag $0x0;
	lr =	simm.s32 $0x1  }
0x2: {  	[smem:$0x3FA0] =	sst lr;
	_ =	strace $0xD0000000  }
0x3: {  	_ = 	snop  }
0x4: {  	_ = 	snop  }
0x5: {  	_ = 	snop  }
0x6: {  	_ = 	snop  }
0x7: {  	_ = 	snop  }
__scs_overlays_trampoline_lowered:
0x8: {  	[smem:$0x3FAF] =	sst s0  }
0x9: {  	[smem:$0x3FB0] =	sst s1  }
0xa: {  	[smem:$0x3FB1] =	sst s2  }
0xb: {  	[smem:$0x3FB2] =	sst s3  }
0xc: {  	[smem:$0x3FB3] =	sst s4  }
0xd: {  	[smem:$0x3FB4] =	sst s5  }
0xe: {  	[smem:$0x3FB5] =	sst s6  }
0xf: {  	[smem:$0x3FB6] =	sst s7  }
0x10: {  	[smem:$0x3FB7] =	sst s8  }
0x11: {  	[smem:$0x3FB8] =	sst s9;
	s0 =	simm.s32 @!p0 $0x0  }
0x12: {  	s1 =	sld [smem:$0x3F9E];
	s0 =	simm.s32 @p0 $0x1  }
0x13: {  	[smem:$0x3FB9] =	sst s0;
	s0 =	simm.s32 @!p1 $0x0  }
0x14: {  	s2 =	sld [smem:$0x3F9D];
	s0 =	simm.s32 @p1 $0x1  }
0x15: {  	[smem:$0x3FBA] =	sst s0;
	s0 =	simm.s32 @!p2 $0x0  }
0x16: {  	s3 =	sld [smem:$0x3FDB];
	s0 =	simm.s32 @p2 $0x1  }
0x17: {  	s4 =	simm.s32 $0x1BF5;
	[smem:$0x3FBC] =	sst s0  }
0x18: {  	s0 =	sld [smem:$0x3F9F];
	_ =	swait.ge [sflag:s4], $0x0  }
0x19: {  	s7 =	sld [smem:$0x3FA0]  }
0x1a: {  	s8 =	sadd.s32 $0xFFFFE003, lr  }
0x1b: {  	s9 =	sadd.s32 $0xFFFFFEF7, lr;
	s5 =	simm.s32 $0xFFFFFFFF;
	p2 =	slt.u32 s8, $0xFFFFF086  }
0x1c: {  	p1 =	slt.u32 s9, $0xF7A;
	s5 =	simm.s32 @!p2 $0x0  }
0x1d: {  	s5 =	simm.s32 @p1 $0x1;
	p0 =	seq.s32 s7, s2  }
0x1e: {  	s7 =	smul.u32 @!p0 $0xF7A, s2;
	p2 =	seq.s32 @!p0 s5, $0x0  }
0x1f: {  	s9 =	smul.u32 $0xF7A, s1;
	s8 =	simm.s32 @!p0 $0x1BF5;
	p2 =	por !p2, p0  }
0x20: {  	[sflag:s8] =	ssyncset.s32 @!p0 $0xFFFFF086;
	s6 =	sadd.s32 @!p0 s3, s7;
	s7 =	simm.s32 @!p0 $0x108  }
0x21: {  	s3 =	sadd.s32 s3, s9;
	s6 =	sadd.s32 @!p0 $0x88, s6;
	s7 =	simm.s32 @p2 $0x1082  }
0x22: {  	[simem:s7], [sflag:s8] =	dma.local @!p0 [hbm:s6], $0xF7A  }
0x23: {  	s9 =	sor.u32 $0xD0000000, s2;
	s6 =	simm.s32 $0x108;
	_ =	swait.ge @!p0 [sflag:s8], $0x0  }
0x24: {  	s3 =	sadd.s32 $0x88, s3;
	s6 =	simm.s32 @!p1 $0x1082;
	[sflag:s4] =	ssyncset.s32 $0xFFFFF086  }
0x25: {  	[simem:s6], [sflag:s4] =	dma.local [hbm:s3], $0xF7A  }
0x26: {  	[smem:$0x3FA0] =	sst s1;
	(tag) =	ssettag s2;
	_ =	strace s9  }
0x27: {  	s1 =	sld [smem:$0x3FB0]  }
0x28: {  	s2 =	sld [smem:$0x3FB1]  }
0x29: {  	s4 =	sld [smem:$0x3FB3]  }
0x2a: {  	p0 =	seq.s32 s5, $0x0;
	s5 =	sld [smem:$0x3FB4]  }
0x2b: {  	s6 =	sld [smem:$0x3FB5]  }
0x2c: {  	s7 =	sld [smem:$0x3FB6]  }
0x2d: {  	s3 =	simm.s32 $0x108;
	s8 =	sld [smem:$0x3FB7]  }
0x2e: {  	s3 =	simm.s32 @!p0 $0x1082;
	s9 =	sld [smem:$0x3FB8]  }
0x2f: {  	lr =	sadd.s32 s0, s3;
	s0 =	sld [smem:$0x3FAF]  }
0x30: {  	s3 =	sld [smem:$0x3FB2]  }
0x31: {  	[smem:$0x3FBB] =	sst s10  }
0x32: {  	s10 =	sld [smem:$0x3FB9];
	_ =	sdelay $0x3  }
0x33: {  	p0 =	seq.s32 s10, $0x1;
	s10 =	sld [smem:$0x3FBB];
	_ =	sdelay $0x3  }
0x34: {  	[smem:$0x3FBB] =	sst s10  }
0x35: {  	s10 =	sld [smem:$0x3FBA];
	_ =	sdelay $0x3  }
0x36: {  	p1 =	seq.s32 s10, $0x1;
	s10 =	sld [smem:$0x3FBB];
	_ =	sdelay $0x3  }
0x37: {  	[smem:$0x3FBB] =	sst s10  }
0x38: {  	s10 =	sld [smem:$0x3FBC]  }
0x39: {  	_ = 	snop;
	(pc) =	sbr.ind lr, $3  }
0x3a: {  	_ = 	snop  }
0x3b: {  	_ = 	snop  }
0x3c: {  	p2 =	seq.s32 s10, $0x1;
	s10 =	sld [smem:$0x3FBB]  }
0x3d: {  	_ =	shalt  }
0x3e: {  	_ =	shalt  }
0x3f: {  	_ =	shalt  }
0x40: {  	_ =	shalt  }
0x41: {  	_ =	shalt  }
0x42: {  	_ =	shalt  }
0x43: {  	_ =	shalt  }
0x44: {  	_ =	shalt  }
0x45: {  	_ =	shalt  }
0x46: {  	_ =	shalt  }
0x47: {  	_ =	shalt  }
0x48: {  	_ =	shalt  }
0x49: {  	_ =	shalt  }
0x4a: {  	_ =	shalt  }
0x4b: {  	_ =	shalt  }
0x4c: {  	_ =	shalt  }
0x4d: {  	_ =	shalt  }
0x4e: {  	_ =	shalt  }
0x4f: {  	_ =	shalt  }
0x50: {  	_ =	shalt  }
0x51: {  	_ =	shalt  }
0x52: {  	_ =	shalt  }
0x53: {  	_ =	shalt  }
0x54: {  	_ =	shalt  }
0x55: {  	_ =	shalt  }
0x56: {  	_ =	shalt  }
0x57: {  	_ =	shalt  }
0x58: {  	_ =	shalt  }
0x59: {  	_ =	shalt  }
0x5a: {  	_ =	shalt  }
0x5b: {  	_ =	shalt  }
0x5c: {  	_ =	shalt  }
0x5d: {  	_ =	shalt  }
0x5e: {  	_ =	shalt  }
0x5f: {  	_ =	shalt  }
0x60: {  	_ =	shalt  }
0x61: {  	_ =	shalt  }
0x62: {  	_ =	shalt  }
0x63: {  	_ =	shalt  }
0x64: {  	_ =	shalt  }
0x65: {  	_ =	shalt  }
0x66: {  	_ =	shalt  }
0x67: {  	_ =	shalt  }
0x68: {  	_ =	shalt  }
0x69: {  	_ =	shalt  }
0x6a: {  	_ =	shalt  }
0x6b: {  	_ =	shalt  }
0x6c: {  	_ =	shalt  }
0x6d: {  	_ =	shalt  }
0x6e: {  	_ =	shalt  }
0x6f: {  	_ =	shalt  }
0x70: {  	_ =	shalt  }
0x71: {  	_ =	shalt  }
0x72: {  	_ =	shalt  }
0x73: {  	_ =	shalt  }
0x74: {  	_ =	shalt  }
0x75: {  	_ =	shalt  }
0x76: {  	_ =	shalt  }
0x77: {  	_ =	shalt  }
0x78: {  	_ =	shalt  }
0x79: {  	_ =	shalt  }
0x7a: {  	_ =	shalt  }
0x7b: {  	_ =	shalt  }
0x7c: {  	_ =	shalt  }
0x7d: {  	_ =	shalt  }
0x7e: {  	_ =	shalt  }
0x7f: {  	_ =	shalt  }
0x80: {  	_ =	shalt  }
0x81: {  	_ =	shalt  }
0x82: {  	_ =	shalt  }
0x83: {  	_ =	shalt  }
0x84: {  	_ =	shalt  }
0x85: {  	_ =	shalt  }
0x86: {  	_ =	shalt  }
0x87: {  	_ =	shalt  }
.Lfunc_end0:
.L_simem_size_0:
called_computation_lowered:
.L_overlay_start_0:
0x88: {  	s2 =	sld [smem:$0x3FD9]  }
0x89: {  	s3 =	sld [smem:$0x3FFE];
	_ =	sdelay $0x1  }
0x8a: {  	s1 =	srdreg.scid  }
0x8b: {  	s0 =	sand.u32 $0x1, s1  }
0x8c: {  	s18 =	sshll.u32 s0, $0xA;
	s2 =	sadd.s32 s3, s2  }
0x8d: {  	s2 =	sadd.s32 s2, s18  }
0x8e: {  	[smem:$0x3FC7] =	sst s2  }
0x8f: {  	_ = 	snop  }
0x90: {  	s2 =	sld [smem:$0x3FC9]  }
0x91: {  	s19 =	sld [smem:$0x3FD0];
	(tm) =	ssettm $0x1  }
0x92: {  	s4 =	sld [smem:$0x3FFB];
	_ =	sdelay $0x3  }
0x93: {  	_ =	strace s4  }
0x94: {  	s4 =	sld [smem:$0x3FFC];
	_ =	sdelay $0x3  }
0x95: {  	_ =	strace s4  }
0x96: {  	s4 =	sld [smem:$0x3FFD];
	_ =	sdelay $0x3  }
0x97: {  	_ =	strace s4  }
0x98: {  	_ =	strace $0x8FFFFFFF  }
0x99: {  	s20 =	sld [smem:$0x3FDB];
	_ =	sdelay $0x1  }
0x9a: {  	s5 =	simm.s32 $_scs_section_size  }
0x9b: {  	s6 =	simm.s32 $_size__tile_overlayer_lowered;
	s7 =	simm.s32 $_tile_overlayer_lowered  }
0x9c: {  	s23 =	simm.s32 $0x1BFF;
	s22 =	sshll.u32 s7, $0x1;
	s4 =	sadd.s32 s5, s20  }
0x9d: {  	s8 =	simm.s32 $0x0;
	s21 =	sshll.u32 s6, $0x1;
	s6 =	sadd.s32 s22, s4  }
0x9e: {  	[timem:s8], [sflag:s23] =	dma.local [hbm:s6], s21  }
0x9f: {  	_ =	swait.ge [sflag:s23], s21  }
0xa0: {  	s5 =	ssub.s32 $0x0, s21;
	[sflag:s23] =	ssyncset.done $0x0  }
0xa1: {  	[sflag:s23] =	ssyncadd.s32 s5;
	_ =	sdelay $0x1  }
0xa2: {  	s24 =	simm.s32 $0x1B8B  }
0xa3: {  	_ =	swait.ge [sflag:s24], $0x1  }
0xa4: {  	[sflag:s24] =	ssyncset.done $0x0  }
0xa5: {  	s25 =	simm.s32 $0x1B8E;
	[sflag:s24] =	ssyncadd.s32 $0xFFFFFFFF  }
0xa6: {  	s26 =	simm.s32 $execute0_lowered;
	[smem:$0x3FD2] =	sst s25  }
0xa7: {  	s5 =	sshll.u32 s26, $0x1;
	_ =	strace $0x80000046;
	[dreg:$0x1] =	wrdreg $0xFFFFFFFF  }
0xa8: {  	s28 =	simm.s32 $_size_execute0_lowered;
	s4 =	sadd.s32 s4, s5;
	[dreg:$0x0] =	wrdreg $0x0  }
0xa9: {  	s5 =	sshll.u32 s28, $0x1;
	[dreg:$0x2] =	wrdreg s4  }
0xaa: {  	[dreg:$0x3] =	wrdreg s5  }
0xab: {  	[dreg:$0x4] =	wrdreg $0xC0  }
0xac: {  	_ =	task [dreg:s8], $0x5FFFF  }
0xad: {  	[dreg:$0x1] =	wrdreg $0xFFFFFFFF  }
0xae: {  	[dreg:$0x0] =	wrdreg $0x60  }
0xaf: {  	[dreg:$0x2] =	wrdreg s2  }
0xb0: {  	[dreg:$0x3] =	wrdreg s19  }
0xb1: {  	[dreg:$0x4] =	wrdreg $0x9  }
0xb2: {  	_ =	task.clear_ibuf [dreg:s8], $0x5FFFF;
	_ =	strace $0x90000046  }
0xb3: {  	s29 =	simm.s32 $0x9;
	_ =	strace $0x80000048  }
0xb4: {  	_ =	swait.ge [sflag:s29], $0x1  }
0xb5: {  	[sflag:s29] =	ssyncadd.s32 $0xFFFFFFFF  }
0xb6: {  	_ =	strace $0x90000048  }
0xb7: {  	_ =	sfence  }
0xb8: {  	s30 =	sld [smem:$0x0];
	_ =	sdelay $0x2  }
0xb9: {  	s31 =	sshll.u32 s1, $0xD;
	s1 =	sshrl.u32 s1, $0x2  }
0xba: {  	s3 =	sand.u32 $0x4000, s31;
	s1 =	sadd.s32 s1, s30  }
0xbb: {  	s0 =	sor.u32 s3, s0;
	s1 =	sshll.u32 s1, $0x11  }
0xbc: {  	s0 =	sor.u32 s1, s0  }
0xbd: {  	s0 =	sadd.s32 $0x8F2B, s0  }
0xbe: {  	[sflag:s0] =	ssyncadd.remote.s32 $0x1  }
0xbf: {  	_ =	sfence.sel $0xFFFF  }
0xc0: {  	[dreg:$0x0] =	wrdreg $0xFFFFFFFF;
	(pc) =	sbr.abs _section_cstart, $3  }
0xc1: {  	[dreg:$0x1] =	wrdreg $0xFFFFFFFF  }
0xc2: {  	_ =	task.clear_ibuf [dreg:s8], $0x2FFFF;
	_ =	strace $0x9FFFFFFF  }
0xc3: {  	(tm) =	ssettm $0x7FFFFFFF  }
tec
execute0_lowered:
.L_overlay_start_1:
0x0: {  	(tag) =	ssettag $0x1  }
0x1: {  	v0 =	vimm.s32 $0xEFCDAB89;
	v1 =	vimm.s32 $0x67452301;
	v2 =	vimm.s32 $0xDCFE98BA  }
0x2: {  	v3 =	vimm.s32 $0x54761032;
	v4 =	vimm.s32 $0xBA98FEDC;
	v5 =	vimm.s32 $0x32107654  }
0x3: {  	s1 =	rddreg [dreg:$0x0];
	v6 =	vimm.s32 $0xFEDCBA98;
	v7 =	vimm.s32 $0x76543210;
	vm0 =	vmmov $0x1  }
0x4: {  	s2 =	rddreg [dreg:$0x1];
	s3 =	simm.s32 $0x0;
	s4 =	srdreg.scid;
	vm1 =	vcmask $0x30C;
	v0 =	vunpack.c.l.s4.s8 v0;
	v1 =	vunpack.c.l.s4.s8 v1  }
0x5: {  	s12 =	simm.s32 $0x10000;
	s13 =	simm.s32 $0x3;
	s14 =	simm.s32 $0x18500;
	v2 =	vunpack.c.l.s4.s8 v2;
	v3 =	vunpack.c.l.s4.s8 v3;
	v4 =	vunpack.c.l.s4.s8 v4  }
0x6: {  	s15 =	simm.s32 $0x18580;
	s16 =	simm.s32 $0x18600;
	s17 =	simm.s32 $0x4;
	v5 =	vunpack.c.l.s4.s8 v5;
	v6 =	vunpack.c.l.s4.s8 v6;
	v7 =	vunpack.c.l.s4.s8 v7  }
0x7: {  	s18 =	simm.s32 $0x0;
	[smem:$0x7FF] =	sst s3;
	s5 =	sand.u32 $0x1, s4;
	v0 =	vunpack.c.0.s8.s32 v0;
	v1 =	vunpack.c.0.s8.s32 v1;
	v2 =	vunpack.c.0.s8.s32 v2  }
0x8: {  	s4 =	stileid.u32;
	_ =	strace $0x80000047;
	s6 =	ssub.s32 $0x2, s5;
	v3 =	vunpack.c.0.s8.s32 v3;
	v4 =	vunpack.c.0.s8.s32 v4;
	v5 =	vunpack.c.0.s8.s32 v5  }
.Ltmp0:
0x9: {  	vm2 =	vcmask $0x70C;
	s8 =	sshll.u32 s4, $0xF;
	s9 =	sshll.u32 s5, $0x6;
	v6 =	vunpack.c.0.s8.s32 v6;
	v1 =	vcombine.low v1, v0;
	(pc) =	sbr.rel .LBB2_1-.Ltmp0, $4  }
0xa: {  	s10 =	sshll.u32 s4, $0x3;
	s5 =	sshll.u32 s5, $0x2;
	s7 =	sshrl.u32 s6, $0x1;
	v2 =	vcombine.low v3, v2;
	v3 =	vcombine.low v5, v4;
	v4 =	vunpack.c.0.s8.s32 v7  }
0xb: {  	s9 =	sor.u32 s9, s8;
	s5 =	sor.u32 s5, s10;
	s8 =	sadd.s32 s2, s8;
	v0 =	vimm.f32 $0.0e+00;
	v5 =	vand.u32 $0xF, v6;
	v6 =	vimm.f32 $-Inf  }
0xc: {  	s10 =	simm.s32 $0x80;
	s11 =	ssub.s32 s6, s7;
	s6 =	sadd.s32 s1, s9;
	v7 =	vimm.s32 $0x0;
	v1 =	vand.u32 $0xF, v1;
	v2 =	vand.u32 $0xF, v2  }
0xd: {  	s7 =	sadd.s32 s2, s9;
	s9 =	smax.u32 s11, $0x1;
	s11 =	simm.s32 $0x400;
	v3 =	vand.u32 $0xF, v3;
	v4 =	vcombine.low v5, v4;
	v5 =	vlaneseq.u32  }
.LBB2_20:
0xe: {  	_ =	swait.ge [sflag:s17], $0x10  }
0xf: {  	[sflag:s17] =	ssyncset.done $0x0  }
0x10: {  	s18 =	sadd.s32 $0x1, s18;
	[sflag:s17] =	ssyncadd.s32 $0xFFFFFFF0  }
0x11: {  	p0 =	sne.s32 s18, s9;
	_ =	swait.ge [sflag:s17], $0x10  }
.Ltmp1:
0x12: {  	[sflag:s17] =	ssyncset.done $0x0;
	(pc) =	sbr.rel @!p0 .LBB2_21-.Ltmp1, $4  }
0x13: {  	[sflag:s17] =	ssyncadd.s32 $0xFFFFFFF0  }
0x14: {  	_ =	swait.ge [sflag:s17], $0x10  }
0x15: {  	[sflag:s17] =	ssyncset.done $0x0  }
0x16: {  	[sflag:s17] =	ssyncadd.s32 $0xFFFFFFF0  }
.LBB2_1:
0x17: {  	s19 =	sadd.s32 $0x0, s6  }
0x18: {  	[tilespmem:s3], [sflag:$0x1] =	stream.linear.gather [hbm4b:s19+s3], $0x80, $0x38;
	[tilespmem:$0x18700] =	vst v63  }
0x19: {  	s20 =	simm.s32 $0x0;
	s19 =	simm.s32 $0x80  }
.LBB2_2:
0x1a: {  	p0 =	sne.s32 s19, $0x7F80  }
.Ltmp2:
0x1b: {  	_ = 	snop;
	(pc) =	sbr.rel @p0 .LBB2_2-.Ltmp2, $4  }
0x1c: {  	_ = 	snop  }
0x1d: {  	s22 =	sadd.s32 s19, s6;
	s20 =	sadd.s32 $0x100, s20  }
0x1e: {  	s21 =	simm.s32 $0x0;
	s19 =	sadd.s32 $0x80, s19  }
0x1f: {  	[tilespmem:s20], [sflag:$0x1] =	stream.linear.gather [hbm4b:s22+s21], $0x80, $0x38;
	[tilespmem:$0x18700] =	vst v63  }
0x20: {  	s19 =	simm.s32 $0x0;
	s20 =	simm.s32 $0x400  }
.LBB2_4:
0x21: {  	p0 =	sne.s32 s20, $0x1FC00;
	[tilespmem:s19+$0x100F0] =	vst v0  }
0x22: {  	[tilespmem:s19+$0x10000] =	vst v0  }
0x23: {  	[tilespmem:s19+$0x10010] =	vst v0  }
0x24: {  	[tilespmem:s19+$0x10020] =	vst v0  }
0x25: {  	[tilespmem:s19+$0x10030] =	vst v0  }
0x26: {  	[tilespmem:s19+$0x10040] =	vst v0  }
0x27: {  	[tilespmem:s19+$0x10050] =	vst v0  }
0x28: {  	[tilespmem:s19+$0x10060] =	vst v0  }
0x29: {  	[tilespmem:s19+$0x10070] =	vst v0  }
0x2a: {  	[tilespmem:s19+$0x10080] =	vst v0  }
0x2b: {  	[tilespmem:s19+$0x10090] =	vst v0  }
.Ltmp3:
0x2c: {  	[tilespmem:s19+$0x100A0] =	vst v0;
	(pc) =	sbr.rel @p0 .LBB2_4-.Ltmp3, $4  }
0x2d: {  	[tilespmem:s19+$0x100B0] =	vst v0  }
0x2e: {  	[tilespmem:s19+$0x100C0] =	vst v0  }
0x2f: {  	[tilespmem:s19+$0x100D0] =	vst v0  }
0x30: {  	[tilespmem:s19+$0x100E0] =	vst v0;
	s19 =	sshra.s32 s20, $0x2;
	s20 =	sadd.s32 $0x400, s20  }
0x31: {  	[tilespmem:s19+$0x100F0] =	vst v0  }
0x32: {  	[tilespmem:s19+$0x10000] =	vst v0  }
0x33: {  	[tilespmem:s19+$0x10010] =	vst v0  }
0x34: {  	[tilespmem:s19+$0x10020] =	vst v0  }
0x35: {  	[tilespmem:s19+$0x10030] =	vst v0  }
0x36: {  	[tilespmem:s19+$0x10040] =	vst v0  }
0x37: {  	[tilespmem:s19+$0x10050] =	vst v0  }
0x38: {  	[tilespmem:s19+$0x10060] =	vst v0  }
0x39: {  	[tilespmem:s19+$0x10070] =	vst v0  }
0x3a: {  	[tilespmem:s19+$0x10080] =	vst v0  }
0x3b: {  	[tilespmem:s19+$0x10090] =	vst v0  }
0x3c: {  	[tilespmem:s19+$0x100A0] =	vst v0  }
0x3d: {  	[tilespmem:s19+$0x100B0] =	vst v0  }
0x3e: {  	[tilespmem:s19+$0x100C0] =	vst v0  }
0x3f: {  	[tilespmem:s19+$0x100D0] =	vst v0  }
0x40: {  	[tilespmem:s19+$0x100E0] =	vst v0;
	p0 =	por $0x1, $0x1;
	p1 =	por $0x0, $0x0;
	s19 =	smov.u32 s7  }
.LBB2_6:
0x41: {  	p2 =	seq.s32 s21, $0x3  }
.Ltmp4:
0x42: {  	_ = 	snop;
	(pc) =	sbr.rel @p2 .LBB2_10-.Ltmp4, $3  }
0x43: {  	_ =	sdelay $0x1  }
0x44: {  	[hbm4b:s19+s10] =	stream.strided.scatter [tilespmem:s12], [sflag:$0x3], $0x8000, s11, s10, $0x38;
	[tilespmem:$0x18700] =	vst v63  }
0x45: {  	s20 =	sand.u32 $0x1, s21;
	s19 =	sadd.s32 s5, s21  }
0x46: {  	s22 =	sadd.s32 $0x1, s19  }
0x47: {  	s23 =	simm.s32 $0x1;
	s24 =	sshll.u32 s22, $0x4  }
0x48: {  	s25 =	sxor.u32 $0x1, s20;
	s22 =	sshll.u32 s22, $0xC;
	s24 =	sand.u32 $0x70, s24  }
0x49: {  	s23 =	simm.s32 @!p0 $0x0;
	s26 =	sand.u32 $0xFFF8000, s22;
	s24 =	sadd.s32 s1, s24  }
0x4a: {  	s23 =	sshll.u32 s23, $0x7;
	s22 =	sadd.s32 $0x1, s25;
	s24 =	sadd.s32 s26, s24  }
0x4b: {  	s25 =	simm.s32 $0x80;
	s26 =	sadd.s32 $0x100, s23;
	s28 =	sadd.s32 $0x0, s24  }
.LBB2_8:
0x4c: {  	[tilespmem:s23], [sflag:s22] =	stream.linear.gather [hbm4b:s28+s3], $0x80, $0x38;
	[tilespmem:$0x18700] =	vst v63  }
0x4d: {  	s28 =	smov.u32 s25;
	s23 =	smov.u32 s26;
	p3 =	sne.s32 s25, $0x7F80  }
.Ltmp5:
0x4e: {  	s25 =	sadd.s32 $0x80, s25;
	(pc) =	sbr.rel @p3 .LBB2_8-.Ltmp5, $2  }
0x4f: {  	_ =	sdelay $0x2  }
0x50: {  	s26 =	sadd.s32 $0x100, s26;
	s28 =	sadd.s32 s28, s24  }
0x51: {  	[tilespmem:s23], [sflag:s22] =	stream.linear.gather [hbm4b:s28+s3], $0x80, $0x38;
	[tilespmem:$0x18700] =	vst v63  }
.LBB2_10:
0x52: {  	s22 =	simm.s32 $0x1;
	s20 =	sadd.s32 $0x1, s20  }
0x53: {  	s22 =	simm.s32 @!p1 $0x0;
	_ =	swait.ge [sflag:s20], $0x8000  }
0x54: {  	s22 =	sshll.u32 s22, $0x7;
	[sflag:s20] =	ssyncset.done $0x0  }
0x55: {  	s24 =	sor.u32 $0x200, s22;
	[sflag:s20] =	ssyncadd.s32 $0xFFFF8000  }
0x56: {  	v15 =	vld [tilespmem:s24+$0x140]  }
0x57: {  	v8 =	vld [tilespmem:s24+$0x150]  }
0x58: {  	v9 =	vld [tilespmem:s24+$0x160]  }
0x59: {  	v18 =	vld [tilespmem:s24+$0x100]  }
0x5a: {  	v11 =	vld [tilespmem:s24+$0x110]  }
0x5b: {  	v12 =	vld [tilespmem:s24+$0x120]  }
0x5c: {  	v21 =	vld [tilespmem:s24+$0x40]  }
0x5d: {  	v13 =	vld [tilespmem:s24+$0x50]  }
0x5e: {  	v14 =	vld [tilespmem:s24+$0x60]  }
0x5f: {  	v23 =	vld [tilespmem:s24+$0x0]  }
0x60: {  	v16 =	vld [tilespmem:s24+$0x10]  }
0x61: {  	v17 =	vld [tilespmem:s24+$0x20]  }
0x62: {  	v31 =	vld [tilespmem:s24+$0xFFFFFF40]  }
0x63: {  	v19 =	vld [tilespmem:s24+$0xFFFFFF50]  }
0x64: {  	v20 =	vld [tilespmem:s24+$0xFFFFFF60]  }
0x65: {  	v10 =	vld [tilespmem:s24+$0xFFFFFF00]  }
0x66: {  	v22 =	vld [tilespmem:s24+$0xFFFFFF10]  }
0x67: {  	v28 =	vld [tilespmem:s24+$0xFFFFFE40]  }
0x68: {  	v29 =	vld [tilespmem:s24+$0xFFFFFE00]  }
0x69: {  	v24 =	vld [tilespmem:s24+$0xFFFFFF20]  }
0x6a: {  	v25 =	vld [tilespmem:s24+$0xFFFFFE10]  }
0x6b: {  	v26 =	vld [tilespmem:s24+$0xFFFFFE50]  }
0x6c: {  	v27 =	vld [tilespmem:s24+$0xFFFFFE20]  }
0x6d: {  	v30 =	vmax.f32 v29, v28;
	v28 =	vld [tilespmem:s24+$0xFFFFFE60]  }
0x6e: {  	s23 =	simm.s32 $0x0;
	v29 =	vld [tilespmem:s24+$0xFFFFFE30];
	v32 =	vmax.f32 v30, v10  }
0x6f: {  	s25 =	simm.s32 $0x40;
	s22 =	sor.u32 $0x400, s22;
	s20 =	sadd.s32 $0x1, s21;
	v10 =	vimm.f32 $-Inf;
	v30 =	vld [tilespmem:s24+$0xFFFFFE70];
	v31 =	vmax.f32 v32, v31  }
.LBB2_11:
0x70: {  	p3 =	sne.s32 s25, $0xFC0;
	v32 =	vld [tilespmem:s24+$0xFFFFFF30];
	v23 =	vmax.f32 v31, v23  }
0x71: {  	v31 =	vld [tilespmem:s24+$0xFFFFFF70];
	v21 =	vmax.f32 v23, v21  }
0x72: {  	v23 =	vld [tilespmem:s24+$0x30];
	v18 =	vmax.f32 v21, v18  }
0x73: {  	v21 =	vld [tilespmem:s24+$0x70];
	v15 =	vmax.f32 v18, v15  }
0x74: {  	v18 =	vmax.f32 v25, v26;
	v25 =	vmax.f32 v27, v28;
	v26 =	vmax.f32 v29, v30;
	v27 =	vld [tilespmem:s24+$0x130]  }
0x75: {  	v18 =	vmax.f32 v18, v22;
	v22 =	vmax.f32 v25, v24;
	v24 =	vmax.f32 v26, v32;
	v25 =	vld [tilespmem:s24+$0x170]  }
0x76: {  	v18 =	vmax.f32 v18, v19;
	v19 =	vmax.f32 v22, v20;
	v20 =	vmax.f32 v24, v31  }
0x77: {  	v16 =	vmax.f32 v18, v16;
	v17 =	vmax.f32 v19, v17;
	v18 =	vmax.f32 v20, v23  }
0x78: {  	v13 =	vmax.f32 v16, v13;
	v14 =	vmax.f32 v17, v14;
	v16 =	vmax.f32 v18, v21  }
0x79: {  	v11 =	vmax.f32 v13, v11;
	v12 =	vmax.f32 v14, v12;
	v13 =	vmax.f32 v16, v27  }
0x7a: {  	v8 =	vmax.f32 v11, v8;
	v9 =	vmax.f32 v12, v9;
	v11 =	vmax.f32 v13, v25  }
0x7b: {  	v8 =	vmax.f32 v15, v8;
	v9 =	vmax.f32 v9, v11  }
0x7c: {  	s26 =	sshra.s32 s23, $0x2;
	s23 =	smov.u32 s25;
	v8 =	vmax.f32 v8, v9  }
0x7d: {  	s24 =	sadd.s32 $0x400, s24;
	[tilespmem:s26+$0x18000] =	vst v8;
	v10 =	vmax.f32 v10, v8  }
0x7e: {  	v15 =	vld [tilespmem:s24+$0x140]  }
0x7f: {  	v8 =	vld [tilespmem:s24+$0x150]  }
0x80: {  	v9 =	vld [tilespmem:s24+$0x160]  }
0x81: {  	v18 =	vld [tilespmem:s24+$0x100]  }
0x82: {  	v11 =	vld [tilespmem:s24+$0x110]  }
0x83: {  	v12 =	vld [tilespmem:s24+$0x120]  }
0x84: {  	v21 =	vld [tilespmem:s24+$0x40]  }
0x85: {  	v13 =	vld [tilespmem:s24+$0x50]  }
0x86: {  	v14 =	vld [tilespmem:s24+$0x60]  }
0x87: {  	v23 =	vld [tilespmem:s24+$0x0]  }
0x88: {  	v16 =	vld [tilespmem:s24+$0x10]  }
0x89: {  	v17 =	vld [tilespmem:s24+$0x20]  }
0x8a: {  	v31 =	vld [tilespmem:s24+$0xFFFFFF40]  }
0x8b: {  	v19 =	vld [tilespmem:s24+$0xFFFFFF50]  }
0x8c: {  	v20 =	vld [tilespmem:s24+$0xFFFFFF60]  }
0x8d: {  	v30 =	vld [tilespmem:s24+$0xFFFFFF00]  }
0x8e: {  	v22 =	vld [tilespmem:s24+$0xFFFFFF10]  }
0x8f: {  	v28 =	vld [tilespmem:s24+$0xFFFFFE40]  }
0x90: {  	v29 =	vld [tilespmem:s24+$0xFFFFFE00]  }
0x91: {  	v24 =	vld [tilespmem:s24+$0xFFFFFF20]  }
0x92: {  	v25 =	vld [tilespmem:s24+$0xFFFFFE10]  }
.Ltmp6:
0x93: {  	v26 =	vld [tilespmem:s24+$0xFFFFFE50];
	(pc) =	sbr.rel @p3 .LBB2_11-.Ltmp6, $4  }
0x94: {  	v27 =	vld [tilespmem:s24+$0xFFFFFE20]  }
0x95: {  	v32 =	vmax.f32 v29, v28;
	v28 =	vld [tilespmem:s24+$0xFFFFFE60]  }
0x96: {  	v29 =	vld [tilespmem:s24+$0xFFFFFE30];
	v32 =	vmax.f32 v32, v30  }
0x97: {  	s25 =	sadd.s32 $0x40, s25;
	v30 =	vld [tilespmem:s24+$0xFFFFFE70];
	v31 =	vmax.f32 v32, v31  }
0x98: {  	v32 =	vld [tilespmem:s24+$0xFFFFFF30]  }
0x99: {  	v23 =	vmax.f32 v31, v23;
	v35 =	vld [tilespmem:s24+$0xFFFFFF70]  }
0x9a: {  	v36 =	vld [tilespmem:s24+$0x30];
	v21 =	vmax.f32 v23, v21  }
0x9b: {  	v37 =	vld [tilespmem:s24+$0x70];
	v38 =	vmax.f32 v25, v26;
	v18 =	vmax.f32 v21, v18  }
0x9c: {  	v41 =	vld [tilespmem:s24+$0x130];
	v39 =	vmax.f32 v27, v28;
	v15 =	vmax.f32 v18, v15;
	v40 =	vmax.f32 v29, v30  }
0x9d: {  	v44 =	vld [tilespmem:s24+$0x170];
	v18 =	vmax.f32 v38, v22;
	v42 =	vmax.f32 v39, v24;
	v43 =	vmax.f32 v40, v32  }
0x9e: {  	v18 =	vmax.f32 v18, v19;
	v45 =	vmax.f32 v42, v20;
	v46 =	vmax.f32 v43, v35  }
0x9f: {  	v16 =	vmax.f32 v18, v16;
	v17 =	vmax.f32 v45, v17;
	v47 =	vmax.f32 v46, v36  }
0xa0: {  	v13 =	vmax.f32 v16, v13;
	v14 =	vmax.f32 v17, v14;
	v48 =	vmax.f32 v47, v37  }
0xa1: {  	v11 =	vmax.f32 v13, v11;
	v12 =	vmax.f32 v14, v12;
	v49 =	vmax.f32 v48, v41  }
0xa2: {  	v8 =	vmax.f32 v11, v8;
	v9 =	vmax.f32 v12, v9;
	v11 =	vmax.f32 v49, v44  }
0xa3: {  	v8 =	vmax.f32 v15, v8;
	v9 =	vmax.f32 v9, v11  }
0xa4: {  	v8 =	vmax.f32 v8, v9  }
0xa5: {  	v9 =	vmax.f32 v10, v8  }
0xa6: {  	v10 =	vperm.xlane v9, v1;
	_ =	sdelay $0x1  }
0xa7: {  	v10 =	vmax.f32 v9, v10  }
0xa8: {  	v11 =	vperm.xlane v10, v2;
	_ =	sdelay $0x1  }
0xa9: {  	v10 =	vmax.f32 v10, v11  }
0xaa: {  	v11 =	vperm.xlane v10, v3;
	_ =	sdelay $0x1  }
0xab: {  	v10 =	vmax.f32 v10, v11  }
0xac: {  	v11 =	vperm.xlane v10, v4;
	_ =	sdelay $0x1  }
0xad: {  	v10 =	vmax.f32 v10, v11  }
0xae: {  	vm3 =	veq.f32 v9, v10  }
0xaf: {  	v10 =	vnsel vm3, $0xFFFFFFFF, v5  }
0xb0: {  	v11 =	vperm.xlane v10, v1;
	_ =	sdelay $0x1  }
0xb1: {  	vm3 =	vgt.s32 v10, v11  }
0xb2: {  	v10 =	vsel vm3, v10, v11  }
0xb3: {  	v11 =	vperm.xlane v10, v2;
	_ =	sdelay $0x1  }
0xb4: {  	vm3 =	vgt.s32 v10, v11  }
0xb5: {  	v10 =	vsel vm3, v10, v11  }
0xb6: {  	v11 =	vperm.xlane v10, v3;
	_ =	sdelay $0x1  }
0xb7: {  	vm3 =	vgt.s32 v10, v11  }
0xb8: {  	v10 =	vsel vm3, v10, v11  }
0xb9: {  	v11 =	vperm.xlane v10, v4;
	_ =	sdelay $0x1  }
0xba: {  	vm3 =	vgt.s32 v10, v11  }
0xbb: {  	v10 =	vsel vm3, v10, v11  }
0xbc: {  	vm3 =	veq.s32 v10, v5  }
0xbd: {  	v9 =	vsel vm3, $0xFF800000, v9  }
0xbe: {  	v10 =	vperm.xlane v9, v1;
	_ =	sdelay $0x1  }
0xbf: {  	v10 =	vmax.f32 v9, v10  }
0xc0: {  	v11 =	vperm.xlane v10, v2;
	_ =	sdelay $0x1  }
0xc1: {  	v10 =	vmax.f32 v10, v11  }
0xc2: {  	v11 =	vperm.xlane v10, v3;
	_ =	sdelay $0x1  }
0xc3: {  	v10 =	vmax.f32 v10, v11  }
0xc4: {  	v11 =	vperm.xlane v10, v4;
	_ =	sdelay $0x1  }
0xc5: {  	v10 =	vmax.f32 v10, v11  }
0xc6: {  	vm3 =	veq.f32 v9, v10  }
0xc7: {  	v10 =	vnsel vm3, $0xFFFFFFFF, v5  }
0xc8: {  	v11 =	vperm.xlane v10, v1;
	_ =	sdelay $0x1  }
0xc9: {  	vm3 =	vgt.s32 v10, v11  }
0xca: {  	v10 =	vsel vm3, v10, v11  }
0xcb: {  	v11 =	vperm.xlane v10, v2;
	_ =	sdelay $0x1  }
0xcc: {  	vm3 =	vgt.s32 v10, v11  }
0xcd: {  	v10 =	vsel vm3, v10, v11  }
0xce: {  	v11 =	vperm.xlane v10, v3;
	_ =	sdelay $0x1  }
0xcf: {  	vm3 =	vgt.s32 v10, v11  }
0xd0: {  	v10 =	vsel vm3, v10, v11  }
0xd1: {  	v11 =	vperm.xlane v10, v4;
	_ =	sdelay $0x1  }
0xd2: {  	vm3 =	vgt.s32 v10, v11  }
0xd3: {  	v10 =	vsel vm3, v10, v11  }
0xd4: {  	vm3 =	veq.s32 v10, v5  }
0xd5: {  	v9 =	vsel vm3, $0xFF800000, v9  }
0xd6: {  	v10 =	vperm.xlane v9, v1;
	_ =	sdelay $0x1  }
0xd7: {  	v9 =	vmax.f32 v9, v10  }
0xd8: {  	v10 =	vperm.xlane v9, v2  }
0xd9: {  	s23 =	sshra.s32 s23, $0x2  }
0xda: {  	[tilespmem:s23+$0x18000] =	vst v8;
	v8 =	vmax.f32 v9, v10  }
0xdb: {  	v50 =	vld [tilespmem:$0x18020];
	v9 =	vperm.xlane v8, v3  }
0xdc: {  	v10 =	vld [tilespmem:$0x18000]  }
0xdd: {  	v11 =	vld [tilespmem:$0x18010];
	v8 =	vmax.f32 v8, v9  }
0xde: {  	v51 =	vld [tilespmem:$0x18030];
	v9 =	vperm.xlane v8, v4  }
0xdf: {  	v52 =	vld [tilespmem:$0x18040]  }
0xe0: {  	v53 =	vld [tilespmem:$0x18050];
	v9 =	vmax.f32 v8, v9  }
0xe1: {  	vm3 =	vge.f32 v10, v9;
	v10 =	vld [tilespmem:$0x18060]  }
0xe2: {  	v8 =	vimm.s32 $0x0;
	v54 =	vsel vm3, $0x1, v7;
	vm3 =	vge.f32 v11, v9;
	v11 =	vld [tilespmem:$0x18070]  }
0xe3: {  	v56 =	vld [tilespmem:$0x18080];
	vm4 =	vge.f32 v51, v9;
	v55 =	vsel vm3, $0x2, v8;
	vm3 =	vge.f32 v50, v9  }
0xe4: {  	v59 =	vld [tilespmem:$0x18090];
	v58 =	vsel vm4, $0x8, v8;
	v57 =	vsel vm3, $0x4, v8;
	vm3 =	vge.f32 v52, v9  }
0xe5: {  	v61 =	vld [tilespmem:$0x180A0];
	v16 =	vor.u32 v54, v55;
	v60 =	vsel vm3, $0x10, v8;
	vm3 =	vge.f32 v53, v9  }
0xe6: {  	v13 =	vor.u32 v57, v16;
	v62 =	vsel vm3, $0x20, v8;
	vm3 =	vge.f32 v10, v9;
	v10 =	vld [tilespmem:$0x180B0]  }
0xe7: {  	v13 =	vor.u32 v58, v13;
	v63 =	vsel vm3, $0x40, v8;
	vm3 =	vge.f32 v11, v9;
	v11 =	vld [tilespmem:$0x180C0]  }
0xe8: {  	v22 =	vld [tilespmem:$0x180D0];
	v13 =	vor.u32 v60, v13;
	v21 =	vsel vm3, $0x80, v8;
	vm3 =	vge.f32 v56, v9  }
0xe9: {  	v24 =	vld [tilespmem:$0x180E0];
	v13 =	vor.u32 v62, v13;
	v23 =	vsel vm3, $0x100, v8;
	vm3 =	vge.f32 v59, v9  }
0xea: {  	v26 =	vld [tilespmem:$0x180F0];
	v13 =	vor.u32 v63, v13;
	v25 =	vsel vm3, $0x200, v8;
	vm3 =	vge.f32 v61, v9  }
0xeb: {  	v13 =	vor.u32 v21, v13;
	v27 =	vsel vm3, $0x400, v8;
	vm3 =	vge.f32 v10, v9;
	v10 =	vld [tilespmem:$0x18100]  }
0xec: {  	v13 =	vor.u32 v23, v13;
	v28 =	vsel vm3, $0x800, v8;
	vm3 =	vge.f32 v11, v9;
	v11 =	vld [tilespmem:$0x18110]  }
0xed: {  	v30 =	vld [tilespmem:$0x18120];
	v13 =	vor.u32 v25, v13;
	v29 =	vsel vm3, $0x1000, v8;
	vm3 =	vge.f32 v22, v9  }
0xee: {  	v32 =	vld [tilespmem:$0x18130];
	v13 =	vor.u32 v27, v13;
	v31 =	vsel vm3, $0x2000, v8;
	vm3 =	vge.f32 v24, v9  }
0xef: {  	v34 =	vld [tilespmem:$0x18140];
	v13 =	vor.u32 v28, v13;
	v33 =	vsel vm3, $0x4000, v8;
	vm3 =	vge.f32 v26, v9  }
0xf0: {  	v13 =	vor.u32 v29, v13;
	v35 =	vsel vm3, $0x8000, v8;
	vm3 =	vge.f32 v10, v9;
	v10 =	vld [tilespmem:$0x18150]  }
0xf1: {  	v13 =	vor.u32 v31, v13;
	v36 =	vsel vm3, $0x10000, v8;
	vm3 =	vge.f32 v11, v9;
	v11 =	vld [tilespmem:$0x18160]  }
0xf2: {  	v38 =	vld [tilespmem:$0x18170];
	v13 =	vor.u32 v33, v13;
	v37 =	vsel vm3, $0x20000, v8;
	vm3 =	vge.f32 v30, v9  }
0xf3: {  	v40 =	vld [tilespmem:$0x18180];
	v13 =	vor.u32 v35, v13;
	v39 =	vsel vm3, $0x40000, v8;
	vm3 =	vge.f32 v32, v9  }
0xf4: {  	v42 =	vld [tilespmem:$0x18190];
	v13 =	vor.u32 v36, v13;
	v41 =	vsel vm3, $0x80000, v8;
	vm3 =	vge.f32 v34, v9  }
0xf5: {  	v13 =	vor.u32 v37, v13;
	v43 =	vsel vm3, $0x100000, v8;
	vm3 =	vge.f32 v10, v9;
	v10 =	vld [tilespmem:$0x181A0]  }
0xf6: {  	v13 =	vor.u32 v39, v13;
	v44 =	vsel vm3, $0x200000, v8;
	vm3 =	vge.f32 v11, v9;
	v11 =	vld [tilespmem:$0x181B0]  }
0xf7: {  	v46 =	vld [tilespmem:$0x181C0];
	v13 =	vor.u32 v41, v13;
	v45 =	vsel vm3, $0x400000, v8;
	vm3 =	vge.f32 v38, v9  }
0xf8: {  	v48 =	vld [tilespmem:$0x181D0];
	v13 =	vor.u32 v43, v13;
	v47 =	vsel vm3, $0x800000, v8;
	vm3 =	vge.f32 v40, v9  }
0xf9: {  	v50 =	vld [tilespmem:$0x181E0];
	v13 =	vor.u32 v44, v13;
	v49 =	vsel vm3, $0x1000000, v8;
	vm3 =	vge.f32 v42, v9  }
0xfa: {  	v13 =	vor.u32 v45, v13;
	v51 =	vsel vm3, $0x2000000, v8;
	vm3 =	vge.f32 v10, v9;
	v10 =	vld [tilespmem:$0x181F0]  }
0xfb: {  	v13 =	vor.u32 v47, v13;
	v52 =	vsel vm3, $0x4000000, v8;
	vm3 =	vge.f32 v11, v9;
	v11 =	vld [tilespmem:$0x18200]  }
0xfc: {  	v54 =	vld [tilespmem:$0x18210];
	v13 =	vor.u32 v49, v13;
	v53 =	vsel vm3, $0x8000000, v8;
	vm3 =	vge.f32 v46, v9  }
0xfd: {  	v56 =	vld [tilespmem:$0x18220];
	v13 =	vor.u32 v51, v13;
	v55 =	vsel vm3, $0x10000000, v8;
	vm3 =	vge.f32 v48, v9  }
0xfe: {  	v58 =	vld [tilespmem:$0x18230];
	v13 =	vor.u32 v52, v13;
	v57 =	vsel vm3, $0x20000000, v8;
	vm3 =	vge.f32 v50, v9  }
0xff: {  	v13 =	vor.u32 v53, v13;
	v59 =	vsel vm3, $0x40000000, v8;
	vm3 =	vge.f32 v10, v9;
	v10 =	vld [tilespmem:$0x18240]  }
0x100: {  	v13 =	vor.u32 v55, v13;
	v17 =	vsel vm3, $0x80000000, v8;
	vm3 =	vge.f32 v11, v9;
	v11 =	vld [tilespmem:$0x18250]  }
0x101: {  	v61 =	vld [tilespmem:$0x18260];
	v13 =	vor.u32 v57, v13;
	v60 =	vsel vm3, $0x1, v7;
	vm3 =	vge.f32 v54, v9  }
0x102: {  	v63 =	vld [tilespmem:$0x18270];
	v13 =	vor.u32 v59, v13;
	v62 =	vsel vm3, $0x2, v8;
	vm3 =	vge.f32 v56, v9  }
0x103: {  	v22 =	vld [tilespmem:$0x18280];
	v16 =	vor.u32 v60, v62;
	v21 =	vsel vm3, $0x4, v8;
	vm3 =	vge.f32 v58, v9  }
0x104: {  	v16 =	vor.u32 v21, v16;
	v23 =	vsel vm3, $0x8, v8;
	vm3 =	vge.f32 v10, v9;
	v10 =	vld [tilespmem:$0x18290]  }
0x105: {  	v16 =	vor.u32 v23, v16;
	v24 =	vsel vm3, $0x10, v8;
	vm3 =	vge.f32 v11, v9;
	v11 =	vld [tilespmem:$0x182A0]  }
0x106: {  	v26 =	vld [tilespmem:$0x182B0];
	v16 =	vor.u32 v24, v16;
	v25 =	vsel vm3, $0x20, v8;
	vm3 =	vge.f32 v61, v9  }
0x107: {  	v28 =	vld [tilespmem:$0x182C0];
	v16 =	vor.u32 v25, v16;
	v27 =	vsel vm3, $0x40, v8;
	vm3 =	vge.f32 v63, v9  }
0x108: {  	v30 =	vld [tilespmem:$0x182D0];
	v16 =	vor.u32 v27, v16;
	v29 =	vsel vm3, $0x80, v8;
	vm3 =	vge.f32 v22, v9  }
0x109: {  	v16 =	vor.u32 v29, v16;
	v31 =	vsel vm3, $0x100, v8;
	vm3 =	vge.f32 v10, v9;
	v10 =	vld [tilespmem:$0x182E0]  }
0x10a: {  	v16 =	vor.u32 v31, v16;
	v32 =	vsel vm3, $0x200, v8;
	vm3 =	vge.f32 v11, v9;
	v11 =	vld [tilespmem:$0x182F0]  }
0x10b: {  	v34 =	vld [tilespmem:$0x18300];
	v16 =	vor.u32 v32, v16;
	v33 =	vsel vm3, $0x400, v8;
	vm3 =	vge.f32 v26, v9  }
0x10c: {  	v36 =	vld [tilespmem:$0x18310];
	v16 =	vor.u32 v33, v16;
	v35 =	vsel vm3, $0x800, v8;
	vm3 =	vge.f32 v28, v9  }
0x10d: {  	v38 =	vld [tilespmem:$0x18320];
	v16 =	vor.u32 v35, v16;
	v37 =	vsel vm3, $0x1000, v8;
	vm3 =	vge.f32 v30, v9  }
0x10e: {  	v16 =	vor.u32 v37, v16;
	v39 =	vsel vm3, $0x2000, v8;
	vm3 =	vge.f32 v10, v9;
	v10 =	vld [tilespmem:$0x18330]  }
0x10f: {  	v16 =	vor.u32 v39, v16;
	v40 =	vsel vm3, $0x4000, v8;
	vm3 =	vge.f32 v11, v9;
	v11 =	vld [tilespmem:$0x18340]  }
0x110: {  	v42 =	vld [tilespmem:$0x18350];
	v16 =	vor.u32 v40, v16;
	v41 =	vsel vm3, $0x8000, v8;
	vm3 =	vge.f32 v34, v9  }
0x111: {  	v44 =	vld [tilespmem:$0x18360];
	v16 =	vor.u32 v41, v16;
	v43 =	vsel vm3, $0x10000, v8;
	vm3 =	vge.f32 v36, v9  }
0x112: {  	v46 =	vld [tilespmem:$0x18370];
	v16 =	vor.u32 v43, v16;
	v45 =	vsel vm3, $0x20000, v8;
	vm3 =	vge.f32 v38, v9  }
0x113: {  	v16 =	vor.u32 v45, v16;
	v47 =	vsel vm3, $0x40000, v8;
	vm3 =	vge.f32 v10, v9;
	v10 =	vld [tilespmem:$0x18380]  }
0x114: {  	v16 =	vor.u32 v47, v16;
	v48 =	vsel vm3, $0x80000, v8;
	vm3 =	vge.f32 v11, v9;
	v11 =	vld [tilespmem:$0x18390]  }
0x115: {  	v50 =	vld [tilespmem:$0x183A0];
	v16 =	vor.u32 v48, v16;
	v49 =	vsel vm3, $0x100000, v8;
	vm3 =	vge.f32 v42, v9  }
0x116: {  	v52 =	vld [tilespmem:$0x183B0];
	v16 =	vor.u32 v49, v16;
	v51 =	vsel vm3, $0x200000, v8;
	vm3 =	vge.f32 v44, v9  }
0x117: {  	v54 =	vld [tilespmem:$0x183C0];
	v16 =	vor.u32 v51, v16;
	v53 =	vsel vm3, $0x400000, v8;
	vm3 =	vge.f32 v46, v9  }
0x118: {  	v16 =	vor.u32 v53, v16;
	v55 =	vsel vm3, $0x800000, v8;
	vm3 =	vge.f32 v10, v9;
	v10 =	vld [tilespmem:$0x183D0]  }
0x119: {  	v16 =	vor.u32 v55, v16;
	v56 =	vsel vm3, $0x1000000, v8;
	vm3 =	vge.f32 v11, v9;
	v11 =	vld [tilespmem:$0x183E0]  }
0x11a: {  	v58 =	vld [tilespmem:$0x183F0];
	v16 =	vor.u32 v56, v16;
	v57 =	vsel vm3, $0x2000000, v8;
	vm3 =	vge.f32 v50, v9  }
0x11b: {  	v16 =	vor.u32 v57, v16;
	v59 =	vsel vm3, $0x4000000, v8;
	vm3 =	vge.f32 v52, v9  }
0x11c: {  	v60 =	vor.u32 v59, v16;
	v61 =	vsel vm3, $0x8000000, v8;
	vm3 =	vge.f32 v54, v9  }
0x11d: {  	v14 =	vor.u32 v61, v60;
	v15 =	vsel vm3, $0x10000000, v8;
	vm3 =	vge.f32 v10, v9  }
0x11e: {  	v10 =	vor.u32 v15, v14;
	v62 =	vsel vm3, $0x20000000, v8;
	vm3 =	vge.f32 v11, v9  }
0x11f: {  	v10 =	vor.u32 v62, v10;
	v11 =	vsel vm3, $0x40000000, v8;
	vm3 =	vge.f32 v58, v9  }
0x120: {  	v9 =	vor.u32 v17, v13;
	v10 =	vor.u32 v11, v10;
	v11 =	vsel vm3, $0x80000000, v8  }
0x121: {  	v10 =	vor.u32 v11, v10;
	v11 =	vperm.xlane v9, v1  }
0x122: {  	v63 =	vperm.xlane v10, v1  }
0x123: {  	v9 =	vor.u32 v9, v11  }
0x124: {  	v11 =	vperm.xlane v9, v2;
	v10 =	vor.u32 v10, v63  }
0x125: {  	v12 =	vperm.xlane v10, v2  }
0x126: {  	v9 =	vor.u32 v11, v9  }
0x127: {  	v11 =	vperm.xlane v9, v3;
	v10 =	vor.u32 v12, v10  }
0x128: {  	v12 =	vperm.xlane v10, v3  }
0x129: {  	v9 =	vor.u32 v11, v9  }
0x12a: {  	v11 =	vperm.xlane v9, v4;
	v10 =	vor.u32 v12, v10  }
0x12b: {  	v12 =	vperm.xlane v10, v4  }
0x12c: {  	v9 =	vor.u32 v11, v9  }
0x12d: {  	(v2sf) =	vpush v9, $0x0;
	v9 =	vor.u32 v12, v10  }
0x12e: {  	(v2sf) =	vpush v9, $0x0;
	_ =	sdelay $0x9  }
0x12f: {  	[tilespmem:$0x18400] =	vst v6  }
.Ltmp7:
0x130: {  	[tilespmem:$0x18410] =	vst v6;
	(pc) =	sbr.rel .LBB2_13-.Ltmp7, $4  }
0x131: {  	[tilespmem:$0x18420] =	vst v6  }
0x132: {  	[tilespmem:$0x18480] =	vst v8  }
0x133: {  	s25 =	simm.s32 $0x0;
	[tilespmem:$0x18490] =	vst v8;
	s23 =	spop (v2sf)  }
0x134: {  	s26 =	simm.s32 $0x0;
	s28 =	simm.s32 $0x0;
	[tilespmem:$0x184A0] =	vst v8;
	s24 =	spop (v2sf)  }
.LBB2_17:
0x135: {  	s25 =	sadd.s32 $0x400, s25  }
0x136: {  	p3 =	sne.s32 s25, $0x8000  }
.Ltmp8:
0x137: {  	_ = 	snop;
	(pc) =	sbr.rel @!p3 .LBB2_18-.Ltmp8, $2  }
0x138: {  	_ =	sdelay $0x2  }
0x139: {  	s28 =	sadd.s32 $0x1, s28;
	s26 =	sadd.s32 $0x2, s26;
	s22 =	sadd.s32 $0x800, s22  }
.LBB2_13:
0x13a: {  	p3 =	slt.u32 s28, $0x10;
	s29 =	smov.u32 s24  }
0x13b: {  	s30 =	sand.u32 $0x1E, s26;
	s29 =	smov.u32 @p3 s23  }
0x13c: {  	s30 =	sshrl.u32 s29, s30  }
0x13d: {  	s30 =	sand.u32 $0x1, s30  }
0x13e: {  	p3 =	seq.s32 s30, $0x0  }
.Ltmp9:
0x13f: {  	_ = 	snop;
	(pc) =	sbr.rel @p3 .LBB2_15-.Ltmp9, $1  }
0x140: {  	_ =	sdelay $0x3  }
0x141: {  	v9 =	vld [tilespmem:$0x18400]  }
0x142: {  	v10 =	vld [tilespmem:$0x18410]  }
0x143: {  	v11 =	vld [tilespmem:s22+$0xFFFFFC00]  }
0x144: {  	v12 =	vld [tilespmem:$0x18420];
	s0 =	sadd.s32 $0x20, s25  }
0x145: {  	v14 =	vld [tilespmem:$0x18490];
	s31 =	sadd.s32 $0x30, s25;
	v28 =	vor.u32 s0, v5;
	s0 =	sadd.s32 $0x40, s25  }
0x146: {  	v13 =	vld [tilespmem:$0x18480];
	v34 =	vor.u32 s31, v5;
	s31 =	sadd.s32 $0x50, s25;
	v39 =	vor.u32 s0, v5;
	s0 =	sadd.s32 $0x60, s25  }
0x147: {  	v17 =	vor.u32 s25, v5;
	s30 =	sadd.s32 $0x10, s25;
	v45 =	vor.u32 s31, v5;
	s31 =	sadd.s32 $0x70, s25;
	v51 =	vor.u32 s0, v5;
	s0 =	sadd.s32 $0x80, s25  }
0x148: {  	v15 =	vld [tilespmem:s22+$0xFFFFFC10];
	v22 =	vor.u32 s30, v5;
	v56 =	vor.u32 s31, v5;
	v62 =	vor.u32 s0, v5  }
0x149: {  	vm3 =	vge.f32 v11, v10;
	vm4 =	vge.f32 v11, v12;
	vm5 =	vge.f32 v11, v9  }
0x14a: {  	v16 =	vsel vm3, v10, v11;
	v63 =	vsel vm3, v14, v17;
	v18 =	vsel vm5, v9, v11  }
0x14b: {  	v19 =	vsel vm5, v13, v17;
	v9 =	vsel vm5, v11, v9;
	v11 =	vsel vm5, v17, v13  }
0x14c: {  	v21 =	vld [tilespmem:s22+$0xFFFFFC20];
	v12 =	vsel vm4, v16, v12;
	v8 =	vsel vm4, v63, v8;
	v10 =	vsel vm3, v18, v10  }
0x14d: {  	v14 =	vsel vm3, v19, v14;
	vm12 =	vge.f32 v15, v9;
	vm3 =	vge.f32 v15, v10  }
0x14e: {  	vm11 =	vge.f32 v15, v12;
	v25 =	vsel vm12, v9, v15;
	v26 =	vsel vm12, v11, v22  }
0x14f: {  	v9 =	vsel vm12, v15, v9;
	v11 =	vsel vm12, v22, v11;
	v23 =	vsel vm3, v10, v15  }
0x150: {  	v27 =	vld [tilespmem:s22+$0xFFFFFC30];
	s31 =	sadd.s32 $0x90, s25;
	v24 =	vsel vm3, v14, v22;
	v10 =	vsel vm3, v25, v10;
	v14 =	vsel vm3, v26, v14  }
0x151: {  	vm13 =	vge.f32 v21, v9;
	v25 =	vor.u32 s31, v5;
	v12 =	vsel vm11, v23, v12  }
0x152: {  	v8 =	vsel vm11, v24, v8;
	vm3 =	vge.f32 v21, v10;
	v30 =	vsel vm13, v9, v21  }
0x153: {  	v31 =	vsel vm13, v11, v28;
	v9 =	vsel vm13, v21, v9;
	v11 =	vsel vm13, v28, v11  }
0x154: {  	vm14 =	vge.f32 v21, v12;
	v17 =	vsel vm3, v10, v21;
	v29 =	vsel vm3, v14, v28  }
0x155: {  	v32 =	vld [tilespmem:s22+$0xFFFFFC40];
	s0 =	sadd.s32 $0xA0, s25;
	v10 =	vsel vm3, v30, v10;
	v14 =	vsel vm3, v31, v14;
	vm8 =	vge.f32 v27, v9  }
0x156: {  	v30 =	vor.u32 s0, v5;
	v12 =	vsel vm14, v17, v12;
	v8 =	vsel vm14, v29, v8  }
0x157: {  	vm3 =	vge.f32 v27, v10;
	v36 =	vsel vm8, v9, v27;
	v37 =	vsel vm8, v11, v34  }
0x158: {  	v9 =	vsel vm8, v27, v9;
	v11 =	vsel vm8, v34, v11;
	vm15 =	vge.f32 v27, v12  }
0x159: {  	s31 =	sadd.s32 $0xB0, s25;
	v33 =	vsel vm3, v10, v27;
	v35 =	vsel vm3, v14, v34;
	v10 =	vsel vm3, v36, v10  }
0x15a: {  	v38 =	vld [tilespmem:s22+$0xFFFFFC50];
	v14 =	vsel vm3, v37, v14;
	vm10 =	vge.f32 v32, v9;
	v36 =	vor.u32 s31, v5  }
0x15b: {  	v12 =	vsel vm15, v33, v12;
	v8 =	vsel vm15, v35, v8;
	vm3 =	vge.f32 v32, v10  }
0x15c: {  	v42 =	vsel vm10, v9, v32;
	v43 =	vsel vm10, v11, v39;
	v9 =	vsel vm10, v32, v9  }
0x15d: {  	v11 =	vsel vm10, v39, v11;
	vm9 =	vge.f32 v32, v12;
	v40 =	vsel vm3, v10, v32  }
0x15e: {  	v44 =	vld [tilespmem:s22+$0xFFFFFC60];
	s0 =	sadd.s32 $0xC0, s25;
	v41 =	vsel vm3, v14, v39;
	v10 =	vsel vm3, v42, v10;
	v14 =	vsel vm3, v43, v14  }
0x15f: {  	vm11 =	vge.f32 v38, v9;
	v42 =	vor.u32 s0, v5;
	v12 =	vsel vm9, v40, v12  }
0x160: {  	v8 =	vsel vm9, v41, v8;
	vm3 =	vge.f32 v38, v10;
	v47 =	vsel vm11, v9, v38  }
0x161: {  	v48 =	vsel vm11, v11, v45;
	v9 =	vsel vm11, v38, v9;
	v11 =	vsel vm11, v45, v11  }
0x162: {  	vm12 =	vge.f32 v38, v12;
	v17 =	vsel vm3, v10, v38;
	v46 =	vsel vm3, v14, v45  }
0x163: {  	v49 =	vld [tilespmem:s22+$0xFFFFFC70];
	s31 =	sadd.s32 $0xD0, s25;
	v10 =	vsel vm3, v47, v10;
	v14 =	vsel vm3, v48, v14;
	vm14 =	vge.f32 v44, v9  }
0x164: {  	v47 =	vor.u32 s31, v5;
	v12 =	vsel vm12, v17, v12;
	v8 =	vsel vm12, v46, v8  }
0x165: {  	vm3 =	vge.f32 v44, v10;
	v53 =	vsel vm14, v9, v44;
	v54 =	vsel vm14, v11, v51  }
0x166: {  	v9 =	vsel vm14, v44, v9;
	v11 =	vsel vm14, v51, v11;
	vm13 =	vge.f32 v44, v12  }
0x167: {  	s0 =	sadd.s32 $0xE0, s25;
	v50 =	vsel vm3, v10, v44;
	v52 =	vsel vm3, v14, v51;
	v10 =	vsel vm3, v53, v10  }
0x168: {  	v55 =	vld [tilespmem:s22+$0xFFFFFD00];
	v14 =	vsel vm3, v54, v14;
	vm8 =	vge.f32 v49, v9;
	v53 =	vor.u32 s0, v5  }
0x169: {  	v12 =	vsel vm13, v50, v12;
	v8 =	vsel vm13, v52, v8;
	vm3 =	vge.f32 v49, v10  }
0x16a: {  	v59 =	vsel vm8, v9, v49;
	v60 =	vsel vm8, v11, v56;
	v9 =	vsel vm8, v49, v9  }
0x16b: {  	v11 =	vsel vm8, v56, v11;
	vm15 =	vge.f32 v49, v12;
	v57 =	vsel vm3, v10, v49  }
0x16c: {  	v61 =	vld [tilespmem:s22+$0xFFFFFD10];
	s31 =	sadd.s32 $0xF0, s25;
	v58 =	vsel vm3, v14, v56;
	v10 =	vsel vm3, v59, v10;
	v14 =	vsel vm3, v60, v14  }
0x16d: {  	vm9 =	vge.f32 v55, v9;
	v59 =	vor.u32 s31, v5;
	v12 =	vsel vm15, v57, v12  }
0x16e: {  	v8 =	vsel vm15, v58, v8;
	vm3 =	vge.f32 v55, v10;
	v21 =	vsel vm9, v9, v55  }
0x16f: {  	v22 =	vsel vm9, v11, v62;
	v9 =	vsel vm9, v55, v9;
	v11 =	vsel vm9, v62, v11  }
0x170: {  	vm10 =	vge.f32 v55, v12;
	v17 =	vsel vm3, v10, v55;
	v63 =	vsel vm3, v14, v62  }
0x171: {  	v23 =	vld [tilespmem:s22+$0xFFFFFD20];
	s0 =	sadd.s32 $0x100, s25;
	v10 =	vsel vm3, v21, v10;
	v14 =	vsel vm3, v22, v14;
	vm12 =	vge.f32 v61, v9  }
0x172: {  	v21 =	vor.u32 s0, v5;
	v12 =	vsel vm10, v17, v12;
	v8 =	vsel vm10, v63, v8  }
0x173: {  	vm3 =	vge.f32 v61, v10;
	v27 =	vsel vm12, v9, v61;
	v28 =	vsel vm12, v11, v25  }
0x174: {  	v9 =	vsel vm12, v61, v9;
	v11 =	vsel vm12, v25, v11;
	vm11 =	vge.f32 v61, v12  }
0x175: {  	s31 =	sadd.s32 $0x110, s25;
	v24 =	vsel vm3, v10, v61;
	v26 =	vsel vm3, v14, v25;
	v10 =	vsel vm3, v27, v10  }
0x176: {  	v29 =	vld [tilespmem:s22+$0xFFFFFD30];
	v14 =	vsel vm3, v28, v14;
	vm14 =	vge.f32 v23, v9;
	v27 =	vor.u32 s31, v5  }
0x177: {  	v12 =	vsel vm11, v24, v12;
	v8 =	vsel vm11, v26, v8;
	vm3 =	vge.f32 v23, v10  }
0x178: {  	v33 =	vsel vm14, v9, v23;
	v34 =	vsel vm14, v11, v30;
	v9 =	vsel vm14, v23, v9  }
0x179: {  	v11 =	vsel vm14, v30, v11;
	vm13 =	vge.f32 v23, v12;
	v31 =	vsel vm3, v10, v23  }
0x17a: {  	v35 =	vld [tilespmem:s22+$0xFFFFFD40];
	s0 =	sadd.s32 $0x120, s25;
	v32 =	vsel vm3, v14, v30;
	v10 =	vsel vm3, v33, v10;
	v14 =	vsel vm3, v34, v14  }
0x17b: {  	vm15 =	vge.f32 v29, v9;
	v33 =	vor.u32 s0, v5;
	v12 =	vsel vm13, v31, v12  }
0x17c: {  	v8 =	vsel vm13, v32, v8;
	vm3 =	vge.f32 v29, v10;
	v38 =	vsel vm15, v9, v29  }
0x17d: {  	v39 =	vsel vm15, v11, v36;
	v9 =	vsel vm15, v29, v9;
	v11 =	vsel vm15, v36, v11  }
0x17e: {  	vm8 =	vge.f32 v29, v12;
	v17 =	vsel vm3, v10, v29;
	v37 =	vsel vm3, v14, v36  }
0x17f: {  	v40 =	vld [tilespmem:s22+$0xFFFFFD50];
	s31 =	sadd.s32 $0x130, s25;
	v10 =	vsel vm3, v38, v10;
	v14 =	vsel vm3, v39, v14;
	vm10 =	vge.f32 v35, v9  }
0x180: {  	v38 =	vor.u32 s31, v5;
	v12 =	vsel vm8, v17, v12;
	v8 =	vsel vm8, v37, v8  }
0x181: {  	vm3 =	vge.f32 v35, v10;
	v44 =	vsel vm10, v9, v35;
	v45 =	vsel vm10, v11, v42  }
0x182: {  	v9 =	vsel vm10, v35, v9;
	v11 =	vsel vm10, v42, v11;
	vm9 =	vge.f32 v35, v12  }
0x183: {  	s0 =	sadd.s32 $0x140, s25;
	v41 =	vsel vm3, v10, v35;
	v43 =	vsel vm3, v14, v42;
	v10 =	vsel vm3, v44, v10  }
0x184: {  	v46 =	vld [tilespmem:s22+$0xFFFFFD60];
	v14 =	vsel vm3, v45, v14;
	vm12 =	vge.f32 v40, v9;
	v44 =	vor.u32 s0, v5  }
0x185: {  	v12 =	vsel vm9, v41, v12;
	v8 =	vsel vm9, v43, v8;
	vm3 =	vge.f32 v40, v10  }
0x186: {  	v50 =	vsel vm12, v9, v40;
	v51 =	vsel vm12, v11, v47;
	v9 =	vsel vm12, v40, v9  }
0x187: {  	v11 =	vsel vm12, v47, v11;
	vm11 =	vge.f32 v40, v12;
	v48 =	vsel vm3, v10, v40  }
0x188: {  	v52 =	vld [tilespmem:s22+$0xFFFFFD70];
	s31 =	sadd.s32 $0x150, s25;
	v49 =	vsel vm3, v14, v47;
	v10 =	vsel vm3, v50, v10;
	v14 =	vsel vm3, v51, v14  }
0x189: {  	vm13 =	vge.f32 v46, v9;
	v50 =	vor.u32 s31, v5;
	v12 =	vsel vm11, v48, v12  }
0x18a: {  	v8 =	vsel vm11, v49, v8;
	vm3 =	vge.f32 v46, v10;
	v55 =	vsel vm13, v9, v46  }
0x18b: {  	v56 =	vsel vm13, v11, v53;
	v9 =	vsel vm13, v46, v9;
	v11 =	vsel vm13, v53, v11  }
0x18c: {  	vm14 =	vge.f32 v46, v12;
	v17 =	vsel vm3, v10, v46;
	v54 =	vsel vm3, v14, v53  }
0x18d: {  	v57 =	vld [tilespmem:s22+$0xFFFFFE00];
	s0 =	sadd.s32 $0x160, s25;
	v10 =	vsel vm3, v55, v10;
	v14 =	vsel vm3, v56, v14;
	vm8 =	vge.f32 v52, v9  }
0x18e: {  	v55 =	vor.u32 s0, v5;
	v12 =	vsel vm14, v17, v12;
	v8 =	vsel vm14, v54, v8  }
0x18f: {  	vm3 =	vge.f32 v52, v10;
	v61 =	vsel vm8, v9, v52;
	v62 =	vsel vm8, v11, v59  }
0x190: {  	v9 =	vsel vm8, v52, v9;
	v11 =	vsel vm8, v59, v11;
	vm15 =	vge.f32 v52, v12  }
0x191: {  	s31 =	sadd.s32 $0x170, s25;
	v58 =	vsel vm3, v10, v52;
	v60 =	vsel vm3, v14, v59;
	v10 =	vsel vm3, v61, v10  }
0x192: {  	v63 =	vld [tilespmem:s22+$0xFFFFFE10];
	v14 =	vsel vm3, v62, v14;
	vm10 =	vge.f32 v57, v9;
	v61 =	vor.u32 s31, v5  }
0x193: {  	v12 =	vsel vm15, v58, v12;
	v8 =	vsel vm15, v60, v8;
	vm3 =	vge.f32 v57, v10  }
0x194: {  	v24 =	vsel vm10, v9, v57;
	v25 =	vsel vm10, v11, v21;
	v9 =	vsel vm10, v57, v9  }
0x195: {  	v11 =	vsel vm10, v21, v11;
	vm9 =	vge.f32 v57, v12;
	v22 =	vsel vm3, v10, v57  }
0x196: {  	v26 =	vld [tilespmem:s22+$0xFFFFFE20];
	s0 =	sadd.s32 $0x180, s25;
	v23 =	vsel vm3, v14, v21;
	v10 =	vsel vm3, v24, v10;
	v14 =	vsel vm3, v25, v14  }
0x197: {  	vm11 =	vge.f32 v63, v9;
	v24 =	vor.u32 s0, v5;
	v12 =	vsel vm9, v22, v12  }
0x198: {  	v8 =	vsel vm9, v23, v8;
	vm3 =	vge.f32 v63, v10;
	v29 =	vsel vm11, v9, v63  }
0x199: {  	v30 =	vsel vm11, v11, v27;
	v9 =	vsel vm11, v63, v9;
	v11 =	vsel vm11, v27, v11  }
0x19a: {  	vm12 =	vge.f32 v63, v12;
	v17 =	vsel vm3, v10, v63;
	v28 =	vsel vm3, v14, v27  }
0x19b: {  	v31 =	vld [tilespmem:s22+$0xFFFFFE30];
	s31 =	sadd.s32 $0x190, s25;
	v10 =	vsel vm3, v29, v10;
	v14 =	vsel vm3, v30, v14;
	vm14 =	vge.f32 v26, v9  }
0x19c: {  	v29 =	vor.u32 s31, v5;
	v12 =	vsel vm12, v17, v12;
	v8 =	vsel vm12, v28, v8  }
0x19d: {  	vm3 =	vge.f32 v26, v10;
	v35 =	vsel vm14, v9, v26;
	v36 =	vsel vm14, v11, v33  }
0x19e: {  	v9 =	vsel vm14, v26, v9;
	v11 =	vsel vm14, v33, v11;
	vm13 =	vge.f32 v26, v12  }
0x19f: {  	s0 =	sadd.s32 $0x1A0, s25;
	v32 =	vsel vm3, v10, v26;
	v34 =	vsel vm3, v14, v33;
	v10 =	vsel vm3, v35, v10  }
0x1a0: {  	v37 =	vld [tilespmem:s22+$0xFFFFFE40];
	v14 =	vsel vm3, v36, v14;
	vm8 =	vge.f32 v31, v9;
	v35 =	vor.u32 s0, v5  }
0x1a1: {  	v12 =	vsel vm13, v32, v12;
	v8 =	vsel vm13, v34, v8;
	vm3 =	vge.f32 v31, v10  }
0x1a2: {  	v41 =	vsel vm8, v9, v31;
	v42 =	vsel vm8, v11, v38;
	v9 =	vsel vm8, v31, v9  }
0x1a3: {  	v11 =	vsel vm8, v38, v11;
	vm15 =	vge.f32 v31, v12;
	v39 =	vsel vm3, v10, v31  }
0x1a4: {  	v43 =	vld [tilespmem:s22+$0xFFFFFE50];
	s31 =	sadd.s32 $0x1B0, s25;
	v40 =	vsel vm3, v14, v38;
	v10 =	vsel vm3, v41, v10;
	v14 =	vsel vm3, v42, v14  }
0x1a5: {  	vm9 =	vge.f32 v37, v9;
	v41 =	vor.u32 s31, v5;
	v12 =	vsel vm15, v39, v12  }
0x1a6: {  	v8 =	vsel vm15, v40, v8;
	vm3 =	vge.f32 v37, v10;
	v46 =	vsel vm9, v9, v37  }
0x1a7: {  	v47 =	vsel vm9, v11, v44;
	v9 =	vsel vm9, v37, v9;
	v11 =	vsel vm9, v44, v11  }
0x1a8: {  	vm10 =	vge.f32 v37, v12;
	v17 =	vsel vm3, v10, v37;
	v45 =	vsel vm3, v14, v44  }
0x1a9: {  	v48 =	vld [tilespmem:s22+$0xFFFFFE60];
	s0 =	sadd.s32 $0x1C0, s25;
	v10 =	vsel vm3, v46, v10;
	v14 =	vsel vm3, v47, v14;
	vm12 =	vge.f32 v43, v9  }
0x1aa: {  	v46 =	vor.u32 s0, v5;
	v12 =	vsel vm10, v17, v12;
	v8 =	vsel vm10, v45, v8  }
0x1ab: {  	vm3 =	vge.f32 v43, v10;
	v52 =	vsel vm12, v9, v43;
	v53 =	vsel vm12, v11, v50  }
0x1ac: {  	v9 =	vsel vm12, v43, v9;
	v11 =	vsel vm12, v50, v11;
	vm11 =	vge.f32 v43, v12  }
0x1ad: {  	s31 =	sadd.s32 $0x1D0, s25;
	v49 =	vsel vm3, v10, v43;
	v51 =	vsel vm3, v14, v50;
	v10 =	vsel vm3, v52, v10  }
0x1ae: {  	v54 =	vld [tilespmem:s22+$0xFFFFFE70];
	v14 =	vsel vm3, v53, v14;
	vm14 =	vge.f32 v48, v9;
	v52 =	vor.u32 s31, v5  }
0x1af: {  	v12 =	vsel vm11, v49, v12;
	v8 =	vsel vm11, v51, v8;
	vm3 =	vge.f32 v48, v10  }
0x1b0: {  	v58 =	vsel vm14, v9, v48;
	v59 =	vsel vm14, v11, v55;
	v9 =	vsel vm14, v48, v9  }
0x1b1: {  	v11 =	vsel vm14, v55, v11;
	vm13 =	vge.f32 v48, v12;
	v56 =	vsel vm3, v10, v48  }
0x1b2: {  	v60 =	vld [tilespmem:s22+$0xFFFFFF00];
	s0 =	sadd.s32 $0x1E0, s25;
	v57 =	vsel vm3, v14, v55;
	v10 =	vsel vm3, v58, v10;
	v14 =	vsel vm3, v59, v14  }
0x1b3: {  	vm15 =	vge.f32 v54, v9;
	v59 =	vor.u32 s0, v5;
	v12 =	vsel vm13, v56, v12  }
0x1b4: {  	v8 =	vsel vm13, v57, v8;
	vm3 =	vge.f32 v54, v10;
	v63 =	vsel vm15, v9, v54  }
0x1b5: {  	v21 =	vsel vm15, v11, v61;
	v9 =	vsel vm15, v54, v9;
	v11 =	vsel vm15, v61, v11  }
0x1b6: {  	vm8 =	vge.f32 v54, v12;
	v17 =	vsel vm3, v10, v54;
	v62 =	vsel vm3, v14, v61  }
0x1b7: {  	v22 =	vld [tilespmem:s22+$0xFFFFFF10];
	v10 =	vsel vm3, v63, v10;
	v14 =	vsel vm3, v21, v14;
	vm10 =	vge.f32 v60, v9  }
0x1b8: {  	v12 =	vsel vm8, v17, v12;
	v8 =	vsel vm8, v62, v8;
	vm3 =	vge.f32 v60, v10  }
0x1b9: {  	v26 =	vsel vm10, v9, v60;
	v27 =	vsel vm10, v11, v24;
	v9 =	vsel vm10, v60, v9  }
0x1ba: {  	v11 =	vsel vm10, v24, v11;
	vm9 =	vge.f32 v60, v12;
	v23 =	vsel vm3, v10, v60  }
0x1bb: {  	v28 =	vld [tilespmem:s22+$0xFFFFFF20];
	v25 =	vsel vm3, v14, v24;
	v10 =	vsel vm3, v26, v10;
	v14 =	vsel vm3, v27, v14  }
0x1bc: {  	vm12 =	vge.f32 v22, v9;
	v12 =	vsel vm9, v23, v12;
	v8 =	vsel vm9, v25, v8  }
0x1bd: {  	vm3 =	vge.f32 v22, v10;
	v32 =	vsel vm12, v9, v22;
	v33 =	vsel vm12, v11, v29  }
0x1be: {  	v9 =	vsel vm12, v22, v9;
	v11 =	vsel vm12, v29, v11;
	vm11 =	vge.f32 v22, v12  }
0x1bf: {  	v34 =	vld [tilespmem:s22+$0xFFFFFF30];
	v30 =	vsel vm3, v10, v22;
	v31 =	vsel vm3, v14, v29;
	v10 =	vsel vm3, v32, v10  }
0x1c0: {  	v14 =	vsel vm3, v33, v14;
	vm13 =	vge.f32 v28, v9;
	v12 =	vsel vm11, v30, v12  }
0x1c1: {  	v8 =	vsel vm11, v31, v8;
	vm3 =	vge.f32 v28, v10;
	v37 =	vsel vm13, v9, v28  }
0x1c2: {  	v38 =	vsel vm13, v11, v35;
	v9 =	vsel vm13, v28, v9;
	v11 =	vsel vm13, v35, v11  }
0x1c3: {  	vm14 =	vge.f32 v28, v12;
	v17 =	vsel vm3, v10, v28;
	v36 =	vsel vm3, v14, v35  }
0x1c4: {  	v39 =	vld [tilespmem:s22+$0xFFFFFF40];
	v10 =	vsel vm3, v37, v10;
	v14 =	vsel vm3, v38, v14;
	vm8 =	vge.f32 v34, v9  }
0x1c5: {  	v12 =	vsel vm14, v17, v12;
	v8 =	vsel vm14, v36, v8;
	vm3 =	vge.f32 v34, v10  }
0x1c6: {  	v43 =	vsel vm8, v9, v34;
	v44 =	vsel vm8, v11, v41;
	v9 =	vsel vm8, v34, v9  }
0x1c7: {  	v11 =	vsel vm8, v41, v11;
	vm15 =	vge.f32 v34, v12;
	v40 =	vsel vm3, v10, v34  }
0x1c8: {  	v45 =	vld [tilespmem:s22+$0xFFFFFF50];
	v42 =	vsel vm3, v14, v41;
	v10 =	vsel vm3, v43, v10;
	v14 =	vsel vm3, v44, v14  }
0x1c9: {  	vm10 =	vge.f32 v39, v9;
	v12 =	vsel vm15, v40, v12;
	v8 =	vsel vm15, v42, v8  }
0x1ca: {  	vm3 =	vge.f32 v39, v10;
	v49 =	vsel vm10, v9, v39;
	v50 =	vsel vm10, v11, v46  }
0x1cb: {  	v9 =	vsel vm10, v39, v9;
	v11 =	vsel vm10, v46, v11;
	vm9 =	vge.f32 v39, v12  }
0x1cc: {  	v51 =	vld [tilespmem:s22+$0xFFFFFF60];
	v47 =	vsel vm3, v10, v39;
	v48 =	vsel vm3, v14, v46;
	v10 =	vsel vm3, v49, v10  }
0x1cd: {  	v14 =	vsel vm3, v50, v14;
	vm11 =	vge.f32 v45, v9;
	v12 =	vsel vm9, v47, v12  }
0x1ce: {  	v8 =	vsel vm9, v48, v8;
	vm3 =	vge.f32 v45, v10;
	v54 =	vsel vm11, v9, v45  }
0x1cf: {  	v55 =	vsel vm11, v11, v52;
	v9 =	vsel vm11, v45, v9;
	v11 =	vsel vm11, v52, v11  }
0x1d0: {  	v56 =	vld [tilespmem:s22+$0xFFFFFF70];
	vm12 =	vge.f32 v45, v12;
	v17 =	vsel vm3, v10, v45;
	v53 =	vsel vm3, v14, v52  }
0x1d1: {  	v10 =	vsel vm3, v54, v10;
	v14 =	vsel vm3, v55, v14;
	vm13 =	vge.f32 v51, v9  }
0x1d2: {  	v12 =	vsel vm12, v17, v12;
	v8 =	vsel vm12, v53, v8;
	vm3 =	vge.f32 v51, v10  }
0x1d3: {  	v58 =	vsel vm13, v9, v51;
	v9 =	vsel vm13, v51, v9;
	v60 =	vsel vm13, v11, v59  }
0x1d4: {  	v11 =	vsel vm13, v59, v11;
	vm6 =	vge.f32 v51, v12;
	v57 =	vsel vm3, v10, v51  }
0x1d5: {  	v10 =	vsel vm3, v58, v10;
	vm14 =	vge.f32 v56, v9;
	v12 =	vsel vm6, v57, v12  }
0x1d6: {  	vm15 =	vge.f32 v56, v10;
	v61 =	vsel vm14, v9, v56;
	v9 =	vsel vm14, v56, v9  }
0x1d7: {  	s31 =	sadd.s32 $0x1F0, s25;
	[tilespmem:$0x18400] =	vst v9;
	v9 =	vsel vm15, v61, v10;
	v10 =	vsel vm15, v10, v56;
	vm7 =	vge.f32 v56, v12  }
0x1d8: {  	v62 =	vsel vm3, v14, v59;
	v10 =	vsel vm7, v10, v12;
	[tilespmem:$0x18410] =	vst v9;
	v9 =	vor.u32 s31, v5  }
0x1d9: {  	v13 =	vsel vm3, v60, v14;
	v63 =	vsel vm14, v11, v9;
	v11 =	vsel vm14, v9, v11;
	[tilespmem:$0x18420] =	vst v10  }
0x1da: {  	v8 =	vsel vm6, v62, v8;
	v9 =	vsel vm15, v13, v9;
	v10 =	vsel vm15, v63, v13;
	[tilespmem:$0x18480] =	vst v11  }
0x1db: {  	v8 =	vsel vm7, v9, v8;
	[tilespmem:$0x18490] =	vst v10  }
0x1dc: {  	[tilespmem:$0x184A0] =	vst v8  }
.LBB2_15:
0x1dd: {  	s30 =	sadd.s32 $0x1, s26  }
0x1de: {  	s30 =	sand.u32 $0x1F, s30  }
0x1df: {  	s29 =	sshrl.u32 s29, s30  }
0x1e0: {  	s29 =	sand.u32 $0x1, s29  }
0x1e1: {  	p3 =	seq.s32 s29, $0x0  }
.Ltmp10:
0x1e2: {  	_ = 	snop;
	(pc) =	sbr.rel @p3 .LBB2_17-.Ltmp10, $1  }
0x1e3: {  	_ =	sdelay $0x3  }
0x1e4: {  	v9 =	vld [tilespmem:$0x18400]  }
0x1e5: {  	v10 =	vld [tilespmem:$0x18410]  }
0x1e6: {  	v11 =	vld [tilespmem:s22+$0x0]  }
0x1e7: {  	v12 =	vld [tilespmem:$0x18420]  }
0x1e8: {  	v14 =	vld [tilespmem:$0x18490];
	s29 =	sadd.s32 $0x200, s25;
	s31 =	sadd.s32 $0x210, s25;
	s0 =	sadd.s32 $0x220, s25  }
0x1e9: {  	v13 =	vld [tilespmem:$0x18480];
	s30 =	sadd.s32 $0x230, s25;
	v17 =	vor.u32 s29, v5;
	v22 =	vor.u32 s31, v5;
	v28 =	vor.u32 s0, v5;
	s31 =	sadd.s32 $0x240, s25;
	s0 =	sadd.s32 $0x250, s25  }
0x1ea: {  	v34 =	vor.u32 s30, v5;
	s30 =	sadd.s32 $0x260, s25;
	v39 =	vor.u32 s31, v5;
	v45 =	vor.u32 s0, v5;
	s31 =	sadd.s32 $0x270, s25;
	s0 =	sadd.s32 $0x280, s25  }
0x1eb: {  	v15 =	vld [tilespmem:s22+$0x10];
	v51 =	vor.u32 s30, v5;
	v56 =	vor.u32 s31, v5;
	v62 =	vor.u32 s0, v5  }
0x1ec: {  	vm3 =	vge.f32 v11, v10;
	vm4 =	vge.f32 v11, v12;
	vm5 =	vge.f32 v11, v9  }
0x1ed: {  	v16 =	vsel vm3, v10, v11;
	v63 =	vsel vm3, v14, v17;
	v18 =	vsel vm5, v9, v11  }
0x1ee: {  	v19 =	vsel vm5, v13, v17;
	v9 =	vsel vm5, v11, v9;
	v11 =	vsel vm5, v17, v13  }
0x1ef: {  	v21 =	vld [tilespmem:s22+$0x20];
	v12 =	vsel vm4, v16, v12;
	v8 =	vsel vm4, v63, v8;
	v10 =	vsel vm3, v18, v10  }
0x1f0: {  	v14 =	vsel vm3, v19, v14;
	vm12 =	vge.f32 v15, v9;
	vm3 =	vge.f32 v15, v10  }
0x1f1: {  	vm11 =	vge.f32 v15, v12;
	v25 =	vsel vm12, v9, v15;
	v26 =	vsel vm12, v11, v22  }
0x1f2: {  	v9 =	vsel vm12, v15, v9;
	v11 =	vsel vm12, v22, v11;
	v23 =	vsel vm3, v10, v15  }
0x1f3: {  	v27 =	vld [tilespmem:s22+$0x30];
	s30 =	sadd.s32 $0x290, s25;
	v24 =	vsel vm3, v14, v22;
	v10 =	vsel vm3, v25, v10;
	v14 =	vsel vm3, v26, v14  }
0x1f4: {  	vm13 =	vge.f32 v21, v9;
	v25 =	vor.u32 s30, v5;
	v12 =	vsel vm11, v23, v12  }
0x1f5: {  	v8 =	vsel vm11, v24, v8;
	vm3 =	vge.f32 v21, v10;
	v30 =	vsel vm13, v9, v21  }
0x1f6: {  	v31 =	vsel vm13, v11, v28;
	v9 =	vsel vm13, v21, v9;
	v11 =	vsel vm13, v28, v11  }
0x1f7: {  	vm14 =	vge.f32 v21, v12;
	v17 =	vsel vm3, v10, v21;
	v29 =	vsel vm3, v14, v28  }
0x1f8: {  	v32 =	vld [tilespmem:s22+$0x40];
	s31 =	sadd.s32 $0x2A0, s25;
	v10 =	vsel vm3, v30, v10;
	v14 =	vsel vm3, v31, v14;
	vm8 =	vge.f32 v27, v9  }
0x1f9: {  	v30 =	vor.u32 s31, v5;
	v12 =	vsel vm14, v17, v12;
	v8 =	vsel vm14, v29, v8  }
0x1fa: {  	vm3 =	vge.f32 v27, v10;
	v36 =	vsel vm8, v9, v27;
	v37 =	vsel vm8, v11, v34  }
0x1fb: {  	v9 =	vsel vm8, v27, v9;
	v11 =	vsel vm8, v34, v11;
	vm15 =	vge.f32 v27, v12  }
0x1fc: {  	s0 =	sadd.s32 $0x2B0, s25;
	v33 =	vsel vm3, v10, v27;
	v35 =	vsel vm3, v14, v34;
	v10 =	vsel vm3, v36, v10  }
0x1fd: {  	v38 =	vld [tilespmem:s22+$0x50];
	v14 =	vsel vm3, v37, v14;
	vm10 =	vge.f32 v32, v9;
	v36 =	vor.u32 s0, v5  }
0x1fe: {  	v12 =	vsel vm15, v33, v12;
	v8 =	vsel vm15, v35, v8;
	vm3 =	vge.f32 v32, v10  }
0x1ff: {  	v42 =	vsel vm10, v9, v32;
	v43 =	vsel vm10, v11, v39;
	v9 =	vsel vm10, v32, v9  }
0x200: {  	v11 =	vsel vm10, v39, v11;
	vm9 =	vge.f32 v32, v12;
	v40 =	vsel vm3, v10, v32  }
0x201: {  	v44 =	vld [tilespmem:s22+$0x60];
	s30 =	sadd.s32 $0x2C0, s25;
	v41 =	vsel vm3, v14, v39;
	v10 =	vsel vm3, v42, v10;
	v14 =	vsel vm3, v43, v14  }
0x202: {  	vm11 =	vge.f32 v38, v9;
	v42 =	vor.u32 s30, v5;
	v12 =	vsel vm9, v40, v12  }
0x203: {  	v8 =	vsel vm9, v41, v8;
	vm3 =	vge.f32 v38, v10;
	v47 =	vsel vm11, v9, v38  }
0x204: {  	v48 =	vsel vm11, v11, v45;
	v9 =	vsel vm11, v38, v9;
	v11 =	vsel vm11, v45, v11  }
0x205: {  	vm12 =	vge.f32 v38, v12;
	v17 =	vsel vm3, v10, v38;
	v46 =	vsel vm3, v14, v45  }
0x206: {  	v49 =	vld [tilespmem:s22+$0x70];
	s31 =	sadd.s32 $0x2D0, s25;
	v10 =	vsel vm3, v47, v10;
	v14 =	vsel vm3, v48, v14;
	vm14 =	vge.f32 v44, v9  }
0x207: {  	v47 =	vor.u32 s31, v5;
	v12 =	vsel vm12, v17, v12;
	v8 =	vsel vm12, v46, v8  }
0x208: {  	vm3 =	vge.f32 v44, v10;
	v53 =	vsel vm14, v9, v44;
	v54 =	vsel vm14, v11, v51  }
0x209: {  	v9 =	vsel vm14, v44, v9;
	v11 =	vsel vm14, v51, v11;
	vm13 =	vge.f32 v44, v12  }
0x20a: {  	s0 =	sadd.s32 $0x2E0, s25;
	v50 =	vsel vm3, v10, v44;
	v52 =	vsel vm3, v14, v51;
	v10 =	vsel vm3, v53, v10  }
0x20b: {  	v55 =	vld [tilespmem:s22+$0x100];
	v14 =	vsel vm3, v54, v14;
	vm8 =	vge.f32 v49, v9;
	v53 =	vor.u32 s0, v5  }
0x20c: {  	v12 =	vsel vm13, v50, v12;
	v8 =	vsel vm13, v52, v8;
	vm3 =	vge.f32 v49, v10  }
0x20d: {  	v59 =	vsel vm8, v9, v49;
	v60 =	vsel vm8, v11, v56;
	v9 =	vsel vm8, v49, v9  }
0x20e: {  	v11 =	vsel vm8, v56, v11;
	vm15 =	vge.f32 v49, v12;
	v57 =	vsel vm3, v10, v49  }
0x20f: {  	v61 =	vld [tilespmem:s22+$0x110];
	s30 =	sadd.s32 $0x2F0, s25;
	v58 =	vsel vm3, v14, v56;
	v10 =	vsel vm3, v59, v10;
	v14 =	vsel vm3, v60, v14  }
0x210: {  	vm9 =	vge.f32 v55, v9;
	v59 =	vor.u32 s30, v5;
	v12 =	vsel vm15, v57, v12  }
0x211: {  	v8 =	vsel vm15, v58, v8;
	vm3 =	vge.f32 v55, v10;
	v21 =	vsel vm9, v9, v55  }
0x212: {  	v22 =	vsel vm9, v11, v62;
	v9 =	vsel vm9, v55, v9;
	v11 =	vsel vm9, v62, v11  }
0x213: {  	vm10 =	vge.f32 v55, v12;
	v17 =	vsel vm3, v10, v55;
	v63 =	vsel vm3, v14, v62  }
0x214: {  	v23 =	vld [tilespmem:s22+$0x120];
	s31 =	sadd.s32 $0x300, s25;
	v10 =	vsel vm3, v21, v10;
	v14 =	vsel vm3, v22, v14;
	vm12 =	vge.f32 v61, v9  }
0x215: {  	v21 =	vor.u32 s31, v5;
	v12 =	vsel vm10, v17, v12;
	v8 =	vsel vm10, v63, v8  }
0x216: {  	vm3 =	vge.f32 v61, v10;
	v27 =	vsel vm12, v9, v61;
	v28 =	vsel vm12, v11, v25  }
0x217: {  	v9 =	vsel vm12, v61, v9;
	v11 =	vsel vm12, v25, v11;
	vm11 =	vge.f32 v61, v12  }
0x218: {  	s0 =	sadd.s32 $0x310, s25;
	v24 =	vsel vm3, v10, v61;
	v26 =	vsel vm3, v14, v25;
	v10 =	vsel vm3, v27, v10  }
0x219: {  	v29 =	vld [tilespmem:s22+$0x130];
	v14 =	vsel vm3, v28, v14;
	vm14 =	vge.f32 v23, v9;
	v27 =	vor.u32 s0, v5  }
0x21a: {  	v12 =	vsel vm11, v24, v12;
	v8 =	vsel vm11, v26, v8;
	vm3 =	vge.f32 v23, v10  }
0x21b: {  	v33 =	vsel vm14, v9, v23;
	v34 =	vsel vm14, v11, v30;
	v9 =	vsel vm14, v23, v9  }
0x21c: {  	v11 =	vsel vm14, v30, v11;
	vm13 =	vge.f32 v23, v12;
	v31 =	vsel vm3, v10, v23  }
0x21d: {  	v35 =	vld [tilespmem:s22+$0x140];
	s30 =	sadd.s32 $0x320, s25;
	v32 =	vsel vm3, v14, v30;
	v10 =	vsel vm3, v33, v10;
	v14 =	vsel vm3, v34, v14  }
0x21e: {  	vm15 =	vge.f32 v29, v9;
	v33 =	vor.u32 s30, v5;
	v12 =	vsel vm13, v31, v12  }
0x21f: {  	v8 =	vsel vm13, v32, v8;
	vm3 =	vge.f32 v29, v10;
	v38 =	vsel vm15, v9, v29  }
0x220: {  	v39 =	vsel vm15, v11, v36;
	v9 =	vsel vm15, v29, v9;
	v11 =	vsel vm15, v36, v11  }
0x221: {  	vm8 =	vge.f32 v29, v12;
	v17 =	vsel vm3, v10, v29;
	v37 =	vsel vm3, v14, v36  }
0x222: {  	v40 =	vld [tilespmem:s22+$0x150];
	s31 =	sadd.s32 $0x330, s25;
	v10 =	vsel vm3, v38, v10;
	v14 =	vsel vm3, v39, v14;
	vm10 =	vge.f32 v35, v9  }
0x223: {  	v38 =	vor.u32 s31, v5;
	v12 =	vsel vm8, v17, v12;
	v8 =	vsel vm8, v37, v8  }
0x224: {  	vm3 =	vge.f32 v35, v10;
	v44 =	vsel vm10, v9, v35;
	v45 =	vsel vm10, v11, v42  }
0x225: {  	v9 =	vsel vm10, v35, v9;
	v11 =	vsel vm10, v42, v11;
	vm9 =	vge.f32 v35, v12  }
0x226: {  	s0 =	sadd.s32 $0x340, s25;
	v41 =	vsel vm3, v10, v35;
	v43 =	vsel vm3, v14, v42;
	v10 =	vsel vm3, v44, v10  }
0x227: {  	v46 =	vld [tilespmem:s22+$0x160];
	v14 =	vsel vm3, v45, v14;
	vm12 =	vge.f32 v40, v9;
	v44 =	vor.u32 s0, v5  }
0x228: {  	v12 =	vsel vm9, v41, v12;
	v8 =	vsel vm9, v43, v8;
	vm3 =	vge.f32 v40, v10  }
0x229: {  	v50 =	vsel vm12, v9, v40;
	v51 =	vsel vm12, v11, v47;
	v9 =	vsel vm12, v40, v9  }
0x22a: {  	v11 =	vsel vm12, v47, v11;
	vm11 =	vge.f32 v40, v12;
	v48 =	vsel vm3, v10, v40  }
0x22b: {  	v52 =	vld [tilespmem:s22+$0x170];
	s30 =	sadd.s32 $0x350, s25;
	v49 =	vsel vm3, v14, v47;
	v10 =	vsel vm3, v50, v10;
	v14 =	vsel vm3, v51, v14  }
0x22c: {  	vm13 =	vge.f32 v46, v9;
	v50 =	vor.u32 s30, v5;
	v12 =	vsel vm11, v48, v12  }
0x22d: {  	v8 =	vsel vm11, v49, v8;
	vm3 =	vge.f32 v46, v10;
	v55 =	vsel vm13, v9, v46  }
0x22e: {  	v56 =	vsel vm13, v11, v53;
	v9 =	vsel vm13, v46, v9;
	v11 =	vsel vm13, v53, v11  }
0x22f: {  	vm14 =	vge.f32 v46, v12;
	v17 =	vsel vm3, v10, v46;
	v54 =	vsel vm3, v14, v53  }
0x230: {  	v57 =	vld [tilespmem:s22+$0x200];
	s31 =	sadd.s32 $0x360, s25;
	v10 =	vsel vm3, v55, v10;
	v14 =	vsel vm3, v56, v14;
	vm8 =	vge.f32 v52, v9  }
0x231: {  	v55 =	vor.u32 s31, v5;
	v12 =	vsel vm14, v17, v12;
	v8 =	vsel vm14, v54, v8  }
0x232: {  	vm3 =	vge.f32 v52, v10;
	v61 =	vsel vm8, v9, v52;
	v62 =	vsel vm8, v11, v59  }
0x233: {  	v9 =	vsel vm8, v52, v9;
	v11 =	vsel vm8, v59, v11;
	vm15 =	vge.f32 v52, v12  }
0x234: {  	s0 =	sadd.s32 $0x370, s25;
	v58 =	vsel vm3, v10, v52;
	v60 =	vsel vm3, v14, v59;
	v10 =	vsel vm3, v61, v10  }
0x235: {  	v63 =	vld [tilespmem:s22+$0x210];
	v14 =	vsel vm3, v62, v14;
	vm10 =	vge.f32 v57, v9;
	v61 =	vor.u32 s0, v5  }
0x236: {  	v12 =	vsel vm15, v58, v12;
	v8 =	vsel vm15, v60, v8;
	vm3 =	vge.f32 v57, v10  }
0x237: {  	v24 =	vsel vm10, v9, v57;
	v25 =	vsel vm10, v11, v21;
	v9 =	vsel vm10, v57, v9  }
0x238: {  	v11 =	vsel vm10, v21, v11;
	vm9 =	vge.f32 v57, v12;
	v22 =	vsel vm3, v10, v57  }
0x239: {  	v26 =	vld [tilespmem:s22+$0x220];
	s30 =	sadd.s32 $0x380, s25;
	v23 =	vsel vm3, v14, v21;
	v10 =	vsel vm3, v24, v10;
	v14 =	vsel vm3, v25, v14  }
0x23a: {  	vm11 =	vge.f32 v63, v9;
	v24 =	vor.u32 s30, v5;
	v12 =	vsel vm9, v22, v12  }
0x23b: {  	v8 =	vsel vm9, v23, v8;
	vm3 =	vge.f32 v63, v10;
	v29 =	vsel vm11, v9, v63  }
0x23c: {  	v30 =	vsel vm11, v11, v27;
	v9 =	vsel vm11, v63, v9;
	v11 =	vsel vm11, v27, v11  }
0x23d: {  	vm12 =	vge.f32 v63, v12;
	v17 =	vsel vm3, v10, v63;
	v28 =	vsel vm3, v14, v27  }
0x23e: {  	v31 =	vld [tilespmem:s22+$0x230];
	s31 =	sadd.s32 $0x390, s25;
	v10 =	vsel vm3, v29, v10;
	v14 =	vsel vm3, v30, v14;
	vm14 =	vge.f32 v26, v9  }
0x23f: {  	v29 =	vor.u32 s31, v5;
	v12 =	vsel vm12, v17, v12;
	v8 =	vsel vm12, v28, v8  }
0x240: {  	vm3 =	vge.f32 v26, v10;
	v35 =	vsel vm14, v9, v26;
	v36 =	vsel vm14, v11, v33  }
0x241: {  	v9 =	vsel vm14, v26, v9;
	v11 =	vsel vm14, v33, v11;
	vm13 =	vge.f32 v26, v12  }
0x242: {  	s0 =	sadd.s32 $0x3A0, s25;
	v32 =	vsel vm3, v10, v26;
	v34 =	vsel vm3, v14, v33;
	v10 =	vsel vm3, v35, v10  }
0x243: {  	v37 =	vld [tilespmem:s22+$0x240];
	v14 =	vsel vm3, v36, v14;
	vm8 =	vge.f32 v31, v9;
	v35 =	vor.u32 s0, v5  }
0x244: {  	v12 =	vsel vm13, v32, v12;
	v8 =	vsel vm13, v34, v8;
	vm3 =	vge.f32 v31, v10  }
0x245: {  	v41 =	vsel vm8, v9, v31;
	v42 =	vsel vm8, v11, v38;
	v9 =	vsel vm8, v31, v9  }
0x246: {  	v11 =	vsel vm8, v38, v11;
	vm15 =	vge.f32 v31, v12;
	v39 =	vsel vm3, v10, v31  }
0x247: {  	v43 =	vld [tilespmem:s22+$0x250];
	s30 =	sadd.s32 $0x3B0, s25;
	v40 =	vsel vm3, v14, v38;
	v10 =	vsel vm3, v41, v10;
	v14 =	vsel vm3, v42, v14  }
0x248: {  	vm9 =	vge.f32 v37, v9;
	v41 =	vor.u32 s30, v5;
	v12 =	vsel vm15, v39, v12  }
0x249: {  	v8 =	vsel vm15, v40, v8;
	vm3 =	vge.f32 v37, v10;
	v46 =	vsel vm9, v9, v37  }
0x24a: {  	v47 =	vsel vm9, v11, v44;
	v9 =	vsel vm9, v37, v9;
	v11 =	vsel vm9, v44, v11  }
0x24b: {  	vm10 =	vge.f32 v37, v12;
	v17 =	vsel vm3, v10, v37;
	v45 =	vsel vm3, v14, v44  }
0x24c: {  	v48 =	vld [tilespmem:s22+$0x260];
	s31 =	sadd.s32 $0x3C0, s25;
	v10 =	vsel vm3, v46, v10;
	v14 =	vsel vm3, v47, v14;
	vm12 =	vge.f32 v43, v9  }
0x24d: {  	v46 =	vor.u32 s31, v5;
	v12 =	vsel vm10, v17, v12;
	v8 =	vsel vm10, v45, v8  }
0x24e: {  	vm3 =	vge.f32 v43, v10;
	v52 =	vsel vm12, v9, v43;
	v53 =	vsel vm12, v11, v50  }
0x24f: {  	v9 =	vsel vm12, v43, v9;
	v11 =	vsel vm12, v50, v11;
	vm11 =	vge.f32 v43, v12  }
0x250: {  	s0 =	sadd.s32 $0x3D0, s25;
	v49 =	vsel vm3, v10, v43;
	v51 =	vsel vm3, v14, v50;
	v10 =	vsel vm3, v52, v10  }
0x251: {  	v54 =	vld [tilespmem:s22+$0x270];
	v14 =	vsel vm3, v53, v14;
	vm14 =	vge.f32 v48, v9;
	v52 =	vor.u32 s0, v5  }
0x252: {  	v12 =	vsel vm11, v49, v12;
	v8 =	vsel vm11, v51, v8;
	vm3 =	vge.f32 v48, v10  }
0x253: {  	v58 =	vsel vm14, v9, v48;
	v59 =	vsel vm14, v11, v55;
	v9 =	vsel vm14, v48, v9  }
0x254: {  	v11 =	vsel vm14, v55, v11;
	vm13 =	vge.f32 v48, v12;
	v56 =	vsel vm3, v10, v48  }
0x255: {  	v60 =	vld [tilespmem:s22+$0x300];
	s30 =	sadd.s32 $0x3E0, s25;
	v57 =	vsel vm3, v14, v55;
	v10 =	vsel vm3, v58, v10;
	v14 =	vsel vm3, v59, v14  }
0x256: {  	vm15 =	vge.f32 v54, v9;
	v59 =	vor.u32 s30, v5;
	v12 =	vsel vm13, v56, v12  }
0x257: {  	v8 =	vsel vm13, v57, v8;
	vm3 =	vge.f32 v54, v10;
	v63 =	vsel vm15, v9, v54  }
0x258: {  	v21 =	vsel vm15, v11, v61;
	v9 =	vsel vm15, v54, v9;
	v11 =	vsel vm15, v61, v11  }
0x259: {  	vm8 =	vge.f32 v54, v12;
	v17 =	vsel vm3, v10, v54;
	v62 =	vsel vm3, v14, v61  }
0x25a: {  	v22 =	vld [tilespmem:s22+$0x310];
	v10 =	vsel vm3, v63, v10;
	v14 =	vsel vm3, v21, v14;
	vm10 =	vge.f32 v60, v9  }
0x25b: {  	v12 =	vsel vm8, v17, v12;
	v8 =	vsel vm8, v62, v8;
	vm3 =	vge.f32 v60, v10  }
0x25c: {  	v26 =	vsel vm10, v9, v60;
	v27 =	vsel vm10, v11, v24;
	v9 =	vsel vm10, v60, v9  }
0x25d: {  	v11 =	vsel vm10, v24, v11;
	vm9 =	vge.f32 v60, v12;
	v23 =	vsel vm3, v10, v60  }
0x25e: {  	v28 =	vld [tilespmem:s22+$0x320];
	v25 =	vsel vm3, v14, v24;
	v10 =	vsel vm3, v26, v10;
	v14 =	vsel vm3, v27, v14  }
0x25f: {  	vm12 =	vge.f32 v22, v9;
	v12 =	vsel vm9, v23, v12;
	v8 =	vsel vm9, v25, v8  }
0x260: {  	vm3 =	vge.f32 v22, v10;
	v32 =	vsel vm12, v9, v22;
	v33 =	vsel vm12, v11, v29  }
0x261: {  	v9 =	vsel vm12, v22, v9;
	v11 =	vsel vm12, v29, v11;
	vm11 =	vge.f32 v22, v12  }
0x262: {  	v34 =	vld [tilespmem:s22+$0x330];
	v30 =	vsel vm3, v10, v22;
	v31 =	vsel vm3, v14, v29;
	v10 =	vsel vm3, v32, v10  }
0x263: {  	v14 =	vsel vm3, v33, v14;
	vm13 =	vge.f32 v28, v9;
	v12 =	vsel vm11, v30, v12  }
0x264: {  	v8 =	vsel vm11, v31, v8;
	vm3 =	vge.f32 v28, v10;
	v37 =	vsel vm13, v9, v28  }
0x265: {  	v38 =	vsel vm13, v11, v35;
	v9 =	vsel vm13, v28, v9;
	v11 =	vsel vm13, v35, v11  }
0x266: {  	vm14 =	vge.f32 v28, v12;
	v17 =	vsel vm3, v10, v28;
	v36 =	vsel vm3, v14, v35  }
0x267: {  	v39 =	vld [tilespmem:s22+$0x340];
	v10 =	vsel vm3, v37, v10;
	v14 =	vsel vm3, v38, v14;
	vm8 =	vge.f32 v34, v9  }
0x268: {  	v12 =	vsel vm14, v17, v12;
	v8 =	vsel vm14, v36, v8;
	vm3 =	vge.f32 v34, v10  }
0x269: {  	v43 =	vsel vm8, v9, v34;
	v44 =	vsel vm8, v11, v41;
	v9 =	vsel vm8, v34, v9  }
0x26a: {  	v11 =	vsel vm8, v41, v11;
	vm15 =	vge.f32 v34, v12;
	v40 =	vsel vm3, v10, v34  }
0x26b: {  	v45 =	vld [tilespmem:s22+$0x350];
	v42 =	vsel vm3, v14, v41;
	v10 =	vsel vm3, v43, v10;
	v14 =	vsel vm3, v44, v14  }
0x26c: {  	vm10 =	vge.f32 v39, v9;
	v12 =	vsel vm15, v40, v12;
	v8 =	vsel vm15, v42, v8  }
0x26d: {  	vm3 =	vge.f32 v39, v10;
	v49 =	vsel vm10, v9, v39;
	v50 =	vsel vm10, v11, v46  }
0x26e: {  	v9 =	vsel vm10, v39, v9;
	v11 =	vsel vm10, v46, v11;
	vm9 =	vge.f32 v39, v12  }
0x26f: {  	v51 =	vld [tilespmem:s22+$0x360];
	v47 =	vsel vm3, v10, v39;
	v48 =	vsel vm3, v14, v46;
	v10 =	vsel vm3, v49, v10  }
0x270: {  	v14 =	vsel vm3, v50, v14;
	vm11 =	vge.f32 v45, v9;
	v12 =	vsel vm9, v47, v12  }
0x271: {  	v8 =	vsel vm9, v48, v8;
	vm3 =	vge.f32 v45, v10;
	v54 =	vsel vm11, v9, v45  }
0x272: {  	v55 =	vsel vm11, v11, v52;
	v9 =	vsel vm11, v45, v9;
	v11 =	vsel vm11, v52, v11  }
0x273: {  	v56 =	vld [tilespmem:s22+$0x370];
	vm12 =	vge.f32 v45, v12;
	v17 =	vsel vm3, v10, v45;
	v53 =	vsel vm3, v14, v52  }
0x274: {  	v10 =	vsel vm3, v54, v10;
	v14 =	vsel vm3, v55, v14;
	vm13 =	vge.f32 v51, v9  }
0x275: {  	v12 =	vsel vm12, v17, v12;
	v8 =	vsel vm12, v53, v8;
	vm3 =	vge.f32 v51, v10  }
0x276: {  	v58 =	vsel vm13, v9, v51;
	v9 =	vsel vm13, v51, v9;
	v60 =	vsel vm13, v11, v59  }
0x277: {  	v11 =	vsel vm13, v59, v11;
	vm6 =	vge.f32 v51, v12;
	v57 =	vsel vm3, v10, v51  }
0x278: {  	v10 =	vsel vm3, v58, v10;
	vm14 =	vge.f32 v56, v9;
	v12 =	vsel vm6, v57, v12  }
0x279: {  	vm15 =	vge.f32 v56, v10;
	v61 =	vsel vm14, v9, v56;
	v9 =	vsel vm14, v56, v9  }
0x27a: {  	s31 =	sadd.s32 $0x3F0, s25;
	[tilespmem:$0x18400] =	vst v9;
	v9 =	vsel vm15, v61, v10;
	v10 =	vsel vm15, v10, v56;
	vm7 =	vge.f32 v56, v12  }
.Ltmp11:
0x27b: {  	v62 =	vsel vm3, v14, v59;
	v10 =	vsel vm7, v10, v12;
	[tilespmem:$0x18410] =	vst v9;
	v9 =	vor.u32 s31, v5;
	(pc) =	sbr.rel .LBB2_17-.Ltmp11, $4  }
0x27c: {  	v13 =	vsel vm3, v60, v14;
	v63 =	vsel vm14, v11, v9;
	v11 =	vsel vm14, v9, v11;
	[tilespmem:$0x18420] =	vst v10  }
0x27d: {  	v8 =	vsel vm6, v62, v8;
	v9 =	vsel vm15, v13, v9;
	v10 =	vsel vm15, v63, v13;
	[tilespmem:$0x18480] =	vst v11  }
0x27e: {  	v8 =	vsel vm7, v9, v8;
	[tilespmem:$0x18490] =	vst v10  }
0x27f: {  	[tilespmem:$0x184A0] =	vst v8  }
.LBB2_18:
0x280: {  	v9 =	vld [tilespmem:$0x18400];
	_ =	sdelay $0x4  }
0x281: {  	v10 =	vperm.xlane v9, v1;
	_ =	sdelay $0x1  }
0x282: {  	v10 =	vmax.f32 v9, v10  }
0x283: {  	v11 =	vperm.xlane v10, v2;
	_ =	sdelay $0x1  }
0x284: {  	v10 =	vmax.f32 v10, v11  }
0x285: {  	v11 =	vperm.xlane v10, v3;
	_ =	sdelay $0x1  }
0x286: {  	v12 =	vld [tilespmem:$0x18480];
	v10 =	vmax.f32 v10, v11  }
0x287: {  	v11 =	vperm.xlane v10, v4;
	_ =	sdelay $0x1  }
0x288: {  	v10 =	vmax.f32 v10, v11  }
0x289: {  	vm3 =	veq.f32 v9, v10  }
0x28a: {  	v47 =	vnsel vm3, $0xFFFFFFFF, v12  }
0x28b: {  	v13 =	vperm.xlane v47, v1;
	_ =	sdelay $0x1  }
0x28c: {  	vm4 =	vgt.s32 v47, v13  }
0x28d: {  	v11 =	vsel vm4, v47, v13  }
0x28e: {  	v13 =	vperm.xlane v11, v2;
	_ =	sdelay $0x1  }
0x28f: {  	vm4 =	vgt.s32 v11, v13  }
0x290: {  	v11 =	vsel vm4, v11, v13  }
0x291: {  	v13 =	vperm.xlane v11, v3;
	_ =	sdelay $0x1  }
0x292: {  	vm4 =	vgt.s32 v11, v13  }
0x293: {  	v11 =	vsel vm4, v11, v13  }
0x294: {  	v13 =	vperm.xlane v11, v4  }
0x295: {  	v14 =	vld [tilespmem:$0x18410]  }
0x296: {  	vm4 =	vgt.s32 v11, v13  }
0x297: {  	v11 =	vsel vm4, v11, v13  }
0x298: {  	vm4 =	veq.s32 v12, v11  }
0x299: {  	vm3 =	vmand vm3, vm4  }
0x29a: {  	v9 =	vsel vm3, v14, v9  }
0x29b: {  	v48 =	vperm.xlane v9, v1;
	_ =	sdelay $0x1  }
0x29c: {  	v13 =	vmax.f32 v9, v48  }
0x29d: {  	v15 =	vperm.xlane v13, v2;
	_ =	sdelay $0x1  }
0x29e: {  	v13 =	vmax.f32 v13, v15  }
0x29f: {  	v15 =	vperm.xlane v13, v3  }
0x2a0: {  	v16 =	vld [tilespmem:$0x18490]  }
0x2a1: {  	v13 =	vmax.f32 v13, v15  }
0x2a2: {  	v15 =	vperm.xlane v13, v4;
	_ =	sdelay $0x1  }
0x2a3: {  	v13 =	vmax.f32 v13, v15  }
0x2a4: {  	v12 =	vsel vm3, v16, v12;
	vm15 =	veq.f32 v9, v13  }
0x2a5: {  	v49 =	vnsel vm15, $0xFFFFFFFF, v12  }
0x2a6: {  	v17 =	vperm.xlane v49, v1;
	_ =	sdelay $0x1  }
0x2a7: {  	vm5 =	vgt.s32 v49, v17  }
0x2a8: {  	v15 =	vsel vm5, v49, v17  }
0x2a9: {  	v17 =	vperm.xlane v15, v2;
	_ =	sdelay $0x1  }
0x2aa: {  	vm5 =	vgt.s32 v15, v17  }
0x2ab: {  	v15 =	vsel vm5, v15, v17  }
0x2ac: {  	v17 =	vperm.xlane v15, v3;
	_ =	sdelay $0x1  }
0x2ad: {  	vm5 =	vgt.s32 v15, v17  }
0x2ae: {  	v15 =	vsel vm5, v15, v17  }
0x2af: {  	v50 =	vld [tilespmem:$0x18420];
	v18 =	vperm.xlane v15, v4;
	_ =	sdelay $0x1  }
0x2b0: {  	vm5 =	vgt.s32 v15, v18  }
0x2b1: {  	v15 =	vsel vm5, v15, v18  }
0x2b2: {  	vm5 =	veq.s32 v12, v15  }
0x2b3: {  	v14 =	vsel vm3, v50, v14;
	vm4 =	vmand vm15, vm5  }
0x2b4: {  	v9 =	vsel vm4, v14, v9  }
0x2b5: {  	v14 =	vperm.xlane v9, v1;
	_ =	sdelay $0x1  }
0x2b6: {  	v14 =	vmax.f32 v9, v14  }
0x2b7: {  	v51 =	vperm.xlane v14, v2;
	_ =	sdelay $0x1  }
0x2b8: {  	v14 =	vmax.f32 v14, v51  }
0x2b9: {  	v17 =	vperm.xlane v14, v3  }
0x2ba: {  	p3 =	seq.s32 s21, $0x0  }
0x2bb: {  	s21 =	simm.s32 @!p3 $0x4;
	v14 =	vmax.f32 v14, v17  }
0x2bc: {  	_ =	swait.ge @!p3 [sflag:s21], $0x10;
	v17 =	vperm.xlane v14, v4  }
0x2bd: {  	[sflag:s21] =	ssyncset.done @!p3 $0x0  }
0x2be: {  	[sflag:s21] =	ssyncadd.s32 @!p3 $0xFFFFFFF0;
	v8 =	vsel vm3, v8, v16;
	v14 =	vmax.f32 v14, v17  }
0x2bf: {  	_ =	swait.ge @!p3 [sflag:s21], $0x10;
	v8 =	vsel vm4, v8, v12;
	vm3 =	veq.f32 v9, v14  }
0x2c0: {  	[sflag:s21] =	ssyncset.done @!p3 $0x0;
	v8 =	vnsel vm3, $0xFFFFFFFF, v8  }
0x2c1: {  	[sflag:s21] =	ssyncadd.s32 @!p3 $0xFFFFFFF0;
	v52 =	vperm.xlane v8, v1  }
0x2c2: {  	_ =	swait.ge @!p3 [sflag:s21], $0x10  }
0x2c3: {  	[sflag:s21] =	ssyncset.done @!p3 $0x0;
	vm3 =	vgt.s32 v8, v52  }
0x2c4: {  	[sflag:s21] =	ssyncadd.s32 @!p3 $0xFFFFFFF0;
	v8 =	vsel vm3, v8, v52  }
0x2c5: {  	_ =	swait.ge [sflag:s13], $0x8000;
	v9 =	vperm.xlane v8, v2  }
0x2c6: {  	(v2sf) =	vpush v11, $0x0  }
0x2c7: {  	vm3 =	vgt.s32 v8, v9  }
0x2c8: {  	v8 =	vsel vm3, v8, v9  }
0x2c9: {  	v9 =	vperm.xlane v8, v3;
	_ =	sdelay $0x1  }
0x2ca: {  	vm3 =	vgt.s32 v8, v9  }
0x2cb: {  	v8 =	vsel vm3, v8, v9  }
0x2cc: {  	v9 =	vperm.xlane v8, v4  }
0x2cd: {  	(v2sf) =	vpush v15, $0x1  }
0x2ce: {  	vm3 =	vgt.s32 v8, v9  }
0x2cf: {  	v8 =	vsel vm3, v8, v9  }
0x2d0: {  	(v2sf) =	vpush v8, $0x2;
	_ =	sdelay $0x3  }
0x2d1: {  	s22 =	spop (v2sf)  }
0x2d2: {  	s28 =	sand.u32 $0xF, s22  }
0x2d3: {  	s23 =	sshra.s32 s22, $0x1F;
	p6 =	slt.s32 s22, $0x1;
	p4 =	sne.s32 s28, $0x0  }
0x2d4: {  	s29 =	sshrl.u32 s23, $0x1C;
	p3 =	por !p6, !p4  }
0x2d5: {  	s23 =	simm.s32 $0x1;
	s21 =	sadd.s32 s29, s22;
	p3 =	por !p3, !p3  }
0x2d6: {  	s21 =	sshra.s32 s21, $0x4;
	s23 =	simm.s32 @!p3 $0x0  }
0x2d7: {  	s23 =	ssub.s32 s21, s23  }
0x2d8: {  	[sflag:s13] =	ssyncset.done $0x0;
	s21 =	sshll.u32 s23, $0x4  }
0x2d9: {  	[sflag:s13] =	ssyncadd.s32 $0xFFFF8000;
	s22 =	ssub.s32 s22, s21;
	s24 =	spop (v2sf)  }
0x2da: {  	s25 =	sand.u32 $0xF, s24;
	s26 =	sshra.s32 s24, $0x1F;
	p5 =	slt.s32 s24, $0x1  }
0x2db: {  	p6 =	sne.s32 s25, $0x0;
	s30 =	sshrl.u32 s26, $0x1C;
	s26 =	simm.s32 $0x1  }
0x2dc: {  	p3 =	por !p5, !p6;
	s25 =	sadd.s32 s30, s24;
	s28 =	spop (v2sf)  }
0x2dd: {  	p3 =	por !p3, !p3;
	s25 =	sshra.s32 s25, $0x4;
	s29 =	sand.u32 $0xF, s28  }
0x2de: {  	v8 =	vnsel vm0, $0x0, v10;
	s30 =	sshra.s32 s28, $0x1F;
	p5 =	slt.s32 s28, $0x1;
	p6 =	sne.s32 s29, $0x0  }
0x2df: {  	s26 =	simm.s32 @!p3 $0x0;
	v8 =	vsel vm1, v8, v13;
	s31 =	sshrl.u32 s30, $0x1C;
	p3 =	por !p5, !p6  }
0x2e0: {  	v8 =	vsel vm2, v8, v14;
	s30 =	simm.s32 $0x1;
	s29 =	sadd.s32 s31, s28;
	p3 =	por !p3, !p3  }
0x2e1: {  	s25 =	ssub.s32 s25, s26;
	vm3 =	vgt.f32 v8, $5.000000070e-02;
	s0 =	sshra.s32 s29, $0x4;
	s30 =	simm.s32 @!p3 $0x0  }
0x2e2: {  	s23 =	sshll.u32 s23, $0x7;
	v53 =	vmov s22;
	v8 =	vnsel vm3, $0x0, v8;
	s29 =	sshll.u32 s25, $0x4;
	s26 =	ssub.s32 s0, s30  }
0x2e3: {  	vm3 =	veq.s32 v53, v5;
	v54 =	vbroadcast v8, $0x0;
	s30 =	sshll.u32 s19, $0x4;
	s0 =	ssub.s32 s29, s21;
	s31 =	sshll.u32 s26, $0x4  }
0x2e4: {  	v56 =	vbroadcast v8, $0x1;
	v8 =	vbroadcast v8, $0x2;
	s24 =	ssub.s32 s24, s29;
	v55 =	vor.u32 s0, v5;
	s30 =	sand.u32 $0x70, s30;
	s0 =	ssub.s32 s31, s21  }
0x2e5: {  	v9 =	vnsel vm3, $0x0, v54;
	s28 =	ssub.s32 s28, s31;
	vm3 =	veq.s32 v55, s24;
	v57 =	vor.u32 s0, v5;
	s0 =	sand.u32 $0xFFFFFC00, s23;
	s23 =	sand.u32 $0x70, s21  }
0x2e6: {  	v9 =	vsel vm3, v56, v9;
	vm3 =	veq.s32 v57, s28;
	s0 =	sor.u32 s23, s0;
	s23 =	sadd.s32 s30, s8;
	s30 =	ssub.s32 s21, s29  }
0x2e7: {  	s25 =	sshll.u32 s25, $0x7;
	v9 =	vsel vm3, v8, v9;
	s0 =	sshrl.u32 s0, $0x3;
	v58 =	vor.u32 s30, v5;
	s30 =	ssub.s32 s31, s29  }
0x2e8: {  	s25 =	sand.u32 $0xFFFFFC00, s25;
	v59 =	vmov s24;
	[tilespmem:$0x18500] =	vst v9;
	s0 =	sadd.s32 s0, s23;
	vm3 =	veq.s32 v58, s22;
	v60 =	vor.u32 s30, v5;
	s30 =	sand.u32 $0x70, s29  }
0x2e9: {  	[hbm4b:s0+s3] =	stream.linear.scatter [tilespmem:s14], [sflag:$0x4], $0x10, $0x38;
	v9 =	vnsel vm3, $0x0, v54;
	vm3 =	veq.s32 v59, v5;
	[tilespmem:$0x18700] =	vst v63  }
0x2ea: {  	s0 =	sor.u32 s30, s25;
	v9 =	vsel vm3, v56, v9;
	vm3 =	veq.s32 v60, s28  }
0x2eb: {  	s25 =	ssub.s32 s21, s31;
	s0 =	sshrl.u32 s0, $0x3;
	v9 =	vsel vm3, v8, v9  }
0x2ec: {  	s29 =	ssub.s32 s29, s31;
	s30 =	sshll.u32 s26, $0x7;
	v61 =	vor.u32 s25, v5;
	s0 =	sadd.s32 s0, s23;
	[tilespmem:$0x18580] =	vst v9  }
0x2ed: {  	v62 =	vor.u32 s29, v5;
	vm3 =	veq.s32 v61, s22;
	[hbm4b:s0+s3] =	stream.linear.scatter [tilespmem:s15], [sflag:$0x4], $0x10, $0x38;
	[tilespmem:$0x18700] =	vst v63  }
.Ltmp12:
0x2ee: {  	v63 =	vmov s28;
	s31 =	sand.u32 $0x70, s31;
	v10 =	vnsel vm3, $0x0, v54;
	vm3 =	veq.s32 v62, s24;
	s0 =	sand.u32 $0xFFFFFC00, s30;
	(pc) =	sbr.rel @p2 .LBB2_20-.Ltmp12, $4  }
0x2ef: {  	v9 =	vsel vm3, v56, v10;
	vm3 =	veq.s32 v63, v5;
	s0 =	sor.u32 s31, s0  }
0x2f0: {  	v8 =	vsel vm3, v8, v9;
	s0 =	sshrl.u32 s0, $0x3  }
0x2f1: {  	[tilespmem:$0x18600] =	vst v8;
	s0 =	sadd.s32 s0, s23  }
0x2f2: {  	[hbm4b:s0+s3] =	stream.linear.scatter [tilespmem:s16], [sflag:$0x4], $0x10, $0x38;
	[tilespmem:$0x18700] =	vst v63  }
.Ltmp13:
0x2f3: {  	s0 =	sadd.s32 $0x1, s19;
	(pc) =	sbr.rel .LBB2_6-.Ltmp13, $4  }
0x2f4: {  	s19 =	sshll.u32 s0, $0x4  }
0x2f5: {  	s0 =	sshll.u32 s0, $0xC;
	s19 =	sand.u32 $0x70, s19  }
0x2f6: {  	p0 =	por !p0, !p0;
	s0 =	sand.u32 $0xFFF8000, s0;
	s19 =	sadd.s32 s2, s19  }
0x2f7: {  	p1 =	por !p1, !p1;
	s21 =	smov.u32 s20;
	s19 =	sadd.s32 s0, s19  }
.LBB2_21:
0x2f8: {  	_ =	sfence.sel $0x180000  }
0x2f9: {  	[bflag:$0x0] =	sbarrier.arrive $0xFFFF  }
0x2fa: {  	_ =	strace $0x90000047  }
0x2fb: {  	[bflag:$0x2] =	sbarrier.arrive $0xFFFF  }
0x2fc: {  	p0 =	sne.s32 s4, $0x0;
	s0 =	rddreg [dreg:$0x2]  }
0x2fd: {  	s0 =	sadd.s32 @!p0 $0x100000, s0  }
0x2fe: {  	[sflag:s0] =	ssyncadd.tile.s32 @!p0 $0x1;
	_ =	shalt  }
.Lfunc_end2:
_tile_overlayer_lowered:
.L_overlay_start_2:
0x2ff: {  	(tag) =	ssettag $0x2  }
0x300: {  	s0 =	rddreg [dreg:$0x0];
	s2 =	stileid.u32  }
0x301: {  	s1 =	rddreg [dreg:$0x1];
	p0 =	sne.s32 s2, $0x0  }
0x302: {  	s3 =	rddreg [dreg:$0x2];
	[bflag:$0x3] =	sbarrier.arrive $0xFFFF;
	s2 =	simm.s32 @!p0 $0x1C05  }
0x303: {  	[timem:s3], [sflag:s2] =	dma.local @!p0 [hbm:s0], s1  }
0x304: {  	s0 =	simm.s32 @!p0 $0x5  }
0x305: {  	_ =	swait.ge @!p0 [sflag:s0], s1  }
0x306: {  	s1 =	ssub.s32 @!p0 $0x0, s1;
	[sflag:s0] =	ssyncset.done @!p0 $0x0  }
0x307: {  	[sflag:s0] =	ssyncadd.s32 @!p0 s1  }
0x308: {  	[bflag:$0x3] =	sbarrier.arrive $0xFFFF  }
0x309: {  	_ =	shalt  }

</sc_bundles>
